<compile_context>
chip_gen: v7x
topology: tpu7x:2x2x1
jax: 0.10.2.dev20260603
libtpu: 0.0.44.dev20260713+nightly
codegen_flags: <defaults>
</compile_context>

<pallas_src>
import functools

import jax
import jax.numpy as jnp
from jax import lax
from jax.experimental import pallas as pl
from jax.experimental.pallas import tpu as pltpu
from jax.experimental.pallas import tpu_sc as plsc

_N = 10000
_E = 320000
_D = 128
_B = 4
_NR = 9
_NC = 2
_NS = 16
_NW = _NC * _NS
_EW = _E // _NW
_CH = 128
_NFULL = _EW // _CH
_TAIL = _EW - _NFULL * _CH
_RT = 624
_NDR = 5
_BLK = 13

_BN = 1000


def _tc_body(x_ref, bases_ref, att_ref, maskf_ref, y_ref, self_ref):
    xb = x_ref[...]
    t = [jnp.dot(xb, bases_ref[b], preferred_element_type=jnp.float32)
         for b in range(_B)]
    for r in range(_NR):
        acc = t[0] * att_ref[r, 0]
        for b in range(1, _B):
            acc = acc + t[b] * att_ref[r, b]
        y_ref[r] = acc
        if r == _NR - 1:
            self_ref[...] = acc * maskf_ref[...]


def _tc_table(x, bases, att, maskf):
    return pl.pallas_call(
        _tc_body,
        grid=(_N // _BN,),
        in_specs=[
            pl.BlockSpec((_BN, _D), lambda i: (i, 0)),
            pl.BlockSpec((_B, _D, _D), lambda i: (0, 0, 0)),
            pl.BlockSpec(memory_space=pltpu.SMEM),
            pl.BlockSpec((_BN, 1), lambda i: (i, 0)),
        ],
        out_specs=[
            pl.BlockSpec((_NR, _BN, _D), lambda i: (0, i, 0)),
            pl.BlockSpec((_BN, _D), lambda i: (i, 0)),
        ],
        out_shape=[
            jax.ShapeDtypeStruct((_NR, _N, _D), jnp.float32),
            jax.ShapeDtypeStruct((_N, _D), jnp.float32),
        ],
    )(x, bases, att, maskf)


@functools.partial(
    pl.kernel,
    out_type=jax.ShapeDtypeStruct((_NC, _N, _D), jnp.float32),
    mesh=plsc.VectorSubcoreMesh(core_axis_name="c", subcore_axis_name="s",
                                num_cores=_NC, num_subcores=_NS),
    scratch_types=[
        pltpu.VMEM((_BLK * _CH,), jnp.int32),
        pltpu.VMEM((_BLK * _CH,), jnp.int32),
        pltpu.VMEM((_BLK * _CH,), jnp.int32),
        pltpu.VMEM((_CH,), jnp.int32),
        pltpu.VMEM((_CH,), jnp.int32),
        pltpu.VMEM((_CH,), jnp.int32),
        pltpu.VMEM((_CH,), jnp.int32),
        pltpu.VMEM((_CH,), jnp.int32),
        pltpu.VMEM((_CH,), jnp.int32),
        pltpu.VMEM((_TAIL,), jnp.int32),
        pltpu.VMEM((_TAIL,), jnp.int32),
        pltpu.VMEM((_TAIL,), jnp.int32),
        pltpu.VMEM((_TAIL,), jnp.int32),
        pltpu.VMEM((_CH, _D), jnp.float32),
        pltpu.VMEM((_CH, _D), jnp.float32),
        pltpu.VMEM((_TAIL, _D), jnp.float32),
        pltpu.VMEM((_TAIL, _D), jnp.float32),
        pltpu.VMEM_SHARED((_N, _D), jnp.float32),
        pltpu.SemaphoreType.DMA,
        pltpu.SemaphoreType.DMA,
        pltpu.SemaphoreType.DMA,
        pltpu.SemaphoreType.DMA,
    ],
)
def _sc_scatter(table_hbm, src_hbm, tgt_hbm, et_hbm, selfm_hbm, zrows_hbm,
                out_hbm,
                blkSrc, blkTgt, blkEt,
                gf0, tf0, gf1, tf1, gbB, sbB,
                gft_v, gbt_v, tft_v, tbt_v, rowsA, rowsB, rft_v, rbt_v,
                accum, semA, semB, semSA, semSB):
    cid = lax.axis_index("c")
    sid = lax.axis_index("s")
    wid = cid * _NS + sid
    r0 = sid * _RT
    row_len = 624 + 16 * jnp.where(sid == _NS - 1, 1, 0)
    last_off = r0 + row_len - _CH
    e0 = wid * _EW
    gf = [gf0, gf1]
    tf = [tf0, tf1]

    @pl.when(cid == 0)
    def _():
        for k in range(_NDR):
            off = jnp.minimum(r0 + k * _CH, last_off)
            buf, sem = (rowsA, semSA) if k % 2 == 0 else (rowsB, semSB)
            if k >= 2:
                pltpu.make_async_copy(buf, accum.at[pl.ds(r0, _CH)], sem).wait()
            pltpu.sync_copy(selfm_hbm.at[pl.ds(off, _CH)], buf)
            pltpu.async_copy(buf, accum.at[pl.ds(off, _CH)], sem)
        pltpu.make_async_copy(rowsA, accum.at[pl.ds(r0, _CH)], semSA).wait()
        pltpu.make_async_copy(rowsB, accum.at[pl.ds(r0, _CH)], semSB).wait()

    @pl.when(cid != 0)
    def _():
        pltpu.sync_copy(zrows_hbm, rowsA)
        for k in range(_NDR):
            off = jnp.minimum(r0 + k * _CH, last_off)
            pltpu.async_copy(rowsA, accum.at[pl.ds(off, _CH)], semSA)
        for k in range(_NDR):
            pltpu.make_async_copy(rowsA, accum.at[pl.ds(r0, _CH)], semSA).wait()

    plsc.subcore_barrier()

    def load_block(b):
        base = e0 + b * _BLK * _CH
        sl = pl.ds(base, _BLK * _CH)
        pltpu.sync_copy(src_hbm.at[sl], blkSrc)
        pltpu.sync_copy(tgt_hbm.at[sl], blkTgt)
        pltpu.sync_copy(et_hbm.at[sl], blkEt)

    def compute_f_idx(c, p):
        q = lax.rem(c, _BLK) * _CH
        for j in range(_CH // 16):
            s = pl.ds(j * 16, 16)
            d = pl.ds(q + j * 16, 16)
            gf[p][s] = blkEt[d] * _N + blkSrc[d]
            tf[p][s] = blkTgt[d]

    def compute_b_idx(c):
        q = lax.rem(c, _BLK) * _CH
        for j in range(_CH // 16):
            s = pl.ds(j * 16, 16)
            d = pl.ds(q + j * 16, 16)
            gbB[s] = blkEt[d] * _N + blkTgt[d]
            sbB[s] = blkSrc[d]

    def step(c, p, first, last):
        if not first:
            pltpu.make_async_copy(rowsB, accum.at[sbB], semSB).wait()
        compute_b_idx(c)
        pltpu.async_copy(table_hbm.at[gbB], rowsB, semB)
        pltpu.make_async_copy(table_hbm.at[gf[p]], rowsA, semA).wait()
        pltpu.async_copy(rowsA, accum.at[tf[p]], semSA, add=True)
        if not last:
            @pl.when(lax.rem(c + 1, _BLK) == 0)
            def _():
                load_block(lax.div(c + 1, _BLK))
            compute_f_idx(c + 1, 1 - p)
            pltpu.make_async_copy(rowsA, accum.at[tf[p]], semSA).wait()
            pltpu.async_copy(table_hbm.at[gf[1 - p]], rowsA, semA)
            pltpu.make_async_copy(table_hbm.at[gbB], rowsB, semB).wait()
            pltpu.async_copy(rowsB, accum.at[sbB], semSB, add=True)
        else:
            pltpu.make_async_copy(rowsA, accum.at[tf[p]], semSA).wait()
            pltpu.make_async_copy(table_hbm.at[gbB], rowsB, semB).wait()
            pltpu.sync_copy(rowsB, accum.at[sbB], add=True)

    load_block(0)
    compute_f_idx(0, 0)
    pltpu.async_copy(table_hbm.at[gf[0]], rowsA, semA)

    step(0, 0, True, False)

    def body(i, carry):
        step(2 * i + 1, 1, False, False)
        step(2 * i + 2, 0, False, False)
        return carry

    lax.fori_loop(0, (_NFULL - 2) // 2, body, 0)

    step(_NFULL - 1, 1, False, True)

    tbase = e0 + _NFULL * _CH
    pltpu.sync_copy(src_hbm.at[pl.ds(tbase, _TAIL)], blkSrc.at[pl.ds(0, _TAIL)])
    pltpu.sync_copy(tgt_hbm.at[pl.ds(tbase, _TAIL)], blkTgt.at[pl.ds(0, _TAIL)])
    pltpu.sync_copy(et_hbm.at[pl.ds(tbase, _TAIL)], blkEt.at[pl.ds(0, _TAIL)])
    et16 = blkEt[pl.ds(0, _TAIL)]
    s16 = blkSrc[pl.ds(0, _TAIL)]
    t16 = blkTgt[pl.ds(0, _TAIL)]
    gft_v[...] = et16 * _N + s16
    gbt_v[...] = et16 * _N + t16
    tft_v[...] = t16
    tbt_v[...] = s16
    cpf = pltpu.async_copy(table_hbm.at[gft_v], rft_v, semA)
    cpb = pltpu.async_copy(table_hbm.at[gbt_v], rbt_v, semB)
    cpf.wait()
    pltpu.sync_copy(rft_v, accum.at[tft_v], add=True)
    cpb.wait()
    pltpu.sync_copy(rbt_v, accum.at[tbt_v], add=True)

    plsc.subcore_barrier()
    for k in range(_NDR):
        off = jnp.minimum(r0 + k * _CH, last_off)
        buf, sem = (rowsA, semSA) if k % 2 == 0 else (rowsB, semSB)
        if k >= 2:
            pltpu.make_async_copy(buf, out_hbm.at[cid, pl.ds(r0, _CH)], sem).wait()
        pltpu.sync_copy(accum.at[pl.ds(off, _CH)], buf)
        pltpu.async_copy(buf, out_hbm.at[cid, pl.ds(off, _CH)], sem)
    pltpu.make_async_copy(rowsA, out_hbm.at[cid, pl.ds(r0, _CH)], semSA).wait()
    pltpu.make_async_copy(rowsB, out_hbm.at[cid, pl.ds(r0, _CH)], semSB).wait()


def kernel(x, node_keep_mask, source, target, edge_type, bases, att):
    maskf = node_keep_mask.astype(jnp.float32)[:, None]
    y, selfm = _tc_table(x, bases, att, maskf)
    table = y.reshape(_NR * _N, _D)
    zrows = jnp.zeros((_CH, _D), jnp.float32)
    parts = _sc_scatter(table, source, target, edge_type, selfm, zrows)
    return parts[0] + parts[1]

# --- scband reference (transcript-rebuilt; emitter-appended) ---
"""Pipeline reference for scband-bases-decomposition-5265629905641 (READ-ONLY COPY).

The authoritative reference and input builder live on the scoring server;
editing this copy changes nothing except your own understanding.
"""

import jax, jax.numpy as jnp
import numpy as np

N = 10000
E = 320000
D_IN = 128
D_OUT = 128
R = 8
B = 4


def setup_inputs(seed: int = 0) -> dict:
    key = jax.random.key(seed)
    ks = jax.random.split(key, 6)
    x = jax.random.normal(ks[0], (N, D_IN), dtype=jnp.float32)
    node_keep_mask = jnp.ones((N,), dtype=bool)
    source = jax.random.randint(ks[1], (E,), 0, N, dtype=jnp.int32)
    target = jax.random.randint(ks[2], (E,), 0, N, dtype=jnp.int32)
    edge_type = jax.random.randint(ks[3], (E,), 0, R, dtype=jnp.int32)
    # learned parameters per init_kwargs (xavier-normal bases, L1-normalized uniform att)
    bases = jax.random.normal(ks[4], (B, D_IN, D_OUT), dtype=jnp.float32) * float(np.sqrt(2.0 / (D_IN + D_OUT)))
    att = jax.random.uniform(ks[5], (R + 1, B), dtype=jnp.float32)
    att = att / jnp.sum(jnp.abs(att), axis=1, keepdims=True)
    return {
        "x": x,
        "node_keep_mask": node_keep_mask,
        "source": source,
        "target": target,
        "edge_type": edge_type,
        "bases": bases,
        "att": att,
    }


def reference(x, node_keep_mask, source, target, edge_type, bases, att):
    # t[n, b, :] = x[n] @ bases[b]  -> (N, B, D_OUT)
    t = jnp.einsum('nd,bdo->nbo', x, bases)
    # self-loop term, weighted by att[num_relations], applied only where node_keep_mask
    self_term = jnp.sum(t * att[R][None, :, None], axis=1)
    out = jnp.where(node_keep_mask[:, None], self_term, 0.0)
    # relation-specific messages. Torch loops over relations and symmetrizes edges:
    # each edge (s, t, r) sends a message s->t and t->s with coefficient att[r].
    # Vectorized equivalent: gather per-edge att rows, combine bases, scatter-add.
    att_e = att[edge_type]  # (E, B)
    m_fwd = jnp.sum(t[source] * att_e[:, :, None], axis=1)  # messages into target
    m_bwd = jnp.sum(t[target] * att_e[:, :, None], axis=1)  # messages into source
    out = out.at[target].add(m_fwd)
    out = out.at[source].add(m_bwd)
    return out

if __name__ == "__main__":
    import jax
    _d = setup_inputs()
    print(jax.jit(kernel)(*tuple(_d.values())))

</pallas_src>

<mosaic_0001>
#map = affine_map<(d0, d1) -> (0, 0)>
#map1 = affine_map<(d0, d1) -> (0)>
#map2 = affine_map<(d0, d1) -> (0, 0, 0)>
module attributes {stable_mosaic.version = 14 : i64} {
  func.func @_sc_scatter(%arg0: i32, %arg1: i32, %arg2: memref<90000x128xf32, #tpu.memory_space<hbm>>, %arg3: memref<320000xi32, #tpu.memory_space<hbm>>, %arg4: memref<320000xi32, #tpu.memory_space<hbm>>, %arg5: memref<320000xi32, #tpu.memory_space<hbm>>, %arg6: memref<10000x128xf32, #tpu.memory_space<hbm>>, %arg7: memref<128x128xf32, #tpu.memory_space<hbm>>, %arg8: memref<2x10000x128xf32, #tpu.memory_space<hbm>>, %arg9: memref<1664xi32, #tpu.memory_space<vmem>>, %arg10: memref<1664xi32, #tpu.memory_space<vmem>>, %arg11: memref<1664xi32, #tpu.memory_space<vmem>>, %arg12: memref<128xi32, #tpu.memory_space<vmem>>, %arg13: memref<128xi32, #tpu.memory_space<vmem>>, %arg14: memref<128xi32, #tpu.memory_space<vmem>>, %arg15: memref<128xi32, #tpu.memory_space<vmem>>, %arg16: memref<128xi32, #tpu.memory_space<vmem>>, %arg17: memref<128xi32, #tpu.memory_space<vmem>>, %arg18: memref<16xi32, #tpu.memory_space<vmem>>, %arg19: memref<16xi32, #tpu.memory_space<vmem>>, %arg20: memref<16xi32, #tpu.memory_space<vmem>>, %arg21: memref<16xi32, #tpu.memory_space<vmem>>, %arg22: memref<128x128xf32, #tpu.memory_space<vmem>>, %arg23: memref<128x128xf32, #tpu.memory_space<vmem>>, %arg24: memref<16x128xf32, #tpu.memory_space<vmem>>, %arg25: memref<16x128xf32, #tpu.memory_space<vmem>>, %arg26: memref<10000x128xf32, #tpu.memory_space<vmem_shared>>, %arg27: memref<!tpu.dma_semaphore, #tpu.memory_space<semaphore_mem>>, %arg28: memref<!tpu.dma_semaphore, #tpu.memory_space<semaphore_mem>>, %arg29: memref<!tpu.dma_semaphore, #tpu.memory_space<semaphore_mem>>, %arg30: memref<!tpu.dma_semaphore, #tpu.memory_space<semaphore_mem>>) attributes {dimension_semantics = [#tpu.dimension_semantics<core_parallel>, #tpu.dimension_semantics<subcore_parallel>], iteration_bounds = array<i64: 2, 16>, scalar_prefetch = 0 : i64, scratch_operands = 22 : i64, tpu.core_type = #tpu.core_type<sc_vector_subcore>, window_params = [{transform_indices = #map}, {transform_indices = #map1}, {transform_indices = #map1}, {transform_indices = #map1}, {transform_indices = #map}, {transform_indices = #map}, {transform_indices = #map2}]} {
    %mul3A = arith.constant 16 : i32
    %mul3A_0 = arith.muli %arg0, %mul3A : i32
    %add3A = arith.addi %mul3A_0, %arg1 : i32
    %mul3A_1 = arith.constant 624 : i32
    %mul3A_2 = arith.muli %arg1, %mul3A_1 : i32
    %eq3A = arith.constant 15 : i32
    %eq3A_3 = arith.cmpi eq, %arg1, %eq3A : i32
    %jit3A = arith.constant 1 : i32
    %jit3A_4 = arith.constant 0 : i32
    %select_n3A = arith.select %eq3A_3, %jit3A, %jit3A_4 : i32
    %mul3A_5 = arith.constant 16 : i32
    %mul3A_6 = arith.muli %mul3A_5, %select_n3A : i32
    %add3A_7 = arith.constant 624 : i32
    %add3A_8 = arith.addi %add3A_7, %mul3A_6 : i32
    %add3A_9 = arith.addi %mul3A_2, %add3A_8 : i32
    %sub3A = arith.constant 128 : i32
    %sub3A_10 = arith.subi %add3A_9, %sub3A : i32
    %mul3A_11 = arith.constant 10000 : i32
    %mul3A_12 = arith.muli %add3A, %mul3A_11 : i32
    %eq3A_13 = arith.constant 0 : i32
    %eq3A_14 = arith.cmpi eq, %arg0, %eq3A_13 : i32
    %convert_element_type3A = arith.extui %eq3A_14 : i1 to i32
    %cond3A = arith.constant 0 : i32
    %cond3A_15 = arith.cmpi ne, %convert_element_type3A, %cond3A : i32
    scf.if %cond3A_15 {
      %add3A_950 = arith.constant 0 : i32
      %add3A_951 = arith.addi %mul3A_2, %add3A_950 : i32
      %min3A_952 = arith.minsi %add3A_951, %sub3A_10 : i32
      "tpu.region"() ({
        %run_scoped3A = tpu.sem_alloc : memref<!tpu.dma_semaphore, #tpu.memory_space<semaphore_mem>>
        %dma_start3A_1005 = arith.constant 0 : i32
        %dma_start3A_1006 = tpu.memref_slice %arg6[%min3A_952, %dma_start3A_1005] : memref<10000x128xf32, #tpu.memory_space<hbm>> -> memref<128x128xf32, #tpu.memory_space<hbm>>
        %dma_start3A_1007 = arith.constant 0 : i32
        %dma_start3A_1008 = tpu.memref_slice %arg6[%min3A_952, %dma_start3A_1007] : memref<10000x128xf32, #tpu.memory_space<hbm>> -> memref<128x128xf32, #tpu.memory_space<hbm>>
        tpu.enqueue_dma source(%dma_start3A_1008 : memref<128x128xf32, #tpu.memory_space<hbm>>) target(%arg22 : memref<128x128xf32, #tpu.memory_space<vmem>>) target_semaphore(%run_scoped3A : memref<!tpu.dma_semaphore, #tpu.memory_space<semaphore_mem>>)
        %dma_wait3A_1009 = arith.constant 0 : i32
        %dma_wait3A_1010 = tpu.memref_slice %arg6[%min3A_952, %dma_wait3A_1009] : memref<10000x128xf32, #tpu.memory_space<hbm>> -> memref<128x128xf32, #tpu.memory_space<hbm>>
        %dma_wait3A_1011 = arith.constant 0 : i32
        %dma_wait3A_1012 = tpu.memref_slice %arg6[%min3A_952, %dma_wait3A_1011] : memref<10000x128xf32, #tpu.memory_space<hbm>> -> memref<128x128xf32, #tpu.memory_space<hbm>>
        tpu.wait_dma2 semaphore(%run_scoped3A : memref<!tpu.dma_semaphore, #tpu.memory_space<semaphore_mem>>) src(%dma_wait3A_1012 : memref<128x128xf32, #tpu.memory_space<hbm>>) dst(%arg22 : memref<128x128xf32, #tpu.memory_space<vmem>>)
        tpu.yield
      }) : () -> ()
      %dma_start3A_953 = arith.constant 0 : i32
      %dma_start3A_954 = tpu.memref_slice %arg26[%min3A_952, %dma_start3A_953] : memref<10000x128xf32, #tpu.memory_space<vmem_shared>> -> memref<128x128xf32, #tpu.memory_space<vmem_shared>>
      %dma_start3A_955 = arith.constant 0 : i32
      %dma_start3A_956 = tpu.memref_slice %arg26[%min3A_952, %dma_start3A_955] : memref<10000x128xf32, #tpu.memory_space<vmem_shared>> -> memref<128x128xf32, #tpu.memory_space<vmem_shared>>
      tpu.enqueue_dma source(%arg22 : memref<128x128xf32, #tpu.memory_space<vmem>>) target(%dma_start3A_956 : memref<128x128xf32, #tpu.memory_space<vmem_shared>>) target_semaphore(%arg29 : memref<!tpu.dma_semaphore, #tpu.memory_space<semaphore_mem>>)
      %add3A_957 = arith.constant 128 : i32
      %add3A_958 = arith.addi %mul3A_2, %add3A_957 : i32
      %min3A_959 = arith.minsi %add3A_958, %sub3A_10 : i32
      "tpu.region"() ({
        %run_scoped3A = tpu.sem_alloc : memref<!tpu.dma_semaphore, #tpu.memory_space<semaphore_mem>>
        %dma_start3A_1005 = arith.constant 0 : i32
        %dma_start3A_1006 = tpu.memref_slice %arg6[%min3A_959, %dma_start3A_1005] : memref<10000x128xf32, #tpu.memory_space<hbm>> -> memref<128x128xf32, #tpu.memory_space<hbm>>
        %dma_start3A_1007 = arith.constant 0 : i32
        %dma_start3A_1008 = tpu.memref_slice %arg6[%min3A_959, %dma_start3A_1007] : memref<10000x128xf32, #tpu.memory_space<hbm>> -> memref<128x128xf32, #tpu.memory_space<hbm>>
        tpu.enqueue_dma source(%dma_start3A_1008 : memref<128x128xf32, #tpu.memory_space<hbm>>) target(%arg23 : memref<128x128xf32, #tpu.memory_space<vmem>>) target_semaphore(%run_scoped3A : memref<!tpu.dma_semaphore, #tpu.memory_space<semaphore_mem>>)
        %dma_wait3A_1009 = arith.constant 0 : i32
        %dma_wait3A_1010 = tpu.memref_slice %arg6[%min3A_959, %dma_wait3A_1009] : memref<10000x128xf32, #tpu.memory_space<hbm>> -> memref<128x128xf32, #tpu.memory_space<hbm>>
        %dma_wait3A_1011 = arith.constant 0 : i32
        %dma_wait3A_1012 = tpu.memref_slice %arg6[%min3A_959, %dma_wait3A_1011] : memref<10000x128xf32, #tpu.memory_space<hbm>> -> memref<128x128xf32, #tpu.memory_space<hbm>>
        tpu.wait_dma2 semaphore(%run_scoped3A : memref<!tpu.dma_semaphore, #tpu.memory_space<semaphore_mem>>) src(%dma_wait3A_1012 : memref<128x128xf32, #tpu.memory_space<hbm>>) dst(%arg23 : memref<128x128xf32, #tpu.memory_space<vmem>>)
        tpu.yield
      }) : () -> ()
      %dma_start3A_960 = arith.constant 0 : i32
      %dma_start3A_961 = tpu.memref_slice %arg26[%min3A_959, %dma_start3A_960] : memref<10000x128xf32, #tpu.memory_space<vmem_shared>> -> memref<128x128xf32, #tpu.memory_space<vmem_shared>>
      %dma_start3A_962 = arith.constant 0 : i32
      %dma_start3A_963 = tpu.memref_slice %arg26[%min3A_959, %dma_start3A_962] : memref<10000x128xf32, #tpu.memory_space<vmem_shared>> -> memref<128x128xf32, #tpu.memory_space<vmem_shared>>
      tpu.enqueue_dma source(%arg23 : memref<128x128xf32, #tpu.memory_space<vmem>>) target(%dma_start3A_963 : memref<128x128xf32, #tpu.memory_space<vmem_shared>>) target_semaphore(%arg30 : memref<!tpu.dma_semaphore, #tpu.memory_space<semaphore_mem>>)
      %add3A_964 = arith.constant 256 : i32
      %add3A_965 = arith.addi %mul3A_2, %add3A_964 : i32
      %min3A_966 = arith.minsi %add3A_965, %sub3A_10 : i32
      %dma_wait3A_967 = arith.constant 0 : i32
      %dma_wait3A_968 = tpu.memref_slice %arg26[%mul3A_2, %dma_wait3A_967] : memref<10000x128xf32, #tpu.memory_space<vmem_shared>> -> memref<128x128xf32, #tpu.memory_space<vmem_shared>>
      %dma_wait3A_969 = arith.constant 0 : i32
      %dma_wait3A_970 = tpu.memref_slice %arg26[%mul3A_2, %dma_wait3A_969] : memref<10000x128xf32, #tpu.memory_space<vmem_shared>> -> memref<128x128xf32, #tpu.memory_space<vmem_shared>>
      tpu.wait_dma2 semaphore(%arg29 : memref<!tpu.dma_semaphore, #tpu.memory_space<semaphore_mem>>) src(%arg22 : memref<128x128xf32, #tpu.memory_space<vmem>>) dst(%dma_wait3A_970 : memref<128x128xf32, #tpu.memory_space<vmem_shared>>)
      "tpu.region"() ({
        %run_scoped3A = tpu.sem_alloc : memref<!tpu.dma_semaphore, #tpu.memory_space<semaphore_mem>>
        %dma_start3A_1005 = arith.constant 0 : i32
        %dma_start3A_1006 = tpu.memref_slice %arg6[%min3A_966, %dma_start3A_1005] : memref<10000x128xf32, #tpu.memory_space<hbm>> -> memref<128x128xf32, #tpu.memory_space<hbm>>
        %dma_start3A_1007 = arith.constant 0 : i32
        %dma_start3A_1008 = tpu.memref_slice %arg6[%min3A_966, %dma_start3A_1007] : memref<10000x128xf32, #tpu.memory_space<hbm>> -> memref<128x128xf32, #tpu.memory_space<hbm>>
        tpu.enqueue_dma source(%dma_start3A_1008 : memref<128x128xf32, #tpu.memory_space<hbm>>) target(%arg22 : memref<128x128xf32, #tpu.memory_space<vmem>>) target_semaphore(%run_scoped3A : memref<!tpu.dma_semaphore, #tpu.memory_space<semaphore_mem>>)
        %dma_wait3A_1009 = arith.constant 0 : i32
        %dma_wait3A_1010 = tpu.memref_slice %arg6[%min3A_966, %dma_wait3A_1009] : memref<10000x128xf32, #tpu.memory_space<hbm>> -> memref<128x128xf32, #tpu.memory_space<hbm>>
        %dma_wait3A_1011 = arith.constant 0 : i32
        %dma_wait3A_1012 = tpu.memref_slice %arg6[%min3A_966, %dma_wait3A_1011] : memref<10000x128xf32, #tpu.memory_space<hbm>> -> memref<128x128xf32, #tpu.memory_space<hbm>>
        tpu.wait_dma2 semaphore(%run_scoped3A : memref<!tpu.dma_semaphore, #tpu.memory_space<semaphore_mem>>) src(%dma_wait3A_1012 : memref<128x128xf32, #tpu.memory_space<hbm>>) dst(%arg22 : memref<128x128xf32, #tpu.memory_space<vmem>>)
        tpu.yield
      }) : () -> ()
      %dma_start3A_971 = arith.constant 0 : i32
      %dma_start3A_972 = tpu.memref_slice %arg26[%min3A_966, %dma_start3A_971] : memref<10000x128xf32, #tpu.memory_space<vmem_shared>> -> memref<128x128xf32, #tpu.memory_space<vmem_shared>>
      %dma_start3A_973 = arith.constant 0 : i32
      %dma_start3A_974 = tpu.memref_slice %arg26[%min3A_966, %dma_start3A_973] : memref<10000x128xf32, #tpu.memory_space<vmem_shared>> -> memref<128x128xf32, #tpu.memory_space<vmem_shared>>
      tpu.enqueue_dma source(%arg22 : memref<128x128xf32, #tpu.memory_space<vmem>>) target(%dma_start3A_974 : memref<128x128xf32, #tpu.memory_space<vmem_shared>>) target_semaphore(%arg29 : memref<!tpu.dma_semaphore, #tpu.memory_space<semaphore_mem>>)
      %add3A_975 = arith.constant 384 : i32
      %add3A_976 = arith.addi %mul3A_2, %add3A_975 : i32
      %min3A_977 = arith.minsi %add3A_976, %sub3A_10 : i32
      %dma_wait3A_978 = arith.constant 0 : i32
      %dma_wait3A_979 = tpu.memref_slice %arg26[%mul3A_2, %dma_wait3A_978] : memref<10000x128xf32, #tpu.memory_space<vmem_shared>> -> memref<128x128xf32, #tpu.memory_space<vmem_shared>>
      %dma_wait3A_980 = arith.constant 0 : i32
      %dma_wait3A_981 = tpu.memref_slice %arg26[%mul3A_2, %dma_wait3A_980] : memref<10000x128xf32, #tpu.memory_space<vmem_shared>> -> memref<128x128xf32, #tpu.memory_space<vmem_shared>>
      tpu.wait_dma2 semaphore(%arg30 : memref<!tpu.dma_semaphore, #tpu.memory_space<semaphore_mem>>) src(%arg23 : memref<128x128xf32, #tpu.memory_space<vmem>>) dst(%dma_wait3A_981 : memref<128x128xf32, #tpu.memory_space<vmem_shared>>)
      "tpu.region"() ({
        %run_scoped3A = tpu.sem_alloc : memref<!tpu.dma_semaphore, #tpu.memory_space<semaphore_mem>>
        %dma_start3A_1005 = arith.constant 0 : i32
        %dma_start3A_1006 = tpu.memref_slice %arg6[%min3A_977, %dma_start3A_1005] : memref<10000x128xf32, #tpu.memory_space<hbm>> -> memref<128x128xf32, #tpu.memory_space<hbm>>
        %dma_start3A_1007 = arith.constant 0 : i32
        %dma_start3A_1008 = tpu.memref_slice %arg6[%min3A_977, %dma_start3A_1007] : memref<10000x128xf32, #tpu.memory_space<hbm>> -> memref<128x128xf32, #tpu.memory_space<hbm>>
        tpu.enqueue_dma source(%dma_start3A_1008 : memref<128x128xf32, #tpu.memory_space<hbm>>) target(%arg23 : memref<128x128xf32, #tpu.memory_space<vmem>>) target_semaphore(%run_scoped3A : memref<!tpu.dma_semaphore, #tpu.memory_space<semaphore_mem>>)
        %dma_wait3A_1009 = arith.constant 0 : i32
        %dma_wait3A_1010 = tpu.memref_slice %arg6[%min3A_977, %dma_wait3A_1009] : memref<10000x128xf32, #tpu.memory_space<hbm>> -> memref<128x128xf32, #tpu.memory_space<hbm>>
        %dma_wait3A_1011 = arith.constant 0 : i32
        %dma_wait3A_1012 = tpu.memref_slice %arg6[%min3A_977, %dma_wait3A_1011] : memref<10000x128xf32, #tpu.memory_space<hbm>> -> memref<128x128xf32, #tpu.memory_space<hbm>>
        tpu.wait_dma2 semaphore(%run_scoped3A : memref<!tpu.dma_semaphore, #tpu.memory_space<semaphore_mem>>) src(%dma_wait3A_1012 : memref<128x128xf32, #tpu.memory_space<hbm>>) dst(%arg23 : memref<128x128xf32, #tpu.memory_space<vmem>>)
        tpu.yield
      }) : () -> ()
      %dma_start3A_982 = arith.constant 0 : i32
      %dma_start3A_983 = tpu.memref_slice %arg26[%min3A_977, %dma_start3A_982] : memref<10000x128xf32, #tpu.memory_space<vmem_shared>> -> memref<128x128xf32, #tpu.memory_space<vmem_shared>>
      %dma_start3A_984 = arith.constant 0 : i32
      %dma_start3A_985 = tpu.memref_slice %arg26[%min3A_977, %dma_start3A_984] : memref<10000x128xf32, #tpu.memory_space<vmem_shared>> -> memref<128x128xf32, #tpu.memory_space<vmem_shared>>
      tpu.enqueue_dma source(%arg23 : memref<128x128xf32, #tpu.memory_space<vmem>>) target(%dma_start3A_985 : memref<128x128xf32, #tpu.memory_space<vmem_shared>>) target_semaphore(%arg30 : memref<!tpu.dma_semaphore, #tpu.memory_space<semaphore_mem>>)
      %add3A_986 = arith.constant 512 : i32
      %add3A_987 = arith.addi %mul3A_2, %add3A_986 : i32
      %min3A_988 = arith.minsi %add3A_987, %sub3A_10 : i32
      %dma_wait3A_989 = arith.constant 0 : i32
      %dma_wait3A_990 = tpu.memref_slice %arg26[%mul3A_2, %dma_wait3A_989] : memref<10000x128xf32, #tpu.memory_space<vmem_shared>> -> memref<128x128xf32, #tpu.memory_space<vmem_shared>>
      %dma_wait3A_991 = arith.constant 0 : i32
      %dma_wait3A_992 = tpu.memref_slice %arg26[%mul3A_2, %dma_wait3A_991] : memref<10000x128xf32, #tpu.memory_space<vmem_shared>> -> memref<128x128xf32, #tpu.memory_space<vmem_shared>>
      tpu.wait_dma2 semaphore(%arg29 : memref<!tpu.dma_semaphore, #tpu.memory_space<semaphore_mem>>) src(%arg22 : memref<128x128xf32, #tpu.memory_space<vmem>>) dst(%dma_wait3A_992 : memref<128x128xf32, #tpu.memory_space<vmem_shared>>)
      "tpu.region"() ({
        %run_scoped3A = tpu.sem_alloc : memref<!tpu.dma_semaphore, #tpu.memory_space<semaphore_mem>>
        %dma_start3A_1005 = arith.constant 0 : i32
        %dma_start3A_1006 = tpu.memref_slice %arg6[%min3A_988, %dma_start3A_1005] : memref<10000x128xf32, #tpu.memory_space<hbm>> -> memref<128x128xf32, #tpu.memory_space<hbm>>
        %dma_start3A_1007 = arith.constant 0 : i32
        %dma_start3A_1008 = tpu.memref_slice %arg6[%min3A_988, %dma_start3A_1007] : memref<10000x128xf32, #tpu.memory_space<hbm>> -> memref<128x128xf32, #tpu.memory_space<hbm>>
        tpu.enqueue_dma source(%dma_start3A_1008 : memref<128x128xf32, #tpu.memory_space<hbm>>) target(%arg22 : memref<128x128xf32, #tpu.memory_space<vmem>>) target_semaphore(%run_scoped3A : memref<!tpu.dma_semaphore, #tpu.memory_space<semaphore_mem>>)
        %dma_wait3A_1009 = arith.constant 0 : i32
        %dma_wait3A_1010 = tpu.memref_slice %arg6[%min3A_988, %dma_wait3A_1009] : memref<10000x128xf32, #tpu.memory_space<hbm>> -> memref<128x128xf32, #tpu.memory_space<hbm>>
        %dma_wait3A_1011 = arith.constant 0 : i32
        %dma_wait3A_1012 = tpu.memref_slice %arg6[%min3A_988, %dma_wait3A_1011] : memref<10000x128xf32, #tpu.memory_space<hbm>> -> memref<128x128xf32, #tpu.memory_space<hbm>>
        tpu.wait_dma2 semaphore(%run_scoped3A : memref<!tpu.dma_semaphore, #tpu.memory_space<semaphore_mem>>) src(%dma_wait3A_1012 : memref<128x128xf32, #tpu.memory_space<hbm>>) dst(%arg22 : memref<128x128xf32, #tpu.memory_space<vmem>>)
        tpu.yield
      }) : () -> ()
      %dma_start3A_993 = arith.constant 0 : i32
      %dma_start3A_994 = tpu.memref_slice %arg26[%min3A_988, %dma_start3A_993] : memref<10000x128xf32, #tpu.memory_space<vmem_shared>> -> memref<128x128xf32, #tpu.memory_space<vmem_shared>>
      %dma_start3A_995 = arith.constant 0 : i32
      %dma_start3A_996 = tpu.memref_slice %arg26[%min3A_988, %dma_start3A_995] : memref<10000x128xf32, #tpu.memory_space<vmem_shared>> -> memref<128x128xf32, #tpu.memory_space<vmem_shared>>
      tpu.enqueue_dma source(%arg22 : memref<128x128xf32, #tpu.memory_space<vmem>>) target(%dma_start3A_996 : memref<128x128xf32, #tpu.memory_space<vmem_shared>>) target_semaphore(%arg29 : memref<!tpu.dma_semaphore, #tpu.memory_space<semaphore_mem>>)
      %dma_wait3A_997 = arith.constant 0 : i32
      %dma_wait3A_998 = tpu.memref_slice %arg26[%mul3A_2, %dma_wait3A_997] : memref<10000x128xf32, #tpu.memory_space<vmem_shared>> -> memref<128x128xf32, #tpu.memory_space<vmem_shared>>
      %dma_wait3A_999 = arith.constant 0 : i32
      %dma_wait3A_1000 = tpu.memref_slice %arg26[%mul3A_2, %dma_wait3A_999] : memref<10000x128xf32, #tpu.memory_space<vmem_shared>> -> memref<128x128xf32, #tpu.memory_space<vmem_shared>>
      tpu.wait_dma2 semaphore(%arg29 : memref<!tpu.dma_semaphore, #tpu.memory_space<semaphore_mem>>) src(%arg22 : memref<128x128xf32, #tpu.memory_space<vmem>>) dst(%dma_wait3A_1000 : memref<128x128xf32, #tpu.memory_space<vmem_shared>>)
      %dma_wait3A_1001 = arith.constant 0 : i32
      %dma_wait3A_1002 = tpu.memref_slice %arg26[%mul3A_2, %dma_wait3A_1001] : memref<10000x128xf32, #tpu.memory_space<vmem_shared>> -> memref<128x128xf32, #tpu.memory_space<vmem_shared>>
      %dma_wait3A_1003 = arith.constant 0 : i32
      %dma_wait3A_1004 = tpu.memref_slice %arg26[%mul3A_2, %dma_wait3A_1003] : memref<10000x128xf32, #tpu.memory_space<vmem_shared>> -> memref<128x128xf32, #tpu.memory_space<vmem_shared>>
      tpu.wait_dma2 semaphore(%arg30 : memref<!tpu.dma_semaphore, #tpu.memory_space<semaphore_mem>>) src(%arg23 : memref<128x128xf32, #tpu.memory_space<vmem>>) dst(%dma_wait3A_1004 : memref<128x128xf32, #tpu.memory_space<vmem_shared>>)
    } else {
    }
    %ne3A = arith.constant 0 : i32
    %ne3A_16 = arith.cmpi ne, %arg0, %ne3A : i32
    %convert_element_type3A_17 = arith.extui %ne3A_16 : i1 to i32
    %cond3A_18 = arith.constant 0 : i32
    %cond3A_19 = arith.cmpi ne, %convert_element_type3A_17, %cond3A_18 : i32
    scf.if %cond3A_19 {
      "tpu.region"() ({
        %run_scoped3A = tpu.sem_alloc : memref<!tpu.dma_semaphore, #tpu.memory_space<semaphore_mem>>
        tpu.enqueue_dma source(%arg7 : memref<128x128xf32, #tpu.memory_space<hbm>>) target(%arg22 : memref<128x128xf32, #tpu.memory_space<vmem>>) target_semaphore(%run_scoped3A : memref<!tpu.dma_semaphore, #tpu.memory_space<semaphore_mem>>)
        tpu.wait_dma2 semaphore(%run_scoped3A : memref<!tpu.dma_semaphore, #tpu.memory_space<semaphore_mem>>) src(%arg7 : memref<128x128xf32, #tpu.memory_space<hbm>>) dst(%arg22 : memref<128x128xf32, #tpu.memory_space<vmem>>)
        tpu.yield
      }) : () -> ()
      %add3A_950 = arith.constant 0 : i32
      %add3A_951 = arith.addi %mul3A_2, %add3A_950 : i32
      %min3A_952 = arith.minsi %add3A_951, %sub3A_10 : i32
      %dma_start3A_953 = arith.constant 0 : i32
      %dma_start3A_954 = tpu.memref_slice %arg26[%min3A_952, %dma_start3A_953] : memref<10000x128xf32, #tpu.memory_space<vmem_shared>> -> memref<128x128xf32, #tpu.memory_space<vmem_shared>>
      %dma_start3A_955 = arith.constant 0 : i32
      %dma_start3A_956 = tpu.memref_slice %arg26[%min3A_952, %dma_start3A_955] : memref<10000x128xf32, #tpu.memory_space<vmem_shared>> -> memref<128x128xf32, #tpu.memory_space<vmem_shared>>
      tpu.enqueue_dma source(%arg22 : memref<128x128xf32, #tpu.memory_space<vmem>>) target(%dma_start3A_956 : memref<128x128xf32, #tpu.memory_space<vmem_shared>>) target_semaphore(%arg29 : memref<!tpu.dma_semaphore, #tpu.memory_space<semaphore_mem>>)
      %add3A_957 = arith.constant 128 : i32
      %add3A_958 = arith.addi %mul3A_2, %add3A_957 : i32
      %min3A_959 = arith.minsi %add3A_958, %sub3A_10 : i32
      %dma_start3A_960 = arith.constant 0 : i32
      %dma_start3A_961 = tpu.memref_slice %arg26[%min3A_959, %dma_start3A_960] : memref<10000x128xf32, #tpu.memory_space<vmem_shared>> -> memref<128x128xf32, #tpu.memory_space<vmem_shared>>
      %dma_start3A_962 = arith.constant 0 : i32
      %dma_start3A_963 = tpu.memref_slice %arg26[%min3A_959, %dma_start3A_962] : memref<10000x128xf32, #tpu.memory_space<vmem_shared>> -> memref<128x128xf32, #tpu.memory_space<vmem_shared>>
      tpu.enqueue_dma source(%arg22 : memref<128x128xf32, #tpu.memory_space<vmem>>) target(%dma_start3A_963 : memref<128x128xf32, #tpu.memory_space<vmem_shared>>) target_semaphore(%arg29 : memref<!tpu.dma_semaphore, #tpu.memory_space<semaphore_mem>>)
      %add3A_964 = arith.constant 256 : i32
      %add3A_965 = arith.addi %mul3A_2, %add3A_964 : i32
      %min3A_966 = arith.minsi %add3A_965, %sub3A_10 : i32
      %dma_start3A_967 = arith.constant 0 : i32
      %dma_start3A_968 = tpu.memref_slice %arg26[%min3A_966, %dma_start3A_967] : memref<10000x128xf32, #tpu.memory_space<vmem_shared>> -> memref<128x128xf32, #tpu.memory_space<vmem_shared>>
      %dma_start3A_969 = arith.constant 0 : i32
      %dma_start3A_970 = tpu.memref_slice %arg26[%min3A_966, %dma_start3A_969] : memref<10000x128xf32, #tpu.memory_space<vmem_shared>> -> memref<128x128xf32, #tpu.memory_space<vmem_shared>>
      tpu.enqueue_dma source(%arg22 : memref<128x128xf32, #tpu.memory_space<vmem>>) target(%dma_start3A_970 : memref<128x128xf32, #tpu.memory_space<vmem_shared>>) target_semaphore(%arg29 : memref<!tpu.dma_semaphore, #tpu.memory_space<semaphore_mem>>)
      %add3A_971 = arith.constant 384 : i32
      %add3A_972 = arith.addi %mul3A_2, %add3A_971 : i32
      %min3A_973 = arith.minsi %add3A_972, %sub3A_10 : i32
      %dma_start3A_974 = arith.constant 0 : i32
      %dma_start3A_975 = tpu.memref_slice %arg26[%min3A_973, %dma_start3A_974] : memref<10000x128xf32, #tpu.memory_space<vmem_shared>> -> memref<128x128xf32, #tpu.memory_space<vmem_shared>>
      %dma_start3A_976 = arith.constant 0 : i32
      %dma_start3A_977 = tpu.memref_slice %arg26[%min3A_973, %dma_start3A_976] : memref<10000x128xf32, #tpu.memory_space<vmem_shared>> -> memref<128x128xf32, #tpu.memory_space<vmem_shared>>
      tpu.enqueue_dma source(%arg22 : memref<128x128xf32, #tpu.memory_space<vmem>>) target(%dma_start3A_977 : memref<128x128xf32, #tpu.memory_space<vmem_shared>>) target_semaphore(%arg29 : memref<!tpu.dma_semaphore, #tpu.memory_space<semaphore_mem>>)
      %add3A_978 = arith.constant 512 : i32
      %add3A_979 = arith.addi %mul3A_2, %add3A_978 : i32
      %min3A_980 = arith.minsi %add3A_979, %sub3A_10 : i32
      %dma_start3A_981 = arith.constant 0 : i32
      %dma_start3A_982 = tpu.memref_slice %arg26[%min3A_980, %dma_start3A_981] : memref<10000x128xf32, #tpu.memory_space<vmem_shared>> -> memref<128x128xf32, #tpu.memory_space<vmem_shared>>
      %dma_start3A_983 = arith.constant 0 : i32
      %dma_start3A_984 = tpu.memref_slice %arg26[%min3A_980, %dma_start3A_983] : memref<10000x128xf32, #tpu.memory_space<vmem_shared>> -> memref<128x128xf32, #tpu.memory_space<vmem_shared>>
      tpu.enqueue_dma source(%arg22 : memref<128x128xf32, #tpu.memory_space<vmem>>) target(%dma_start3A_984 : memref<128x128xf32, #tpu.memory_space<vmem_shared>>) target_semaphore(%arg29 : memref<!tpu.dma_semaphore, #tpu.memory_space<semaphore_mem>>)
      %dma_wait3A_985 = arith.constant 0 : i32
      %dma_wait3A_986 = tpu.memref_slice %arg26[%mul3A_2, %dma_wait3A_985] : memref<10000x128xf32, #tpu.memory_space<vmem_shared>> -> memref<128x128xf32, #tpu.memory_space<vmem_shared>>
      %dma_wait3A_987 = arith.constant 0 : i32
      %dma_wait3A_988 = tpu.memref_slice %arg26[%mul3A_2, %dma_wait3A_987] : memref<10000x128xf32, #tpu.memory_space<vmem_shared>> -> memref<128x128xf32, #tpu.memory_space<vmem_shared>>
      tpu.wait_dma2 semaphore(%arg29 : memref<!tpu.dma_semaphore, #tpu.memory_space<semaphore_mem>>) src(%arg22 : memref<128x128xf32, #tpu.memory_space<vmem>>) dst(%dma_wait3A_988 : memref<128x128xf32, #tpu.memory_space<vmem_shared>>)
      %dma_wait3A_989 = arith.constant 0 : i32
      %dma_wait3A_990 = tpu.memref_slice %arg26[%mul3A_2, %dma_wait3A_989] : memref<10000x128xf32, #tpu.memory_space<vmem_shared>> -> memref<128x128xf32, #tpu.memory_space<vmem_shared>>
      %dma_wait3A_991 = arith.constant 0 : i32
      %dma_wait3A_992 = tpu.memref_slice %arg26[%mul3A_2, %dma_wait3A_991] : memref<10000x128xf32, #tpu.memory_space<vmem_shared>> -> memref<128x128xf32, #tpu.memory_space<vmem_shared>>
      tpu.wait_dma2 semaphore(%arg29 : memref<!tpu.dma_semaphore, #tpu.memory_space<semaphore_mem>>) src(%arg22 : memref<128x128xf32, #tpu.memory_space<vmem>>) dst(%dma_wait3A_992 : memref<128x128xf32, #tpu.memory_space<vmem_shared>>)
      %dma_wait3A_993 = arith.constant 0 : i32
      %dma_wait3A_994 = tpu.memref_slice %arg26[%mul3A_2, %dma_wait3A_993] : memref<10000x128xf32, #tpu.memory_space<vmem_shared>> -> memref<128x128xf32, #tpu.memory_space<vmem_shared>>
      %dma_wait3A_995 = arith.constant 0 : i32
      %dma_wait3A_996 = tpu.memref_slice %arg26[%mul3A_2, %dma_wait3A_995] : memref<10000x128xf32, #tpu.memory_space<vmem_shared>> -> memref<128x128xf32, #tpu.memory_space<vmem_shared>>
      tpu.wait_dma2 semaphore(%arg29 : memref<!tpu.dma_semaphore, #tpu.memory_space<semaphore_mem>>) src(%arg22 : memref<128x128xf32, #tpu.memory_space<vmem>>) dst(%dma_wait3A_996 : memref<128x128xf32, #tpu.memory_space<vmem_shared>>)
      %dma_wait3A_997 = arith.constant 0 : i32
      %dma_wait3A_998 = tpu.memref_slice %arg26[%mul3A_2, %dma_wait3A_997] : memref<10000x128xf32, #tpu.memory_space<vmem_shared>> -> memref<128x128xf32, #tpu.memory_space<vmem_shared>>
      %dma_wait3A_999 = arith.constant 0 : i32
      %dma_wait3A_1000 = tpu.memref_slice %arg26[%mul3A_2, %dma_wait3A_999] : memref<10000x128xf32, #tpu.memory_space<vmem_shared>> -> memref<128x128xf32, #tpu.memory_space<vmem_shared>>
      tpu.wait_dma2 semaphore(%arg29 : memref<!tpu.dma_semaphore, #tpu.memory_space<semaphore_mem>>) src(%arg22 : memref<128x128xf32, #tpu.memory_space<vmem>>) dst(%dma_wait3A_1000 : memref<128x128xf32, #tpu.memory_space<vmem_shared>>)
      %dma_wait3A_1001 = arith.constant 0 : i32
      %dma_wait3A_1002 = tpu.memref_slice %arg26[%mul3A_2, %dma_wait3A_1001] : memref<10000x128xf32, #tpu.memory_space<vmem_shared>> -> memref<128x128xf32, #tpu.memory_space<vmem_shared>>
      %dma_wait3A_1003 = arith.constant 0 : i32
      %dma_wait3A_1004 = tpu.memref_slice %arg26[%mul3A_2, %dma_wait3A_1003] : memref<10000x128xf32, #tpu.memory_space<vmem_shared>> -> memref<128x128xf32, #tpu.memory_space<vmem_shared>>
      tpu.wait_dma2 semaphore(%arg29 : memref<!tpu.dma_semaphore, #tpu.memory_space<semaphore_mem>>) src(%arg22 : memref<128x128xf32, #tpu.memory_space<vmem>>) dst(%dma_wait3A_1004 : memref<128x128xf32, #tpu.memory_space<vmem_shared>>)
    } else {
    }
    %barrier3A = arith.constant 0 : index
    tpu.barrier barrier_id(%barrier3A)
    %add3A_20 = arith.constant 0 : i32
    %add3A_21 = arith.addi %mul3A_12, %add3A_20 : i32
    "tpu.region"() ({
      %run_scoped3A = tpu.sem_alloc : memref<!tpu.dma_semaphore, #tpu.memory_space<semaphore_mem>>
      %dma_start3A_950 = tpu.memref_slice %arg3[%add3A_21] : memref<320000xi32, #tpu.memory_space<hbm>> -> memref<1664xi32, #tpu.memory_space<hbm>>
      %dma_start3A_951 = tpu.memref_slice %arg3[%add3A_21] : memref<320000xi32, #tpu.memory_space<hbm>> -> memref<1664xi32, #tpu.memory_space<hbm>>
      tpu.enqueue_dma source(%dma_start3A_951 : memref<1664xi32, #tpu.memory_space<hbm>>) target(%arg9 : memref<1664xi32, #tpu.memory_space<vmem>>) target_semaphore(%run_scoped3A : memref<!tpu.dma_semaphore, #tpu.memory_space<semaphore_mem>>)
      %dma_wait3A_952 = tpu.memref_slice %arg3[%add3A_21] : memref<320000xi32, #tpu.memory_space<hbm>> -> memref<1664xi32, #tpu.memory_space<hbm>>
      %dma_wait3A_953 = tpu.memref_slice %arg3[%add3A_21] : memref<320000xi32, #tpu.memory_space<hbm>> -> memref<1664xi32, #tpu.memory_space<hbm>>
      tpu.wait_dma2 semaphore(%run_scoped3A : memref<!tpu.dma_semaphore, #tpu.memory_space<semaphore_mem>>) src(%dma_wait3A_953 : memref<1664xi32, #tpu.memory_space<hbm>>) dst(%arg9 : memref<1664xi32, #tpu.memory_space<vmem>>)
      tpu.yield
    }) : () -> ()
    "tpu.region"() ({
      %run_scoped3A = tpu.sem_alloc : memref<!tpu.dma_semaphore, #tpu.memory_space<semaphore_mem>>
      %dma_start3A_950 = tpu.memref_slice %arg4[%add3A_21] : memref<320000xi32, #tpu.memory_space<hbm>> -> memref<1664xi32, #tpu.memory_space<hbm>>
      %dma_start3A_951 = tpu.memref_slice %arg4[%add3A_21] : memref<320000xi32, #tpu.memory_space<hbm>> -> memref<1664xi32, #tpu.memory_space<hbm>>
      tpu.enqueue_dma source(%dma_start3A_951 : memref<1664xi32, #tpu.memory_space<hbm>>) target(%arg10 : memref<1664xi32, #tpu.memory_space<vmem>>) target_semaphore(%run_scoped3A : memref<!tpu.dma_semaphore, #tpu.memory_space<semaphore_mem>>)
      %dma_wait3A_952 = tpu.memref_slice %arg4[%add3A_21] : memref<320000xi32, #tpu.memory_space<hbm>> -> memref<1664xi32, #tpu.memory_space<hbm>>
      %dma_wait3A_953 = tpu.memref_slice %arg4[%add3A_21] : memref<320000xi32, #tpu.memory_space<hbm>> -> memref<1664xi32, #tpu.memory_space<hbm>>
      tpu.wait_dma2 semaphore(%run_scoped3A : memref<!tpu.dma_semaphore, #tpu.memory_space<semaphore_mem>>) src(%dma_wait3A_953 : memref<1664xi32, #tpu.memory_space<hbm>>) dst(%arg10 : memref<1664xi32, #tpu.memory_space<vmem>>)
      tpu.yield
    }) : () -> ()
    "tpu.region"() ({
      %run_scoped3A = tpu.sem_alloc : memref<!tpu.dma_semaphore, #tpu.memory_space<semaphore_mem>>
      %dma_start3A_950 = tpu.memref_slice %arg5[%add3A_21] : memref<320000xi32, #tpu.memory_space<hbm>> -> memref<1664xi32, #tpu.memory_space<hbm>>
      %dma_start3A_951 = tpu.memref_slice %arg5[%add3A_21] : memref<320000xi32, #tpu.memory_space<hbm>> -> memref<1664xi32, #tpu.memory_space<hbm>>
      tpu.enqueue_dma source(%dma_start3A_951 : memref<1664xi32, #tpu.memory_space<hbm>>) target(%arg11 : memref<1664xi32, #tpu.memory_space<vmem>>) target_semaphore(%run_scoped3A : memref<!tpu.dma_semaphore, #tpu.memory_space<semaphore_mem>>)
      %dma_wait3A_952 = tpu.memref_slice %arg5[%add3A_21] : memref<320000xi32, #tpu.memory_space<hbm>> -> memref<1664xi32, #tpu.memory_space<hbm>>
      %dma_wait3A_953 = tpu.memref_slice %arg5[%add3A_21] : memref<320000xi32, #tpu.memory_space<hbm>> -> memref<1664xi32, #tpu.memory_space<hbm>>
      tpu.wait_dma2 semaphore(%run_scoped3A : memref<!tpu.dma_semaphore, #tpu.memory_space<semaphore_mem>>) src(%dma_wait3A_953 : memref<1664xi32, #tpu.memory_space<hbm>>) dst(%arg11 : memref<1664xi32, #tpu.memory_space<vmem>>)
      tpu.yield
    }) : () -> ()
    %rem3A = arith.constant 0 : i32
    %rem3A_22 = arith.constant 13 : i32
    %rem3A_23 = arith.remsi %rem3A, %rem3A_22 : i32
    %mul3A_24 = arith.constant 128 : i32
    %mul3A_25 = arith.muli %rem3A_23, %mul3A_24 : i32
    %add3A_26 = arith.constant 0 : i32
    %add3A_27 = arith.addi %mul3A_25, %add3A_26 : i32
    %get3A = arith.index_cast %add3A_27 : i32 to index
    %get3A_28 = tpu.vector_load %arg11[%get3A] {strides = array<i32>} : memref<1664xi32, #tpu.memory_space<vmem>>, vector<16xi32>,
    %get3A_29 = vector.shape_cast %get3A_28 : vector<16xi32> to vector<16xi32>
    %mul3A_30 = arith.constant 10000 : i32
    %mul3A_31 = vector.broadcast %mul3A_30 : i32 to vector<16xi32>
    %mul3A_32 = arith.muli %get3A_29, %mul3A_31 : vector<16xi32>
    %get3A_33 = arith.index_cast %add3A_27 : i32 to index
    %get3A_34 = tpu.vector_load %arg9[%get3A_33] {strides = array<i32>} : memref<1664xi32, #tpu.memory_space<vmem>>, vector<16xi32>,
    %get3A_35 = vector.shape_cast %get3A_34 : vector<16xi32> to vector<16xi32>
    %add3A_36 = arith.addi %mul3A_32, %get3A_35 : vector<16xi32>
    %swap3A = arith.constant 0 : index
    %swap3A_37 = tpu.vector_load %arg12[%swap3A] {strides = array<i32>} : memref<128xi32, #tpu.memory_space<vmem>>, vector<16xi32>,
    %swap3A_38 = vector.shape_cast %swap3A_37 : vector<16xi32> to vector<16xi32>
    %swap3A_39 = vector.shape_cast %add3A_36 : vector<16xi32> to vector<16xi32>
    tpu.vector_store %arg12[%swap3A], %swap3A_39 {strides = array<i32>} : memref<128xi32, #tpu.memory_space<vmem>>, vector<16xi32>,
    %get3A_40 = arith.index_cast %add3A_27 : i32 to index
    %get3A_41 = tpu.vector_load %arg10[%get3A_40] {strides = array<i32>} : memref<1664xi32, #tpu.memory_space<vmem>>, vector<16xi32>,
    %get3A_42 = vector.shape_cast %get3A_41 : vector<16xi32> to vector<16xi32>
    %swap3A_43 = arith.constant 0 : index
    %swap3A_44 = tpu.vector_load %arg13[%swap3A_43] {strides = array<i32>} : memref<128xi32, #tpu.memory_space<vmem>>, vector<16xi32>,
    %swap3A_45 = vector.shape_cast %swap3A_44 : vector<16xi32> to vector<16xi32>
    %swap3A_46 = vector.shape_cast %get3A_42 : vector<16xi32> to vector<16xi32>
    tpu.vector_store %arg13[%swap3A_43], %swap3A_46 {strides = array<i32>} : memref<128xi32, #tpu.memory_space<vmem>>, vector<16xi32>,
    %add3A_47 = arith.constant 16 : i32
    %add3A_48 = arith.addi %mul3A_25, %add3A_47 : i32
    %get3A_49 = arith.index_cast %add3A_48 : i32 to index
    %get3A_50 = tpu.vector_load %arg11[%get3A_49] {strides = array<i32>} : memref<1664xi32, #tpu.memory_space<vmem>>, vector<16xi32>,
    %get3A_51 = vector.shape_cast %get3A_50 : vector<16xi32> to vector<16xi32>
    %mul3A_52 = arith.constant 10000 : i32
    %mul3A_53 = vector.broadcast %mul3A_52 : i32 to vector<16xi32>
    %mul3A_54 = arith.muli %get3A_51, %mul3A_53 : vector<16xi32>
    %get3A_55 = arith.index_cast %add3A_48 : i32 to index
    %get3A_56 = tpu.vector_load %arg9[%get3A_55] {strides = array<i32>} : memref<1664xi32, #tpu.memory_space<vmem>>, vector<16xi32>,
    %get3A_57 = vector.shape_cast %get3A_56 : vector<16xi32> to vector<16xi32>
    %add3A_58 = arith.addi %mul3A_54, %get3A_57 : vector<16xi32>
    %swap3A_59 = arith.constant 16 : index
    %swap3A_60 = tpu.vector_load %arg12[%swap3A_59] {strides = array<i32>} : memref<128xi32, #tpu.memory_space<vmem>>, vector<16xi32>,
    %swap3A_61 = vector.shape_cast %swap3A_60 : vector<16xi32> to vector<16xi32>
    %swap3A_62 = vector.shape_cast %add3A_58 : vector<16xi32> to vector<16xi32>
    tpu.vector_store %arg12[%swap3A_59], %swap3A_62 {strides = array<i32>} : memref<128xi32, #tpu.memory_space<vmem>>, vector<16xi32>,
    %get3A_63 = arith.index_cast %add3A_48 : i32 to index
    %get3A_64 = tpu.vector_load %arg10[%get3A_63] {strides = array<i32>} : memref<1664xi32, #tpu.memory_space<vmem>>, vector<16xi32>,
    %get3A_65 = vector.shape_cast %get3A_64 : vector<16xi32> to vector<16xi32>
    %swap3A_66 = arith.constant 16 : index
    %swap3A_67 = tpu.vector_load %arg13[%swap3A_66] {strides = array<i32>} : memref<128xi32, #tpu.memory_space<vmem>>, vector<16xi32>,
    %swap3A_68 = vector.shape_cast %swap3A_67 : vector<16xi32> to vector<16xi32>
    %swap3A_69 = vector.shape_cast %get3A_65 : vector<16xi32> to vector<16xi32>
    tpu.vector_store %arg13[%swap3A_66], %swap3A_69 {strides = array<i32>} : memref<128xi32, #tpu.memory_space<vmem>>, vector<16xi32>,
    %add3A_70 = arith.constant 32 : i32
    %add3A_71 = arith.addi %mul3A_25, %add3A_70 : i32
    %get3A_72 = arith.index_cast %add3A_71 : i32 to index
    %get3A_73 = tpu.vector_load %arg11[%get3A_72] {strides = array<i32>} : memref<1664xi32, #tpu.memory_space<vmem>>, vector<16xi32>,
    %get3A_74 = vector.shape_cast %get3A_73 : vector<16xi32> to vector<16xi32>
    %mul3A_75 = arith.constant 10000 : i32
    %mul3A_76 = vector.broadcast %mul3A_75 : i32 to vector<16xi32>
    %mul3A_77 = arith.muli %get3A_74, %mul3A_76 : vector<16xi32>
    %get3A_78 = arith.index_cast %add3A_71 : i32 to index
    %get3A_79 = tpu.vector_load %arg9[%get3A_78] {strides = array<i32>} : memref<1664xi32, #tpu.memory_space<vmem>>, vector<16xi32>,
    %get3A_80 = vector.shape_cast %get3A_79 : vector<16xi32> to vector<16xi32>
    %add3A_81 = arith.addi %mul3A_77, %get3A_80 : vector<16xi32>
    %swap3A_82 = arith.constant 32 : index
    %swap3A_83 = tpu.vector_load %arg12[%swap3A_82] {strides = array<i32>} : memref<128xi32, #tpu.memory_space<vmem>>, vector<16xi32>,
    %swap3A_84 = vector.shape_cast %swap3A_83 : vector<16xi32> to vector<16xi32>
    %swap3A_85 = vector.shape_cast %add3A_81 : vector<16xi32> to vector<16xi32>
    tpu.vector_store %arg12[%swap3A_82], %swap3A_85 {strides = array<i32>} : memref<128xi32, #tpu.memory_space<vmem>>, vector<16xi32>,
    %get3A_86 = arith.index_cast %add3A_71 : i32 to index
    %get3A_87 = tpu.vector_load %arg10[%get3A_86] {strides = array<i32>} : memref<1664xi32, #tpu.memory_space<vmem>>, vector<16xi32>,
    %get3A_88 = vector.shape_cast %get3A_87 : vector<16xi32> to vector<16xi32>
    %swap3A_89 = arith.constant 32 : index
    %swap3A_90 = tpu.vector_load %arg13[%swap3A_89] {strides = array<i32>} : memref<128xi32, #tpu.memory_space<vmem>>, vector<16xi32>,
    %swap3A_91 = vector.shape_cast %swap3A_90 : vector<16xi32> to vector<16xi32>
    %swap3A_92 = vector.shape_cast %get3A_88 : vector<16xi32> to vector<16xi32>
    tpu.vector_store %arg13[%swap3A_89], %swap3A_92 {strides = array<i32>} : memref<128xi32, #tpu.memory_space<vmem>>, vector<16xi32>,
    %add3A_93 = arith.constant 48 : i32
    %add3A_94 = arith.addi %mul3A_25, %add3A_93 : i32
    %get3A_95 = arith.index_cast %add3A_94 : i32 to index
    %get3A_96 = tpu.vector_load %arg11[%get3A_95] {strides = array<i32>} : memref<1664xi32, #tpu.memory_space<vmem>>, vector<16xi32>,
    %get3A_97 = vector.shape_cast %get3A_96 : vector<16xi32> to vector<16xi32>
    %mul3A_98 = arith.constant 10000 : i32
    %mul3A_99 = vector.broadcast %mul3A_98 : i32 to vector<16xi32>
    %mul3A_100 = arith.muli %get3A_97, %mul3A_99 : vector<16xi32>
    %get3A_101 = arith.index_cast %add3A_94 : i32 to index
    %get3A_102 = tpu.vector_load %arg9[%get3A_101] {strides = array<i32>} : memref<1664xi32, #tpu.memory_space<vmem>>, vector<16xi32>,
    %get3A_103 = vector.shape_cast %get3A_102 : vector<16xi32> to vector<16xi32>
    %add3A_104 = arith.addi %mul3A_100, %get3A_103 : vector<16xi32>
    %swap3A_105 = arith.constant 48 : index
    %swap3A_106 = tpu.vector_load %arg12[%swap3A_105] {strides = array<i32>} : memref<128xi32, #tpu.memory_space<vmem>>, vector<16xi32>,
    %swap3A_107 = vector.shape_cast %swap3A_106 : vector<16xi32> to vector<16xi32>
    %swap3A_108 = vector.shape_cast %add3A_104 : vector<16xi32> to vector<16xi32>
    tpu.vector_store %arg12[%swap3A_105], %swap3A_108 {strides = array<i32>} : memref<128xi32, #tpu.memory_space<vmem>>, vector<16xi32>,
    %get3A_109 = arith.index_cast %add3A_94 : i32 to index
    %get3A_110 = tpu.vector_load %arg10[%get3A_109] {strides = array<i32>} : memref<1664xi32, #tpu.memory_space<vmem>>, vector<16xi32>,
    %get3A_111 = vector.shape_cast %get3A_110 : vector<16xi32> to vector<16xi32>
    %swap3A_112 = arith.constant 48 : index
    %swap3A_113 = tpu.vector_load %arg13[%swap3A_112] {strides = array<i32>} : memref<128xi32, #tpu.memory_space<vmem>>, vector<16xi32>,
    %swap3A_114 = vector.shape_cast %swap3A_113 : vector<16xi32> to vector<16xi32>
    %swap3A_115 = vector.shape_cast %get3A_111 : vector<16xi32> to vector<16xi32>
    tpu.vector_store %arg13[%swap3A_112], %swap3A_115 {strides = array<i32>} : memref<128xi32, #tpu.memory_space<vmem>>, vector<16xi32>,
    %add3A_116 = arith.constant 64 : i32
    %add3A_117 = arith.addi %mul3A_25, %add3A_116 : i32
    %get3A_118 = arith.index_cast %add3A_117 : i32 to index
    %get3A_119 = tpu.vector_load %arg11[%get3A_118] {strides = array<i32>} : memref<1664xi32, #tpu.memory_space<vmem>>, vector<16xi32>,
    %get3A_120 = vector.shape_cast %get3A_119 : vector<16xi32> to vector<16xi32>
    %mul3A_121 = arith.constant 10000 : i32
    %mul3A_122 = vector.broadcast %mul3A_121 : i32 to vector<16xi32>
    %mul3A_123 = arith.muli %get3A_120, %mul3A_122 : vector<16xi32>
    %get3A_124 = arith.index_cast %add3A_117 : i32 to index
    %get3A_125 = tpu.vector_load %arg9[%get3A_124] {strides = array<i32>} : memref<1664xi32, #tpu.memory_space<vmem>>, vector<16xi32>,
    %get3A_126 = vector.shape_cast %get3A_125 : vector<16xi32> to vector<16xi32>
    %add3A_127 = arith.addi %mul3A_123, %get3A_126 : vector<16xi32>
    %swap3A_128 = arith.constant 64 : index
    %swap3A_129 = tpu.vector_load %arg12[%swap3A_128] {strides = array<i32>} : memref<128xi32, #tpu.memory_space<vmem>>, vector<16xi32>,
    %swap3A_130 = vector.shape_cast %swap3A_129 : vector<16xi32> to vector<16xi32>
    %swap3A_131 = vector.shape_cast %add3A_127 : vector<16xi32> to vector<16xi32>
    tpu.vector_store %arg12[%swap3A_128], %swap3A_131 {strides = array<i32>} : memref<128xi32, #tpu.memory_space<vmem>>, vector<16xi32>,
    %get3A_132 = arith.index_cast %add3A_117 : i32 to index
    %get3A_133 = tpu.vector_load %arg10[%get3A_132] {strides = array<i32>} : memref<1664xi32, #tpu.memory_space<vmem>>, vector<16xi32>,
    %get3A_134 = vector.shape_cast %get3A_133 : vector<16xi32> to vector<16xi32>
    %swap3A_135 = arith.constant 64 : index
    %swap3A_136 = tpu.vector_load %arg13[%swap3A_135] {strides = array<i32>} : memref<128xi32, #tpu.memory_space<vmem>>, vector<16xi32>,
    %swap3A_137 = vector.shape_cast %swap3A_136 : vector<16xi32> to vector<16xi32>
    %swap3A_138 = vector.shape_cast %get3A_134 : vector<16xi32> to vector<16xi32>
    tpu.vector_store %arg13[%swap3A_135], %swap3A_138 {strides = array<i32>} : memref<128xi32, #tpu.memory_space<vmem>>, vector<16xi32>,
    %add3A_139 = arith.constant 80 : i32
    %add3A_140 = arith.addi %mul3A_25, %add3A_139 : i32
    %get3A_141 = arith.index_cast %add3A_140 : i32 to index
    %get3A_142 = tpu.vector_load %arg11[%get3A_141] {strides = array<i32>} : memref<1664xi32, #tpu.memory_space<vmem>>, vector<16xi32>,
    %get3A_143 = vector.shape_cast %get3A_142 : vector<16xi32> to vector<16xi32>
    %mul3A_144 = arith.constant 10000 : i32
    %mul3A_145 = vector.broadcast %mul3A_144 : i32 to vector<16xi32>
    %mul3A_146 = arith.muli %get3A_143, %mul3A_145 : vector<16xi32>
    %get3A_147 = arith.index_cast %add3A_140 : i32 to index
    %get3A_148 = tpu.vector_load %arg9[%get3A_147] {strides = array<i32>} : memref<1664xi32, #tpu.memory_space<vmem>>, vector<16xi32>,
    %get3A_149 = vector.shape_cast %get3A_148 : vector<16xi32> to vector<16xi32>
    %add3A_150 = arith.addi %mul3A_146, %get3A_149 : vector<16xi32>
    %swap3A_151 = arith.constant 80 : index
    %swap3A_152 = tpu.vector_load %arg12[%swap3A_151] {strides = array<i32>} : memref<128xi32, #tpu.memory_space<vmem>>, vector<16xi32>,
    %swap3A_153 = vector.shape_cast %swap3A_152 : vector<16xi32> to vector<16xi32>
    %swap3A_154 = vector.shape_cast %add3A_150 : vector<16xi32> to vector<16xi32>
    tpu.vector_store %arg12[%swap3A_151], %swap3A_154 {strides = array<i32>} : memref<128xi32, #tpu.memory_space<vmem>>, vector<16xi32>,
    %get3A_155 = arith.index_cast %add3A_140 : i32 to index
    %get3A_156 = tpu.vector_load %arg10[%get3A_155] {strides = array<i32>} : memref<1664xi32, #tpu.memory_space<vmem>>, vector<16xi32>,
    %get3A_157 = vector.shape_cast %get3A_156 : vector<16xi32> to vector<16xi32>
    %swap3A_158 = arith.constant 80 : index
    %swap3A_159 = tpu.vector_load %arg13[%swap3A_158] {strides = array<i32>} : memref<128xi32, #tpu.memory_space<vmem>>, vector<16xi32>,
    %swap3A_160 = vector.shape_cast %swap3A_159 : vector<16xi32> to vector<16xi32>
    %swap3A_161 = vector.shape_cast %get3A_157 : vector<16xi32> to vector<16xi32>
    tpu.vector_store %arg13[%swap3A_158], %swap3A_161 {strides = array<i32>} : memref<128xi32, #tpu.memory_space<vmem>>, vector<16xi32>,
    %add3A_162 = arith.constant 96 : i32
    %add3A_163 = arith.addi %mul3A_25, %add3A_162 : i32
    %get3A_164 = arith.index_cast %add3A_163 : i32 to index
    %get3A_165 = tpu.vector_load %arg11[%get3A_164] {strides = array<i32>} : memref<1664xi32, #tpu.memory_space<vmem>>, vector<16xi32>,
    %get3A_166 = vector.shape_cast %get3A_165 : vector<16xi32> to vector<16xi32>
    %mul3A_167 = arith.constant 10000 : i32
    %mul3A_168 = vector.broadcast %mul3A_167 : i32 to vector<16xi32>
    %mul3A_169 = arith.muli %get3A_166, %mul3A_168 : vector<16xi32>
    %get3A_170 = arith.index_cast %add3A_163 : i32 to index
    %get3A_171 = tpu.vector_load %arg9[%get3A_170] {strides = array<i32>} : memref<1664xi32, #tpu.memory_space<vmem>>, vector<16xi32>,
    %get3A_172 = vector.shape_cast %get3A_171 : vector<16xi32> to vector<16xi32>
    %add3A_173 = arith.addi %mul3A_169, %get3A_172 : vector<16xi32>
    %swap3A_174 = arith.constant 96 : index
    %swap3A_175 = tpu.vector_load %arg12[%swap3A_174] {strides = array<i32>} : memref<128xi32, #tpu.memory_space<vmem>>, vector<16xi32>,
    %swap3A_176 = vector.shape_cast %swap3A_175 : vector<16xi32> to vector<16xi32>
    %swap3A_177 = vector.shape_cast %add3A_173 : vector<16xi32> to vector<16xi32>
    tpu.vector_store %arg12[%swap3A_174], %swap3A_177 {strides = array<i32>} : memref<128xi32, #tpu.memory_space<vmem>>, vector<16xi32>,
    %get3A_178 = arith.index_cast %add3A_163 : i32 to index
    %get3A_179 = tpu.vector_load %arg10[%get3A_178] {strides = array<i32>} : memref<1664xi32, #tpu.memory_space<vmem>>, vector<16xi32>,
    %get3A_180 = vector.shape_cast %get3A_179 : vector<16xi32> to vector<16xi32>
    %swap3A_181 = arith.constant 96 : index
    %swap3A_182 = tpu.vector_load %arg13[%swap3A_181] {strides = array<i32>} : memref<128xi32, #tpu.memory_space<vmem>>, vector<16xi32>,
    %swap3A_183 = vector.shape_cast %swap3A_182 : vector<16xi32> to vector<16xi32>
    %swap3A_184 = vector.shape_cast %get3A_180 : vector<16xi32> to vector<16xi32>
    tpu.vector_store %arg13[%swap3A_181], %swap3A_184 {strides = array<i32>} : memref<128xi32, #tpu.memory_space<vmem>>, vector<16xi32>,
    %add3A_185 = arith.constant 112 : i32
    %add3A_186 = arith.addi %mul3A_25, %add3A_185 : i32
    %get3A_187 = arith.index_cast %add3A_186 : i32 to index
    %get3A_188 = tpu.vector_load %arg11[%get3A_187] {strides = array<i32>} : memref<1664xi32, #tpu.memory_space<vmem>>, vector<16xi32>,
    %get3A_189 = vector.shape_cast %get3A_188 : vector<16xi32> to vector<16xi32>
    %mul3A_190 = arith.constant 10000 : i32
    %mul3A_191 = vector.broadcast %mul3A_190 : i32 to vector<16xi32>
    %mul3A_192 = arith.muli %get3A_189, %mul3A_191 : vector<16xi32>
    %get3A_193 = arith.index_cast %add3A_186 : i32 to index
    %get3A_194 = tpu.vector_load %arg9[%get3A_193] {strides = array<i32>} : memref<1664xi32, #tpu.memory_space<vmem>>, vector<16xi32>,
    %get3A_195 = vector.shape_cast %get3A_194 : vector<16xi32> to vector<16xi32>
    %add3A_196 = arith.addi %mul3A_192, %get3A_195 : vector<16xi32>
    %swap3A_197 = arith.constant 112 : index
    %swap3A_198 = tpu.vector_load %arg12[%swap3A_197] {strides = array<i32>} : memref<128xi32, #tpu.memory_space<vmem>>, vector<16xi32>,
    %swap3A_199 = vector.shape_cast %swap3A_198 : vector<16xi32> to vector<16xi32>
    %swap3A_200 = vector.shape_cast %add3A_196 : vector<16xi32> to vector<16xi32>
    tpu.vector_store %arg12[%swap3A_197], %swap3A_200 {strides = array<i32>} : memref<128xi32, #tpu.memory_space<vmem>>, vector<16xi32>,
    %get3A_201 = arith.index_cast %add3A_186 : i32 to index
    %get3A_202 = tpu.vector_load %arg10[%get3A_201] {strides = array<i32>} : memref<1664xi32, #tpu.memory_space<vmem>>, vector<16xi32>,
    %get3A_203 = vector.shape_cast %get3A_202 : vector<16xi32> to vector<16xi32>
    %swap3A_204 = arith.constant 112 : index
    %swap3A_205 = tpu.vector_load %arg13[%swap3A_204] {strides = array<i32>} : memref<128xi32, #tpu.memory_space<vmem>>, vector<16xi32>,
    %swap3A_206 = vector.shape_cast %swap3A_205 : vector<16xi32> to vector<16xi32>
    %swap3A_207 = vector.shape_cast %get3A_203 : vector<16xi32> to vector<16xi32>
    tpu.vector_store %arg13[%swap3A_204], %swap3A_207 {strides = array<i32>} : memref<128xi32, #tpu.memory_space<vmem>>, vector<16xi32>,
    %dma_start3A = arith.constant 0 : i32
    %dma_start3A_208 = arith.constant 0 : i32
    %dma_start3A_209 = tpu.memref_slice %arg2[%dma_start3A, %dma_start3A_208] : memref<90000x128xf32, #tpu.memory_space<hbm>> -> memref<90000x128xf32, #tpu.memory_space<hbm>>
    tpu.enqueue_indirect_dma source(%dma_start3A_209 : memref<90000x128xf32, #tpu.memory_space<hbm>>) target(%arg22 : memref<128x128xf32, #tpu.memory_space<vmem>>) offsets(%arg12 : memref<128xi32, #tpu.memory_space<vmem>>) semaphore(%arg27 : memref<!tpu.dma_semaphore, #tpu.memory_space<semaphore_mem>>)
    %rem3A_210 = arith.constant 0 : i32
    %rem3A_211 = arith.constant 13 : i32
    %rem3A_212 = arith.remsi %rem3A_210, %rem3A_211 : i32
    %mul3A_213 = arith.constant 128 : i32
    %mul3A_214 = arith.muli %rem3A_212, %mul3A_213 : i32
    %add3A_215 = arith.constant 0 : i32
    %add3A_216 = arith.addi %mul3A_214, %add3A_215 : i32
    %get3A_217 = arith.index_cast %add3A_216 : i32 to index
    %get3A_218 = tpu.vector_load %arg11[%get3A_217] {strides = array<i32>} : memref<1664xi32, #tpu.memory_space<vmem>>, vector<16xi32>,
    %get3A_219 = vector.shape_cast %get3A_218 : vector<16xi32> to vector<16xi32>
    %mul3A_220 = arith.constant 10000 : i32
    %mul3A_221 = vector.broadcast %mul3A_220 : i32 to vector<16xi32>
    %mul3A_222 = arith.muli %get3A_219, %mul3A_221 : vector<16xi32>
    %get3A_223 = arith.index_cast %add3A_216 : i32 to index
    %get3A_224 = tpu.vector_load %arg10[%get3A_223] {strides = array<i32>} : memref<1664xi32, #tpu.memory_space<vmem>>, vector<16xi32>,
    %get3A_225 = vector.shape_cast %get3A_224 : vector<16xi32> to vector<16xi32>
    %add3A_226 = arith.addi %mul3A_222, %get3A_225 : vector<16xi32>
    %swap3A_227 = arith.constant 0 : index
    %swap3A_228 = tpu.vector_load %arg16[%swap3A_227] {strides = array<i32>} : memref<128xi32, #tpu.memory_space<vmem>>, vector<16xi32>,
    %swap3A_229 = vector.shape_cast %swap3A_228 : vector<16xi32> to vector<16xi32>
    %swap3A_230 = vector.shape_cast %add3A_226 : vector<16xi32> to vector<16xi32>
    tpu.vector_store %arg16[%swap3A_227], %swap3A_230 {strides = array<i32>} : memref<128xi32, #tpu.memory_space<vmem>>, vector<16xi32>,
    %get3A_231 = arith.index_cast %add3A_216 : i32 to index
    %get3A_232 = tpu.vector_load %arg9[%get3A_231] {strides = array<i32>} : memref<1664xi32, #tpu.memory_space<vmem>>, vector<16xi32>,
    %get3A_233 = vector.shape_cast %get3A_232 : vector<16xi32> to vector<16xi32>
    %swap3A_234 = arith.constant 0 : index
    %swap3A_235 = tpu.vector_load %arg17[%swap3A_234] {strides = array<i32>} : memref<128xi32, #tpu.memory_space<vmem>>, vector<16xi32>,
    %swap3A_236 = vector.shape_cast %swap3A_235 : vector<16xi32> to vector<16xi32>
    %swap3A_237 = vector.shape_cast %get3A_233 : vector<16xi32> to vector<16xi32>
    tpu.vector_store %arg17[%swap3A_234], %swap3A_237 {strides = array<i32>} : memref<128xi32, #tpu.memory_space<vmem>>, vector<16xi32>,
    %add3A_238 = arith.constant 16 : i32
    %add3A_239 = arith.addi %mul3A_214, %add3A_238 : i32
    %get3A_240 = arith.index_cast %add3A_239 : i32 to index
    %get3A_241 = tpu.vector_load %arg11[%get3A_240] {strides = array<i32>} : memref<1664xi32, #tpu.memory_space<vmem>>, vector<16xi32>,
    %get3A_242 = vector.shape_cast %get3A_241 : vector<16xi32> to vector<16xi32>
    %mul3A_243 = arith.constant 10000 : i32
    %mul3A_244 = vector.broadcast %mul3A_243 : i32 to vector<16xi32>
    %mul3A_245 = arith.muli %get3A_242, %mul3A_244 : vector<16xi32>
    %get3A_246 = arith.index_cast %add3A_239 : i32 to index
    %get3A_247 = tpu.vector_load %arg10[%get3A_246] {strides = array<i32>} : memref<1664xi32, #tpu.memory_space<vmem>>, vector<16xi32>,
    %get3A_248 = vector.shape_cast %get3A_247 : vector<16xi32> to vector<16xi32>
    %add3A_249 = arith.addi %mul3A_245, %get3A_248 : vector<16xi32>
    %swap3A_250 = arith.constant 16 : index
    %swap3A_251 = tpu.vector_load %arg16[%swap3A_250] {strides = array<i32>} : memref<128xi32, #tpu.memory_space<vmem>>, vector<16xi32>,
    %swap3A_252 = vector.shape_cast %swap3A_251 : vector<16xi32> to vector<16xi32>
    %swap3A_253 = vector.shape_cast %add3A_249 : vector<16xi32> to vector<16xi32>
    tpu.vector_store %arg16[%swap3A_250], %swap3A_253 {strides = array<i32>} : memref<128xi32, #tpu.memory_space<vmem>>, vector<16xi32>,
    %get3A_254 = arith.index_cast %add3A_239 : i32 to index
    %get3A_255 = tpu.vector_load %arg9[%get3A_254] {strides = array<i32>} : memref<1664xi32, #tpu.memory_space<vmem>>, vector<16xi32>,
    %get3A_256 = vector.shape_cast %get3A_255 : vector<16xi32> to vector<16xi32>
    %swap3A_257 = arith.constant 16 : index
    %swap3A_258 = tpu.vector_load %arg17[%swap3A_257] {strides = array<i32>} : memref<128xi32, #tpu.memory_space<vmem>>, vector<16xi32>,
    %swap3A_259 = vector.shape_cast %swap3A_258 : vector<16xi32> to vector<16xi32>
    %swap3A_260 = vector.shape_cast %get3A_256 : vector<16xi32> to vector<16xi32>
    tpu.vector_store %arg17[%swap3A_257], %swap3A_260 {strides = array<i32>} : memref<128xi32, #tpu.memory_space<vmem>>, vector<16xi32>,
    %add3A_261 = arith.constant 32 : i32
    %add3A_262 = arith.addi %mul3A_214, %add3A_261 : i32
    %get3A_263 = arith.index_cast %add3A_262 : i32 to index
    %get3A_264 = tpu.vector_load %arg11[%get3A_263] {strides = array<i32>} : memref<1664xi32, #tpu.memory_space<vmem>>, vector<16xi32>,
    %get3A_265 = vector.shape_cast %get3A_264 : vector<16xi32> to vector<16xi32>
    %mul3A_266 = arith.constant 10000 : i32
    %mul3A_267 = vector.broadcast %mul3A_266 : i32 to vector<16xi32>
    %mul3A_268 = arith.muli %get3A_265, %mul3A_267 : vector<16xi32>
    %get3A_269 = arith.index_cast %add3A_262 : i32 to index
    %get3A_270 = tpu.vector_load %arg10[%get3A_269] {strides = array<i32>} : memref<1664xi32, #tpu.memory_space<vmem>>, vector<16xi32>,
    %get3A_271 = vector.shape_cast %get3A_270 : vector<16xi32> to vector<16xi32>
    %add3A_272 = arith.addi %mul3A_268, %get3A_271 : vector<16xi32>
    %swap3A_273 = arith.constant 32 : index
    %swap3A_274 = tpu.vector_load %arg16[%swap3A_273] {strides = array<i32>} : memref<128xi32, #tpu.memory_space<vmem>>, vector<16xi32>,
    %swap3A_275 = vector.shape_cast %swap3A_274 : vector<16xi32> to vector<16xi32>
    %swap3A_276 = vector.shape_cast %add3A_272 : vector<16xi32> to vector<16xi32>
    tpu.vector_store %arg16[%swap3A_273], %swap3A_276 {strides = array<i32>} : memref<128xi32, #tpu.memory_space<vmem>>, vector<16xi32>,
    %get3A_277 = arith.index_cast %add3A_262 : i32 to index
    %get3A_278 = tpu.vector_load %arg9[%get3A_277] {strides = array<i32>} : memref<1664xi32, #tpu.memory_space<vmem>>, vector<16xi32>,
    %get3A_279 = vector.shape_cast %get3A_278 : vector<16xi32> to vector<16xi32>
    %swap3A_280 = arith.constant 32 : index
    %swap3A_281 = tpu.vector_load %arg17[%swap3A_280] {strides = array<i32>} : memref<128xi32, #tpu.memory_space<vmem>>, vector<16xi32>,
    %swap3A_282 = vector.shape_cast %swap3A_281 : vector<16xi32> to vector<16xi32>
    %swap3A_283 = vector.shape_cast %get3A_279 : vector<16xi32> to vector<16xi32>
    tpu.vector_store %arg17[%swap3A_280], %swap3A_283 {strides = array<i32>} : memref<128xi32, #tpu.memory_space<vmem>>, vector<16xi32>,
    %add3A_284 = arith.constant 48 : i32
    %add3A_285 = arith.addi %mul3A_214, %add3A_284 : i32
    %get3A_286 = arith.index_cast %add3A_285 : i32 to index
    %get3A_287 = tpu.vector_load %arg11[%get3A_286] {strides = array<i32>} : memref<1664xi32, #tpu.memory_space<vmem>>, vector<16xi32>,
    %get3A_288 = vector.shape_cast %get3A_287 : vector<16xi32> to vector<16xi32>
    %mul3A_289 = arith.constant 10000 : i32
    %mul3A_290 = vector.broadcast %mul3A_289 : i32 to vector<16xi32>
    %mul3A_291 = arith.muli %get3A_288, %mul3A_290 : vector<16xi32>
    %get3A_292 = arith.index_cast %add3A_285 : i32 to index
    %get3A_293 = tpu.vector_load %arg10[%get3A_292] {strides = array<i32>} : memref<1664xi32, #tpu.memory_space<vmem>>, vector<16xi32>,
    %get3A_294 = vector.shape_cast %get3A_293 : vector<16xi32> to vector<16xi32>
    %add3A_295 = arith.addi %mul3A_291, %get3A_294 : vector<16xi32>
    %swap3A_296 = arith.constant 48 : index
    %swap3A_297 = tpu.vector_load %arg16[%swap3A_296] {strides = array<i32>} : memref<128xi32, #tpu.memory_space<vmem>>, vector<16xi32>,
    %swap3A_298 = vector.shape_cast %swap3A_297 : vector<16xi32> to vector<16xi32>
    %swap3A_299 = vector.shape_cast %add3A_295 : vector<16xi32> to vector<16xi32>
    tpu.vector_store %arg16[%swap3A_296], %swap3A_299 {strides = array<i32>} : memref<128xi32, #tpu.memory_space<vmem>>, vector<16xi32>,
    %get3A_300 = arith.index_cast %add3A_285 : i32 to index
    %get3A_301 = tpu.vector_load %arg9[%get3A_300] {strides = array<i32>} : memref<1664xi32, #tpu.memory_space<vmem>>, vector<16xi32>,
    %get3A_302 = vector.shape_cast %get3A_301 : vector<16xi32> to vector<16xi32>
    %swap3A_303 = arith.constant 48 : index
    %swap3A_304 = tpu.vector_load %arg17[%swap3A_303] {strides = array<i32>} : memref<128xi32, #tpu.memory_space<vmem>>, vector<16xi32>,
    %swap3A_305 = vector.shape_cast %swap3A_304 : vector<16xi32> to vector<16xi32>
    %swap3A_306 = vector.shape_cast %get3A_302 : vector<16xi32> to vector<16xi32>
    tpu.vector_store %arg17[%swap3A_303], %swap3A_306 {strides = array<i32>} : memref<128xi32, #tpu.memory_space<vmem>>, vector<16xi32>,
    %add3A_307 = arith.constant 64 : i32
    %add3A_308 = arith.addi %mul3A_214, %add3A_307 : i32
    %get3A_309 = arith.index_cast %add3A_308 : i32 to index
    %get3A_310 = tpu.vector_load %arg11[%get3A_309] {strides = array<i32>} : memref<1664xi32, #tpu.memory_space<vmem>>, vector<16xi32>,
    %get3A_311 = vector.shape_cast %get3A_310 : vector<16xi32> to vector<16xi32>
    %mul3A_312 = arith.constant 10000 : i32
    %mul3A_313 = vector.broadcast %mul3A_312 : i32 to vector<16xi32>
    %mul3A_314 = arith.muli %get3A_311, %mul3A_313 : vector<16xi32>
    %get3A_315 = arith.index_cast %add3A_308 : i32 to index
    %get3A_316 = tpu.vector_load %arg10[%get3A_315] {strides = array<i32>} : memref<1664xi32, #tpu.memory_space<vmem>>, vector<16xi32>,
    %get3A_317 = vector.shape_cast %get3A_316 : vector<16xi32> to vector<16xi32>
    %add3A_318 = arith.addi %mul3A_314, %get3A_317 : vector<16xi32>
    %swap3A_319 = arith.constant 64 : index
    %swap3A_320 = tpu.vector_load %arg16[%swap3A_319] {strides = array<i32>} : memref<128xi32, #tpu.memory_space<vmem>>, vector<16xi32>,
    %swap3A_321 = vector.shape_cast %swap3A_320 : vector<16xi32> to vector<16xi32>
    %swap3A_322 = vector.shape_cast %add3A_318 : vector<16xi32> to vector<16xi32>
    tpu.vector_store %arg16[%swap3A_319], %swap3A_322 {strides = array<i32>} : memref<128xi32, #tpu.memory_space<vmem>>, vector<16xi32>,
    %get3A_323 = arith.index_cast %add3A_308 : i32 to index
    %get3A_324 = tpu.vector_load %arg9[%get3A_323] {strides = array<i32>} : memref<1664xi32, #tpu.memory_space<vmem>>, vector<16xi32>,
    %get3A_325 = vector.shape_cast %get3A_324 : vector<16xi32> to vector<16xi32>
    %swap3A_326 = arith.constant 64 : index
    %swap3A_327 = tpu.vector_load %arg17[%swap3A_326] {strides = array<i32>} : memref<128xi32, #tpu.memory_space<vmem>>, vector<16xi32>,
    %swap3A_328 = vector.shape_cast %swap3A_327 : vector<16xi32> to vector<16xi32>
    %swap3A_329 = vector.shape_cast %get3A_325 : vector<16xi32> to vector<16xi32>
    tpu.vector_store %arg17[%swap3A_326], %swap3A_329 {strides = array<i32>} : memref<128xi32, #tpu.memory_space<vmem>>, vector<16xi32>,
    %add3A_330 = arith.constant 80 : i32
    %add3A_331 = arith.addi %mul3A_214, %add3A_330 : i32
    %get3A_332 = arith.index_cast %add3A_331 : i32 to index
    %get3A_333 = tpu.vector_load %arg11[%get3A_332] {strides = array<i32>} : memref<1664xi32, #tpu.memory_space<vmem>>, vector<16xi32>,
    %get3A_334 = vector.shape_cast %get3A_333 : vector<16xi32> to vector<16xi32>
    %mul3A_335 = arith.constant 10000 : i32
    %mul3A_336 = vector.broadcast %mul3A_335 : i32 to vector<16xi32>
    %mul3A_337 = arith.muli %get3A_334, %mul3A_336 : vector<16xi32>
    %get3A_338 = arith.index_cast %add3A_331 : i32 to index
    %get3A_339 = tpu.vector_load %arg10[%get3A_338] {strides = array<i32>} : memref<1664xi32, #tpu.memory_space<vmem>>, vector<16xi32>,
    %get3A_340 = vector.shape_cast %get3A_339 : vector<16xi32> to vector<16xi32>
    %add3A_341 = arith.addi %mul3A_337, %get3A_340 : vector<16xi32>
    %swap3A_342 = arith.constant 80 : index
    %swap3A_343 = tpu.vector_load %arg16[%swap3A_342] {strides = array<i32>} : memref<128xi32, #tpu.memory_space<vmem>>, vector<16xi32>,
    %swap3A_344 = vector.shape_cast %swap3A_343 : vector<16xi32> to vector<16xi32>
    %swap3A_345 = vector.shape_cast %add3A_341 : vector<16xi32> to vector<16xi32>
    tpu.vector_store %arg16[%swap3A_342], %swap3A_345 {strides = array<i32>} : memref<128xi32, #tpu.memory_space<vmem>>, vector<16xi32>,
    %get3A_346 = arith.index_cast %add3A_331 : i32 to index
    %get3A_347 = tpu.vector_load %arg9[%get3A_346] {strides = array<i32>} : memref<1664xi32, #tpu.memory_space<vmem>>, vector<16xi32>,
    %get3A_348 = vector.shape_cast %get3A_347 : vector<16xi32> to vector<16xi32>
    %swap3A_349 = arith.constant 80 : index
    %swap3A_350 = tpu.vector_load %arg17[%swap3A_349] {strides = array<i32>} : memref<128xi32, #tpu.memory_space<vmem>>, vector<16xi32>,
    %swap3A_351 = vector.shape_cast %swap3A_350 : vector<16xi32> to vector<16xi32>
    %swap3A_352 = vector.shape_cast %get3A_348 : vector<16xi32> to vector<16xi32>
    tpu.vector_store %arg17[%swap3A_349], %swap3A_352 {strides = array<i32>} : memref<128xi32, #tpu.memory_space<vmem>>, vector<16xi32>,
    %add3A_353 = arith.constant 96 : i32
    %add3A_354 = arith.addi %mul3A_214, %add3A_353 : i32
    %get3A_355 = arith.index_cast %add3A_354 : i32 to index
    %get3A_356 = tpu.vector_load %arg11[%get3A_355] {strides = array<i32>} : memref<1664xi32, #tpu.memory_space<vmem>>, vector<16xi32>,
    %get3A_357 = vector.shape_cast %get3A_356 : vector<16xi32> to vector<16xi32>
    %mul3A_358 = arith.constant 10000 : i32
    %mul3A_359 = vector.broadcast %mul3A_358 : i32 to vector<16xi32>
    %mul3A_360 = arith.muli %get3A_357, %mul3A_359 : vector<16xi32>
    %get3A_361 = arith.index_cast %add3A_354 : i32 to index
    %get3A_362 = tpu.vector_load %arg10[%get3A_361] {strides = array<i32>} : memref<1664xi32, #tpu.memory_space<vmem>>, vector<16xi32>,
    %get3A_363 = vector.shape_cast %get3A_362 : vector<16xi32> to vector<16xi32>
    %add3A_364 = arith.addi %mul3A_360, %get3A_363 : vector<16xi32>
    %swap3A_365 = arith.constant 96 : index
    %swap3A_366 = tpu.vector_load %arg16[%swap3A_365] {strides = array<i32>} : memref<128xi32, #tpu.memory_space<vmem>>, vector<16xi32>,
    %swap3A_367 = vector.shape_cast %swap3A_366 : vector<16xi32> to vector<16xi32>
    %swap3A_368 = vector.shape_cast %add3A_364 : vector<16xi32> to vector<16xi32>
    tpu.vector_store %arg16[%swap3A_365], %swap3A_368 {strides = array<i32>} : memref<128xi32, #tpu.memory_space<vmem>>, vector<16xi32>,
    %get3A_369 = arith.index_cast %add3A_354 : i32 to index
    %get3A_370 = tpu.vector_load %arg9[%get3A_369] {strides = array<i32>} : memref<1664xi32, #tpu.memory_space<vmem>>, vector<16xi32>,
    %get3A_371 = vector.shape_cast %get3A_370 : vector<16xi32> to vector<16xi32>
    %swap3A_372 = arith.constant 96 : index
    %swap3A_373 = tpu.vector_load %arg17[%swap3A_372] {strides = array<i32>} : memref<128xi32, #tpu.memory_space<vmem>>, vector<16xi32>,
    %swap3A_374 = vector.shape_cast %swap3A_373 : vector<16xi32> to vector<16xi32>
    %swap3A_375 = vector.shape_cast %get3A_371 : vector<16xi32> to vector<16xi32>
    tpu.vector_store %arg17[%swap3A_372], %swap3A_375 {strides = array<i32>} : memref<128xi32, #tpu.memory_space<vmem>>, vector<16xi32>,
    %add3A_376 = arith.constant 112 : i32
    %add3A_377 = arith.addi %mul3A_214, %add3A_376 : i32
    %get3A_378 = arith.index_cast %add3A_377 : i32 to index
    %get3A_379 = tpu.vector_load %arg11[%get3A_378] {strides = array<i32>} : memref<1664xi32, #tpu.memory_space<vmem>>, vector<16xi32>,
    %get3A_380 = vector.shape_cast %get3A_379 : vector<16xi32> to vector<16xi32>
    %mul3A_381 = arith.constant 10000 : i32
    %mul3A_382 = vector.broadcast %mul3A_381 : i32 to vector<16xi32>
    %mul3A_383 = arith.muli %get3A_380, %mul3A_382 : vector<16xi32>
    %get3A_384 = arith.index_cast %add3A_377 : i32 to index
    %get3A_385 = tpu.vector_load %arg10[%get3A_384] {strides = array<i32>} : memref<1664xi32, #tpu.memory_space<vmem>>, vector<16xi32>,
    %get3A_386 = vector.shape_cast %get3A_385 : vector<16xi32> to vector<16xi32>
    %add3A_387 = arith.addi %mul3A_383, %get3A_386 : vector<16xi32>
    %swap3A_388 = arith.constant 112 : index
    %swap3A_389 = tpu.vector_load %arg16[%swap3A_388] {strides = array<i32>} : memref<128xi32, #tpu.memory_space<vmem>>, vector<16xi32>,
    %swap3A_390 = vector.shape_cast %swap3A_389 : vector<16xi32> to vector<16xi32>
    %swap3A_391 = vector.shape_cast %add3A_387 : vector<16xi32> to vector<16xi32>
    tpu.vector_store %arg16[%swap3A_388], %swap3A_391 {strides = array<i32>} : memref<128xi32, #tpu.memory_space<vmem>>, vector<16xi32>,
    %get3A_392 = arith.index_cast %add3A_377 : i32 to index
    %get3A_393 = tpu.vector_load %arg9[%get3A_392] {strides = array<i32>} : memref<1664xi32, #tpu.memory_space<vmem>>, vector<16xi32>,
    %get3A_394 = vector.shape_cast %get3A_393 : vector<16xi32> to vector<16xi32>
    %swap3A_395 = arith.constant 112 : index
    %swap3A_396 = tpu.vector_load %arg17[%swap3A_395] {strides = array<i32>} : memref<128xi32, #tpu.memory_space<vmem>>, vector<16xi32>,
    %swap3A_397 = vector.shape_cast %swap3A_396 : vector<16xi32> to vector<16xi32>
    %swap3A_398 = vector.shape_cast %get3A_394 : vector<16xi32> to vector<16xi32>
    tpu.vector_store %arg17[%swap3A_395], %swap3A_398 {strides = array<i32>} : memref<128xi32, #tpu.memory_space<vmem>>, vector<16xi32>,
    %dma_start3A_399 = arith.constant 0 : i32
    %dma_start3A_400 = arith.constant 0 : i32
    %dma_start3A_401 = tpu.memref_slice %arg2[%dma_start3A_399, %dma_start3A_400] : memref<90000x128xf32, #tpu.memory_space<hbm>> -> memref<90000x128xf32, #tpu.memory_space<hbm>>
    tpu.enqueue_indirect_dma source(%dma_start3A_401 : memref<90000x128xf32, #tpu.memory_space<hbm>>) target(%arg23 : memref<128x128xf32, #tpu.memory_space<vmem>>) offsets(%arg16 : memref<128xi32, #tpu.memory_space<vmem>>) semaphore(%arg28 : memref<!tpu.dma_semaphore, #tpu.memory_space<semaphore_mem>>)
    %dma_wait3A = arith.constant 0 : i32
    %dma_wait3A_402 = arith.constant 0 : i32
    %dma_wait3A_403 = tpu.memref_slice %arg2[%dma_wait3A, %dma_wait3A_402] : memref<90000x128xf32, #tpu.memory_space<hbm>> -> memref<90000x128xf32, #tpu.memory_space<hbm>>
    tpu.wait_indirect_dma semaphore(%arg27 : memref<!tpu.dma_semaphore, #tpu.memory_space<semaphore_mem>>) src(%dma_wait3A_403 : memref<90000x128xf32, #tpu.memory_space<hbm>>) dst(%arg22 : memref<128x128xf32, #tpu.memory_space<vmem>>)
    %dma_start3A_404 = arith.constant 0 : i32
    %dma_start3A_405 = arith.constant 0 : i32
    %dma_start3A_406 = tpu.memref_slice %arg26[%dma_start3A_404, %dma_start3A_405] : memref<10000x128xf32, #tpu.memory_space<vmem_shared>> -> memref<10000x128xf32, #tpu.memory_space<vmem_shared>>
    tpu.enqueue_indirect_dma source(%arg22 : memref<128x128xf32, #tpu.memory_space<vmem>>) target(%dma_start3A_406 : memref<10000x128xf32, #tpu.memory_space<vmem_shared>>) offsets(%arg13 : memref<128xi32, #tpu.memory_space<vmem>>) semaphore(%arg29 : memref<!tpu.dma_semaphore, #tpu.memory_space<semaphore_mem>>) {add = true}
    %rem3A_407 = arith.constant 1 : i32
    %rem3A_408 = arith.constant 13 : i32
    %rem3A_409 = arith.remsi %rem3A_407, %rem3A_408 : i32
    %eq3A_410 = arith.constant 0 : i32
    %eq3A_411 = arith.cmpi eq, %rem3A_409, %eq3A_410 : i32
    %convert_element_type3A_412 = arith.extui %eq3A_411 : i1 to i32
    %cond3A_413 = arith.constant 0 : i32
    %cond3A_414 = arith.cmpi ne, %convert_element_type3A_412, %cond3A_413 : i32
    scf.if %cond3A_414 {
      %div3A = arith.constant 1 : i32
      %div3A_950 = arith.constant 13 : i32
      %div3A_951 = arith.divsi %div3A, %div3A_950 : i32
      %mul3A_952 = arith.constant 13 : i32
      %mul3A_953 = arith.muli %div3A_951, %mul3A_952 : i32
      %mul3A_954 = arith.constant 128 : i32
      %mul3A_955 = arith.muli %mul3A_953, %mul3A_954 : i32
      %add3A_956 = arith.addi %mul3A_12, %mul3A_955 : i32
      "tpu.region"() ({
        %run_scoped3A = tpu.sem_alloc : memref<!tpu.dma_semaphore, #tpu.memory_space<semaphore_mem>>
        %dma_start3A_957 = tpu.memref_slice %arg3[%add3A_956] : memref<320000xi32, #tpu.memory_space<hbm>> -> memref<1664xi32, #tpu.memory_space<hbm>>
        %dma_start3A_958 = tpu.memref_slice %arg3[%add3A_956] : memref<320000xi32, #tpu.memory_space<hbm>> -> memref<1664xi32, #tpu.memory_space<hbm>>
        tpu.enqueue_dma source(%dma_start3A_958 : memref<1664xi32, #tpu.memory_space<hbm>>) target(%arg9 : memref<1664xi32, #tpu.memory_space<vmem>>) target_semaphore(%run_scoped3A : memref<!tpu.dma_semaphore, #tpu.memory_space<semaphore_mem>>)
        %dma_wait3A_959 = tpu.memref_slice %arg3[%add3A_956] : memref<320000xi32, #tpu.memory_space<hbm>> -> memref<1664xi32, #tpu.memory_space<hbm>>
        %dma_wait3A_960 = tpu.memref_slice %arg3[%add3A_956] : memref<320000xi32, #tpu.memory_space<hbm>> -> memref<1664xi32, #tpu.memory_space<hbm>>
        tpu.wait_dma2 semaphore(%run_scoped3A : memref<!tpu.dma_semaphore, #tpu.memory_space<semaphore_mem>>) src(%dma_wait3A_960 : memref<1664xi32, #tpu.memory_space<hbm>>) dst(%arg9 : memref<1664xi32, #tpu.memory_space<vmem>>)
        tpu.yield
      }) : () -> ()
      "tpu.region"() ({
        %run_scoped3A = tpu.sem_alloc : memref<!tpu.dma_semaphore, #tpu.memory_space<semaphore_mem>>
        %dma_start3A_957 = tpu.memref_slice %arg4[%add3A_956] : memref<320000xi32, #tpu.memory_space<hbm>> -> memref<1664xi32, #tpu.memory_space<hbm>>
        %dma_start3A_958 = tpu.memref_slice %arg4[%add3A_956] : memref<320000xi32, #tpu.memory_space<hbm>> -> memref<1664xi32, #tpu.memory_space<hbm>>
        tpu.enqueue_dma source(%dma_start3A_958 : memref<1664xi32, #tpu.memory_space<hbm>>) target(%arg10 : memref<1664xi32, #tpu.memory_space<vmem>>) target_semaphore(%run_scoped3A : memref<!tpu.dma_semaphore, #tpu.memory_space<semaphore_mem>>)
        %dma_wait3A_959 = tpu.memref_slice %arg4[%add3A_956] : memref<320000xi32, #tpu.memory_space<hbm>> -> memref<1664xi32, #tpu.memory_space<hbm>>
        %dma_wait3A_960 = tpu.memref_slice %arg4[%add3A_956] : memref<320000xi32, #tpu.memory_space<hbm>> -> memref<1664xi32, #tpu.memory_space<hbm>>
        tpu.wait_dma2 semaphore(%run_scoped3A : memref<!tpu.dma_semaphore, #tpu.memory_space<semaphore_mem>>) src(%dma_wait3A_960 : memref<1664xi32, #tpu.memory_space<hbm>>) dst(%arg10 : memref<1664xi32, #tpu.memory_space<vmem>>)
        tpu.yield
      }) : () -> ()
      "tpu.region"() ({
        %run_scoped3A = tpu.sem_alloc : memref<!tpu.dma_semaphore, #tpu.memory_space<semaphore_mem>>
        %dma_start3A_957 = tpu.memref_slice %arg5[%add3A_956] : memref<320000xi32, #tpu.memory_space<hbm>> -> memref<1664xi32, #tpu.memory_space<hbm>>
        %dma_start3A_958 = tpu.memref_slice %arg5[%add3A_956] : memref<320000xi32, #tpu.memory_space<hbm>> -> memref<1664xi32, #tpu.memory_space<hbm>>
        tpu.enqueue_dma source(%dma_start3A_958 : memref<1664xi32, #tpu.memory_space<hbm>>) target(%arg11 : memref<1664xi32, #tpu.memory_space<vmem>>) target_semaphore(%run_scoped3A : memref<!tpu.dma_semaphore, #tpu.memory_space<semaphore_mem>>)
        %dma_wait3A_959 = tpu.memref_slice %arg5[%add3A_956] : memref<320000xi32, #tpu.memory_space<hbm>> -> memref<1664xi32, #tpu.memory_space<hbm>>
        %dma_wait3A_960 = tpu.memref_slice %arg5[%add3A_956] : memref<320000xi32, #tpu.memory_space<hbm>> -> memref<1664xi32, #tpu.memory_space<hbm>>
        tpu.wait_dma2 semaphore(%run_scoped3A : memref<!tpu.dma_semaphore, #tpu.memory_space<semaphore_mem>>) src(%dma_wait3A_960 : memref<1664xi32, #tpu.memory_space<hbm>>) dst(%arg11 : memref<1664xi32, #tpu.memory_space<vmem>>)
        tpu.yield
      }) : () -> ()
    } else {
    }
    %rem3A_415 = arith.constant 1 : i32
    %rem3A_416 = arith.constant 13 : i32
    %rem3A_417 = arith.remsi %rem3A_415, %rem3A_416 : i32
    %mul3A_418 = arith.constant 128 : i32
    %mul3A_419 = arith.muli %rem3A_417, %mul3A_418 : i32
    %add3A_420 = arith.constant 0 : i32
    %add3A_421 = arith.addi %mul3A_419, %add3A_420 : i32
    %get3A_422 = arith.index_cast %add3A_421 : i32 to index
    %get3A_423 = tpu.vector_load %arg11[%get3A_422] {strides = array<i32>} : memref<1664xi32, #tpu.memory_space<vmem>>, vector<16xi32>,
    %get3A_424 = vector.shape_cast %get3A_423 : vector<16xi32> to vector<16xi32>
    %mul3A_425 = arith.constant 10000 : i32
    %mul3A_426 = vector.broadcast %mul3A_425 : i32 to vector<16xi32>
    %mul3A_427 = arith.muli %get3A_424, %mul3A_426 : vector<16xi32>
    %get3A_428 = arith.index_cast %add3A_421 : i32 to index
    %get3A_429 = tpu.vector_load %arg9[%get3A_428] {strides = array<i32>} : memref<1664xi32, #tpu.memory_space<vmem>>, vector<16xi32>,
    %get3A_430 = vector.shape_cast %get3A_429 : vector<16xi32> to vector<16xi32>
    %add3A_431 = arith.addi %mul3A_427, %get3A_430 : vector<16xi32>
    %swap3A_432 = arith.constant 0 : index
    %swap3A_433 = tpu.vector_load %arg14[%swap3A_432] {strides = array<i32>} : memref<128xi32, #tpu.memory_space<vmem>>, vector<16xi32>,
    %swap3A_434 = vector.shape_cast %swap3A_433 : vector<16xi32> to vector<16xi32>
    %swap3A_435 = vector.shape_cast %add3A_431 : vector<16xi32> to vector<16xi32>
    tpu.vector_store %arg14[%swap3A_432], %swap3A_435 {strides = array<i32>} : memref<128xi32, #tpu.memory_space<vmem>>, vector<16xi32>,
    %get3A_436 = arith.index_cast %add3A_421 : i32 to index
    %get3A_437 = tpu.vector_load %arg10[%get3A_436] {strides = array<i32>} : memref<1664xi32, #tpu.memory_space<vmem>>, vector<16xi32>,
    %get3A_438 = vector.shape_cast %get3A_437 : vector<16xi32> to vector<16xi32>
    %swap3A_439 = arith.constant 0 : index
    %swap3A_440 = tpu.vector_load %arg15[%swap3A_439] {strides = array<i32>} : memref<128xi32, #tpu.memory_space<vmem>>, vector<16xi32>,
    %swap3A_441 = vector.shape_cast %swap3A_440 : vector<16xi32> to vector<16xi32>
    %swap3A_442 = vector.shape_cast %get3A_438 : vector<16xi32> to vector<16xi32>
    tpu.vector_store %arg15[%swap3A_439], %swap3A_442 {strides = array<i32>} : memref<128xi32, #tpu.memory_space<vmem>>, vector<16xi32>,
    %add3A_443 = arith.constant 16 : i32
    %add3A_444 = arith.addi %mul3A_419, %add3A_443 : i32
    %get3A_445 = arith.index_cast %add3A_444 : i32 to index
    %get3A_446 = tpu.vector_load %arg11[%get3A_445] {strides = array<i32>} : memref<1664xi32, #tpu.memory_space<vmem>>, vector<16xi32>,
    %get3A_447 = vector.shape_cast %get3A_446 : vector<16xi32> to vector<16xi32>
    %mul3A_448 = arith.constant 10000 : i32
    %mul3A_449 = vector.broadcast %mul3A_448 : i32 to vector<16xi32>
    %mul3A_450 = arith.muli %get3A_447, %mul3A_449 : vector<16xi32>
    %get3A_451 = arith.index_cast %add3A_444 : i32 to index
    %get3A_452 = tpu.vector_load %arg9[%get3A_451] {strides = array<i32>} : memref<1664xi32, #tpu.memory_space<vmem>>, vector<16xi32>,
    %get3A_453 = vector.shape_cast %get3A_452 : vector<16xi32> to vector<16xi32>
    %add3A_454 = arith.addi %mul3A_450, %get3A_453 : vector<16xi32>
    %swap3A_455 = arith.constant 16 : index
    %swap3A_456 = tpu.vector_load %arg14[%swap3A_455] {strides = array<i32>} : memref<128xi32, #tpu.memory_space<vmem>>, vector<16xi32>,
    %swap3A_457 = vector.shape_cast %swap3A_456 : vector<16xi32> to vector<16xi32>
    %swap3A_458 = vector.shape_cast %add3A_454 : vector<16xi32> to vector<16xi32>
    tpu.vector_store %arg14[%swap3A_455], %swap3A_458 {strides = array<i32>} : memref<128xi32, #tpu.memory_space<vmem>>, vector<16xi32>,
    %get3A_459 = arith.index_cast %add3A_444 : i32 to index
    %get3A_460 = tpu.vector_load %arg10[%get3A_459] {strides = array<i32>} : memref<1664xi32, #tpu.memory_space<vmem>>, vector<16xi32>,
    %get3A_461 = vector.shape_cast %get3A_460 : vector<16xi32> to vector<16xi32>
    %swap3A_462 = arith.constant 16 : index
    %swap3A_463 = tpu.vector_load %arg15[%swap3A_462] {strides = array<i32>} : memref<128xi32, #tpu.memory_space<vmem>>, vector<16xi32>,
    %swap3A_464 = vector.shape_cast %swap3A_463 : vector<16xi32> to vector<16xi32>
    %swap3A_465 = vector.shape_cast %get3A_461 : vector<16xi32> to vector<16xi32>
    tpu.vector_store %arg15[%swap3A_462], %swap3A_465 {strides = array<i32>} : memref<128xi32, #tpu.memory_space<vmem>>, vector<16xi32>,
    %add3A_466 = arith.constant 32 : i32
    %add3A_467 = arith.addi %mul3A_419, %add3A_466 : i32
    %get3A_468 = arith.index_cast %add3A_467 : i32 to index
    %get3A_469 = tpu.vector_load %arg11[%get3A_468] {strides = array<i32>} : memref<1664xi32, #tpu.memory_space<vmem>>, vector<16xi32>,
    %get3A_470 = vector.shape_cast %get3A_469 : vector<16xi32> to vector<16xi32>
    %mul3A_471 = arith.constant 10000 : i32
    %mul3A_472 = vector.broadcast %mul3A_471 : i32 to vector<16xi32>
    %mul3A_473 = arith.muli %get3A_470, %mul3A_472 : vector<16xi32>
    %get3A_474 = arith.index_cast %add3A_467 : i32 to index
    %get3A_475 = tpu.vector_load %arg9[%get3A_474] {strides = array<i32>} : memref<1664xi32, #tpu.memory_space<vmem>>, vector<16xi32>,
    %get3A_476 = vector.shape_cast %get3A_475 : vector<16xi32> to vector<16xi32>
    %add3A_477 = arith.addi %mul3A_473, %get3A_476 : vector<16xi32>
    %swap3A_478 = arith.constant 32 : index
    %swap3A_479 = tpu.vector_load %arg14[%swap3A_478] {strides = array<i32>} : memref<128xi32, #tpu.memory_space<vmem>>, vector<16xi32>,
    %swap3A_480 = vector.shape_cast %swap3A_479 : vector<16xi32> to vector<16xi32>
    %swap3A_481 = vector.shape_cast %add3A_477 : vector<16xi32> to vector<16xi32>
    tpu.vector_store %arg14[%swap3A_478], %swap3A_481 {strides = array<i32>} : memref<128xi32, #tpu.memory_space<vmem>>, vector<16xi32>,
    %get3A_482 = arith.index_cast %add3A_467 : i32 to index
    %get3A_483 = tpu.vector_load %arg10[%get3A_482] {strides = array<i32>} : memref<1664xi32, #tpu.memory_space<vmem>>, vector<16xi32>,
    %get3A_484 = vector.shape_cast %get3A_483 : vector<16xi32> to vector<16xi32>
    %swap3A_485 = arith.constant 32 : index
    %swap3A_486 = tpu.vector_load %arg15[%swap3A_485] {strides = array<i32>} : memref<128xi32, #tpu.memory_space<vmem>>, vector<16xi32>,
    %swap3A_487 = vector.shape_cast %swap3A_486 : vector<16xi32> to vector<16xi32>
    %swap3A_488 = vector.shape_cast %get3A_484 : vector<16xi32> to vector<16xi32>
    tpu.vector_store %arg15[%swap3A_485], %swap3A_488 {strides = array<i32>} : memref<128xi32, #tpu.memory_space<vmem>>, vector<16xi32>,
    %add3A_489 = arith.constant 48 : i32
    %add3A_490 = arith.addi %mul3A_419, %add3A_489 : i32
    %get3A_491 = arith.index_cast %add3A_490 : i32 to index
    %get3A_492 = tpu.vector_load %arg11[%get3A_491] {strides = array<i32>} : memref<1664xi32, #tpu.memory_space<vmem>>, vector<16xi32>,
    %get3A_493 = vector.shape_cast %get3A_492 : vector<16xi32> to vector<16xi32>
    %mul3A_494 = arith.constant 10000 : i32
    %mul3A_495 = vector.broadcast %mul3A_494 : i32 to vector<16xi32>
    %mul3A_496 = arith.muli %get3A_493, %mul3A_495 : vector<16xi32>
    %get3A_497 = arith.index_cast %add3A_490 : i32 to index
    %get3A_498 = tpu.vector_load %arg9[%get3A_497] {strides = array<i32>} : memref<1664xi32, #tpu.memory_space<vmem>>, vector<16xi32>,
    %get3A_499 = vector.shape_cast %get3A_498 : vector<16xi32> to vector<16xi32>
    %add3A_500 = arith.addi %mul3A_496, %get3A_499 : vector<16xi32>
    %swap3A_501 = arith.constant 48 : index
    %swap3A_502 = tpu.vector_load %arg14[%swap3A_501] {strides = array<i32>} : memref<128xi32, #tpu.memory_space<vmem>>, vector<16xi32>,
    %swap3A_503 = vector.shape_cast %swap3A_502 : vector<16xi32> to vector<16xi32>
    %swap3A_504 = vector.shape_cast %add3A_500 : vector<16xi32> to vector<16xi32>
    tpu.vector_store %arg14[%swap3A_501], %swap3A_504 {strides = array<i32>} : memref<128xi32, #tpu.memory_space<vmem>>, vector<16xi32>,
    %get3A_505 = arith.index_cast %add3A_490 : i32 to index
    %get3A_506 = tpu.vector_load %arg10[%get3A_505] {strides = array<i32>} : memref<1664xi32, #tpu.memory_space<vmem>>, vector<16xi32>,
    %get3A_507 = vector.shape_cast %get3A_506 : vector<16xi32> to vector<16xi32>
    %swap3A_508 = arith.constant 48 : index
    %swap3A_509 = tpu.vector_load %arg15[%swap3A_508] {strides = array<i32>} : memref<128xi32, #tpu.memory_space<vmem>>, vector<16xi32>,
    %swap3A_510 = vector.shape_cast %swap3A_509 : vector<16xi32> to vector<16xi32>
    %swap3A_511 = vector.shape_cast %get3A_507 : vector<16xi32> to vector<16xi32>
    tpu.vector_store %arg15[%swap3A_508], %swap3A_511 {strides = array<i32>} : memref<128xi32, #tpu.memory_space<vmem>>, vector<16xi32>,
    %add3A_512 = arith.constant 64 : i32
    %add3A_513 = arith.addi %mul3A_419, %add3A_512 : i32
    %get3A_514 = arith.index_cast %add3A_513 : i32 to index
    %get3A_515 = tpu.vector_load %arg11[%get3A_514] {strides = array<i32>} : memref<1664xi32, #tpu.memory_space<vmem>>, vector<16xi32>,
    %get3A_516 = vector.shape_cast %get3A_515 : vector<16xi32> to vector<16xi32>
    %mul3A_517 = arith.constant 10000 : i32
    %mul3A_518 = vector.broadcast %mul3A_517 : i32 to vector<16xi32>
    %mul3A_519 = arith.muli %get3A_516, %mul3A_518 : vector<16xi32>
    %get3A_520 = arith.index_cast %add3A_513 : i32 to index
    %get3A_521 = tpu.vector_load %arg9[%get3A_520] {strides = array<i32>} : memref<1664xi32, #tpu.memory_space<vmem>>, vector<16xi32>,
    %get3A_522 = vector.shape_cast %get3A_521 : vector<16xi32> to vector<16xi32>
    %add3A_523 = arith.addi %mul3A_519, %get3A_522 : vector<16xi32>
    %swap3A_524 = arith.constant 64 : index
    %swap3A_525 = tpu.vector_load %arg14[%swap3A_524] {strides = array<i32>} : memref<128xi32, #tpu.memory_space<vmem>>, vector<16xi32>,
    %swap3A_526 = vector.shape_cast %swap3A_525 : vector<16xi32> to vector<16xi32>
    %swap3A_527 = vector.shape_cast %add3A_523 : vector<16xi32> to vector<16xi32>
    tpu.vector_store %arg14[%swap3A_524], %swap3A_527 {strides = array<i32>} : memref<128xi32, #tpu.memory_space<vmem>>, vector<16xi32>,
    %get3A_528 = arith.index_cast %add3A_513 : i32 to index
    %get3A_529 = tpu.vector_load %arg10[%get3A_528] {strides = array<i32>} : memref<1664xi32, #tpu.memory_space<vmem>>, vector<16xi32>,
    %get3A_530 = vector.shape_cast %get3A_529 : vector<16xi32> to vector<16xi32>
    %swap3A_531 = arith.constant 64 : index
    %swap3A_532 = tpu.vector_load %arg15[%swap3A_531] {strides = array<i32>} : memref<128xi32, #tpu.memory_space<vmem>>, vector<16xi32>,
    %swap3A_533 = vector.shape_cast %swap3A_532 : vector<16xi32> to vector<16xi32>
    %swap3A_534 = vector.shape_cast %get3A_530 : vector<16xi32> to vector<16xi32>
    tpu.vector_store %arg15[%swap3A_531], %swap3A_534 {strides = array<i32>} : memref<128xi32, #tpu.memory_space<vmem>>, vector<16xi32>,
    %add3A_535 = arith.constant 80 : i32
    %add3A_536 = arith.addi %mul3A_419, %add3A_535 : i32
    %get3A_537 = arith.index_cast %add3A_536 : i32 to index
    %get3A_538 = tpu.vector_load %arg11[%get3A_537] {strides = array<i32>} : memref<1664xi32, #tpu.memory_space<vmem>>, vector<16xi32>,
    %get3A_539 = vector.shape_cast %get3A_538 : vector<16xi32> to vector<16xi32>
    %mul3A_540 = arith.constant 10000 : i32
    %mul3A_541 = vector.broadcast %mul3A_540 : i32 to vector<16xi32>
    %mul3A_542 = arith.muli %get3A_539, %mul3A_541 : vector<16xi32>
    %get3A_543 = arith.index_cast %add3A_536 : i32 to index
    %get3A_544 = tpu.vector_load %arg9[%get3A_543] {strides = array<i32>} : memref<1664xi32, #tpu.memory_space<vmem>>, vector<16xi32>,
    %get3A_545 = vector.shape_cast %get3A_544 : vector<16xi32> to vector<16xi32>
    %add3A_546 = arith.addi %mul3A_542, %get3A_545 : vector<16xi32>
    %swap3A_547 = arith.constant 80 : index
    %swap3A_548 = tpu.vector_load %arg14[%swap3A_547] {strides = array<i32>} : memref<128xi32, #tpu.memory_space<vmem>>, vector<16xi32>,
    %swap3A_549 = vector.shape_cast %swap3A_548 : vector<16xi32> to vector<16xi32>
    %swap3A_550 = vector.shape_cast %add3A_546 : vector<16xi32> to vector<16xi32>
    tpu.vector_store %arg14[%swap3A_547], %swap3A_550 {strides = array<i32>} : memref<128xi32, #tpu.memory_space<vmem>>, vector<16xi32>,
    %get3A_551 = arith.index_cast %add3A_536 : i32 to index
    %get3A_552 = tpu.vector_load %arg10[%get3A_551] {strides = array<i32>} : memref<1664xi32, #tpu.memory_space<vmem>>, vector<16xi32>,
    %get3A_553 = vector.shape_cast %get3A_552 : vector<16xi32> to vector<16xi32>
    %swap3A_554 = arith.constant 80 : index
    %swap3A_555 = tpu.vector_load %arg15[%swap3A_554] {strides = array<i32>} : memref<128xi32, #tpu.memory_space<vmem>>, vector<16xi32>,
    %swap3A_556 = vector.shape_cast %swap3A_555 : vector<16xi32> to vector<16xi32>
    %swap3A_557 = vector.shape_cast %get3A_553 : vector<16xi32> to vector<16xi32>
    tpu.vector_store %arg15[%swap3A_554], %swap3A_557 {strides = array<i32>} : memref<128xi32, #tpu.memory_space<vmem>>, vector<16xi32>,
    %add3A_558 = arith.constant 96 : i32
    %add3A_559 = arith.addi %mul3A_419, %add3A_558 : i32
    %get3A_560 = arith.index_cast %add3A_559 : i32 to index
    %get3A_561 = tpu.vector_load %arg11[%get3A_560] {strides = array<i32>} : memref<1664xi32, #tpu.memory_space<vmem>>, vector<16xi32>,
    %get3A_562 = vector.shape_cast %get3A_561 : vector<16xi32> to vector<16xi32>
    %mul3A_563 = arith.constant 10000 : i32
    %mul3A_564 = vector.broadcast %mul3A_563 : i32 to vector<16xi32>
    %mul3A_565 = arith.muli %get3A_562, %mul3A_564 : vector<16xi32>
    %get3A_566 = arith.index_cast %add3A_559 : i32 to index
    %get3A_567 = tpu.vector_load %arg9[%get3A_566] {strides = array<i32>} : memref<1664xi32, #tpu.memory_space<vmem>>, vector<16xi32>,
    %get3A_568 = vector.shape_cast %get3A_567 : vector<16xi32> to vector<16xi32>
    %add3A_569 = arith.addi %mul3A_565, %get3A_568 : vector<16xi32>
    %swap3A_570 = arith.constant 96 : index
    %swap3A_571 = tpu.vector_load %arg14[%swap3A_570] {strides = array<i32>} : memref<128xi32, #tpu.memory_space<vmem>>, vector<16xi32>,
    %swap3A_572 = vector.shape_cast %swap3A_571 : vector<16xi32> to vector<16xi32>
    %swap3A_573 = vector.shape_cast %add3A_569 : vector<16xi32> to vector<16xi32>
    tpu.vector_store %arg14[%swap3A_570], %swap3A_573 {strides = array<i32>} : memref<128xi32, #tpu.memory_space<vmem>>, vector<16xi32>,
    %get3A_574 = arith.index_cast %add3A_559 : i32 to index
    %get3A_575 = tpu.vector_load %arg10[%get3A_574] {strides = array<i32>} : memref<1664xi32, #tpu.memory_space<vmem>>, vector<16xi32>,
    %get3A_576 = vector.shape_cast %get3A_575 : vector<16xi32> to vector<16xi32>
    %swap3A_577 = arith.constant 96 : index
    %swap3A_578 = tpu.vector_load %arg15[%swap3A_577] {strides = array<i32>} : memref<128xi32, #tpu.memory_space<vmem>>, vector<16xi32>,
    %swap3A_579 = vector.shape_cast %swap3A_578 : vector<16xi32> to vector<16xi32>
    %swap3A_580 = vector.shape_cast %get3A_576 : vector<16xi32> to vector<16xi32>
    tpu.vector_store %arg15[%swap3A_577], %swap3A_580 {strides = array<i32>} : memref<128xi32, #tpu.memory_space<vmem>>, vector<16xi32>,
    %add3A_581 = arith.constant 112 : i32
    %add3A_582 = arith.addi %mul3A_419, %add3A_581 : i32
    %get3A_583 = arith.index_cast %add3A_582 : i32 to index
    %get3A_584 = tpu.vector_load %arg11[%get3A_583] {strides = array<i32>} : memref<1664xi32, #tpu.memory_space<vmem>>, vector<16xi32>,
    %get3A_585 = vector.shape_cast %get3A_584 : vector<16xi32> to vector<16xi32>
    %mul3A_586 = arith.constant 10000 : i32
    %mul3A_587 = vector.broadcast %mul3A_586 : i32 to vector<16xi32>
    %mul3A_588 = arith.muli %get3A_585, %mul3A_587 : vector<16xi32>
    %get3A_589 = arith.index_cast %add3A_582 : i32 to index
    %get3A_590 = tpu.vector_load %arg9[%get3A_589] {strides = array<i32>} : memref<1664xi32, #tpu.memory_space<vmem>>, vector<16xi32>,
    %get3A_591 = vector.shape_cast %get3A_590 : vector<16xi32> to vector<16xi32>
    %add3A_592 = arith.addi %mul3A_588, %get3A_591 : vector<16xi32>
    %swap3A_593 = arith.constant 112 : index
    %swap3A_594 = tpu.vector_load %arg14[%swap3A_593] {strides = array<i32>} : memref<128xi32, #tpu.memory_space<vmem>>, vector<16xi32>,
    %swap3A_595 = vector.shape_cast %swap3A_594 : vector<16xi32> to vector<16xi32>
    %swap3A_596 = vector.shape_cast %add3A_592 : vector<16xi32> to vector<16xi32>
    tpu.vector_store %arg14[%swap3A_593], %swap3A_596 {strides = array<i32>} : memref<128xi32, #tpu.memory_space<vmem>>, vector<16xi32>,
    %get3A_597 = arith.index_cast %add3A_582 : i32 to index
    %get3A_598 = tpu.vector_load %arg10[%get3A_597] {strides = array<i32>} : memref<1664xi32, #tpu.memory_space<vmem>>, vector<16xi32>,
    %get3A_599 = vector.shape_cast %get3A_598 : vector<16xi32> to vector<16xi32>
    %swap3A_600 = arith.constant 112 : index
    %swap3A_601 = tpu.vector_load %arg15[%swap3A_600] {strides = array<i32>} : memref<128xi32, #tpu.memory_space<vmem>>, vector<16xi32>,
    %swap3A_602 = vector.shape_cast %swap3A_601 : vector<16xi32> to vector<16xi32>
    %swap3A_603 = vector.shape_cast %get3A_599 : vector<16xi32> to vector<16xi32>
    tpu.vector_store %arg15[%swap3A_600], %swap3A_603 {strides = array<i32>} : memref<128xi32, #tpu.memory_space<vmem>>, vector<16xi32>,
    %dma_wait3A_604 = arith.constant 0 : i32
    %dma_wait3A_605 = arith.constant 0 : i32
    %dma_wait3A_606 = tpu.memref_slice %arg26[%dma_wait3A_604, %dma_wait3A_605] : memref<10000x128xf32, #tpu.memory_space<vmem_shared>> -> memref<10000x128xf32, #tpu.memory_space<vmem_shared>>
    tpu.wait_indirect_dma semaphore(%arg29 : memref<!tpu.dma_semaphore, #tpu.memory_space<semaphore_mem>>) src(%arg22 : memref<128x128xf32, #tpu.memory_space<vmem>>) dst(%dma_wait3A_606 : memref<10000x128xf32, #tpu.memory_space<vmem_shared>>)
    %dma_start3A_607 = arith.constant 0 : i32
    %dma_start3A_608 = arith.constant 0 : i32
    %dma_start3A_609 = tpu.memref_slice %arg2[%dma_start3A_607, %dma_start3A_608] : memref<90000x128xf32, #tpu.memory_space<hbm>> -> memref<90000x128xf32, #tpu.memory_space<hbm>>
    tpu.enqueue_indirect_dma source(%dma_start3A_609 : memref<90000x128xf32, #tpu.memory_space<hbm>>) target(%arg22 : memref<128x128xf32, #tpu.memory_space<vmem>>) offsets(%arg14 : memref<128xi32, #tpu.memory_space<vmem>>) semaphore(%arg27 : memref<!tpu.dma_semaphore, #tpu.memory_space<semaphore_mem>>)
    %dma_wait3A_610 = arith.constant 0 : i32
    %dma_wait3A_611 = arith.constant 0 : i32
    %dma_wait3A_612 = tpu.memref_slice %arg2[%dma_wait3A_610, %dma_wait3A_611] : memref<90000x128xf32, #tpu.memory_space<hbm>> -> memref<90000x128xf32, #tpu.memory_space<hbm>>
    tpu.wait_indirect_dma semaphore(%arg28 : memref<!tpu.dma_semaphore, #tpu.memory_space<semaphore_mem>>) src(%dma_wait3A_612 : memref<90000x128xf32, #tpu.memory_space<hbm>>) dst(%arg23 : memref<128x128xf32, #tpu.memory_space<vmem>>)
    %dma_start3A_613 = arith.constant 0 : i32
    %dma_start3A_614 = arith.constant 0 : i32
    %dma_start3A_615 = tpu.memref_slice %arg26[%dma_start3A_613, %dma_start3A_614] : memref<10000x128xf32, #tpu.memory_space<vmem_shared>> -> memref<10000x128xf32, #tpu.memory_space<vmem_shared>>
    tpu.enqueue_indirect_dma source(%arg23 : memref<128x128xf32, #tpu.memory_space<vmem>>) target(%dma_start3A_615 : memref<10000x128xf32, #tpu.memory_space<vmem_shared>>) offsets(%arg17 : memref<128xi32, #tpu.memory_space<vmem>>) semaphore(%arg30 : memref<!tpu.dma_semaphore, #tpu.memory_space<semaphore_mem>>) {add = true}
    %scan3A = arith.constant 0 : i32
    %scan3A_616 = arith.constant 0 : i32
    %scan3A_617 = arith.constant 38 : i32
    %scan3A_618 = arith.addi %scan3A_616, %scan3A_617 : i32
    %scan3A_619 = arith.constant 1 : i32
    scf.for %scan3A_950 = %scan3A_616 to %scan3A_618 step %scan3A_619  : i32 {
      %mul3A_951 = arith.constant 2 : i32
      %mul3A_952 = arith.muli %mul3A_951, %scan3A_950 : i32
      %add3A_953 = arith.constant 1 : i32
      %add3A_954 = arith.addi %mul3A_952, %add3A_953 : i32
      %dma_wait3A_955 = arith.constant 0 : i32
      %dma_wait3A_956 = arith.constant 0 : i32
      %dma_wait3A_957 = tpu.memref_slice %arg26[%dma_wait3A_955, %dma_wait3A_956] : memref<10000x128xf32, #tpu.memory_space<vmem_shared>> -> memref<10000x128xf32, #tpu.memory_space<vmem_shared>>
      tpu.wait_indirect_dma semaphore(%arg30 : memref<!tpu.dma_semaphore, #tpu.memory_space<semaphore_mem>>) src(%arg23 : memref<128x128xf32, #tpu.memory_space<vmem>>) dst(%dma_wait3A_957 : memref<10000x128xf32, #tpu.memory_space<vmem_shared>>)
      %rem3A_958 = arith.constant 13 : i32
      %rem3A_959 = arith.remsi %add3A_954, %rem3A_958 : i32
      %mul3A_960 = arith.constant 128 : i32
      %mul3A_961 = arith.muli %rem3A_959, %mul3A_960 : i32
      %add3A_962 = arith.constant 0 : i32
      %add3A_963 = arith.addi %mul3A_961, %add3A_962 : i32
      %get3A_964 = arith.index_cast %add3A_963 : i32 to index
      %get3A_965 = tpu.vector_load %arg11[%get3A_964] {strides = array<i32>} : memref<1664xi32, #tpu.memory_space<vmem>>, vector<16xi32>,
      %get3A_966 = vector.shape_cast %get3A_965 : vector<16xi32> to vector<16xi32>
      %mul3A_967 = arith.constant 10000 : i32
      %mul3A_968 = vector.broadcast %mul3A_967 : i32 to vector<16xi32>
      %mul3A_969 = arith.muli %get3A_966, %mul3A_968 : vector<16xi32>
      %get3A_970 = arith.index_cast %add3A_963 : i32 to index
      %get3A_971 = tpu.vector_load %arg10[%get3A_970] {strides = array<i32>} : memref<1664xi32, #tpu.memory_space<vmem>>, vector<16xi32>,
      %get3A_972 = vector.shape_cast %get3A_971 : vector<16xi32> to vector<16xi32>
      %add3A_973 = arith.addi %mul3A_969, %get3A_972 : vector<16xi32>
      %swap3A_974 = arith.constant 0 : index
      %swap3A_975 = tpu.vector_load %arg16[%swap3A_974] {strides = array<i32>} : memref<128xi32, #tpu.memory_space<vmem>>, vector<16xi32>,
      %swap3A_976 = vector.shape_cast %swap3A_975 : vector<16xi32> to vector<16xi32>
      %swap3A_977 = vector.shape_cast %add3A_973 : vector<16xi32> to vector<16xi32>
      tpu.vector_store %arg16[%swap3A_974], %swap3A_977 {strides = array<i32>} : memref<128xi32, #tpu.memory_space<vmem>>, vector<16xi32>,
      %get3A_978 = arith.index_cast %add3A_963 : i32 to index
      %get3A_979 = tpu.vector_load %arg9[%get3A_978] {strides = array<i32>} : memref<1664xi32, #tpu.memory_space<vmem>>, vector<16xi32>,
      %get3A_980 = vector.shape_cast %get3A_979 : vector<16xi32> to vector<16xi32>
      %swap3A_981 = arith.constant 0 : index
      %swap3A_982 = tpu.vector_load %arg17[%swap3A_981] {strides = array<i32>} : memref<128xi32, #tpu.memory_space<vmem>>, vector<16xi32>,
      %swap3A_983 = vector.shape_cast %swap3A_982 : vector<16xi32> to vector<16xi32>
      %swap3A_984 = vector.shape_cast %get3A_980 : vector<16xi32> to vector<16xi32>
      tpu.vector_store %arg17[%swap3A_981], %swap3A_984 {strides = array<i32>} : memref<128xi32, #tpu.memory_space<vmem>>, vector<16xi32>,
      %add3A_985 = arith.constant 16 : i32
      %add3A_986 = arith.addi %mul3A_961, %add3A_985 : i32
      %get3A_987 = arith.index_cast %add3A_986 : i32 to index
      %get3A_988 = tpu.vector_load %arg11[%get3A_987] {strides = array<i32>} : memref<1664xi32, #tpu.memory_space<vmem>>, vector<16xi32>,
      %get3A_989 = vector.shape_cast %get3A_988 : vector<16xi32> to vector<16xi32>
      %mul3A_990 = arith.constant 10000 : i32
      %mul3A_991 = vector.broadcast %mul3A_990 : i32 to vector<16xi32>
      %mul3A_992 = arith.muli %get3A_989, %mul3A_991 : vector<16xi32>
      %get3A_993 = arith.index_cast %add3A_986 : i32 to index
      %get3A_994 = tpu.vector_load %arg10[%get3A_993] {strides = array<i32>} : memref<1664xi32, #tpu.memory_space<vmem>>, vector<16xi32>,
      %get3A_995 = vector.shape_cast %get3A_994 : vector<16xi32> to vector<16xi32>
      %add3A_996 = arith.addi %mul3A_992, %get3A_995 : vector<16xi32>
      %swap3A_997 = arith.constant 16 : index
      %swap3A_998 = tpu.vector_load %arg16[%swap3A_997] {strides = array<i32>} : memref<128xi32, #tpu.memory_space<vmem>>, vector<16xi32>,
      %swap3A_999 = vector.shape_cast %swap3A_998 : vector<16xi32> to vector<16xi32>
      %swap3A_1000 = vector.shape_cast %add3A_996 : vector<16xi32> to vector<16xi32>
      tpu.vector_store %arg16[%swap3A_997], %swap3A_1000 {strides = array<i32>} : memref<128xi32, #tpu.memory_space<vmem>>, vector<16xi32>,
      %get3A_1001 = arith.index_cast %add3A_986 : i32 to index
      %get3A_1002 = tpu.vector_load %arg9[%get3A_1001] {strides = array<i32>} : memref<1664xi32, #tpu.memory_space<vmem>>, vector<16xi32>,
      %get3A_1003 = vector.shape_cast %get3A_1002 : vector<16xi32> to vector<16xi32>
      %swap3A_1004 = arith.constant 16 : index
      %swap3A_1005 = tpu.vector_load %arg17[%swap3A_1004] {strides = array<i32>} : memref<128xi32, #tpu.memory_space<vmem>>, vector<16xi32>,
      %swap3A_1006 = vector.shape_cast %swap3A_1005 : vector<16xi32> to vector<16xi32>
      %swap3A_1007 = vector.shape_cast %get3A_1003 : vector<16xi32> to vector<16xi32>
      tpu.vector_store %arg17[%swap3A_1004], %swap3A_1007 {strides = array<i32>} : memref<128xi32, #tpu.memory_space<vmem>>, vector<16xi32>,
      %add3A_1008 = arith.constant 32 : i32
      %add3A_1009 = arith.addi %mul3A_961, %add3A_1008 : i32
      %get3A_1010 = arith.index_cast %add3A_1009 : i32 to index
      %get3A_1011 = tpu.vector_load %arg11[%get3A_1010] {strides = array<i32>} : memref<1664xi32, #tpu.memory_space<vmem>>, vector<16xi32>,
      %get3A_1012 = vector.shape_cast %get3A_1011 : vector<16xi32> to vector<16xi32>
      %mul3A_1013 = arith.constant 10000 : i32
      %mul3A_1014 = vector.broadcast %mul3A_1013 : i32 to vector<16xi32>
      %mul3A_1015 = arith.muli %get3A_1012, %mul3A_1014 : vector<16xi32>
      %get3A_1016 = arith.index_cast %add3A_1009 : i32 to index
      %get3A_1017 = tpu.vector_load %arg10[%get3A_1016] {strides = array<i32>} : memref<1664xi32, #tpu.memory_space<vmem>>, vector<16xi32>,
      %get3A_1018 = vector.shape_cast %get3A_1017 : vector<16xi32> to vector<16xi32>
      %add3A_1019 = arith.addi %mul3A_1015, %get3A_1018 : vector<16xi32>
      %swap3A_1020 = arith.constant 32 : index
      %swap3A_1021 = tpu.vector_load %arg16[%swap3A_1020] {strides = array<i32>} : memref<128xi32, #tpu.memory_space<vmem>>, vector<16xi32>,
      %swap3A_1022 = vector.shape_cast %swap3A_1021 : vector<16xi32> to vector<16xi32>
      %swap3A_1023 = vector.shape_cast %add3A_1019 : vector<16xi32> to vector<16xi32>
      tpu.vector_store %arg16[%swap3A_1020], %swap3A_1023 {strides = array<i32>} : memref<128xi32, #tpu.memory_space<vmem>>, vector<16xi32>,
      %get3A_1024 = arith.index_cast %add3A_1009 : i32 to index
      %get3A_1025 = tpu.vector_load %arg9[%get3A_1024] {strides = array<i32>} : memref<1664xi32, #tpu.memory_space<vmem>>, vector<16xi32>,
      %get3A_1026 = vector.shape_cast %get3A_1025 : vector<16xi32> to vector<16xi32>
      %swap3A_1027 = arith.constant 32 : index
      %swap3A_1028 = tpu.vector_load %arg17[%swap3A_1027] {strides = array<i32>} : memref<128xi32, #tpu.memory_space<vmem>>, vector<16xi32>,
      %swap3A_1029 = vector.shape_cast %swap3A_1028 : vector<16xi32> to vector<16xi32>
      %swap3A_1030 = vector.shape_cast %get3A_1026 : vector<16xi32> to vector<16xi32>
      tpu.vector_store %arg17[%swap3A_1027], %swap3A_1030 {strides = array<i32>} : memref<128xi32, #tpu.memory_space<vmem>>, vector<16xi32>,
      %add3A_1031 = arith.constant 48 : i32
      %add3A_1032 = arith.addi %mul3A_961, %add3A_1031 : i32
      %get3A_1033 = arith.index_cast %add3A_1032 : i32 to index
      %get3A_1034 = tpu.vector_load %arg11[%get3A_1033] {strides = array<i32>} : memref<1664xi32, #tpu.memory_space<vmem>>, vector<16xi32>,
      %get3A_1035 = vector.shape_cast %get3A_1034 : vector<16xi32> to vector<16xi32>
      %mul3A_1036 = arith.constant 10000 : i32
      %mul3A_1037 = vector.broadcast %mul3A_1036 : i32 to vector<16xi32>
      %mul3A_1038 = arith.muli %get3A_1035, %mul3A_1037 : vector<16xi32>
      %get3A_1039 = arith.index_cast %add3A_1032 : i32 to index
      %get3A_1040 = tpu.vector_load %arg10[%get3A_1039] {strides = array<i32>} : memref<1664xi32, #tpu.memory_space<vmem>>, vector<16xi32>,
      %get3A_1041 = vector.shape_cast %get3A_1040 : vector<16xi32> to vector<16xi32>
      %add3A_1042 = arith.addi %mul3A_1038, %get3A_1041 : vector<16xi32>
      %swap3A_1043 = arith.constant 48 : index
      %swap3A_1044 = tpu.vector_load %arg16[%swap3A_1043] {strides = array<i32>} : memref<128xi32, #tpu.memory_space<vmem>>, vector<16xi32>,
      %swap3A_1045 = vector.shape_cast %swap3A_1044 : vector<16xi32> to vector<16xi32>
      %swap3A_1046 = vector.shape_cast %add3A_1042 : vector<16xi32> to vector<16xi32>
      tpu.vector_store %arg16[%swap3A_1043], %swap3A_1046 {strides = array<i32>} : memref<128xi32, #tpu.memory_space<vmem>>, vector<16xi32>,
      %get3A_1047 = arith.index_cast %add3A_1032 : i32 to index
      %get3A_1048 = tpu.vector_load %arg9[%get3A_1047] {strides = array<i32>} : memref<1664xi32, #tpu.memory_space<vmem>>, vector<16xi32>,
      %get3A_1049 = vector.shape_cast %get3A_1048 : vector<16xi32> to vector<16xi32>
      %swap3A_1050 = arith.constant 48 : index
      %swap3A_1051 = tpu.vector_load %arg17[%swap3A_1050] {strides = array<i32>} : memref<128xi32, #tpu.memory_space<vmem>>, vector<16xi32>,
      %swap3A_1052 = vector.shape_cast %swap3A_1051 : vector<16xi32> to vector<16xi32>
      %swap3A_1053 = vector.shape_cast %get3A_1049 : vector<16xi32> to vector<16xi32>
      tpu.vector_store %arg17[%swap3A_1050], %swap3A_1053 {strides = array<i32>} : memref<128xi32, #tpu.memory_space<vmem>>, vector<16xi32>,
      %add3A_1054 = arith.constant 64 : i32
      %add3A_1055 = arith.addi %mul3A_961, %add3A_1054 : i32
      %get3A_1056 = arith.index_cast %add3A_1055 : i32 to index
      %get3A_1057 = tpu.vector_load %arg11[%get3A_1056] {strides = array<i32>} : memref<1664xi32, #tpu.memory_space<vmem>>, vector<16xi32>,
      %get3A_1058 = vector.shape_cast %get3A_1057 : vector<16xi32> to vector<16xi32>
      %mul3A_1059 = arith.constant 10000 : i32
      %mul3A_1060 = vector.broadcast %mul3A_1059 : i32 to vector<16xi32>
      %mul3A_1061 = arith.muli %get3A_1058, %mul3A_1060 : vector<16xi32>
      %get3A_1062 = arith.index_cast %add3A_1055 : i32 to index
      %get3A_1063 = tpu.vector_load %arg10[%get3A_1062] {strides = array<i32>} : memref<1664xi32, #tpu.memory_space<vmem>>, vector<16xi32>,
      %get3A_1064 = vector.shape_cast %get3A_1063 : vector<16xi32> to vector<16xi32>
      %add3A_1065 = arith.addi %mul3A_1061, %get3A_1064 : vector<16xi32>
      %swap3A_1066 = arith.constant 64 : index
      %swap3A_1067 = tpu.vector_load %arg16[%swap3A_1066] {strides = array<i32>} : memref<128xi32, #tpu.memory_space<vmem>>, vector<16xi32>,
      %swap3A_1068 = vector.shape_cast %swap3A_1067 : vector<16xi32> to vector<16xi32>
      %swap3A_1069 = vector.shape_cast %add3A_1065 : vector<16xi32> to vector<16xi32>
      tpu.vector_store %arg16[%swap3A_1066], %swap3A_1069 {strides = array<i32>} : memref<128xi32, #tpu.memory_space<vmem>>, vector<16xi32>,
      %get3A_1070 = arith.index_cast %add3A_1055 : i32 to index
      %get3A_1071 = tpu.vector_load %arg9[%get3A_1070] {strides = array<i32>} : memref<1664xi32, #tpu.memory_space<vmem>>, vector<16xi32>,
      %get3A_1072 = vector.shape_cast %get3A_1071 : vector<16xi32> to vector<16xi32>
      %swap3A_1073 = arith.constant 64 : index
      %swap3A_1074 = tpu.vector_load %arg17[%swap3A_1073] {strides = array<i32>} : memref<128xi32, #tpu.memory_space<vmem>>, vector<16xi32>,
      %swap3A_1075 = vector.shape_cast %swap3A_1074 : vector<16xi32> to vector<16xi32>
      %swap3A_1076 = vector.shape_cast %get3A_1072 : vector<16xi32> to vector<16xi32>
      tpu.vector_store %arg17[%swap3A_1073], %swap3A_1076 {strides = array<i32>} : memref<128xi32, #tpu.memory_space<vmem>>, vector<16xi32>,
      %add3A_1077 = arith.constant 80 : i32
      %add3A_1078 = arith.addi %mul3A_961, %add3A_1077 : i32
      %get3A_1079 = arith.index_cast %add3A_1078 : i32 to index
      %get3A_1080 = tpu.vector_load %arg11[%get3A_1079] {strides = array<i32>} : memref<1664xi32, #tpu.memory_space<vmem>>, vector<16xi32>,
      %get3A_1081 = vector.shape_cast %get3A_1080 : vector<16xi32> to vector<16xi32>
      %mul3A_1082 = arith.constant 10000 : i32
      %mul3A_1083 = vector.broadcast %mul3A_1082 : i32 to vector<16xi32>
      %mul3A_1084 = arith.muli %get3A_1081, %mul3A_1083 : vector<16xi32>
      %get3A_1085 = arith.index_cast %add3A_1078 : i32 to index
      %get3A_1086 = tpu.vector_load %arg10[%get3A_1085] {strides = array<i32>} : memref<1664xi32, #tpu.memory_space<vmem>>, vector<16xi32>,
      %get3A_1087 = vector.shape_cast %get3A_1086 : vector<16xi32> to vector<16xi32>
      %add3A_1088 = arith.addi %mul3A_1084, %get3A_1087 : vector<16xi32>
      %swap3A_1089 = arith.constant 80 : index
      %swap3A_1090 = tpu.vector_load %arg16[%swap3A_1089] {strides = array<i32>} : memref<128xi32, #tpu.memory_space<vmem>>, vector<16xi32>,
      %swap3A_1091 = vector.shape_cast %swap3A_1090 : vector<16xi32> to vector<16xi32>
      %swap3A_1092 = vector.shape_cast %add3A_1088 : vector<16xi32> to vector<16xi32>
      tpu.vector_store %arg16[%swap3A_1089], %swap3A_1092 {strides = array<i32>} : memref<128xi32, #tpu.memory_space<vmem>>, vector<16xi32>,
      %get3A_1093 = arith.index_cast %add3A_1078 : i32 to index
      %get3A_1094 = tpu.vector_load %arg9[%get3A_1093] {strides = array<i32>} : memref<1664xi32, #tpu.memory_space<vmem>>, vector<16xi32>,
      %get3A_1095 = vector.shape_cast %get3A_1094 : vector<16xi32> to vector<16xi32>
      %swap3A_1096 = arith.constant 80 : index
      %swap3A_1097 = tpu.vector_load %arg17[%swap3A_1096] {strides = array<i32>} : memref<128xi32, #tpu.memory_space<vmem>>, vector<16xi32>,
      %swap3A_1098 = vector.shape_cast %swap3A_1097 : vector<16xi32> to vector<16xi32>
      %swap3A_1099 = vector.shape_cast %get3A_1095 : vector<16xi32> to vector<16xi32>
      tpu.vector_store %arg17[%swap3A_1096], %swap3A_1099 {strides = array<i32>} : memref<128xi32, #tpu.memory_space<vmem>>, vector<16xi32>,
      %add3A_1100 = arith.constant 96 : i32
      %add3A_1101 = arith.addi %mul3A_961, %add3A_1100 : i32
      %get3A_1102 = arith.index_cast %add3A_1101 : i32 to index
      %get3A_1103 = tpu.vector_load %arg11[%get3A_1102] {strides = array<i32>} : memref<1664xi32, #tpu.memory_space<vmem>>, vector<16xi32>,
      %get3A_1104 = vector.shape_cast %get3A_1103 : vector<16xi32> to vector<16xi32>
      %mul3A_1105 = arith.constant 10000 : i32
      %mul3A_1106 = vector.broadcast %mul3A_1105 : i32 to vector<16xi32>
      %mul3A_1107 = arith.muli %get3A_1104, %mul3A_1106 : vector<16xi32>
      %get3A_1108 = arith.index_cast %add3A_1101 : i32 to index
      %get3A_1109 = tpu.vector_load %arg10[%get3A_1108] {strides = array<i32>} : memref<1664xi32, #tpu.memory_space<vmem>>, vector<16xi32>,
      %get3A_1110 = vector.shape_cast %get3A_1109 : vector<16xi32> to vector<16xi32>
      %add3A_1111 = arith.addi %mul3A_1107, %get3A_1110 : vector<16xi32>
      %swap3A_1112 = arith.constant 96 : index
      %swap3A_1113 = tpu.vector_load %arg16[%swap3A_1112] {strides = array<i32>} : memref<128xi32, #tpu.memory_space<vmem>>, vector<16xi32>,
      %swap3A_1114 = vector.shape_cast %swap3A_1113 : vector<16xi32> to vector<16xi32>
      %swap3A_1115 = vector.shape_cast %add3A_1111 : vector<16xi32> to vector<16xi32>
      tpu.vector_store %arg16[%swap3A_1112], %swap3A_1115 {strides = array<i32>} : memref<128xi32, #tpu.memory_space<vmem>>, vector<16xi32>,
      %get3A_1116 = arith.index_cast %add3A_1101 : i32 to index
      %get3A_1117 = tpu.vector_load %arg9[%get3A_1116] {strides = array<i32>} : memref<1664xi32, #tpu.memory_space<vmem>>, vector<16xi32>,
      %get3A_1118 = vector.shape_cast %get3A_1117 : vector<16xi32> to vector<16xi32>
      %swap3A_1119 = arith.constant 96 : index
      %swap3A_1120 = tpu.vector_load %arg17[%swap3A_1119] {strides = array<i32>} : memref<128xi32, #tpu.memory_space<vmem>>, vector<16xi32>,
      %swap3A_1121 = vector.shape_cast %swap3A_1120 : vector<16xi32> to vector<16xi32>
      %swap3A_1122 = vector.shape_cast %get3A_1118 : vector<16xi32> to vector<16xi32>
      tpu.vector_store %arg17[%swap3A_1119], %swap3A_1122 {strides = array<i32>} : memref<128xi32, #tpu.memory_space<vmem>>, vector<16xi32>,
      %add3A_1123 = arith.constant 112 : i32
      %add3A_1124 = arith.addi %mul3A_961, %add3A_1123 : i32
      %get3A_1125 = arith.index_cast %add3A_1124 : i32 to index
      %get3A_1126 = tpu.vector_load %arg11[%get3A_1125] {strides = array<i32>} : memref<1664xi32, #tpu.memory_space<vmem>>, vector<16xi32>,
      %get3A_1127 = vector.shape_cast %get3A_1126 : vector<16xi32> to vector<16xi32>
      %mul3A_1128 = arith.constant 10000 : i32
      %mul3A_1129 = vector.broadcast %mul3A_1128 : i32 to vector<16xi32>
      %mul3A_1130 = arith.muli %get3A_1127, %mul3A_1129 : vector<16xi32>
      %get3A_1131 = arith.index_cast %add3A_1124 : i32 to index
      %get3A_1132 = tpu.vector_load %arg10[%get3A_1131] {strides = array<i32>} : memref<1664xi32, #tpu.memory_space<vmem>>, vector<16xi32>,
      %get3A_1133 = vector.shape_cast %get3A_1132 : vector<16xi32> to vector<16xi32>
      %add3A_1134 = arith.addi %mul3A_1130, %get3A_1133 : vector<16xi32>
      %swap3A_1135 = arith.constant 112 : index
      %swap3A_1136 = tpu.vector_load %arg16[%swap3A_1135] {strides = array<i32>} : memref<128xi32, #tpu.memory_space<vmem>>, vector<16xi32>,
      %swap3A_1137 = vector.shape_cast %swap3A_1136 : vector<16xi32> to vector<16xi32>
      %swap3A_1138 = vector.shape_cast %add3A_1134 : vector<16xi32> to vector<16xi32>
      tpu.vector_store %arg16[%swap3A_1135], %swap3A_1138 {strides = array<i32>} : memref<128xi32, #tpu.memory_space<vmem>>, vector<16xi32>,
      %get3A_1139 = arith.index_cast %add3A_1124 : i32 to index
      %get3A_1140 = tpu.vector_load %arg9[%get3A_1139] {strides = array<i32>} : memref<1664xi32, #tpu.memory_space<vmem>>, vector<16xi32>,
      %get3A_1141 = vector.shape_cast %get3A_1140 : vector<16xi32> to vector<16xi32>
      %swap3A_1142 = arith.constant 112 : index
      %swap3A_1143 = tpu.vector_load %arg17[%swap3A_1142] {strides = array<i32>} : memref<128xi32, #tpu.memory_space<vmem>>, vector<16xi32>,
      %swap3A_1144 = vector.shape_cast %swap3A_1143 : vector<16xi32> to vector<16xi32>
      %swap3A_1145 = vector.shape_cast %get3A_1141 : vector<16xi32> to vector<16xi32>
      tpu.vector_store %arg17[%swap3A_1142], %swap3A_1145 {strides = array<i32>} : memref<128xi32, #tpu.memory_space<vmem>>, vector<16xi32>,
      %dma_start3A_1146 = arith.constant 0 : i32
      %dma_start3A_1147 = arith.constant 0 : i32
      %dma_start3A_1148 = tpu.memref_slice %arg2[%dma_start3A_1146, %dma_start3A_1147] : memref<90000x128xf32, #tpu.memory_space<hbm>> -> memref<90000x128xf32, #tpu.memory_space<hbm>>
      tpu.enqueue_indirect_dma source(%dma_start3A_1148 : memref<90000x128xf32, #tpu.memory_space<hbm>>) target(%arg23 : memref<128x128xf32, #tpu.memory_space<vmem>>) offsets(%arg16 : memref<128xi32, #tpu.memory_space<vmem>>) semaphore(%arg28 : memref<!tpu.dma_semaphore, #tpu.memory_space<semaphore_mem>>)
      %dma_wait3A_1149 = arith.constant 0 : i32
      %dma_wait3A_1150 = arith.constant 0 : i32
      %dma_wait3A_1151 = tpu.memref_slice %arg2[%dma_wait3A_1149, %dma_wait3A_1150] : memref<90000x128xf32, #tpu.memory_space<hbm>> -> memref<90000x128xf32, #tpu.memory_space<hbm>>
      tpu.wait_indirect_dma semaphore(%arg27 : memref<!tpu.dma_semaphore, #tpu.memory_space<semaphore_mem>>) src(%dma_wait3A_1151 : memref<90000x128xf32, #tpu.memory_space<hbm>>) dst(%arg22 : memref<128x128xf32, #tpu.memory_space<vmem>>)
      %dma_start3A_1152 = arith.constant 0 : i32
      %dma_start3A_1153 = arith.constant 0 : i32
      %dma_start3A_1154 = tpu.memref_slice %arg26[%dma_start3A_1152, %dma_start3A_1153] : memref<10000x128xf32, #tpu.memory_space<vmem_shared>> -> memref<10000x128xf32, #tpu.memory_space<vmem_shared>>
      tpu.enqueue_indirect_dma source(%arg22 : memref<128x128xf32, #tpu.memory_space<vmem>>) target(%dma_start3A_1154 : memref<10000x128xf32, #tpu.memory_space<vmem_shared>>) offsets(%arg15 : memref<128xi32, #tpu.memory_space<vmem>>) semaphore(%arg29 : memref<!tpu.dma_semaphore, #tpu.memory_space<semaphore_mem>>) {add = true}
      %add3A_1155 = arith.constant 1 : i32
      %add3A_1156 = arith.addi %add3A_954, %add3A_1155 : i32
      %rem3A_1157 = arith.constant 13 : i32
      %rem3A_1158 = arith.remsi %add3A_1156, %rem3A_1157 : i32
      %eq3A_1159 = arith.constant 0 : i32
      %eq3A_1160 = arith.cmpi eq, %rem3A_1158, %eq3A_1159 : i32
      %convert_element_type3A_1161 = arith.extui %eq3A_1160 : i1 to i32
      %cond3A_1162 = arith.constant 0 : i32
      %cond3A_1163 = arith.cmpi ne, %convert_element_type3A_1161, %cond3A_1162 : i32
      scf.if %cond3A_1163 {
        %add3A_1781 = arith.constant 1 : i32
        %add3A_1782 = arith.addi %add3A_954, %add3A_1781 : i32
        %div3A = arith.constant 13 : i32
        %div3A_1783 = arith.divsi %add3A_1782, %div3A : i32
        %mul3A_1784 = arith.constant 13 : i32
        %mul3A_1785 = arith.muli %div3A_1783, %mul3A_1784 : i32
        %mul3A_1786 = arith.constant 128 : i32
        %mul3A_1787 = arith.muli %mul3A_1785, %mul3A_1786 : i32
        %add3A_1788 = arith.addi %mul3A_12, %mul3A_1787 : i32
        "tpu.region"() ({
          %run_scoped3A = tpu.sem_alloc : memref<!tpu.dma_semaphore, #tpu.memory_space<semaphore_mem>>
          %dma_start3A_1789 = tpu.memref_slice %arg3[%add3A_1788] : memref<320000xi32, #tpu.memory_space<hbm>> -> memref<1664xi32, #tpu.memory_space<hbm>>
          %dma_start3A_1790 = tpu.memref_slice %arg3[%add3A_1788] : memref<320000xi32, #tpu.memory_space<hbm>> -> memref<1664xi32, #tpu.memory_space<hbm>>
          tpu.enqueue_dma source(%dma_start3A_1790 : memref<1664xi32, #tpu.memory_space<hbm>>) target(%arg9 : memref<1664xi32, #tpu.memory_space<vmem>>) target_semaphore(%run_scoped3A : memref<!tpu.dma_semaphore, #tpu.memory_space<semaphore_mem>>)
          %dma_wait3A_1791 = tpu.memref_slice %arg3[%add3A_1788] : memref<320000xi32, #tpu.memory_space<hbm>> -> memref<1664xi32, #tpu.memory_space<hbm>>
          %dma_wait3A_1792 = tpu.memref_slice %arg3[%add3A_1788] : memref<320000xi32, #tpu.memory_space<hbm>> -> memref<1664xi32, #tpu.memory_space<hbm>>
          tpu.wait_dma2 semaphore(%run_scoped3A : memref<!tpu.dma_semaphore, #tpu.memory_space<semaphore_mem>>) src(%dma_wait3A_1792 : memref<1664xi32, #tpu.memory_space<hbm>>) dst(%arg9 : memref<1664xi32, #tpu.memory_space<vmem>>)
          tpu.yield
        }) : () -> ()
        "tpu.region"() ({
          %run_scoped3A = tpu.sem_alloc : memref<!tpu.dma_semaphore, #tpu.memory_space<semaphore_mem>>
          %dma_start3A_1789 = tpu.memref_slice %arg4[%add3A_1788] : memref<320000xi32, #tpu.memory_space<hbm>> -> memref<1664xi32, #tpu.memory_space<hbm>>
          %dma_start3A_1790 = tpu.memref_slice %arg4[%add3A_1788] : memref<320000xi32, #tpu.memory_space<hbm>> -> memref<1664xi32, #tpu.memory_space<hbm>>
          tpu.enqueue_dma source(%dma_start3A_1790 : memref<1664xi32, #tpu.memory_space<hbm>>) target(%arg10 : memref<1664xi32, #tpu.memory_space<vmem>>) target_semaphore(%run_scoped3A : memref<!tpu.dma_semaphore, #tpu.memory_space<semaphore_mem>>)
          %dma_wait3A_1791 = tpu.memref_slice %arg4[%add3A_1788] : memref<320000xi32, #tpu.memory_space<hbm>> -> memref<1664xi32, #tpu.memory_space<hbm>>
          %dma_wait3A_1792 = tpu.memref_slice %arg4[%add3A_1788] : memref<320000xi32, #tpu.memory_space<hbm>> -> memref<1664xi32, #tpu.memory_space<hbm>>
          tpu.wait_dma2 semaphore(%run_scoped3A : memref<!tpu.dma_semaphore, #tpu.memory_space<semaphore_mem>>) src(%dma_wait3A_1792 : memref<1664xi32, #tpu.memory_space<hbm>>) dst(%arg10 : memref<1664xi32, #tpu.memory_space<vmem>>)
          tpu.yield
        }) : () -> ()
        "tpu.region"() ({
          %run_scoped3A = tpu.sem_alloc : memref<!tpu.dma_semaphore, #tpu.memory_space<semaphore_mem>>
          %dma_start3A_1789 = tpu.memref_slice %arg5[%add3A_1788] : memref<320000xi32, #tpu.memory_space<hbm>> -> memref<1664xi32, #tpu.memory_space<hbm>>
          %dma_start3A_1790 = tpu.memref_slice %arg5[%add3A_1788] : memref<320000xi32, #tpu.memory_space<hbm>> -> memref<1664xi32, #tpu.memory_space<hbm>>
          tpu.enqueue_dma source(%dma_start3A_1790 : memref<1664xi32, #tpu.memory_space<hbm>>) target(%arg11 : memref<1664xi32, #tpu.memory_space<vmem>>) target_semaphore(%run_scoped3A : memref<!tpu.dma_semaphore, #tpu.memory_space<semaphore_mem>>)
          %dma_wait3A_1791 = tpu.memref_slice %arg5[%add3A_1788] : memref<320000xi32, #tpu.memory_space<hbm>> -> memref<1664xi32, #tpu.memory_space<hbm>>
          %dma_wait3A_1792 = tpu.memref_slice %arg5[%add3A_1788] : memref<320000xi32, #tpu.memory_space<hbm>> -> memref<1664xi32, #tpu.memory_space<hbm>>
          tpu.wait_dma2 semaphore(%run_scoped3A : memref<!tpu.dma_semaphore, #tpu.memory_space<semaphore_mem>>) src(%dma_wait3A_1792 : memref<1664xi32, #tpu.memory_space<hbm>>) dst(%arg11 : memref<1664xi32, #tpu.memory_space<vmem>>)
          tpu.yield
        }) : () -> ()
      } else {
      }
      %add3A_1164 = arith.constant 1 : i32
      %add3A_1165 = arith.addi %add3A_954, %add3A_1164 : i32
      %rem3A_1166 = arith.constant 13 : i32
      %rem3A_1167 = arith.remsi %add3A_1165, %rem3A_1166 : i32
      %mul3A_1168 = arith.constant 128 : i32
      %mul3A_1169 = arith.muli %rem3A_1167, %mul3A_1168 : i32
      %add3A_1170 = arith.constant 0 : i32
      %add3A_1171 = arith.addi %mul3A_1169, %add3A_1170 : i32
      %get3A_1172 = arith.index_cast %add3A_1171 : i32 to index
      %get3A_1173 = tpu.vector_load %arg11[%get3A_1172] {strides = array<i32>} : memref<1664xi32, #tpu.memory_space<vmem>>, vector<16xi32>,
      %get3A_1174 = vector.shape_cast %get3A_1173 : vector<16xi32> to vector<16xi32>
      %mul3A_1175 = arith.constant 10000 : i32
      %mul3A_1176 = vector.broadcast %mul3A_1175 : i32 to vector<16xi32>
      %mul3A_1177 = arith.muli %get3A_1174, %mul3A_1176 : vector<16xi32>
      %get3A_1178 = arith.index_cast %add3A_1171 : i32 to index
      %get3A_1179 = tpu.vector_load %arg9[%get3A_1178] {strides = array<i32>} : memref<1664xi32, #tpu.memory_space<vmem>>, vector<16xi32>,
      %get3A_1180 = vector.shape_cast %get3A_1179 : vector<16xi32> to vector<16xi32>
      %add3A_1181 = arith.addi %mul3A_1177, %get3A_1180 : vector<16xi32>
      %swap3A_1182 = arith.constant 0 : index
      %swap3A_1183 = tpu.vector_load %arg12[%swap3A_1182] {strides = array<i32>} : memref<128xi32, #tpu.memory_space<vmem>>, vector<16xi32>,
      %swap3A_1184 = vector.shape_cast %swap3A_1183 : vector<16xi32> to vector<16xi32>
      %swap3A_1185 = vector.shape_cast %add3A_1181 : vector<16xi32> to vector<16xi32>
      tpu.vector_store %arg12[%swap3A_1182], %swap3A_1185 {strides = array<i32>} : memref<128xi32, #tpu.memory_space<vmem>>, vector<16xi32>,
      %get3A_1186 = arith.index_cast %add3A_1171 : i32 to index
      %get3A_1187 = tpu.vector_load %arg10[%get3A_1186] {strides = array<i32>} : memref<1664xi32, #tpu.memory_space<vmem>>, vector<16xi32>,
      %get3A_1188 = vector.shape_cast %get3A_1187 : vector<16xi32> to vector<16xi32>
      %swap3A_1189 = arith.constant 0 : index
      %swap3A_1190 = tpu.vector_load %arg13[%swap3A_1189] {strides = array<i32>} : memref<128xi32, #tpu.memory_space<vmem>>, vector<16xi32>,
      %swap3A_1191 = vector.shape_cast %swap3A_1190 : vector<16xi32> to vector<16xi32>
      %swap3A_1192 = vector.shape_cast %get3A_1188 : vector<16xi32> to vector<16xi32>
      tpu.vector_store %arg13[%swap3A_1189], %swap3A_1192 {strides = array<i32>} : memref<128xi32, #tpu.memory_space<vmem>>, vector<16xi32>,
      %add3A_1193 = arith.constant 16 : i32
      %add3A_1194 = arith.addi %mul3A_1169, %add3A_1193 : i32
      %get3A_1195 = arith.index_cast %add3A_1194 : i32 to index
      %get3A_1196 = tpu.vector_load %arg11[%get3A_1195] {strides = array<i32>} : memref<1664xi32, #tpu.memory_space<vmem>>, vector<16xi32>,
      %get3A_1197 = vector.shape_cast %get3A_1196 : vector<16xi32> to vector<16xi32>
      %mul3A_1198 = arith.constant 10000 : i32
      %mul3A_1199 = vector.broadcast %mul3A_1198 : i32 to vector<16xi32>
      %mul3A_1200 = arith.muli %get3A_1197, %mul3A_1199 : vector<16xi32>
      %get3A_1201 = arith.index_cast %add3A_1194 : i32 to index
      %get3A_1202 = tpu.vector_load %arg9[%get3A_1201] {strides = array<i32>} : memref<1664xi32, #tpu.memory_space<vmem>>, vector<16xi32>,
      %get3A_1203 = vector.shape_cast %get3A_1202 : vector<16xi32> to vector<16xi32>
      %add3A_1204 = arith.addi %mul3A_1200, %get3A_1203 : vector<16xi32>
      %swap3A_1205 = arith.constant 16 : index
      %swap3A_1206 = tpu.vector_load %arg12[%swap3A_1205] {strides = array<i32>} : memref<128xi32, #tpu.memory_space<vmem>>, vector<16xi32>,
      %swap3A_1207 = vector.shape_cast %swap3A_1206 : vector<16xi32> to vector<16xi32>
      %swap3A_1208 = vector.shape_cast %add3A_1204 : vector<16xi32> to vector<16xi32>
      tpu.vector_store %arg12[%swap3A_1205], %swap3A_1208 {strides = array<i32>} : memref<128xi32, #tpu.memory_space<vmem>>, vector<16xi32>,
      %get3A_1209 = arith.index_cast %add3A_1194 : i32 to index
      %get3A_1210 = tpu.vector_load %arg10[%get3A_1209] {strides = array<i32>} : memref<1664xi32, #tpu.memory_space<vmem>>, vector<16xi32>,
      %get3A_1211 = vector.shape_cast %get3A_1210 : vector<16xi32> to vector<16xi32>
      %swap3A_1212 = arith.constant 16 : index
      %swap3A_1213 = tpu.vector_load %arg13[%swap3A_1212] {strides = array<i32>} : memref<128xi32, #tpu.memory_space<vmem>>, vector<16xi32>,
      %swap3A_1214 = vector.shape_cast %swap3A_1213 : vector<16xi32> to vector<16xi32>
      %swap3A_1215 = vector.shape_cast %get3A_1211 : vector<16xi32> to vector<16xi32>
      tpu.vector_store %arg13[%swap3A_1212], %swap3A_1215 {strides = array<i32>} : memref<128xi32, #tpu.memory_space<vmem>>, vector<16xi32>,
      %add3A_1216 = arith.constant 32 : i32
      %add3A_1217 = arith.addi %mul3A_1169, %add3A_1216 : i32
      %get3A_1218 = arith.index_cast %add3A_1217 : i32 to index
      %get3A_1219 = tpu.vector_load %arg11[%get3A_1218] {strides = array<i32>} : memref<1664xi32, #tpu.memory_space<vmem>>, vector<16xi32>,
      %get3A_1220 = vector.shape_cast %get3A_1219 : vector<16xi32> to vector<16xi32>
      %mul3A_1221 = arith.constant 10000 : i32
      %mul3A_1222 = vector.broadcast %mul3A_1221 : i32 to vector<16xi32>
      %mul3A_1223 = arith.muli %get3A_1220, %mul3A_1222 : vector<16xi32>
      %get3A_1224 = arith.index_cast %add3A_1217 : i32 to index
      %get3A_1225 = tpu.vector_load %arg9[%get3A_1224] {strides = array<i32>} : memref<1664xi32, #tpu.memory_space<vmem>>, vector<16xi32>,
      %get3A_1226 = vector.shape_cast %get3A_1225 : vector<16xi32> to vector<16xi32>
      %add3A_1227 = arith.addi %mul3A_1223, %get3A_1226 : vector<16xi32>
      %swap3A_1228 = arith.constant 32 : index
      %swap3A_1229 = tpu.vector_load %arg12[%swap3A_1228] {strides = array<i32>} : memref<128xi32, #tpu.memory_space<vmem>>, vector<16xi32>,
      %swap3A_1230 = vector.shape_cast %swap3A_1229 : vector<16xi32> to vector<16xi32>
      %swap3A_1231 = vector.shape_cast %add3A_1227 : vector<16xi32> to vector<16xi32>
      tpu.vector_store %arg12[%swap3A_1228], %swap3A_1231 {strides = array<i32>} : memref<128xi32, #tpu.memory_space<vmem>>, vector<16xi32>,
      %get3A_1232 = arith.index_cast %add3A_1217 : i32 to index
      %get3A_1233 = tpu.vector_load %arg10[%get3A_1232] {strides = array<i32>} : memref<1664xi32, #tpu.memory_space<vmem>>, vector<16xi32>,
      %get3A_1234 = vector.shape_cast %get3A_1233 : vector<16xi32> to vector<16xi32>
      %swap3A_1235 = arith.constant 32 : index
      %swap3A_1236 = tpu.vector_load %arg13[%swap3A_1235] {strides = array<i32>} : memref<128xi32, #tpu.memory_space<vmem>>, vector<16xi32>,
      %swap3A_1237 = vector.shape_cast %swap3A_1236 : vector<16xi32> to vector<16xi32>
      %swap3A_1238 = vector.shape_cast %get3A_1234 : vector<16xi32> to vector<16xi32>
      tpu.vector_store %arg13[%swap3A_1235], %swap3A_1238 {strides = array<i32>} : memref<128xi32, #tpu.memory_space<vmem>>, vector<16xi32>,
      %add3A_1239 = arith.constant 48 : i32
      %add3A_1240 = arith.addi %mul3A_1169, %add3A_1239 : i32
      %get3A_1241 = arith.index_cast %add3A_1240 : i32 to index
      %get3A_1242 = tpu.vector_load %arg11[%get3A_1241] {strides = array<i32>} : memref<1664xi32, #tpu.memory_space<vmem>>, vector<16xi32>,
      %get3A_1243 = vector.shape_cast %get3A_1242 : vector<16xi32> to vector<16xi32>
      %mul3A_1244 = arith.constant 10000 : i32
      %mul3A_1245 = vector.broadcast %mul3A_1244 : i32 to vector<16xi32>
      %mul3A_1246 = arith.muli %get3A_1243, %mul3A_1245 : vector<16xi32>
      %get3A_1247 = arith.index_cast %add3A_1240 : i32 to index
      %get3A_1248 = tpu.vector_load %arg9[%get3A_1247] {strides = array<i32>} : memref<1664xi32, #tpu.memory_space<vmem>>, vector<16xi32>,
      %get3A_1249 = vector.shape_cast %get3A_1248 : vector<16xi32> to vector<16xi32>
      %add3A_1250 = arith.addi %mul3A_1246, %get3A_1249 : vector<16xi32>
      %swap3A_1251 = arith.constant 48 : index
      %swap3A_1252 = tpu.vector_load %arg12[%swap3A_1251] {strides = array<i32>} : memref<128xi32, #tpu.memory_space<vmem>>, vector<16xi32>,
      %swap3A_1253 = vector.shape_cast %swap3A_1252 : vector<16xi32> to vector<16xi32>
      %swap3A_1254 = vector.shape_cast %add3A_1250 : vector<16xi32> to vector<16xi32>
      tpu.vector_store %arg12[%swap3A_1251], %swap3A_1254 {strides = array<i32>} : memref<128xi32, #tpu.memory_space<vmem>>, vector<16xi32>,
      %get3A_1255 = arith.index_cast %add3A_1240 : i32 to index
      %get3A_1256 = tpu.vector_load %arg10[%get3A_1255] {strides = array<i32>} : memref<1664xi32, #tpu.memory_space<vmem>>, vector<16xi32>,
      %get3A_1257 = vector.shape_cast %get3A_1256 : vector<16xi32> to vector<16xi32>
      %swap3A_1258 = arith.constant 48 : index
      %swap3A_1259 = tpu.vector_load %arg13[%swap3A_1258] {strides = array<i32>} : memref<128xi32, #tpu.memory_space<vmem>>, vector<16xi32>,
      %swap3A_1260 = vector.shape_cast %swap3A_1259 : vector<16xi32> to vector<16xi32>
      %swap3A_1261 = vector.shape_cast %get3A_1257 : vector<16xi32> to vector<16xi32>
      tpu.vector_store %arg13[%swap3A_1258], %swap3A_1261 {strides = array<i32>} : memref<128xi32, #tpu.memory_space<vmem>>, vector<16xi32>,
      %add3A_1262 = arith.constant 64 : i32
      %add3A_1263 = arith.addi %mul3A_1169, %add3A_1262 : i32
      %get3A_1264 = arith.index_cast %add3A_1263 : i32 to index
      %get3A_1265 = tpu.vector_load %arg11[%get3A_1264] {strides = array<i32>} : memref<1664xi32, #tpu.memory_space<vmem>>, vector<16xi32>,
      %get3A_1266 = vector.shape_cast %get3A_1265 : vector<16xi32> to vector<16xi32>
      %mul3A_1267 = arith.constant 10000 : i32
      %mul3A_1268 = vector.broadcast %mul3A_1267 : i32 to vector<16xi32>
      %mul3A_1269 = arith.muli %get3A_1266, %mul3A_1268 : vector<16xi32>
      %get3A_1270 = arith.index_cast %add3A_1263 : i32 to index
      %get3A_1271 = tpu.vector_load %arg9[%get3A_1270] {strides = array<i32>} : memref<1664xi32, #tpu.memory_space<vmem>>, vector<16xi32>,
      %get3A_1272 = vector.shape_cast %get3A_1271 : vector<16xi32> to vector<16xi32>
      %add3A_1273 = arith.addi %mul3A_1269, %get3A_1272 : vector<16xi32>
      %swap3A_1274 = arith.constant 64 : index
      %swap3A_1275 = tpu.vector_load %arg12[%swap3A_1274] {strides = array<i32>} : memref<128xi32, #tpu.memory_space<vmem>>, vector<16xi32>,
      %swap3A_1276 = vector.shape_cast %swap3A_1275 : vector<16xi32> to vector<16xi32>
      %swap3A_1277 = vector.shape_cast %add3A_1273 : vector<16xi32> to vector<16xi32>
      tpu.vector_store %arg12[%swap3A_1274], %swap3A_1277 {strides = array<i32>} : memref<128xi32, #tpu.memory_space<vmem>>, vector<16xi32>,
      %get3A_1278 = arith.index_cast %add3A_1263 : i32 to index
      %get3A_1279 = tpu.vector_load %arg10[%get3A_1278] {strides = array<i32>} : memref<1664xi32, #tpu.memory_space<vmem>>, vector<16xi32>,
      %get3A_1280 = vector.shape_cast %get3A_1279 : vector<16xi32> to vector<16xi32>
      %swap3A_1281 = arith.constant 64 : index
      %swap3A_1282 = tpu.vector_load %arg13[%swap3A_1281] {strides = array<i32>} : memref<128xi32, #tpu.memory_space<vmem>>, vector<16xi32>,
      %swap3A_1283 = vector.shape_cast %swap3A_1282 : vector<16xi32> to vector<16xi32>
      %swap3A_1284 = vector.shape_cast %get3A_1280 : vector<16xi32> to vector<16xi32>
      tpu.vector_store %arg13[%swap3A_1281], %swap3A_1284 {strides = array<i32>} : memref<128xi32, #tpu.memory_space<vmem>>, vector<16xi32>,
      %add3A_1285 = arith.constant 80 : i32
      %add3A_1286 = arith.addi %mul3A_1169, %add3A_1285 : i32
      %get3A_1287 = arith.index_cast %add3A_1286 : i32 to index
      %get3A_1288 = tpu.vector_load %arg11[%get3A_1287] {strides = array<i32>} : memref<1664xi32, #tpu.memory_space<vmem>>, vector<16xi32>,
      %get3A_1289 = vector.shape_cast %get3A_1288 : vector<16xi32> to vector<16xi32>
      %mul3A_1290 = arith.constant 10000 : i32
      %mul3A_1291 = vector.broadcast %mul3A_1290 : i32 to vector<16xi32>
      %mul3A_1292 = arith.muli %get3A_1289, %mul3A_1291 : vector<16xi32>
      %get3A_1293 = arith.index_cast %add3A_1286 : i32 to index
      %get3A_1294 = tpu.vector_load %arg9[%get3A_1293] {strides = array<i32>} : memref<1664xi32, #tpu.memory_space<vmem>>, vector<16xi32>,
      %get3A_1295 = vector.shape_cast %get3A_1294 : vector<16xi32> to vector<16xi32>
      %add3A_1296 = arith.addi %mul3A_1292, %get3A_1295 : vector<16xi32>
      %swap3A_1297 = arith.constant 80 : index
      %swap3A_1298 = tpu.vector_load %arg12[%swap3A_1297] {strides = array<i32>} : memref<128xi32, #tpu.memory_space<vmem>>, vector<16xi32>,
      %swap3A_1299 = vector.shape_cast %swap3A_1298 : vector<16xi32> to vector<16xi32>
      %swap3A_1300 = vector.shape_cast %add3A_1296 : vector<16xi32> to vector<16xi32>
      tpu.vector_store %arg12[%swap3A_1297], %swap3A_1300 {strides = array<i32>} : memref<128xi32, #tpu.memory_space<vmem>>, vector<16xi32>,
      %get3A_1301 = arith.index_cast %add3A_1286 : i32 to index
      %get3A_1302 = tpu.vector_load %arg10[%get3A_1301] {strides = array<i32>} : memref<1664xi32, #tpu.memory_space<vmem>>, vector<16xi32>,
      %get3A_1303 = vector.shape_cast %get3A_1302 : vector<16xi32> to vector<16xi32>
      %swap3A_1304 = arith.constant 80 : index
      %swap3A_1305 = tpu.vector_load %arg13[%swap3A_1304] {strides = array<i32>} : memref<128xi32, #tpu.memory_space<vmem>>, vector<16xi32>,
      %swap3A_1306 = vector.shape_cast %swap3A_1305 : vector<16xi32> to vector<16xi32>
      %swap3A_1307 = vector.shape_cast %get3A_1303 : vector<16xi32> to vector<16xi32>
      tpu.vector_store %arg13[%swap3A_1304], %swap3A_1307 {strides = array<i32>} : memref<128xi32, #tpu.memory_space<vmem>>, vector<16xi32>,
      %add3A_1308 = arith.constant 96 : i32
      %add3A_1309 = arith.addi %mul3A_1169, %add3A_1308 : i32
      %get3A_1310 = arith.index_cast %add3A_1309 : i32 to index
      %get3A_1311 = tpu.vector_load %arg11[%get3A_1310] {strides = array<i32>} : memref<1664xi32, #tpu.memory_space<vmem>>, vector<16xi32>,
      %get3A_1312 = vector.shape_cast %get3A_1311 : vector<16xi32> to vector<16xi32>
      %mul3A_1313 = arith.constant 10000 : i32
      %mul3A_1314 = vector.broadcast %mul3A_1313 : i32 to vector<16xi32>
      %mul3A_1315 = arith.muli %get3A_1312, %mul3A_1314 : vector<16xi32>
      %get3A_1316 = arith.index_cast %add3A_1309 : i32 to index
      %get3A_1317 = tpu.vector_load %arg9[%get3A_1316] {strides = array<i32>} : memref<1664xi32, #tpu.memory_space<vmem>>, vector<16xi32>,
      %get3A_1318 = vector.shape_cast %get3A_1317 : vector<16xi32> to vector<16xi32>
      %add3A_1319 = arith.addi %mul3A_1315, %get3A_1318 : vector<16xi32>
      %swap3A_1320 = arith.constant 96 : index
      %swap3A_1321 = tpu.vector_load %arg12[%swap3A_1320] {strides = array<i32>} : memref<128xi32, #tpu.memory_space<vmem>>, vector<16xi32>,
      %swap3A_1322 = vector.shape_cast %swap3A_1321 : vector<16xi32> to vector<16xi32>
      %swap3A_1323 = vector.shape_cast %add3A_1319 : vector<16xi32> to vector<16xi32>
      tpu.vector_store %arg12[%swap3A_1320], %swap3A_1323 {strides = array<i32>} : memref<128xi32, #tpu.memory_space<vmem>>, vector<16xi32>,
      %get3A_1324 = arith.index_cast %add3A_1309 : i32 to index
      %get3A_1325 = tpu.vector_load %arg10[%get3A_1324] {strides = array<i32>} : memref<1664xi32, #tpu.memory_space<vmem>>, vector<16xi32>,
      %get3A_1326 = vector.shape_cast %get3A_1325 : vector<16xi32> to vector<16xi32>
      %swap3A_1327 = arith.constant 96 : index
      %swap3A_1328 = tpu.vector_load %arg13[%swap3A_1327] {strides = array<i32>} : memref<128xi32, #tpu.memory_space<vmem>>, vector<16xi32>,
      %swap3A_1329 = vector.shape_cast %swap3A_1328 : vector<16xi32> to vector<16xi32>
      %swap3A_1330 = vector.shape_cast %get3A_1326 : vector<16xi32> to vector<16xi32>
      tpu.vector_store %arg13[%swap3A_1327], %swap3A_1330 {strides = array<i32>} : memref<128xi32, #tpu.memory_space<vmem>>, vector<16xi32>,
      %add3A_1331 = arith.constant 112 : i32
      %add3A_1332 = arith.addi %mul3A_1169, %add3A_1331 : i32
      %get3A_1333 = arith.index_cast %add3A_1332 : i32 to index
      %get3A_1334 = tpu.vector_load %arg11[%get3A_1333] {strides = array<i32>} : memref<1664xi32, #tpu.memory_space<vmem>>, vector<16xi32>,
      %get3A_1335 = vector.shape_cast %get3A_1334 : vector<16xi32> to vector<16xi32>
      %mul3A_1336 = arith.constant 10000 : i32
      %mul3A_1337 = vector.broadcast %mul3A_1336 : i32 to vector<16xi32>
      %mul3A_1338 = arith.muli %get3A_1335, %mul3A_1337 : vector<16xi32>
      %get3A_1339 = arith.index_cast %add3A_1332 : i32 to index
      %get3A_1340 = tpu.vector_load %arg9[%get3A_1339] {strides = array<i32>} : memref<1664xi32, #tpu.memory_space<vmem>>, vector<16xi32>,
      %get3A_1341 = vector.shape_cast %get3A_1340 : vector<16xi32> to vector<16xi32>
      %add3A_1342 = arith.addi %mul3A_1338, %get3A_1341 : vector<16xi32>
      %swap3A_1343 = arith.constant 112 : index
      %swap3A_1344 = tpu.vector_load %arg12[%swap3A_1343] {strides = array<i32>} : memref<128xi32, #tpu.memory_space<vmem>>, vector<16xi32>,
      %swap3A_1345 = vector.shape_cast %swap3A_1344 : vector<16xi32> to vector<16xi32>
      %swap3A_1346 = vector.shape_cast %add3A_1342 : vector<16xi32> to vector<16xi32>
      tpu.vector_store %arg12[%swap3A_1343], %swap3A_1346 {strides = array<i32>} : memref<128xi32, #tpu.memory_space<vmem>>, vector<16xi32>,
      %get3A_1347 = arith.index_cast %add3A_1332 : i32 to index
      %get3A_1348 = tpu.vector_load %arg10[%get3A_1347] {strides = array<i32>} : memref<1664xi32, #tpu.memory_space<vmem>>, vector<16xi32>,
      %get3A_1349 = vector.shape_cast %get3A_1348 : vector<16xi32> to vector<16xi32>
      %swap3A_1350 = arith.constant 112 : index
      %swap3A_1351 = tpu.vector_load %arg13[%swap3A_1350] {strides = array<i32>} : memref<128xi32, #tpu.memory_space<vmem>>, vector<16xi32>,
      %swap3A_1352 = vector.shape_cast %swap3A_1351 : vector<16xi32> to vector<16xi32>
      %swap3A_1353 = vector.shape_cast %get3A_1349 : vector<16xi32> to vector<16xi32>
      tpu.vector_store %arg13[%swap3A_1350], %swap3A_1353 {strides = array<i32>} : memref<128xi32, #tpu.memory_space<vmem>>, vector<16xi32>,
      %dma_wait3A_1354 = arith.constant 0 : i32
      %dma_wait3A_1355 = arith.constant 0 : i32
      %dma_wait3A_1356 = tpu.memref_slice %arg26[%dma_wait3A_1354, %dma_wait3A_1355] : memref<10000x128xf32, #tpu.memory_space<vmem_shared>> -> memref<10000x128xf32, #tpu.memory_space<vmem_shared>>
      tpu.wait_indirect_dma semaphore(%arg29 : memref<!tpu.dma_semaphore, #tpu.memory_space<semaphore_mem>>) src(%arg22 : memref<128x128xf32, #tpu.memory_space<vmem>>) dst(%dma_wait3A_1356 : memref<10000x128xf32, #tpu.memory_space<vmem_shared>>)
      %dma_start3A_1357 = arith.constant 0 : i32
      %dma_start3A_1358 = arith.constant 0 : i32
      %dma_start3A_1359 = tpu.memref_slice %arg2[%dma_start3A_1357, %dma_start3A_1358] : memref<90000x128xf32, #tpu.memory_space<hbm>> -> memref<90000x128xf32, #tpu.memory_space<hbm>>
      tpu.enqueue_indirect_dma source(%dma_start3A_1359 : memref<90000x128xf32, #tpu.memory_space<hbm>>) target(%arg22 : memref<128x128xf32, #tpu.memory_space<vmem>>) offsets(%arg12 : memref<128xi32, #tpu.memory_space<vmem>>) semaphore(%arg27 : memref<!tpu.dma_semaphore, #tpu.memory_space<semaphore_mem>>)
      %dma_wait3A_1360 = arith.constant 0 : i32
      %dma_wait3A_1361 = arith.constant 0 : i32
      %dma_wait3A_1362 = tpu.memref_slice %arg2[%dma_wait3A_1360, %dma_wait3A_1361] : memref<90000x128xf32, #tpu.memory_space<hbm>> -> memref<90000x128xf32, #tpu.memory_space<hbm>>
      tpu.wait_indirect_dma semaphore(%arg28 : memref<!tpu.dma_semaphore, #tpu.memory_space<semaphore_mem>>) src(%dma_wait3A_1362 : memref<90000x128xf32, #tpu.memory_space<hbm>>) dst(%arg23 : memref<128x128xf32, #tpu.memory_space<vmem>>)
      %dma_start3A_1363 = arith.constant 0 : i32
      %dma_start3A_1364 = arith.constant 0 : i32
      %dma_start3A_1365 = tpu.memref_slice %arg26[%dma_start3A_1363, %dma_start3A_1364] : memref<10000x128xf32, #tpu.memory_space<vmem_shared>> -> memref<10000x128xf32, #tpu.memory_space<vmem_shared>>
      tpu.enqueue_indirect_dma source(%arg23 : memref<128x128xf32, #tpu.memory_space<vmem>>) target(%dma_start3A_1365 : memref<10000x128xf32, #tpu.memory_space<vmem_shared>>) offsets(%arg17 : memref<128xi32, #tpu.memory_space<vmem>>) semaphore(%arg30 : memref<!tpu.dma_semaphore, #tpu.memory_space<semaphore_mem>>) {add = true}
      %mul3A_1366 = arith.constant 2 : i32
      %mul3A_1367 = arith.muli %mul3A_1366, %scan3A_950 : i32
      %add3A_1368 = arith.constant 2 : i32
      %add3A_1369 = arith.addi %mul3A_1367, %add3A_1368 : i32
      %dma_wait3A_1370 = arith.constant 0 : i32
      %dma_wait3A_1371 = arith.constant 0 : i32
      %dma_wait3A_1372 = tpu.memref_slice %arg26[%dma_wait3A_1370, %dma_wait3A_1371] : memref<10000x128xf32, #tpu.memory_space<vmem_shared>> -> memref<10000x128xf32, #tpu.memory_space<vmem_shared>>
      tpu.wait_indirect_dma semaphore(%arg30 : memref<!tpu.dma_semaphore, #tpu.memory_space<semaphore_mem>>) src(%arg23 : memref<128x128xf32, #tpu.memory_space<vmem>>) dst(%dma_wait3A_1372 : memref<10000x128xf32, #tpu.memory_space<vmem_shared>>)
      %rem3A_1373 = arith.constant 13 : i32
      %rem3A_1374 = arith.remsi %add3A_1369, %rem3A_1373 : i32
      %mul3A_1375 = arith.constant 128 : i32
      %mul3A_1376 = arith.muli %rem3A_1374, %mul3A_1375 : i32
      %add3A_1377 = arith.constant 0 : i32
      %add3A_1378 = arith.addi %mul3A_1376, %add3A_1377 : i32
      %get3A_1379 = arith.index_cast %add3A_1378 : i32 to index
      %get3A_1380 = tpu.vector_load %arg11[%get3A_1379] {strides = array<i32>} : memref<1664xi32, #tpu.memory_space<vmem>>, vector<16xi32>,
      %get3A_1381 = vector.shape_cast %get3A_1380 : vector<16xi32> to vector<16xi32>
      %mul3A_1382 = arith.constant 10000 : i32
      %mul3A_1383 = vector.broadcast %mul3A_1382 : i32 to vector<16xi32>
      %mul3A_1384 = arith.muli %get3A_1381, %mul3A_1383 : vector<16xi32>
      %get3A_1385 = arith.index_cast %add3A_1378 : i32 to index
      %get3A_1386 = tpu.vector_load %arg10[%get3A_1385] {strides = array<i32>} : memref<1664xi32, #tpu.memory_space<vmem>>, vector<16xi32>,
      %get3A_1387 = vector.shape_cast %get3A_1386 : vector<16xi32> to vector<16xi32>
      %add3A_1388 = arith.addi %mul3A_1384, %get3A_1387 : vector<16xi32>
      %swap3A_1389 = arith.constant 0 : index
      %swap3A_1390 = tpu.vector_load %arg16[%swap3A_1389] {strides = array<i32>} : memref<128xi32, #tpu.memory_space<vmem>>, vector<16xi32>,
      %swap3A_1391 = vector.shape_cast %swap3A_1390 : vector<16xi32> to vector<16xi32>
      %swap3A_1392 = vector.shape_cast %add3A_1388 : vector<16xi32> to vector<16xi32>
      tpu.vector_store %arg16[%swap3A_1389], %swap3A_1392 {strides = array<i32>} : memref<128xi32, #tpu.memory_space<vmem>>, vector<16xi32>,
      %get3A_1393 = arith.index_cast %add3A_1378 : i32 to index
      %get3A_1394 = tpu.vector_load %arg9[%get3A_1393] {strides = array<i32>} : memref<1664xi32, #tpu.memory_space<vmem>>, vector<16xi32>,
      %get3A_1395 = vector.shape_cast %get3A_1394 : vector<16xi32> to vector<16xi32>
      %swap3A_1396 = arith.constant 0 : index
      %swap3A_1397 = tpu.vector_load %arg17[%swap3A_1396] {strides = array<i32>} : memref<128xi32, #tpu.memory_space<vmem>>, vector<16xi32>,
      %swap3A_1398 = vector.shape_cast %swap3A_1397 : vector<16xi32> to vector<16xi32>
      %swap3A_1399 = vector.shape_cast %get3A_1395 : vector<16xi32> to vector<16xi32>
      tpu.vector_store %arg17[%swap3A_1396], %swap3A_1399 {strides = array<i32>} : memref<128xi32, #tpu.memory_space<vmem>>, vector<16xi32>,
      %add3A_1400 = arith.constant 16 : i32
      %add3A_1401 = arith.addi %mul3A_1376, %add3A_1400 : i32
      %get3A_1402 = arith.index_cast %add3A_1401 : i32 to index
      %get3A_1403 = tpu.vector_load %arg11[%get3A_1402] {strides = array<i32>} : memref<1664xi32, #tpu.memory_space<vmem>>, vector<16xi32>,
      %get3A_1404 = vector.shape_cast %get3A_1403 : vector<16xi32> to vector<16xi32>
      %mul3A_1405 = arith.constant 10000 : i32
      %mul3A_1406 = vector.broadcast %mul3A_1405 : i32 to vector<16xi32>
      %mul3A_1407 = arith.muli %get3A_1404, %mul3A_1406 : vector<16xi32>
      %get3A_1408 = arith.index_cast %add3A_1401 : i32 to index
      %get3A_1409 = tpu.vector_load %arg10[%get3A_1408] {strides = array<i32>} : memref<1664xi32, #tpu.memory_space<vmem>>, vector<16xi32>,
      %get3A_1410 = vector.shape_cast %get3A_1409 : vector<16xi32> to vector<16xi32>
      %add3A_1411 = arith.addi %mul3A_1407, %get3A_1410 : vector<16xi32>
      %swap3A_1412 = arith.constant 16 : index
      %swap3A_1413 = tpu.vector_load %arg16[%swap3A_1412] {strides = array<i32>} : memref<128xi32, #tpu.memory_space<vmem>>, vector<16xi32>,
      %swap3A_1414 = vector.shape_cast %swap3A_1413 : vector<16xi32> to vector<16xi32>
      %swap3A_1415 = vector.shape_cast %add3A_1411 : vector<16xi32> to vector<16xi32>
      tpu.vector_store %arg16[%swap3A_1412], %swap3A_1415 {strides = array<i32>} : memref<128xi32, #tpu.memory_space<vmem>>, vector<16xi32>,
      %get3A_1416 = arith.index_cast %add3A_1401 : i32 to index
      %get3A_1417 = tpu.vector_load %arg9[%get3A_1416] {strides = array<i32>} : memref<1664xi32, #tpu.memory_space<vmem>>, vector<16xi32>,
      %get3A_1418 = vector.shape_cast %get3A_1417 : vector<16xi32> to vector<16xi32>
      %swap3A_1419 = arith.constant 16 : index
      %swap3A_1420 = tpu.vector_load %arg17[%swap3A_1419] {strides = array<i32>} : memref<128xi32, #tpu.memory_space<vmem>>, vector<16xi32>,
      %swap3A_1421 = vector.shape_cast %swap3A_1420 : vector<16xi32> to vector<16xi32>
      %swap3A_1422 = vector.shape_cast %get3A_1418 : vector<16xi32> to vector<16xi32>
      tpu.vector_store %arg17[%swap3A_1419], %swap3A_1422 {strides = array<i32>} : memref<128xi32, #tpu.memory_space<vmem>>, vector<16xi32>,
      %add3A_1423 = arith.constant 32 : i32
      %add3A_1424 = arith.addi %mul3A_1376, %add3A_1423 : i32
      %get3A_1425 = arith.index_cast %add3A_1424 : i32 to index
      %get3A_1426 = tpu.vector_load %arg11[%get3A_1425] {strides = array<i32>} : memref<1664xi32, #tpu.memory_space<vmem>>, vector<16xi32>,
      %get3A_1427 = vector.shape_cast %get3A_1426 : vector<16xi32> to vector<16xi32>
      %mul3A_1428 = arith.constant 10000 : i32
      %mul3A_1429 = vector.broadcast %mul3A_1428 : i32 to vector<16xi32>
      %mul3A_1430 = arith.muli %get3A_1427, %mul3A_1429 : vector<16xi32>
      %get3A_1431 = arith.index_cast %add3A_1424 : i32 to index
      %get3A_1432 = tpu.vector_load %arg10[%get3A_1431] {strides = array<i32>} : memref<1664xi32, #tpu.memory_space<vmem>>, vector<16xi32>,
      %get3A_1433 = vector.shape_cast %get3A_1432 : vector<16xi32> to vector<16xi32>
      %add3A_1434 = arith.addi %mul3A_1430, %get3A_1433 : vector<16xi32>
      %swap3A_1435 = arith.constant 32 : index
      %swap3A_1436 = tpu.vector_load %arg16[%swap3A_1435] {strides = array<i32>} : memref<128xi32, #tpu.memory_space<vmem>>, vector<16xi32>,
      %swap3A_1437 = vector.shape_cast %swap3A_1436 : vector<16xi32> to vector<16xi32>
      %swap3A_1438 = vector.shape_cast %add3A_1434 : vector<16xi32> to vector<16xi32>
      tpu.vector_store %arg16[%swap3A_1435], %swap3A_1438 {strides = array<i32>} : memref<128xi32, #tpu.memory_space<vmem>>, vector<16xi32>,
      %get3A_1439 = arith.index_cast %add3A_1424 : i32 to index
      %get3A_1440 = tpu.vector_load %arg9[%get3A_1439] {strides = array<i32>} : memref<1664xi32, #tpu.memory_space<vmem>>, vector<16xi32>,
      %get3A_1441 = vector.shape_cast %get3A_1440 : vector<16xi32> to vector<16xi32>
      %swap3A_1442 = arith.constant 32 : index
      %swap3A_1443 = tpu.vector_load %arg17[%swap3A_1442] {strides = array<i32>} : memref<128xi32, #tpu.memory_space<vmem>>, vector<16xi32>,
      %swap3A_1444 = vector.shape_cast %swap3A_1443 : vector<16xi32> to vector<16xi32>
      %swap3A_1445 = vector.shape_cast %get3A_1441 : vector<16xi32> to vector<16xi32>
      tpu.vector_store %arg17[%swap3A_1442], %swap3A_1445 {strides = array<i32>} : memref<128xi32, #tpu.memory_space<vmem>>, vector<16xi32>,
      %add3A_1446 = arith.constant 48 : i32
      %add3A_1447 = arith.addi %mul3A_1376, %add3A_1446 : i32
      %get3A_1448 = arith.index_cast %add3A_1447 : i32 to index
      %get3A_1449 = tpu.vector_load %arg11[%get3A_1448] {strides = array<i32>} : memref<1664xi32, #tpu.memory_space<vmem>>, vector<16xi32>,
      %get3A_1450 = vector.shape_cast %get3A_1449 : vector<16xi32> to vector<16xi32>
      %mul3A_1451 = arith.constant 10000 : i32
      %mul3A_1452 = vector.broadcast %mul3A_1451 : i32 to vector<16xi32>
      %mul3A_1453 = arith.muli %get3A_1450, %mul3A_1452 : vector<16xi32>
      %get3A_1454 = arith.index_cast %add3A_1447 : i32 to index
      %get3A_1455 = tpu.vector_load %arg10[%get3A_1454] {strides = array<i32>} : memref<1664xi32, #tpu.memory_space<vmem>>, vector<16xi32>,
      %get3A_1456 = vector.shape_cast %get3A_1455 : vector<16xi32> to vector<16xi32>
      %add3A_1457 = arith.addi %mul3A_1453, %get3A_1456 : vector<16xi32>
      %swap3A_1458 = arith.constant 48 : index
      %swap3A_1459 = tpu.vector_load %arg16[%swap3A_1458] {strides = array<i32>} : memref<128xi32, #tpu.memory_space<vmem>>, vector<16xi32>,
      %swap3A_1460 = vector.shape_cast %swap3A_1459 : vector<16xi32> to vector<16xi32>
      %swap3A_1461 = vector.shape_cast %add3A_1457 : vector<16xi32> to vector<16xi32>
      tpu.vector_store %arg16[%swap3A_1458], %swap3A_1461 {strides = array<i32>} : memref<128xi32, #tpu.memory_space<vmem>>, vector<16xi32>,
      %get3A_1462 = arith.index_cast %add3A_1447 : i32 to index
      %get3A_1463 = tpu.vector_load %arg9[%get3A_1462] {strides = array<i32>} : memref<1664xi32, #tpu.memory_space<vmem>>, vector<16xi32>,
      %get3A_1464 = vector.shape_cast %get3A_1463 : vector<16xi32> to vector<16xi32>
      %swap3A_1465 = arith.constant 48 : index
      %swap3A_1466 = tpu.vector_load %arg17[%swap3A_1465] {strides = array<i32>} : memref<128xi32, #tpu.memory_space<vmem>>, vector<16xi32>,
      %swap3A_1467 = vector.shape_cast %swap3A_1466 : vector<16xi32> to vector<16xi32>
      %swap3A_1468 = vector.shape_cast %get3A_1464 : vector<16xi32> to vector<16xi32>
      tpu.vector_store %arg17[%swap3A_1465], %swap3A_1468 {strides = array<i32>} : memref<128xi32, #tpu.memory_space<vmem>>, vector<16xi32>,
      %add3A_1469 = arith.constant 64 : i32
      %add3A_1470 = arith.addi %mul3A_1376, %add3A_1469 : i32
      %get3A_1471 = arith.index_cast %add3A_1470 : i32 to index
      %get3A_1472 = tpu.vector_load %arg11[%get3A_1471] {strides = array<i32>} : memref<1664xi32, #tpu.memory_space<vmem>>, vector<16xi32>,
      %get3A_1473 = vector.shape_cast %get3A_1472 : vector<16xi32> to vector<16xi32>
      %mul3A_1474 = arith.constant 10000 : i32
      %mul3A_1475 = vector.broadcast %mul3A_1474 : i32 to vector<16xi32>
      %mul3A_1476 = arith.muli %get3A_1473, %mul3A_1475 : vector<16xi32>
      %get3A_1477 = arith.index_cast %add3A_1470 : i32 to index
      %get3A_1478 = tpu.vector_load %arg10[%get3A_1477] {strides = array<i32>} : memref<1664xi32, #tpu.memory_space<vmem>>, vector<16xi32>,
      %get3A_1479 = vector.shape_cast %get3A_1478 : vector<16xi32> to vector<16xi32>
      %add3A_1480 = arith.addi %mul3A_1476, %get3A_1479 : vector<16xi32>
      %swap3A_1481 = arith.constant 64 : index
      %swap3A_1482 = tpu.vector_load %arg16[%swap3A_1481] {strides = array<i32>} : memref<128xi32, #tpu.memory_space<vmem>>, vector<16xi32>,
      %swap3A_1483 = vector.shape_cast %swap3A_1482 : vector<16xi32> to vector<16xi32>
      %swap3A_1484 = vector.shape_cast %add3A_1480 : vector<16xi32> to vector<16xi32>
      tpu.vector_store %arg16[%swap3A_1481], %swap3A_1484 {strides = array<i32>} : memref<128xi32, #tpu.memory_space<vmem>>, vector<16xi32>,
      %get3A_1485 = arith.index_cast %add3A_1470 : i32 to index
      %get3A_1486 = tpu.vector_load %arg9[%get3A_1485] {strides = array<i32>} : memref<1664xi32, #tpu.memory_space<vmem>>, vector<16xi32>,
      %get3A_1487 = vector.shape_cast %get3A_1486 : vector<16xi32> to vector<16xi32>
      %swap3A_1488 = arith.constant 64 : index
      %swap3A_1489 = tpu.vector_load %arg17[%swap3A_1488] {strides = array<i32>} : memref<128xi32, #tpu.memory_space<vmem>>, vector<16xi32>,
      %swap3A_1490 = vector.shape_cast %swap3A_1489 : vector<16xi32> to vector<16xi32>
      %swap3A_1491 = vector.shape_cast %get3A_1487 : vector<16xi32> to vector<16xi32>
      tpu.vector_store %arg17[%swap3A_1488], %swap3A_1491 {strides = array<i32>} : memref<128xi32, #tpu.memory_space<vmem>>, vector<16xi32>,
      %add3A_1492 = arith.constant 80 : i32
      %add3A_1493 = arith.addi %mul3A_1376, %add3A_1492 : i32
      %get3A_1494 = arith.index_cast %add3A_1493 : i32 to index
      %get3A_1495 = tpu.vector_load %arg11[%get3A_1494] {strides = array<i32>} : memref<1664xi32, #tpu.memory_space<vmem>>, vector<16xi32>,
      %get3A_1496 = vector.shape_cast %get3A_1495 : vector<16xi32> to vector<16xi32>
      %mul3A_1497 = arith.constant 10000 : i32
      %mul3A_1498 = vector.broadcast %mul3A_1497 : i32 to vector<16xi32>
      %mul3A_1499 = arith.muli %get3A_1496, %mul3A_1498 : vector<16xi32>
      %get3A_1500 = arith.index_cast %add3A_1493 : i32 to index
      %get3A_1501 = tpu.vector_load %arg10[%get3A_1500] {strides = array<i32>} : memref<1664xi32, #tpu.memory_space<vmem>>, vector<16xi32>,
      %get3A_1502 = vector.shape_cast %get3A_1501 : vector<16xi32> to vector<16xi32>
      %add3A_1503 = arith.addi %mul3A_1499, %get3A_1502 : vector<16xi32>
      %swap3A_1504 = arith.constant 80 : index
      %swap3A_1505 = tpu.vector_load %arg16[%swap3A_1504] {strides = array<i32>} : memref<128xi32, #tpu.memory_space<vmem>>, vector<16xi32>,
      %swap3A_1506 = vector.shape_cast %swap3A_1505 : vector<16xi32> to vector<16xi32>
      %swap3A_1507 = vector.shape_cast %add3A_1503 : vector<16xi32> to vector<16xi32>
      tpu.vector_store %arg16[%swap3A_1504], %swap3A_1507 {strides = array<i32>} : memref<128xi32, #tpu.memory_space<vmem>>, vector<16xi32>,
      %get3A_1508 = arith.index_cast %add3A_1493 : i32 to index
      %get3A_1509 = tpu.vector_load %arg9[%get3A_1508] {strides = array<i32>} : memref<1664xi32, #tpu.memory_space<vmem>>, vector<16xi32>,
      %get3A_1510 = vector.shape_cast %get3A_1509 : vector<16xi32> to vector<16xi32>
      %swap3A_1511 = arith.constant 80 : index
      %swap3A_1512 = tpu.vector_load %arg17[%swap3A_1511] {strides = array<i32>} : memref<128xi32, #tpu.memory_space<vmem>>, vector<16xi32>,
      %swap3A_1513 = vector.shape_cast %swap3A_1512 : vector<16xi32> to vector<16xi32>
      %swap3A_1514 = vector.shape_cast %get3A_1510 : vector<16xi32> to vector<16xi32>
      tpu.vector_store %arg17[%swap3A_1511], %swap3A_1514 {strides = array<i32>} : memref<128xi32, #tpu.memory_space<vmem>>, vector<16xi32>,
      %add3A_1515 = arith.constant 96 : i32
      %add3A_1516 = arith.addi %mul3A_1376, %add3A_1515 : i32
      %get3A_1517 = arith.index_cast %add3A_1516 : i32 to index
      %get3A_1518 = tpu.vector_load %arg11[%get3A_1517] {strides = array<i32>} : memref<1664xi32, #tpu.memory_space<vmem>>, vector<16xi32>,
      %get3A_1519 = vector.shape_cast %get3A_1518 : vector<16xi32> to vector<16xi32>
      %mul3A_1520 = arith.constant 10000 : i32
      %mul3A_1521 = vector.broadcast %mul3A_1520 : i32 to vector<16xi32>
      %mul3A_1522 = arith.muli %get3A_1519, %mul3A_1521 : vector<16xi32>
      %get3A_1523 = arith.index_cast %add3A_1516 : i32 to index
      %get3A_1524 = tpu.vector_load %arg10[%get3A_1523] {strides = array<i32>} : memref<1664xi32, #tpu.memory_space<vmem>>, vector<16xi32>,
      %get3A_1525 = vector.shape_cast %get3A_1524 : vector<16xi32> to vector<16xi32>
      %add3A_1526 = arith.addi %mul3A_1522, %get3A_1525 : vector<16xi32>
      %swap3A_1527 = arith.constant 96 : index
      %swap3A_1528 = tpu.vector_load %arg16[%swap3A_1527] {strides = array<i32>} : memref<128xi32, #tpu.memory_space<vmem>>, vector<16xi32>,
      %swap3A_1529 = vector.shape_cast %swap3A_1528 : vector<16xi32> to vector<16xi32>
      %swap3A_1530 = vector.shape_cast %add3A_1526 : vector<16xi32> to vector<16xi32>
      tpu.vector_store %arg16[%swap3A_1527], %swap3A_1530 {strides = array<i32>} : memref<128xi32, #tpu.memory_space<vmem>>, vector<16xi32>,
      %get3A_1531 = arith.index_cast %add3A_1516 : i32 to index
      %get3A_1532 = tpu.vector_load %arg9[%get3A_1531] {strides = array<i32>} : memref<1664xi32, #tpu.memory_space<vmem>>, vector<16xi32>,
      %get3A_1533 = vector.shape_cast %get3A_1532 : vector<16xi32> to vector<16xi32>
      %swap3A_1534 = arith.constant 96 : index
      %swap3A_1535 = tpu.vector_load %arg17[%swap3A_1534] {strides = array<i32>} : memref<128xi32, #tpu.memory_space<vmem>>, vector<16xi32>,
      %swap3A_1536 = vector.shape_cast %swap3A_1535 : vector<16xi32> to vector<16xi32>
      %swap3A_1537 = vector.shape_cast %get3A_1533 : vector<16xi32> to vector<16xi32>
      tpu.vector_store %arg17[%swap3A_1534], %swap3A_1537 {strides = array<i32>} : memref<128xi32, #tpu.memory_space<vmem>>, vector<16xi32>,
      %add3A_1538 = arith.constant 112 : i32
      %add3A_1539 = arith.addi %mul3A_1376, %add3A_1538 : i32
      %get3A_1540 = arith.index_cast %add3A_1539 : i32 to index
      %get3A_1541 = tpu.vector_load %arg11[%get3A_1540] {strides = array<i32>} : memref<1664xi32, #tpu.memory_space<vmem>>, vector<16xi32>,
      %get3A_1542 = vector.shape_cast %get3A_1541 : vector<16xi32> to vector<16xi32>
      %mul3A_1543 = arith.constant 10000 : i32
      %mul3A_1544 = vector.broadcast %mul3A_1543 : i32 to vector<16xi32>
      %mul3A_1545 = arith.muli %get3A_1542, %mul3A_1544 : vector<16xi32>
      %get3A_1546 = arith.index_cast %add3A_1539 : i32 to index
      %get3A_1547 = tpu.vector_load %arg10[%get3A_1546] {strides = array<i32>} : memref<1664xi32, #tpu.memory_space<vmem>>, vector<16xi32>,
      %get3A_1548 = vector.shape_cast %get3A_1547 : vector<16xi32> to vector<16xi32>
      %add3A_1549 = arith.addi %mul3A_1545, %get3A_1548 : vector<16xi32>
      %swap3A_1550 = arith.constant 112 : index
      %swap3A_1551 = tpu.vector_load %arg16[%swap3A_1550] {strides = array<i32>} : memref<128xi32, #tpu.memory_space<vmem>>, vector<16xi32>,
      %swap3A_1552 = vector.shape_cast %swap3A_1551 : vector<16xi32> to vector<16xi32>
      %swap3A_1553 = vector.shape_cast %add3A_1549 : vector<16xi32> to vector<16xi32>
      tpu.vector_store %arg16[%swap3A_1550], %swap3A_1553 {strides = array<i32>} : memref<128xi32, #tpu.memory_space<vmem>>, vector<16xi32>,
      %get3A_1554 = arith.index_cast %add3A_1539 : i32 to index
      %get3A_1555 = tpu.vector_load %arg9[%get3A_1554] {strides = array<i32>} : memref<1664xi32, #tpu.memory_space<vmem>>, vector<16xi32>,
      %get3A_1556 = vector.shape_cast %get3A_1555 : vector<16xi32> to vector<16xi32>
      %swap3A_1557 = arith.constant 112 : index
      %swap3A_1558 = tpu.vector_load %arg17[%swap3A_1557] {strides = array<i32>} : memref<128xi32, #tpu.memory_space<vmem>>, vector<16xi32>,
      %swap3A_1559 = vector.shape_cast %swap3A_1558 : vector<16xi32> to vector<16xi32>
      %swap3A_1560 = vector.shape_cast %get3A_1556 : vector<16xi32> to vector<16xi32>
      tpu.vector_store %arg17[%swap3A_1557], %swap3A_1560 {strides = array<i32>} : memref<128xi32, #tpu.memory_space<vmem>>, vector<16xi32>,
      %dma_start3A_1561 = arith.constant 0 : i32
      %dma_start3A_1562 = arith.constant 0 : i32
      %dma_start3A_1563 = tpu.memref_slice %arg2[%dma_start3A_1561, %dma_start3A_1562] : memref<90000x128xf32, #tpu.memory_space<hbm>> -> memref<90000x128xf32, #tpu.memory_space<hbm>>
      tpu.enqueue_indirect_dma source(%dma_start3A_1563 : memref<90000x128xf32, #tpu.memory_space<hbm>>) target(%arg23 : memref<128x128xf32, #tpu.memory_space<vmem>>) offsets(%arg16 : memref<128xi32, #tpu.memory_space<vmem>>) semaphore(%arg28 : memref<!tpu.dma_semaphore, #tpu.memory_space<semaphore_mem>>)
      %dma_wait3A_1564 = arith.constant 0 : i32
      %dma_wait3A_1565 = arith.constant 0 : i32
      %dma_wait3A_1566 = tpu.memref_slice %arg2[%dma_wait3A_1564, %dma_wait3A_1565] : memref<90000x128xf32, #tpu.memory_space<hbm>> -> memref<90000x128xf32, #tpu.memory_space<hbm>>
      tpu.wait_indirect_dma semaphore(%arg27 : memref<!tpu.dma_semaphore, #tpu.memory_space<semaphore_mem>>) src(%dma_wait3A_1566 : memref<90000x128xf32, #tpu.memory_space<hbm>>) dst(%arg22 : memref<128x128xf32, #tpu.memory_space<vmem>>)
      %dma_start3A_1567 = arith.constant 0 : i32
      %dma_start3A_1568 = arith.constant 0 : i32
      %dma_start3A_1569 = tpu.memref_slice %arg26[%dma_start3A_1567, %dma_start3A_1568] : memref<10000x128xf32, #tpu.memory_space<vmem_shared>> -> memref<10000x128xf32, #tpu.memory_space<vmem_shared>>
      tpu.enqueue_indirect_dma source(%arg22 : memref<128x128xf32, #tpu.memory_space<vmem>>) target(%dma_start3A_1569 : memref<10000x128xf32, #tpu.memory_space<vmem_shared>>) offsets(%arg13 : memref<128xi32, #tpu.memory_space<vmem>>) semaphore(%arg29 : memref<!tpu.dma_semaphore, #tpu.memory_space<semaphore_mem>>) {add = true}
      %add3A_1570 = arith.constant 1 : i32
      %add3A_1571 = arith.addi %add3A_1369, %add3A_1570 : i32
      %rem3A_1572 = arith.constant 13 : i32
      %rem3A_1573 = arith.remsi %add3A_1571, %rem3A_1572 : i32
      %eq3A_1574 = arith.constant 0 : i32
      %eq3A_1575 = arith.cmpi eq, %rem3A_1573, %eq3A_1574 : i32
      %convert_element_type3A_1576 = arith.extui %eq3A_1575 : i1 to i32
      %cond3A_1577 = arith.constant 0 : i32
      %cond3A_1578 = arith.cmpi ne, %convert_element_type3A_1576, %cond3A_1577 : i32
      scf.if %cond3A_1578 {
        %add3A_1781 = arith.constant 1 : i32
        %add3A_1782 = arith.addi %add3A_1369, %add3A_1781 : i32
        %div3A = arith.constant 13 : i32
        %div3A_1783 = arith.divsi %add3A_1782, %div3A : i32
        %mul3A_1784 = arith.constant 13 : i32
        %mul3A_1785 = arith.muli %div3A_1783, %mul3A_1784 : i32
        %mul3A_1786 = arith.constant 128 : i32
        %mul3A_1787 = arith.muli %mul3A_1785, %mul3A_1786 : i32
        %add3A_1788 = arith.addi %mul3A_12, %mul3A_1787 : i32
        "tpu.region"() ({
          %run_scoped3A = tpu.sem_alloc : memref<!tpu.dma_semaphore, #tpu.memory_space<semaphore_mem>>
          %dma_start3A_1789 = tpu.memref_slice %arg3[%add3A_1788] : memref<320000xi32, #tpu.memory_space<hbm>> -> memref<1664xi32, #tpu.memory_space<hbm>>
          %dma_start3A_1790 = tpu.memref_slice %arg3[%add3A_1788] : memref<320000xi32, #tpu.memory_space<hbm>> -> memref<1664xi32, #tpu.memory_space<hbm>>
          tpu.enqueue_dma source(%dma_start3A_1790 : memref<1664xi32, #tpu.memory_space<hbm>>) target(%arg9 : memref<1664xi32, #tpu.memory_space<vmem>>) target_semaphore(%run_scoped3A : memref<!tpu.dma_semaphore, #tpu.memory_space<semaphore_mem>>)
          %dma_wait3A_1791 = tpu.memref_slice %arg3[%add3A_1788] : memref<320000xi32, #tpu.memory_space<hbm>> -> memref<1664xi32, #tpu.memory_space<hbm>>
          %dma_wait3A_1792 = tpu.memref_slice %arg3[%add3A_1788] : memref<320000xi32, #tpu.memory_space<hbm>> -> memref<1664xi32, #tpu.memory_space<hbm>>
          tpu.wait_dma2 semaphore(%run_scoped3A : memref<!tpu.dma_semaphore, #tpu.memory_space<semaphore_mem>>) src(%dma_wait3A_1792 : memref<1664xi32, #tpu.memory_space<hbm>>) dst(%arg9 : memref<1664xi32, #tpu.memory_space<vmem>>)
          tpu.yield
        }) : () -> ()
        "tpu.region"() ({
          %run_scoped3A = tpu.sem_alloc : memref<!tpu.dma_semaphore, #tpu.memory_space<semaphore_mem>>
          %dma_start3A_1789 = tpu.memref_slice %arg4[%add3A_1788] : memref<320000xi32, #tpu.memory_space<hbm>> -> memref<1664xi32, #tpu.memory_space<hbm>>
          %dma_start3A_1790 = tpu.memref_slice %arg4[%add3A_1788] : memref<320000xi32, #tpu.memory_space<hbm>> -> memref<1664xi32, #tpu.memory_space<hbm>>
          tpu.enqueue_dma source(%dma_start3A_1790 : memref<1664xi32, #tpu.memory_space<hbm>>) target(%arg10 : memref<1664xi32, #tpu.memory_space<vmem>>) target_semaphore(%run_scoped3A : memref<!tpu.dma_semaphore, #tpu.memory_space<semaphore_mem>>)
          %dma_wait3A_1791 = tpu.memref_slice %arg4[%add3A_1788] : memref<320000xi32, #tpu.memory_space<hbm>> -> memref<1664xi32, #tpu.memory_space<hbm>>
          %dma_wait3A_1792 = tpu.memref_slice %arg4[%add3A_1788] : memref<320000xi32, #tpu.memory_space<hbm>> -> memref<1664xi32, #tpu.memory_space<hbm>>
          tpu.wait_dma2 semaphore(%run_scoped3A : memref<!tpu.dma_semaphore, #tpu.memory_space<semaphore_mem>>) src(%dma_wait3A_1792 : memref<1664xi32, #tpu.memory_space<hbm>>) dst(%arg10 : memref<1664xi32, #tpu.memory_space<vmem>>)
          tpu.yield
        }) : () -> ()
        "tpu.region"() ({
          %run_scoped3A = tpu.sem_alloc : memref<!tpu.dma_semaphore, #tpu.memory_space<semaphore_mem>>
          %dma_start3A_1789 = tpu.memref_slice %arg5[%add3A_1788] : memref<320000xi32, #tpu.memory_space<hbm>> -> memref<1664xi32, #tpu.memory_space<hbm>>
          %dma_start3A_1790 = tpu.memref_slice %arg5[%add3A_1788] : memref<320000xi32, #tpu.memory_space<hbm>> -> memref<1664xi32, #tpu.memory_space<hbm>>
          tpu.enqueue_dma source(%dma_start3A_1790 : memref<1664xi32, #tpu.memory_space<hbm>>) target(%arg11 : memref<1664xi32, #tpu.memory_space<vmem>>) target_semaphore(%run_scoped3A : memref<!tpu.dma_semaphore, #tpu.memory_space<semaphore_mem>>)
          %dma_wait3A_1791 = tpu.memref_slice %arg5[%add3A_1788] : memref<320000xi32, #tpu.memory_space<hbm>> -> memref<1664xi32, #tpu.memory_space<hbm>>
          %dma_wait3A_1792 = tpu.memref_slice %arg5[%add3A_1788] : memref<320000xi32, #tpu.memory_space<hbm>> -> memref<1664xi32, #tpu.memory_space<hbm>>
          tpu.wait_dma2 semaphore(%run_scoped3A : memref<!tpu.dma_semaphore, #tpu.memory_space<semaphore_mem>>) src(%dma_wait3A_1792 : memref<1664xi32, #tpu.memory_space<hbm>>) dst(%arg11 : memref<1664xi32, #tpu.memory_space<vmem>>)
          tpu.yield
        }) : () -> ()
      } else {
      }
      %add3A_1579 = arith.constant 1 : i32
      %add3A_1580 = arith.addi %add3A_1369, %add3A_1579 : i32
      %rem3A_1581 = arith.constant 13 : i32
      %rem3A_1582 = arith.remsi %add3A_1580, %rem3A_1581 : i32
      %mul3A_1583 = arith.constant 128 : i32
      %mul3A_1584 = arith.muli %rem3A_1582, %mul3A_1583 : i32
      %add3A_1585 = arith.constant 0 : i32
      %add3A_1586 = arith.addi %mul3A_1584, %add3A_1585 : i32
      %get3A_1587 = arith.index_cast %add3A_1586 : i32 to index
      %get3A_1588 = tpu.vector_load %arg11[%get3A_1587] {strides = array<i32>} : memref<1664xi32, #tpu.memory_space<vmem>>, vector<16xi32>,
      %get3A_1589 = vector.shape_cast %get3A_1588 : vector<16xi32> to vector<16xi32>
      %mul3A_1590 = arith.constant 10000 : i32
      %mul3A_1591 = vector.broadcast %mul3A_1590 : i32 to vector<16xi32>
      %mul3A_1592 = arith.muli %get3A_1589, %mul3A_1591 : vector<16xi32>
      %get3A_1593 = arith.index_cast %add3A_1586 : i32 to index
      %get3A_1594 = tpu.vector_load %arg9[%get3A_1593] {strides = array<i32>} : memref<1664xi32, #tpu.memory_space<vmem>>, vector<16xi32>,
      %get3A_1595 = vector.shape_cast %get3A_1594 : vector<16xi32> to vector<16xi32>
      %add3A_1596 = arith.addi %mul3A_1592, %get3A_1595 : vector<16xi32>
      %swap3A_1597 = arith.constant 0 : index
      %swap3A_1598 = tpu.vector_load %arg14[%swap3A_1597] {strides = array<i32>} : memref<128xi32, #tpu.memory_space<vmem>>, vector<16xi32>,
      %swap3A_1599 = vector.shape_cast %swap3A_1598 : vector<16xi32> to vector<16xi32>
      %swap3A_1600 = vector.shape_cast %add3A_1596 : vector<16xi32> to vector<16xi32>
      tpu.vector_store %arg14[%swap3A_1597], %swap3A_1600 {strides = array<i32>} : memref<128xi32, #tpu.memory_space<vmem>>, vector<16xi32>,
      %get3A_1601 = arith.index_cast %add3A_1586 : i32 to index
      %get3A_1602 = tpu.vector_load %arg10[%get3A_1601] {strides = array<i32>} : memref<1664xi32, #tpu.memory_space<vmem>>, vector<16xi32>,
      %get3A_1603 = vector.shape_cast %get3A_1602 : vector<16xi32> to vector<16xi32>
      %swap3A_1604 = arith.constant 0 : index
      %swap3A_1605 = tpu.vector_load %arg15[%swap3A_1604] {strides = array<i32>} : memref<128xi32, #tpu.memory_space<vmem>>, vector<16xi32>,
      %swap3A_1606 = vector.shape_cast %swap3A_1605 : vector<16xi32> to vector<16xi32>
      %swap3A_1607 = vector.shape_cast %get3A_1603 : vector<16xi32> to vector<16xi32>
      tpu.vector_store %arg15[%swap3A_1604], %swap3A_1607 {strides = array<i32>} : memref<128xi32, #tpu.memory_space<vmem>>, vector<16xi32>,
      %add3A_1608 = arith.constant 16 : i32
      %add3A_1609 = arith.addi %mul3A_1584, %add3A_1608 : i32
      %get3A_1610 = arith.index_cast %add3A_1609 : i32 to index
      %get3A_1611 = tpu.vector_load %arg11[%get3A_1610] {strides = array<i32>} : memref<1664xi32, #tpu.memory_space<vmem>>, vector<16xi32>,
      %get3A_1612 = vector.shape_cast %get3A_1611 : vector<16xi32> to vector<16xi32>
      %mul3A_1613 = arith.constant 10000 : i32
      %mul3A_1614 = vector.broadcast %mul3A_1613 : i32 to vector<16xi32>
      %mul3A_1615 = arith.muli %get3A_1612, %mul3A_1614 : vector<16xi32>
      %get3A_1616 = arith.index_cast %add3A_1609 : i32 to index
      %get3A_1617 = tpu.vector_load %arg9[%get3A_1616] {strides = array<i32>} : memref<1664xi32, #tpu.memory_space<vmem>>, vector<16xi32>,
      %get3A_1618 = vector.shape_cast %get3A_1617 : vector<16xi32> to vector<16xi32>
      %add3A_1619 = arith.addi %mul3A_1615, %get3A_1618 : vector<16xi32>
      %swap3A_1620 = arith.constant 16 : index
      %swap3A_1621 = tpu.vector_load %arg14[%swap3A_1620] {strides = array<i32>} : memref<128xi32, #tpu.memory_space<vmem>>, vector<16xi32>,
      %swap3A_1622 = vector.shape_cast %swap3A_1621 : vector<16xi32> to vector<16xi32>
      %swap3A_1623 = vector.shape_cast %add3A_1619 : vector<16xi32> to vector<16xi32>
      tpu.vector_store %arg14[%swap3A_1620], %swap3A_1623 {strides = array<i32>} : memref<128xi32, #tpu.memory_space<vmem>>, vector<16xi32>,
      %get3A_1624 = arith.index_cast %add3A_1609 : i32 to index
      %get3A_1625 = tpu.vector_load %arg10[%get3A_1624] {strides = array<i32>} : memref<1664xi32, #tpu.memory_space<vmem>>, vector<16xi32>,
      %get3A_1626 = vector.shape_cast %get3A_1625 : vector<16xi32> to vector<16xi32>
      %swap3A_1627 = arith.constant 16 : index
      %swap3A_1628 = tpu.vector_load %arg15[%swap3A_1627] {strides = array<i32>} : memref<128xi32, #tpu.memory_space<vmem>>, vector<16xi32>,
      %swap3A_1629 = vector.shape_cast %swap3A_1628 : vector<16xi32> to vector<16xi32>
      %swap3A_1630 = vector.shape_cast %get3A_1626 : vector<16xi32> to vector<16xi32>
      tpu.vector_store %arg15[%swap3A_1627], %swap3A_1630 {strides = array<i32>} : memref<128xi32, #tpu.memory_space<vmem>>, vector<16xi32>,
      %add3A_1631 = arith.constant 32 : i32
      %add3A_1632 = arith.addi %mul3A_1584, %add3A_1631 : i32
      %get3A_1633 = arith.index_cast %add3A_1632 : i32 to index
      %get3A_1634 = tpu.vector_load %arg11[%get3A_1633] {strides = array<i32>} : memref<1664xi32, #tpu.memory_space<vmem>>, vector<16xi32>,
      %get3A_1635 = vector.shape_cast %get3A_1634 : vector<16xi32> to vector<16xi32>
      %mul3A_1636 = arith.constant 10000 : i32
      %mul3A_1637 = vector.broadcast %mul3A_1636 : i32 to vector<16xi32>
      %mul3A_1638 = arith.muli %get3A_1635, %mul3A_1637 : vector<16xi32>
      %get3A_1639 = arith.index_cast %add3A_1632 : i32 to index
      %get3A_1640 = tpu.vector_load %arg9[%get3A_1639] {strides = array<i32>} : memref<1664xi32, #tpu.memory_space<vmem>>, vector<16xi32>,
      %get3A_1641 = vector.shape_cast %get3A_1640 : vector<16xi32> to vector<16xi32>
      %add3A_1642 = arith.addi %mul3A_1638, %get3A_1641 : vector<16xi32>
      %swap3A_1643 = arith.constant 32 : index
      %swap3A_1644 = tpu.vector_load %arg14[%swap3A_1643] {strides = array<i32>} : memref<128xi32, #tpu.memory_space<vmem>>, vector<16xi32>,
      %swap3A_1645 = vector.shape_cast %swap3A_1644 : vector<16xi32> to vector<16xi32>
      %swap3A_1646 = vector.shape_cast %add3A_1642 : vector<16xi32> to vector<16xi32>
      tpu.vector_store %arg14[%swap3A_1643], %swap3A_1646 {strides = array<i32>} : memref<128xi32, #tpu.memory_space<vmem>>, vector<16xi32>,
      %get3A_1647 = arith.index_cast %add3A_1632 : i32 to index
      %get3A_1648 = tpu.vector_load %arg10[%get3A_1647] {strides = array<i32>} : memref<1664xi32, #tpu.memory_space<vmem>>, vector<16xi32>,
      %get3A_1649 = vector.shape_cast %get3A_1648 : vector<16xi32> to vector<16xi32>
      %swap3A_1650 = arith.constant 32 : index
      %swap3A_1651 = tpu.vector_load %arg15[%swap3A_1650] {strides = array<i32>} : memref<128xi32, #tpu.memory_space<vmem>>, vector<16xi32>,
      %swap3A_1652 = vector.shape_cast %swap3A_1651 : vector<16xi32> to vector<16xi32>
      %swap3A_1653 = vector.shape_cast %get3A_1649 : vector<16xi32> to vector<16xi32>
      tpu.vector_store %arg15[%swap3A_1650], %swap3A_1653 {strides = array<i32>} : memref<128xi32, #tpu.memory_space<vmem>>, vector<16xi32>,
      %add3A_1654 = arith.constant 48 : i32
      %add3A_1655 = arith.addi %mul3A_1584, %add3A_1654 : i32
      %get3A_1656 = arith.index_cast %add3A_1655 : i32 to index
      %get3A_1657 = tpu.vector_load %arg11[%get3A_1656] {strides = array<i32>} : memref<1664xi32, #tpu.memory_space<vmem>>, vector<16xi32>,
      %get3A_1658 = vector.shape_cast %get3A_1657 : vector<16xi32> to vector<16xi32>
      %mul3A_1659 = arith.constant 10000 : i32
      %mul3A_1660 = vector.broadcast %mul3A_1659 : i32 to vector<16xi32>
      %mul3A_1661 = arith.muli %get3A_1658, %mul3A_1660 : vector<16xi32>
      %get3A_1662 = arith.index_cast %add3A_1655 : i32 to index
      %get3A_1663 = tpu.vector_load %arg9[%get3A_1662] {strides = array<i32>} : memref<1664xi32, #tpu.memory_space<vmem>>, vector<16xi32>,
      %get3A_1664 = vector.shape_cast %get3A_1663 : vector<16xi32> to vector<16xi32>
      %add3A_1665 = arith.addi %mul3A_1661, %get3A_1664 : vector<16xi32>
      %swap3A_1666 = arith.constant 48 : index
      %swap3A_1667 = tpu.vector_load %arg14[%swap3A_1666] {strides = array<i32>} : memref<128xi32, #tpu.memory_space<vmem>>, vector<16xi32>,
      %swap3A_1668 = vector.shape_cast %swap3A_1667 : vector<16xi32> to vector<16xi32>
      %swap3A_1669 = vector.shape_cast %add3A_1665 : vector<16xi32> to vector<16xi32>
      tpu.vector_store %arg14[%swap3A_1666], %swap3A_1669 {strides = array<i32>} : memref<128xi32, #tpu.memory_space<vmem>>, vector<16xi32>,
      %get3A_1670 = arith.index_cast %add3A_1655 : i32 to index
      %get3A_1671 = tpu.vector_load %arg10[%get3A_1670] {strides = array<i32>} : memref<1664xi32, #tpu.memory_space<vmem>>, vector<16xi32>,
      %get3A_1672 = vector.shape_cast %get3A_1671 : vector<16xi32> to vector<16xi32>
      %swap3A_1673 = arith.constant 48 : index
      %swap3A_1674 = tpu.vector_load %arg15[%swap3A_1673] {strides = array<i32>} : memref<128xi32, #tpu.memory_space<vmem>>, vector<16xi32>,
      %swap3A_1675 = vector.shape_cast %swap3A_1674 : vector<16xi32> to vector<16xi32>
      %swap3A_1676 = vector.shape_cast %get3A_1672 : vector<16xi32> to vector<16xi32>
      tpu.vector_store %arg15[%swap3A_1673], %swap3A_1676 {strides = array<i32>} : memref<128xi32, #tpu.memory_space<vmem>>, vector<16xi32>,
      %add3A_1677 = arith.constant 64 : i32
      %add3A_1678 = arith.addi %mul3A_1584, %add3A_1677 : i32
      %get3A_1679 = arith.index_cast %add3A_1678 : i32 to index
      %get3A_1680 = tpu.vector_load %arg11[%get3A_1679] {strides = array<i32>} : memref<1664xi32, #tpu.memory_space<vmem>>, vector<16xi32>,
      %get3A_1681 = vector.shape_cast %get3A_1680 : vector<16xi32> to vector<16xi32>
      %mul3A_1682 = arith.constant 10000 : i32
      %mul3A_1683 = vector.broadcast %mul3A_1682 : i32 to vector<16xi32>
      %mul3A_1684 = arith.muli %get3A_1681, %mul3A_1683 : vector<16xi32>
      %get3A_1685 = arith.index_cast %add3A_1678 : i32 to index
      %get3A_1686 = tpu.vector_load %arg9[%get3A_1685] {strides = array<i32>} : memref<1664xi32, #tpu.memory_space<vmem>>, vector<16xi32>,
      %get3A_1687 = vector.shape_cast %get3A_1686 : vector<16xi32> to vector<16xi32>
      %add3A_1688 = arith.addi %mul3A_1684, %get3A_1687 : vector<16xi32>
      %swap3A_1689 = arith.constant 64 : index
      %swap3A_1690 = tpu.vector_load %arg14[%swap3A_1689] {strides = array<i32>} : memref<128xi32, #tpu.memory_space<vmem>>, vector<16xi32>,
      %swap3A_1691 = vector.shape_cast %swap3A_1690 : vector<16xi32> to vector<16xi32>
      %swap3A_1692 = vector.shape_cast %add3A_1688 : vector<16xi32> to vector<16xi32>
      tpu.vector_store %arg14[%swap3A_1689], %swap3A_1692 {strides = array<i32>} : memref<128xi32, #tpu.memory_space<vmem>>, vector<16xi32>,
      %get3A_1693 = arith.index_cast %add3A_1678 : i32 to index
      %get3A_1694 = tpu.vector_load %arg10[%get3A_1693] {strides = array<i32>} : memref<1664xi32, #tpu.memory_space<vmem>>, vector<16xi32>,
      %get3A_1695 = vector.shape_cast %get3A_1694 : vector<16xi32> to vector<16xi32>
      %swap3A_1696 = arith.constant 64 : index
      %swap3A_1697 = tpu.vector_load %arg15[%swap3A_1696] {strides = array<i32>} : memref<128xi32, #tpu.memory_space<vmem>>, vector<16xi32>,
      %swap3A_1698 = vector.shape_cast %swap3A_1697 : vector<16xi32> to vector<16xi32>
      %swap3A_1699 = vector.shape_cast %get3A_1695 : vector<16xi32> to vector<16xi32>
      tpu.vector_store %arg15[%swap3A_1696], %swap3A_1699 {strides = array<i32>} : memref<128xi32, #tpu.memory_space<vmem>>, vector<16xi32>,
      %add3A_1700 = arith.constant 80 : i32
      %add3A_1701 = arith.addi %mul3A_1584, %add3A_1700 : i32
      %get3A_1702 = arith.index_cast %add3A_1701 : i32 to index
      %get3A_1703 = tpu.vector_load %arg11[%get3A_1702] {strides = array<i32>} : memref<1664xi32, #tpu.memory_space<vmem>>, vector<16xi32>,
      %get3A_1704 = vector.shape_cast %get3A_1703 : vector<16xi32> to vector<16xi32>
      %mul3A_1705 = arith.constant 10000 : i32
      %mul3A_1706 = vector.broadcast %mul3A_1705 : i32 to vector<16xi32>
      %mul3A_1707 = arith.muli %get3A_1704, %mul3A_1706 : vector<16xi32>
      %get3A_1708 = arith.index_cast %add3A_1701 : i32 to index
      %get3A_1709 = tpu.vector_load %arg9[%get3A_1708] {strides = array<i32>} : memref<1664xi32, #tpu.memory_space<vmem>>, vector<16xi32>,
      %get3A_1710 = vector.shape_cast %get3A_1709 : vector<16xi32> to vector<16xi32>
      %add3A_1711 = arith.addi %mul3A_1707, %get3A_1710 : vector<16xi32>
      %swap3A_1712 = arith.constant 80 : index
      %swap3A_1713 = tpu.vector_load %arg14[%swap3A_1712] {strides = array<i32>} : memref<128xi32, #tpu.memory_space<vmem>>, vector<16xi32>,
      %swap3A_1714 = vector.shape_cast %swap3A_1713 : vector<16xi32> to vector<16xi32>
      %swap3A_1715 = vector.shape_cast %add3A_1711 : vector<16xi32> to vector<16xi32>
      tpu.vector_store %arg14[%swap3A_1712], %swap3A_1715 {strides = array<i32>} : memref<128xi32, #tpu.memory_space<vmem>>, vector<16xi32>,
      %get3A_1716 = arith.index_cast %add3A_1701 : i32 to index
      %get3A_1717 = tpu.vector_load %arg10[%get3A_1716] {strides = array<i32>} : memref<1664xi32, #tpu.memory_space<vmem>>, vector<16xi32>,
      %get3A_1718 = vector.shape_cast %get3A_1717 : vector<16xi32> to vector<16xi32>
      %swap3A_1719 = arith.constant 80 : index
      %swap3A_1720 = tpu.vector_load %arg15[%swap3A_1719] {strides = array<i32>} : memref<128xi32, #tpu.memory_space<vmem>>, vector<16xi32>,
      %swap3A_1721 = vector.shape_cast %swap3A_1720 : vector<16xi32> to vector<16xi32>
      %swap3A_1722 = vector.shape_cast %get3A_1718 : vector<16xi32> to vector<16xi32>
      tpu.vector_store %arg15[%swap3A_1719], %swap3A_1722 {strides = array<i32>} : memref<128xi32, #tpu.memory_space<vmem>>, vector<16xi32>,
      %add3A_1723 = arith.constant 96 : i32
      %add3A_1724 = arith.addi %mul3A_1584, %add3A_1723 : i32
      %get3A_1725 = arith.index_cast %add3A_1724 : i32 to index
      %get3A_1726 = tpu.vector_load %arg11[%get3A_1725] {strides = array<i32>} : memref<1664xi32, #tpu.memory_space<vmem>>, vector<16xi32>,
      %get3A_1727 = vector.shape_cast %get3A_1726 : vector<16xi32> to vector<16xi32>
      %mul3A_1728 = arith.constant 10000 : i32
      %mul3A_1729 = vector.broadcast %mul3A_1728 : i32 to vector<16xi32>
      %mul3A_1730 = arith.muli %get3A_1727, %mul3A_1729 : vector<16xi32>
      %get3A_1731 = arith.index_cast %add3A_1724 : i32 to index
      %get3A_1732 = tpu.vector_load %arg9[%get3A_1731] {strides = array<i32>} : memref<1664xi32, #tpu.memory_space<vmem>>, vector<16xi32>,
      %get3A_1733 = vector.shape_cast %get3A_1732 : vector<16xi32> to vector<16xi32>
      %add3A_1734 = arith.addi %mul3A_1730, %get3A_1733 : vector<16xi32>
      %swap3A_1735 = arith.constant 96 : index
      %swap3A_1736 = tpu.vector_load %arg14[%swap3A_1735] {strides = array<i32>} : memref<128xi32, #tpu.memory_space<vmem>>, vector<16xi32>,
      %swap3A_1737 = vector.shape_cast %swap3A_1736 : vector<16xi32> to vector<16xi32>
      %swap3A_1738 = vector.shape_cast %add3A_1734 : vector<16xi32> to vector<16xi32>
      tpu.vector_store %arg14[%swap3A_1735], %swap3A_1738 {strides = array<i32>} : memref<128xi32, #tpu.memory_space<vmem>>, vector<16xi32>,
      %get3A_1739 = arith.index_cast %add3A_1724 : i32 to index
      %get3A_1740 = tpu.vector_load %arg10[%get3A_1739] {strides = array<i32>} : memref<1664xi32, #tpu.memory_space<vmem>>, vector<16xi32>,
      %get3A_1741 = vector.shape_cast %get3A_1740 : vector<16xi32> to vector<16xi32>
      %swap3A_1742 = arith.constant 96 : index
      %swap3A_1743 = tpu.vector_load %arg15[%swap3A_1742] {strides = array<i32>} : memref<128xi32, #tpu.memory_space<vmem>>, vector<16xi32>,
      %swap3A_1744 = vector.shape_cast %swap3A_1743 : vector<16xi32> to vector<16xi32>
      %swap3A_1745 = vector.shape_cast %get3A_1741 : vector<16xi32> to vector<16xi32>
      tpu.vector_store %arg15[%swap3A_1742], %swap3A_1745 {strides = array<i32>} : memref<128xi32, #tpu.memory_space<vmem>>, vector<16xi32>,
      %add3A_1746 = arith.constant 112 : i32
      %add3A_1747 = arith.addi %mul3A_1584, %add3A_1746 : i32
      %get3A_1748 = arith.index_cast %add3A_1747 : i32 to index
      %get3A_1749 = tpu.vector_load %arg11[%get3A_1748] {strides = array<i32>} : memref<1664xi32, #tpu.memory_space<vmem>>, vector<16xi32>,
      %get3A_1750 = vector.shape_cast %get3A_1749 : vector<16xi32> to vector<16xi32>
      %mul3A_1751 = arith.constant 10000 : i32
      %mul3A_1752 = vector.broadcast %mul3A_1751 : i32 to vector<16xi32>
      %mul3A_1753 = arith.muli %get3A_1750, %mul3A_1752 : vector<16xi32>
      %get3A_1754 = arith.index_cast %add3A_1747 : i32 to index
      %get3A_1755 = tpu.vector_load %arg9[%get3A_1754] {strides = array<i32>} : memref<1664xi32, #tpu.memory_space<vmem>>, vector<16xi32>,
      %get3A_1756 = vector.shape_cast %get3A_1755 : vector<16xi32> to vector<16xi32>
      %add3A_1757 = arith.addi %mul3A_1753, %get3A_1756 : vector<16xi32>
      %swap3A_1758 = arith.constant 112 : index
      %swap3A_1759 = tpu.vector_load %arg14[%swap3A_1758] {strides = array<i32>} : memref<128xi32, #tpu.memory_space<vmem>>, vector<16xi32>,
      %swap3A_1760 = vector.shape_cast %swap3A_1759 : vector<16xi32> to vector<16xi32>
      %swap3A_1761 = vector.shape_cast %add3A_1757 : vector<16xi32> to vector<16xi32>
      tpu.vector_store %arg14[%swap3A_1758], %swap3A_1761 {strides = array<i32>} : memref<128xi32, #tpu.memory_space<vmem>>, vector<16xi32>,
      %get3A_1762 = arith.index_cast %add3A_1747 : i32 to index
      %get3A_1763 = tpu.vector_load %arg10[%get3A_1762] {strides = array<i32>} : memref<1664xi32, #tpu.memory_space<vmem>>, vector<16xi32>,
      %get3A_1764 = vector.shape_cast %get3A_1763 : vector<16xi32> to vector<16xi32>
      %swap3A_1765 = arith.constant 112 : index
      %swap3A_1766 = tpu.vector_load %arg15[%swap3A_1765] {strides = array<i32>} : memref<128xi32, #tpu.memory_space<vmem>>, vector<16xi32>,
      %swap3A_1767 = vector.shape_cast %swap3A_1766 : vector<16xi32> to vector<16xi32>
      %swap3A_1768 = vector.shape_cast %get3A_1764 : vector<16xi32> to vector<16xi32>
      tpu.vector_store %arg15[%swap3A_1765], %swap3A_1768 {strides = array<i32>} : memref<128xi32, #tpu.memory_space<vmem>>, vector<16xi32>,
      %dma_wait3A_1769 = arith.constant 0 : i32
      %dma_wait3A_1770 = arith.constant 0 : i32
      %dma_wait3A_1771 = tpu.memref_slice %arg26[%dma_wait3A_1769, %dma_wait3A_1770] : memref<10000x128xf32, #tpu.memory_space<vmem_shared>> -> memref<10000x128xf32, #tpu.memory_space<vmem_shared>>
      tpu.wait_indirect_dma semaphore(%arg29 : memref<!tpu.dma_semaphore, #tpu.memory_space<semaphore_mem>>) src(%arg22 : memref<128x128xf32, #tpu.memory_space<vmem>>) dst(%dma_wait3A_1771 : memref<10000x128xf32, #tpu.memory_space<vmem_shared>>)
      %dma_start3A_1772 = arith.constant 0 : i32
      %dma_start3A_1773 = arith.constant 0 : i32
      %dma_start3A_1774 = tpu.memref_slice %arg2[%dma_start3A_1772, %dma_start3A_1773] : memref<90000x128xf32, #tpu.memory_space<hbm>> -> memref<90000x128xf32, #tpu.memory_space<hbm>>
      tpu.enqueue_indirect_dma source(%dma_start3A_1774 : memref<90000x128xf32, #tpu.memory_space<hbm>>) target(%arg22 : memref<128x128xf32, #tpu.memory_space<vmem>>) offsets(%arg14 : memref<128xi32, #tpu.memory_space<vmem>>) semaphore(%arg27 : memref<!tpu.dma_semaphore, #tpu.memory_space<semaphore_mem>>)
      %dma_wait3A_1775 = arith.constant 0 : i32
      %dma_wait3A_1776 = arith.constant 0 : i32
      %dma_wait3A_1777 = tpu.memref_slice %arg2[%dma_wait3A_1775, %dma_wait3A_1776] : memref<90000x128xf32, #tpu.memory_space<hbm>> -> memref<90000x128xf32, #tpu.memory_space<hbm>>
      tpu.wait_indirect_dma semaphore(%arg28 : memref<!tpu.dma_semaphore, #tpu.memory_space<semaphore_mem>>) src(%dma_wait3A_1777 : memref<90000x128xf32, #tpu.memory_space<hbm>>) dst(%arg23 : memref<128x128xf32, #tpu.memory_space<vmem>>)
      %dma_start3A_1778 = arith.constant 0 : i32
      %dma_start3A_1779 = arith.constant 0 : i32
      %dma_start3A_1780 = tpu.memref_slice %arg26[%dma_start3A_1778, %dma_start3A_1779] : memref<10000x128xf32, #tpu.memory_space<vmem_shared>> -> memref<10000x128xf32, #tpu.memory_space<vmem_shared>>
      tpu.enqueue_indirect_dma source(%arg23 : memref<128x128xf32, #tpu.memory_space<vmem>>) target(%dma_start3A_1780 : memref<10000x128xf32, #tpu.memory_space<vmem_shared>>) offsets(%arg17 : memref<128xi32, #tpu.memory_space<vmem>>) semaphore(%arg30 : memref<!tpu.dma_semaphore, #tpu.memory_space<semaphore_mem>>) {add = true}
    }
    %scan3A_620 = arith.constant 38 : i32
    %dma_wait3A_621 = arith.constant 0 : i32
    %dma_wait3A_622 = arith.constant 0 : i32
    %dma_wait3A_623 = tpu.memref_slice %arg26[%dma_wait3A_621, %dma_wait3A_622] : memref<10000x128xf32, #tpu.memory_space<vmem_shared>> -> memref<10000x128xf32, #tpu.memory_space<vmem_shared>>
    tpu.wait_indirect_dma semaphore(%arg30 : memref<!tpu.dma_semaphore, #tpu.memory_space<semaphore_mem>>) src(%arg23 : memref<128x128xf32, #tpu.memory_space<vmem>>) dst(%dma_wait3A_623 : memref<10000x128xf32, #tpu.memory_space<vmem_shared>>)
    %rem3A_624 = arith.constant 77 : i32
    %rem3A_625 = arith.constant 13 : i32
    %rem3A_626 = arith.remsi %rem3A_624, %rem3A_625 : i32
    %mul3A_627 = arith.constant 128 : i32
    %mul3A_628 = arith.muli %rem3A_626, %mul3A_627 : i32
    %add3A_629 = arith.constant 0 : i32
    %add3A_630 = arith.addi %mul3A_628, %add3A_629 : i32
    %get3A_631 = arith.index_cast %add3A_630 : i32 to index
    %get3A_632 = tpu.vector_load %arg11[%get3A_631] {strides = array<i32>} : memref<1664xi32, #tpu.memory_space<vmem>>, vector<16xi32>,
    %get3A_633 = vector.shape_cast %get3A_632 : vector<16xi32> to vector<16xi32>
    %mul3A_634 = arith.constant 10000 : i32
    %mul3A_635 = vector.broadcast %mul3A_634 : i32 to vector<16xi32>
    %mul3A_636 = arith.muli %get3A_633, %mul3A_635 : vector<16xi32>
    %get3A_637 = arith.index_cast %add3A_630 : i32 to index
    %get3A_638 = tpu.vector_load %arg10[%get3A_637] {strides = array<i32>} : memref<1664xi32, #tpu.memory_space<vmem>>, vector<16xi32>,
    %get3A_639 = vector.shape_cast %get3A_638 : vector<16xi32> to vector<16xi32>
    %add3A_640 = arith.addi %mul3A_636, %get3A_639 : vector<16xi32>
    %swap3A_641 = arith.constant 0 : index
    %swap3A_642 = tpu.vector_load %arg16[%swap3A_641] {strides = array<i32>} : memref<128xi32, #tpu.memory_space<vmem>>, vector<16xi32>,
    %swap3A_643 = vector.shape_cast %swap3A_642 : vector<16xi32> to vector<16xi32>
    %swap3A_644 = vector.shape_cast %add3A_640 : vector<16xi32> to vector<16xi32>
    tpu.vector_store %arg16[%swap3A_641], %swap3A_644 {strides = array<i32>} : memref<128xi32, #tpu.memory_space<vmem>>, vector<16xi32>,
    %get3A_645 = arith.index_cast %add3A_630 : i32 to index
    %get3A_646 = tpu.vector_load %arg9[%get3A_645] {strides = array<i32>} : memref<1664xi32, #tpu.memory_space<vmem>>, vector<16xi32>,
    %get3A_647 = vector.shape_cast %get3A_646 : vector<16xi32> to vector<16xi32>
    %swap3A_648 = arith.constant 0 : index
    %swap3A_649 = tpu.vector_load %arg17[%swap3A_648] {strides = array<i32>} : memref<128xi32, #tpu.memory_space<vmem>>, vector<16xi32>,
    %swap3A_650 = vector.shape_cast %swap3A_649 : vector<16xi32> to vector<16xi32>
    %swap3A_651 = vector.shape_cast %get3A_647 : vector<16xi32> to vector<16xi32>
    tpu.vector_store %arg17[%swap3A_648], %swap3A_651 {strides = array<i32>} : memref<128xi32, #tpu.memory_space<vmem>>, vector<16xi32>,
    %add3A_652 = arith.constant 16 : i32
    %add3A_653 = arith.addi %mul3A_628, %add3A_652 : i32
    %get3A_654 = arith.index_cast %add3A_653 : i32 to index
    %get3A_655 = tpu.vector_load %arg11[%get3A_654] {strides = array<i32>} : memref<1664xi32, #tpu.memory_space<vmem>>, vector<16xi32>,
    %get3A_656 = vector.shape_cast %get3A_655 : vector<16xi32> to vector<16xi32>
    %mul3A_657 = arith.constant 10000 : i32
    %mul3A_658 = vector.broadcast %mul3A_657 : i32 to vector<16xi32>
    %mul3A_659 = arith.muli %get3A_656, %mul3A_658 : vector<16xi32>
    %get3A_660 = arith.index_cast %add3A_653 : i32 to index
    %get3A_661 = tpu.vector_load %arg10[%get3A_660] {strides = array<i32>} : memref<1664xi32, #tpu.memory_space<vmem>>, vector<16xi32>,
    %get3A_662 = vector.shape_cast %get3A_661 : vector<16xi32> to vector<16xi32>
    %add3A_663 = arith.addi %mul3A_659, %get3A_662 : vector<16xi32>
    %swap3A_664 = arith.constant 16 : index
    %swap3A_665 = tpu.vector_load %arg16[%swap3A_664] {strides = array<i32>} : memref<128xi32, #tpu.memory_space<vmem>>, vector<16xi32>,
    %swap3A_666 = vector.shape_cast %swap3A_665 : vector<16xi32> to vector<16xi32>
    %swap3A_667 = vector.shape_cast %add3A_663 : vector<16xi32> to vector<16xi32>
    tpu.vector_store %arg16[%swap3A_664], %swap3A_667 {strides = array<i32>} : memref<128xi32, #tpu.memory_space<vmem>>, vector<16xi32>,
    %get3A_668 = arith.index_cast %add3A_653 : i32 to index
    %get3A_669 = tpu.vector_load %arg9[%get3A_668] {strides = array<i32>} : memref<1664xi32, #tpu.memory_space<vmem>>, vector<16xi32>,
    %get3A_670 = vector.shape_cast %get3A_669 : vector<16xi32> to vector<16xi32>
    %swap3A_671 = arith.constant 16 : index
    %swap3A_672 = tpu.vector_load %arg17[%swap3A_671] {strides = array<i32>} : memref<128xi32, #tpu.memory_space<vmem>>, vector<16xi32>,
    %swap3A_673 = vector.shape_cast %swap3A_672 : vector<16xi32> to vector<16xi32>
    %swap3A_674 = vector.shape_cast %get3A_670 : vector<16xi32> to vector<16xi32>
    tpu.vector_store %arg17[%swap3A_671], %swap3A_674 {strides = array<i32>} : memref<128xi32, #tpu.memory_space<vmem>>, vector<16xi32>,
    %add3A_675 = arith.constant 32 : i32
    %add3A_676 = arith.addi %mul3A_628, %add3A_675 : i32
    %get3A_677 = arith.index_cast %add3A_676 : i32 to index
    %get3A_678 = tpu.vector_load %arg11[%get3A_677] {strides = array<i32>} : memref<1664xi32, #tpu.memory_space<vmem>>, vector<16xi32>,
    %get3A_679 = vector.shape_cast %get3A_678 : vector<16xi32> to vector<16xi32>
    %mul3A_680 = arith.constant 10000 : i32
    %mul3A_681 = vector.broadcast %mul3A_680 : i32 to vector<16xi32>
    %mul3A_682 = arith.muli %get3A_679, %mul3A_681 : vector<16xi32>
    %get3A_683 = arith.index_cast %add3A_676 : i32 to index
    %get3A_684 = tpu.vector_load %arg10[%get3A_683] {strides = array<i32>} : memref<1664xi32, #tpu.memory_space<vmem>>, vector<16xi32>,
    %get3A_685 = vector.shape_cast %get3A_684 : vector<16xi32> to vector<16xi32>
    %add3A_686 = arith.addi %mul3A_682, %get3A_685 : vector<16xi32>
    %swap3A_687 = arith.constant 32 : index
    %swap3A_688 = tpu.vector_load %arg16[%swap3A_687] {strides = array<i32>} : memref<128xi32, #tpu.memory_space<vmem>>, vector<16xi32>,
    %swap3A_689 = vector.shape_cast %swap3A_688 : vector<16xi32> to vector<16xi32>
    %swap3A_690 = vector.shape_cast %add3A_686 : vector<16xi32> to vector<16xi32>
    tpu.vector_store %arg16[%swap3A_687], %swap3A_690 {strides = array<i32>} : memref<128xi32, #tpu.memory_space<vmem>>, vector<16xi32>,
    %get3A_691 = arith.index_cast %add3A_676 : i32 to index
    %get3A_692 = tpu.vector_load %arg9[%get3A_691] {strides = array<i32>} : memref<1664xi32, #tpu.memory_space<vmem>>, vector<16xi32>,
    %get3A_693 = vector.shape_cast %get3A_692 : vector<16xi32> to vector<16xi32>
    %swap3A_694 = arith.constant 32 : index
    %swap3A_695 = tpu.vector_load %arg17[%swap3A_694] {strides = array<i32>} : memref<128xi32, #tpu.memory_space<vmem>>, vector<16xi32>,
    %swap3A_696 = vector.shape_cast %swap3A_695 : vector<16xi32> to vector<16xi32>
    %swap3A_697 = vector.shape_cast %get3A_693 : vector<16xi32> to vector<16xi32>
    tpu.vector_store %arg17[%swap3A_694], %swap3A_697 {strides = array<i32>} : memref<128xi32, #tpu.memory_space<vmem>>, vector<16xi32>,
    %add3A_698 = arith.constant 48 : i32
    %add3A_699 = arith.addi %mul3A_628, %add3A_698 : i32
    %get3A_700 = arith.index_cast %add3A_699 : i32 to index
    %get3A_701 = tpu.vector_load %arg11[%get3A_700] {strides = array<i32>} : memref<1664xi32, #tpu.memory_space<vmem>>, vector<16xi32>,
    %get3A_702 = vector.shape_cast %get3A_701 : vector<16xi32> to vector<16xi32>
    %mul3A_703 = arith.constant 10000 : i32
    %mul3A_704 = vector.broadcast %mul3A_703 : i32 to vector<16xi32>
    %mul3A_705 = arith.muli %get3A_702, %mul3A_704 : vector<16xi32>
    %get3A_706 = arith.index_cast %add3A_699 : i32 to index
    %get3A_707 = tpu.vector_load %arg10[%get3A_706] {strides = array<i32>} : memref<1664xi32, #tpu.memory_space<vmem>>, vector<16xi32>,
    %get3A_708 = vector.shape_cast %get3A_707 : vector<16xi32> to vector<16xi32>
    %add3A_709 = arith.addi %mul3A_705, %get3A_708 : vector<16xi32>
    %swap3A_710 = arith.constant 48 : index
    %swap3A_711 = tpu.vector_load %arg16[%swap3A_710] {strides = array<i32>} : memref<128xi32, #tpu.memory_space<vmem>>, vector<16xi32>,
    %swap3A_712 = vector.shape_cast %swap3A_711 : vector<16xi32> to vector<16xi32>
    %swap3A_713 = vector.shape_cast %add3A_709 : vector<16xi32> to vector<16xi32>
    tpu.vector_store %arg16[%swap3A_710], %swap3A_713 {strides = array<i32>} : memref<128xi32, #tpu.memory_space<vmem>>, vector<16xi32>,
    %get3A_714 = arith.index_cast %add3A_699 : i32 to index
    %get3A_715 = tpu.vector_load %arg9[%get3A_714] {strides = array<i32>} : memref<1664xi32, #tpu.memory_space<vmem>>, vector<16xi32>,
    %get3A_716 = vector.shape_cast %get3A_715 : vector<16xi32> to vector<16xi32>
    %swap3A_717 = arith.constant 48 : index
    %swap3A_718 = tpu.vector_load %arg17[%swap3A_717] {strides = array<i32>} : memref<128xi32, #tpu.memory_space<vmem>>, vector<16xi32>,
    %swap3A_719 = vector.shape_cast %swap3A_718 : vector<16xi32> to vector<16xi32>
    %swap3A_720 = vector.shape_cast %get3A_716 : vector<16xi32> to vector<16xi32>
    tpu.vector_store %arg17[%swap3A_717], %swap3A_720 {strides = array<i32>} : memref<128xi32, #tpu.memory_space<vmem>>, vector<16xi32>,
    %add3A_721 = arith.constant 64 : i32
    %add3A_722 = arith.addi %mul3A_628, %add3A_721 : i32
    %get3A_723 = arith.index_cast %add3A_722 : i32 to index
    %get3A_724 = tpu.vector_load %arg11[%get3A_723] {strides = array<i32>} : memref<1664xi32, #tpu.memory_space<vmem>>, vector<16xi32>,
    %get3A_725 = vector.shape_cast %get3A_724 : vector<16xi32> to vector<16xi32>
    %mul3A_726 = arith.constant 10000 : i32
    %mul3A_727 = vector.broadcast %mul3A_726 : i32 to vector<16xi32>
    %mul3A_728 = arith.muli %get3A_725, %mul3A_727 : vector<16xi32>
    %get3A_729 = arith.index_cast %add3A_722 : i32 to index
    %get3A_730 = tpu.vector_load %arg10[%get3A_729] {strides = array<i32>} : memref<1664xi32, #tpu.memory_space<vmem>>, vector<16xi32>,
    %get3A_731 = vector.shape_cast %get3A_730 : vector<16xi32> to vector<16xi32>
    %add3A_732 = arith.addi %mul3A_728, %get3A_731 : vector<16xi32>
    %swap3A_733 = arith.constant 64 : index
    %swap3A_734 = tpu.vector_load %arg16[%swap3A_733] {strides = array<i32>} : memref<128xi32, #tpu.memory_space<vmem>>, vector<16xi32>,
    %swap3A_735 = vector.shape_cast %swap3A_734 : vector<16xi32> to vector<16xi32>
    %swap3A_736 = vector.shape_cast %add3A_732 : vector<16xi32> to vector<16xi32>
    tpu.vector_store %arg16[%swap3A_733], %swap3A_736 {strides = array<i32>} : memref<128xi32, #tpu.memory_space<vmem>>, vector<16xi32>,
    %get3A_737 = arith.index_cast %add3A_722 : i32 to index
    %get3A_738 = tpu.vector_load %arg9[%get3A_737] {strides = array<i32>} : memref<1664xi32, #tpu.memory_space<vmem>>, vector<16xi32>,
    %get3A_739 = vector.shape_cast %get3A_738 : vector<16xi32> to vector<16xi32>
    %swap3A_740 = arith.constant 64 : index
    %swap3A_741 = tpu.vector_load %arg17[%swap3A_740] {strides = array<i32>} : memref<128xi32, #tpu.memory_space<vmem>>, vector<16xi32>,
    %swap3A_742 = vector.shape_cast %swap3A_741 : vector<16xi32> to vector<16xi32>
    %swap3A_743 = vector.shape_cast %get3A_739 : vector<16xi32> to vector<16xi32>
    tpu.vector_store %arg17[%swap3A_740], %swap3A_743 {strides = array<i32>} : memref<128xi32, #tpu.memory_space<vmem>>, vector<16xi32>,
    %add3A_744 = arith.constant 80 : i32
    %add3A_745 = arith.addi %mul3A_628, %add3A_744 : i32
    %get3A_746 = arith.index_cast %add3A_745 : i32 to index
    %get3A_747 = tpu.vector_load %arg11[%get3A_746] {strides = array<i32>} : memref<1664xi32, #tpu.memory_space<vmem>>, vector<16xi32>,
    %get3A_748 = vector.shape_cast %get3A_747 : vector<16xi32> to vector<16xi32>
    %mul3A_749 = arith.constant 10000 : i32
    %mul3A_750 = vector.broadcast %mul3A_749 : i32 to vector<16xi32>
    %mul3A_751 = arith.muli %get3A_748, %mul3A_750 : vector<16xi32>
    %get3A_752 = arith.index_cast %add3A_745 : i32 to index
    %get3A_753 = tpu.vector_load %arg10[%get3A_752] {strides = array<i32>} : memref<1664xi32, #tpu.memory_space<vmem>>, vector<16xi32>,
    %get3A_754 = vector.shape_cast %get3A_753 : vector<16xi32> to vector<16xi32>
    %add3A_755 = arith.addi %mul3A_751, %get3A_754 : vector<16xi32>
    %swap3A_756 = arith.constant 80 : index
    %swap3A_757 = tpu.vector_load %arg16[%swap3A_756] {strides = array<i32>} : memref<128xi32, #tpu.memory_space<vmem>>, vector<16xi32>,
    %swap3A_758 = vector.shape_cast %swap3A_757 : vector<16xi32> to vector<16xi32>
    %swap3A_759 = vector.shape_cast %add3A_755 : vector<16xi32> to vector<16xi32>
    tpu.vector_store %arg16[%swap3A_756], %swap3A_759 {strides = array<i32>} : memref<128xi32, #tpu.memory_space<vmem>>, vector<16xi32>,
    %get3A_760 = arith.index_cast %add3A_745 : i32 to index
    %get3A_761 = tpu.vector_load %arg9[%get3A_760] {strides = array<i32>} : memref<1664xi32, #tpu.memory_space<vmem>>, vector<16xi32>,
    %get3A_762 = vector.shape_cast %get3A_761 : vector<16xi32> to vector<16xi32>
    %swap3A_763 = arith.constant 80 : index
    %swap3A_764 = tpu.vector_load %arg17[%swap3A_763] {strides = array<i32>} : memref<128xi32, #tpu.memory_space<vmem>>, vector<16xi32>,
    %swap3A_765 = vector.shape_cast %swap3A_764 : vector<16xi32> to vector<16xi32>
    %swap3A_766 = vector.shape_cast %get3A_762 : vector<16xi32> to vector<16xi32>
    tpu.vector_store %arg17[%swap3A_763], %swap3A_766 {strides = array<i32>} : memref<128xi32, #tpu.memory_space<vmem>>, vector<16xi32>,
    %add3A_767 = arith.constant 96 : i32
    %add3A_768 = arith.addi %mul3A_628, %add3A_767 : i32
    %get3A_769 = arith.index_cast %add3A_768 : i32 to index
    %get3A_770 = tpu.vector_load %arg11[%get3A_769] {strides = array<i32>} : memref<1664xi32, #tpu.memory_space<vmem>>, vector<16xi32>,
    %get3A_771 = vector.shape_cast %get3A_770 : vector<16xi32> to vector<16xi32>
    %mul3A_772 = arith.constant 10000 : i32
    %mul3A_773 = vector.broadcast %mul3A_772 : i32 to vector<16xi32>
    %mul3A_774 = arith.muli %get3A_771, %mul3A_773 : vector<16xi32>
    %get3A_775 = arith.index_cast %add3A_768 : i32 to index
    %get3A_776 = tpu.vector_load %arg10[%get3A_775] {strides = array<i32>} : memref<1664xi32, #tpu.memory_space<vmem>>, vector<16xi32>,
    %get3A_777 = vector.shape_cast %get3A_776 : vector<16xi32> to vector<16xi32>
    %add3A_778 = arith.addi %mul3A_774, %get3A_777 : vector<16xi32>
    %swap3A_779 = arith.constant 96 : index
    %swap3A_780 = tpu.vector_load %arg16[%swap3A_779] {strides = array<i32>} : memref<128xi32, #tpu.memory_space<vmem>>, vector<16xi32>,
    %swap3A_781 = vector.shape_cast %swap3A_780 : vector<16xi32> to vector<16xi32>
    %swap3A_782 = vector.shape_cast %add3A_778 : vector<16xi32> to vector<16xi32>
    tpu.vector_store %arg16[%swap3A_779], %swap3A_782 {strides = array<i32>} : memref<128xi32, #tpu.memory_space<vmem>>, vector<16xi32>,
    %get3A_783 = arith.index_cast %add3A_768 : i32 to index
    %get3A_784 = tpu.vector_load %arg9[%get3A_783] {strides = array<i32>} : memref<1664xi32, #tpu.memory_space<vmem>>, vector<16xi32>,
    %get3A_785 = vector.shape_cast %get3A_784 : vector<16xi32> to vector<16xi32>
    %swap3A_786 = arith.constant 96 : index
    %swap3A_787 = tpu.vector_load %arg17[%swap3A_786] {strides = array<i32>} : memref<128xi32, #tpu.memory_space<vmem>>, vector<16xi32>,
    %swap3A_788 = vector.shape_cast %swap3A_787 : vector<16xi32> to vector<16xi32>
    %swap3A_789 = vector.shape_cast %get3A_785 : vector<16xi32> to vector<16xi32>
    tpu.vector_store %arg17[%swap3A_786], %swap3A_789 {strides = array<i32>} : memref<128xi32, #tpu.memory_space<vmem>>, vector<16xi32>,
    %add3A_790 = arith.constant 112 : i32
    %add3A_791 = arith.addi %mul3A_628, %add3A_790 : i32
    %get3A_792 = arith.index_cast %add3A_791 : i32 to index
    %get3A_793 = tpu.vector_load %arg11[%get3A_792] {strides = array<i32>} : memref<1664xi32, #tpu.memory_space<vmem>>, vector<16xi32>,
    %get3A_794 = vector.shape_cast %get3A_793 : vector<16xi32> to vector<16xi32>
    %mul3A_795 = arith.constant 10000 : i32
    %mul3A_796 = vector.broadcast %mul3A_795 : i32 to vector<16xi32>
    %mul3A_797 = arith.muli %get3A_794, %mul3A_796 : vector<16xi32>
    %get3A_798 = arith.index_cast %add3A_791 : i32 to index
    %get3A_799 = tpu.vector_load %arg10[%get3A_798] {strides = array<i32>} : memref<1664xi32, #tpu.memory_space<vmem>>, vector<16xi32>,
    %get3A_800 = vector.shape_cast %get3A_799 : vector<16xi32> to vector<16xi32>
    %add3A_801 = arith.addi %mul3A_797, %get3A_800 : vector<16xi32>
    %swap3A_802 = arith.constant 112 : index
    %swap3A_803 = tpu.vector_load %arg16[%swap3A_802] {strides = array<i32>} : memref<128xi32, #tpu.memory_space<vmem>>, vector<16xi32>,
    %swap3A_804 = vector.shape_cast %swap3A_803 : vector<16xi32> to vector<16xi32>
    %swap3A_805 = vector.shape_cast %add3A_801 : vector<16xi32> to vector<16xi32>
    tpu.vector_store %arg16[%swap3A_802], %swap3A_805 {strides = array<i32>} : memref<128xi32, #tpu.memory_space<vmem>>, vector<16xi32>,
    %get3A_806 = arith.index_cast %add3A_791 : i32 to index
    %get3A_807 = tpu.vector_load %arg9[%get3A_806] {strides = array<i32>} : memref<1664xi32, #tpu.memory_space<vmem>>, vector<16xi32>,
    %get3A_808 = vector.shape_cast %get3A_807 : vector<16xi32> to vector<16xi32>
    %swap3A_809 = arith.constant 112 : index
    %swap3A_810 = tpu.vector_load %arg17[%swap3A_809] {strides = array<i32>} : memref<128xi32, #tpu.memory_space<vmem>>, vector<16xi32>,
    %swap3A_811 = vector.shape_cast %swap3A_810 : vector<16xi32> to vector<16xi32>
    %swap3A_812 = vector.shape_cast %get3A_808 : vector<16xi32> to vector<16xi32>
    tpu.vector_store %arg17[%swap3A_809], %swap3A_812 {strides = array<i32>} : memref<128xi32, #tpu.memory_space<vmem>>, vector<16xi32>,
    %dma_start3A_813 = arith.constant 0 : i32
    %dma_start3A_814 = arith.constant 0 : i32
    %dma_start3A_815 = tpu.memref_slice %arg2[%dma_start3A_813, %dma_start3A_814] : memref<90000x128xf32, #tpu.memory_space<hbm>> -> memref<90000x128xf32, #tpu.memory_space<hbm>>
    tpu.enqueue_indirect_dma source(%dma_start3A_815 : memref<90000x128xf32, #tpu.memory_space<hbm>>) target(%arg23 : memref<128x128xf32, #tpu.memory_space<vmem>>) offsets(%arg16 : memref<128xi32, #tpu.memory_space<vmem>>) semaphore(%arg28 : memref<!tpu.dma_semaphore, #tpu.memory_space<semaphore_mem>>)
    %dma_wait3A_816 = arith.constant 0 : i32
    %dma_wait3A_817 = arith.constant 0 : i32
    %dma_wait3A_818 = tpu.memref_slice %arg2[%dma_wait3A_816, %dma_wait3A_817] : memref<90000x128xf32, #tpu.memory_space<hbm>> -> memref<90000x128xf32, #tpu.memory_space<hbm>>
    tpu.wait_indirect_dma semaphore(%arg27 : memref<!tpu.dma_semaphore, #tpu.memory_space<semaphore_mem>>) src(%dma_wait3A_818 : memref<90000x128xf32, #tpu.memory_space<hbm>>) dst(%arg22 : memref<128x128xf32, #tpu.memory_space<vmem>>)
    %dma_start3A_819 = arith.constant 0 : i32
    %dma_start3A_820 = arith.constant 0 : i32
    %dma_start3A_821 = tpu.memref_slice %arg26[%dma_start3A_819, %dma_start3A_820] : memref<10000x128xf32, #tpu.memory_space<vmem_shared>> -> memref<10000x128xf32, #tpu.memory_space<vmem_shared>>
    tpu.enqueue_indirect_dma source(%arg22 : memref<128x128xf32, #tpu.memory_space<vmem>>) target(%dma_start3A_821 : memref<10000x128xf32, #tpu.memory_space<vmem_shared>>) offsets(%arg15 : memref<128xi32, #tpu.memory_space<vmem>>) semaphore(%arg29 : memref<!tpu.dma_semaphore, #tpu.memory_space<semaphore_mem>>) {add = true}
    %dma_wait3A_822 = arith.constant 0 : i32
    %dma_wait3A_823 = arith.constant 0 : i32
    %dma_wait3A_824 = tpu.memref_slice %arg26[%dma_wait3A_822, %dma_wait3A_823] : memref<10000x128xf32, #tpu.memory_space<vmem_shared>> -> memref<10000x128xf32, #tpu.memory_space<vmem_shared>>
    tpu.wait_indirect_dma semaphore(%arg29 : memref<!tpu.dma_semaphore, #tpu.memory_space<semaphore_mem>>) src(%arg22 : memref<128x128xf32, #tpu.memory_space<vmem>>) dst(%dma_wait3A_824 : memref<10000x128xf32, #tpu.memory_space<vmem_shared>>)
    %dma_wait3A_825 = arith.constant 0 : i32
    %dma_wait3A_826 = arith.constant 0 : i32
    %dma_wait3A_827 = tpu.memref_slice %arg2[%dma_wait3A_825, %dma_wait3A_826] : memref<90000x128xf32, #tpu.memory_space<hbm>> -> memref<90000x128xf32, #tpu.memory_space<hbm>>
    tpu.wait_indirect_dma semaphore(%arg28 : memref<!tpu.dma_semaphore, #tpu.memory_space<semaphore_mem>>) src(%dma_wait3A_827 : memref<90000x128xf32, #tpu.memory_space<hbm>>) dst(%arg23 : memref<128x128xf32, #tpu.memory_space<vmem>>)
    "tpu.region"() ({
      %run_scoped3A = tpu.sem_alloc : memref<!tpu.dma_semaphore, #tpu.memory_space<semaphore_mem>>
      %dma_start3A_950 = arith.constant 0 : i32
      %dma_start3A_951 = arith.constant 0 : i32
      %dma_start3A_952 = tpu.memref_slice %arg26[%dma_start3A_950, %dma_start3A_951] : memref<10000x128xf32, #tpu.memory_space<vmem_shared>> -> memref<10000x128xf32, #tpu.memory_space<vmem_shared>>
      tpu.enqueue_indirect_dma source(%arg23 : memref<128x128xf32, #tpu.memory_space<vmem>>) target(%dma_start3A_952 : memref<10000x128xf32, #tpu.memory_space<vmem_shared>>) offsets(%arg17 : memref<128xi32, #tpu.memory_space<vmem>>) semaphore(%run_scoped3A : memref<!tpu.dma_semaphore, #tpu.memory_space<semaphore_mem>>) {add = true}
      %dma_wait3A_953 = arith.constant 0 : i32
      %dma_wait3A_954 = arith.constant 0 : i32
      %dma_wait3A_955 = tpu.memref_slice %arg26[%dma_wait3A_953, %dma_wait3A_954] : memref<10000x128xf32, #tpu.memory_space<vmem_shared>> -> memref<10000x128xf32, #tpu.memory_space<vmem_shared>>
      tpu.wait_indirect_dma semaphore(%run_scoped3A : memref<!tpu.dma_semaphore, #tpu.memory_space<semaphore_mem>>) src(%arg23 : memref<128x128xf32, #tpu.memory_space<vmem>>) dst(%dma_wait3A_955 : memref<10000x128xf32, #tpu.memory_space<vmem_shared>>)
      tpu.yield
    }) : () -> ()
    %add3A_828 = arith.constant 9984 : i32
    %add3A_829 = arith.addi %mul3A_12, %add3A_828 : i32
    "tpu.region"() ({
      %run_scoped3A = tpu.sem_alloc : memref<!tpu.dma_semaphore, #tpu.memory_space<semaphore_mem>>
      %dma_start3A_950 = arith.constant 0 : i32
      %dma_start3A_951 = tpu.memref_slice %arg9[%dma_start3A_950] : memref<1664xi32, #tpu.memory_space<vmem>> -> memref<16xi32, #tpu.memory_space<vmem>>
      %dma_start3A_952 = tpu.memref_slice %arg3[%add3A_829] : memref<320000xi32, #tpu.memory_space<hbm>> -> memref<16xi32, #tpu.memory_space<hbm>>
      %dma_start3A_953 = arith.constant 0 : i32
      %dma_start3A_954 = tpu.memref_slice %arg9[%dma_start3A_953] : memref<1664xi32, #tpu.memory_space<vmem>> -> memref<16xi32, #tpu.memory_space<vmem>>
      %dma_start3A_955 = tpu.memref_slice %arg3[%add3A_829] : memref<320000xi32, #tpu.memory_space<hbm>> -> memref<16xi32, #tpu.memory_space<hbm>>
      tpu.enqueue_dma source(%dma_start3A_955 : memref<16xi32, #tpu.memory_space<hbm>>) target(%dma_start3A_954 : memref<16xi32, #tpu.memory_space<vmem>>) target_semaphore(%run_scoped3A : memref<!tpu.dma_semaphore, #tpu.memory_space<semaphore_mem>>)
      %dma_wait3A_956 = arith.constant 0 : i32
      %dma_wait3A_957 = tpu.memref_slice %arg9[%dma_wait3A_956] : memref<1664xi32, #tpu.memory_space<vmem>> -> memref<16xi32, #tpu.memory_space<vmem>>
      %dma_wait3A_958 = tpu.memref_slice %arg3[%add3A_829] : memref<320000xi32, #tpu.memory_space<hbm>> -> memref<16xi32, #tpu.memory_space<hbm>>
      %dma_wait3A_959 = arith.constant 0 : i32
      %dma_wait3A_960 = tpu.memref_slice %arg9[%dma_wait3A_959] : memref<1664xi32, #tpu.memory_space<vmem>> -> memref<16xi32, #tpu.memory_space<vmem>>
      %dma_wait3A_961 = tpu.memref_slice %arg3[%add3A_829] : memref<320000xi32, #tpu.memory_space<hbm>> -> memref<16xi32, #tpu.memory_space<hbm>>
      tpu.wait_dma2 semaphore(%run_scoped3A : memref<!tpu.dma_semaphore, #tpu.memory_space<semaphore_mem>>) src(%dma_wait3A_961 : memref<16xi32, #tpu.memory_space<hbm>>) dst(%dma_wait3A_960 : memref<16xi32, #tpu.memory_space<vmem>>)
      tpu.yield
    }) : () -> ()
    "tpu.region"() ({
      %run_scoped3A = tpu.sem_alloc : memref<!tpu.dma_semaphore, #tpu.memory_space<semaphore_mem>>
      %dma_start3A_950 = arith.constant 0 : i32
      %dma_start3A_951 = tpu.memref_slice %arg10[%dma_start3A_950] : memref<1664xi32, #tpu.memory_space<vmem>> -> memref<16xi32, #tpu.memory_space<vmem>>
      %dma_start3A_952 = tpu.memref_slice %arg4[%add3A_829] : memref<320000xi32, #tpu.memory_space<hbm>> -> memref<16xi32, #tpu.memory_space<hbm>>
      %dma_start3A_953 = arith.constant 0 : i32
      %dma_start3A_954 = tpu.memref_slice %arg10[%dma_start3A_953] : memref<1664xi32, #tpu.memory_space<vmem>> -> memref<16xi32, #tpu.memory_space<vmem>>
      %dma_start3A_955 = tpu.memref_slice %arg4[%add3A_829] : memref<320000xi32, #tpu.memory_space<hbm>> -> memref<16xi32, #tpu.memory_space<hbm>>
      tpu.enqueue_dma source(%dma_start3A_955 : memref<16xi32, #tpu.memory_space<hbm>>) target(%dma_start3A_954 : memref<16xi32, #tpu.memory_space<vmem>>) target_semaphore(%run_scoped3A : memref<!tpu.dma_semaphore, #tpu.memory_space<semaphore_mem>>)
      %dma_wait3A_956 = arith.constant 0 : i32
      %dma_wait3A_957 = tpu.memref_slice %arg10[%dma_wait3A_956] : memref<1664xi32, #tpu.memory_space<vmem>> -> memref<16xi32, #tpu.memory_space<vmem>>
      %dma_wait3A_958 = tpu.memref_slice %arg4[%add3A_829] : memref<320000xi32, #tpu.memory_space<hbm>> -> memref<16xi32, #tpu.memory_space<hbm>>
      %dma_wait3A_959 = arith.constant 0 : i32
      %dma_wait3A_960 = tpu.memref_slice %arg10[%dma_wait3A_959] : memref<1664xi32, #tpu.memory_space<vmem>> -> memref<16xi32, #tpu.memory_space<vmem>>
      %dma_wait3A_961 = tpu.memref_slice %arg4[%add3A_829] : memref<320000xi32, #tpu.memory_space<hbm>> -> memref<16xi32, #tpu.memory_space<hbm>>
      tpu.wait_dma2 semaphore(%run_scoped3A : memref<!tpu.dma_semaphore, #tpu.memory_space<semaphore_mem>>) src(%dma_wait3A_961 : memref<16xi32, #tpu.memory_space<hbm>>) dst(%dma_wait3A_960 : memref<16xi32, #tpu.memory_space<vmem>>)
      tpu.yield
    }) : () -> ()
    "tpu.region"() ({
      %run_scoped3A = tpu.sem_alloc : memref<!tpu.dma_semaphore, #tpu.memory_space<semaphore_mem>>
      %dma_start3A_950 = arith.constant 0 : i32
      %dma_start3A_951 = tpu.memref_slice %arg11[%dma_start3A_950] : memref<1664xi32, #tpu.memory_space<vmem>> -> memref<16xi32, #tpu.memory_space<vmem>>
      %dma_start3A_952 = tpu.memref_slice %arg5[%add3A_829] : memref<320000xi32, #tpu.memory_space<hbm>> -> memref<16xi32, #tpu.memory_space<hbm>>
      %dma_start3A_953 = arith.constant 0 : i32
      %dma_start3A_954 = tpu.memref_slice %arg11[%dma_start3A_953] : memref<1664xi32, #tpu.memory_space<vmem>> -> memref<16xi32, #tpu.memory_space<vmem>>
      %dma_start3A_955 = tpu.memref_slice %arg5[%add3A_829] : memref<320000xi32, #tpu.memory_space<hbm>> -> memref<16xi32, #tpu.memory_space<hbm>>
      tpu.enqueue_dma source(%dma_start3A_955 : memref<16xi32, #tpu.memory_space<hbm>>) target(%dma_start3A_954 : memref<16xi32, #tpu.memory_space<vmem>>) target_semaphore(%run_scoped3A : memref<!tpu.dma_semaphore, #tpu.memory_space<semaphore_mem>>)
      %dma_wait3A_956 = arith.constant 0 : i32
      %dma_wait3A_957 = tpu.memref_slice %arg11[%dma_wait3A_956] : memref<1664xi32, #tpu.memory_space<vmem>> -> memref<16xi32, #tpu.memory_space<vmem>>
      %dma_wait3A_958 = tpu.memref_slice %arg5[%add3A_829] : memref<320000xi32, #tpu.memory_space<hbm>> -> memref<16xi32, #tpu.memory_space<hbm>>
      %dma_wait3A_959 = arith.constant 0 : i32
      %dma_wait3A_960 = tpu.memref_slice %arg11[%dma_wait3A_959] : memref<1664xi32, #tpu.memory_space<vmem>> -> memref<16xi32, #tpu.memory_space<vmem>>
      %dma_wait3A_961 = tpu.memref_slice %arg5[%add3A_829] : memref<320000xi32, #tpu.memory_space<hbm>> -> memref<16xi32, #tpu.memory_space<hbm>>
      tpu.wait_dma2 semaphore(%run_scoped3A : memref<!tpu.dma_semaphore, #tpu.memory_space<semaphore_mem>>) src(%dma_wait3A_961 : memref<16xi32, #tpu.memory_space<hbm>>) dst(%dma_wait3A_960 : memref<16xi32, #tpu.memory_space<vmem>>)
      tpu.yield
    }) : () -> ()
    %get3A_830 = arith.constant 0 : index
    %get3A_831 = tpu.vector_load %arg11[%get3A_830] {strides = array<i32>} : memref<1664xi32, #tpu.memory_space<vmem>>, vector<16xi32>,
    %get3A_832 = vector.shape_cast %get3A_831 : vector<16xi32> to vector<16xi32>
    %get3A_833 = arith.constant 0 : index
    %get3A_834 = tpu.vector_load %arg9[%get3A_833] {strides = array<i32>} : memref<1664xi32, #tpu.memory_space<vmem>>, vector<16xi32>,
    %get3A_835 = vector.shape_cast %get3A_834 : vector<16xi32> to vector<16xi32>
    %get3A_836 = arith.constant 0 : index
    %get3A_837 = tpu.vector_load %arg10[%get3A_836] {strides = array<i32>} : memref<1664xi32, #tpu.memory_space<vmem>>, vector<16xi32>,
    %get3A_838 = vector.shape_cast %get3A_837 : vector<16xi32> to vector<16xi32>
    %mul3A_839 = arith.constant 10000 : i32
    %mul3A_840 = vector.broadcast %mul3A_839 : i32 to vector<16xi32>
    %mul3A_841 = arith.muli %get3A_832, %mul3A_840 : vector<16xi32>
    %add3A_842 = arith.addi %mul3A_841, %get3A_835 : vector<16xi32>
    %swap3A_843 = arith.constant 0 : index
    %swap3A_844 = tpu.vector_load %arg18[%swap3A_843] {strides = array<i32>} : memref<16xi32, #tpu.memory_space<vmem>>, vector<16xi32>,
    %swap3A_845 = vector.shape_cast %swap3A_844 : vector<16xi32> to vector<16xi32>
    %swap3A_846 = vector.shape_cast %add3A_842 : vector<16xi32> to vector<16xi32>
    tpu.vector_store %arg18[%swap3A_843], %swap3A_846 {strides = array<i32>} : memref<16xi32, #tpu.memory_space<vmem>>, vector<16xi32>,
    %mul3A_847 = arith.constant 10000 : i32
    %mul3A_848 = vector.broadcast %mul3A_847 : i32 to vector<16xi32>
    %mul3A_849 = arith.muli %get3A_832, %mul3A_848 : vector<16xi32>
    %add3A_850 = arith.addi %mul3A_849, %get3A_838 : vector<16xi32>
    %swap3A_851 = arith.constant 0 : index
    %swap3A_852 = tpu.vector_load %arg19[%swap3A_851] {strides = array<i32>} : memref<16xi32, #tpu.memory_space<vmem>>, vector<16xi32>,
    %swap3A_853 = vector.shape_cast %swap3A_852 : vector<16xi32> to vector<16xi32>
    %swap3A_854 = vector.shape_cast %add3A_850 : vector<16xi32> to vector<16xi32>
    tpu.vector_store %arg19[%swap3A_851], %swap3A_854 {strides = array<i32>} : memref<16xi32, #tpu.memory_space<vmem>>, vector<16xi32>,
    %swap3A_855 = arith.constant 0 : index
    %swap3A_856 = tpu.vector_load %arg20[%swap3A_855] {strides = array<i32>} : memref<16xi32, #tpu.memory_space<vmem>>, vector<16xi32>,
    %swap3A_857 = vector.shape_cast %swap3A_856 : vector<16xi32> to vector<16xi32>
    %swap3A_858 = vector.shape_cast %get3A_838 : vector<16xi32> to vector<16xi32>
    tpu.vector_store %arg20[%swap3A_855], %swap3A_858 {strides = array<i32>} : memref<16xi32, #tpu.memory_space<vmem>>, vector<16xi32>,
    %swap3A_859 = arith.constant 0 : index
    %swap3A_860 = tpu.vector_load %arg21[%swap3A_859] {strides = array<i32>} : memref<16xi32, #tpu.memory_space<vmem>>, vector<16xi32>,
    %swap3A_861 = vector.shape_cast %swap3A_860 : vector<16xi32> to vector<16xi32>
    %swap3A_862 = vector.shape_cast %get3A_835 : vector<16xi32> to vector<16xi32>
    tpu.vector_store %arg21[%swap3A_859], %swap3A_862 {strides = array<i32>} : memref<16xi32, #tpu.memory_space<vmem>>, vector<16xi32>,
    %dma_start3A_863 = arith.constant 0 : i32
    %dma_start3A_864 = arith.constant 0 : i32
    %dma_start3A_865 = tpu.memref_slice %arg2[%dma_start3A_863, %dma_start3A_864] : memref<90000x128xf32, #tpu.memory_space<hbm>> -> memref<90000x128xf32, #tpu.memory_space<hbm>>
    tpu.enqueue_indirect_dma source(%dma_start3A_865 : memref<90000x128xf32, #tpu.memory_space<hbm>>) target(%arg24 : memref<16x128xf32, #tpu.memory_space<vmem>>) offsets(%arg18 : memref<16xi32, #tpu.memory_space<vmem>>) semaphore(%arg27 : memref<!tpu.dma_semaphore, #tpu.memory_space<semaphore_mem>>)
    %dma_start3A_866 = arith.constant 0 : i32
    %dma_start3A_867 = arith.constant 0 : i32
    %dma_start3A_868 = tpu.memref_slice %arg2[%dma_start3A_866, %dma_start3A_867] : memref<90000x128xf32, #tpu.memory_space<hbm>> -> memref<90000x128xf32, #tpu.memory_space<hbm>>
    tpu.enqueue_indirect_dma source(%dma_start3A_868 : memref<90000x128xf32, #tpu.memory_space<hbm>>) target(%arg25 : memref<16x128xf32, #tpu.memory_space<vmem>>) offsets(%arg19 : memref<16xi32, #tpu.memory_space<vmem>>) semaphore(%arg28 : memref<!tpu.dma_semaphore, #tpu.memory_space<semaphore_mem>>)
    %dma_wait3A_869 = arith.constant 0 : i32
    %dma_wait3A_870 = arith.constant 0 : i32
    %dma_wait3A_871 = tpu.memref_slice %arg2[%dma_wait3A_869, %dma_wait3A_870] : memref<90000x128xf32, #tpu.memory_space<hbm>> -> memref<90000x128xf32, #tpu.memory_space<hbm>>
    tpu.wait_indirect_dma semaphore(%arg27 : memref<!tpu.dma_semaphore, #tpu.memory_space<semaphore_mem>>) src(%dma_wait3A_871 : memref<90000x128xf32, #tpu.memory_space<hbm>>) dst(%arg24 : memref<16x128xf32, #tpu.memory_space<vmem>>)
    "tpu.region"() ({
      %run_scoped3A = tpu.sem_alloc : memref<!tpu.dma_semaphore, #tpu.memory_space<semaphore_mem>>
      %dma_start3A_950 = arith.constant 0 : i32
      %dma_start3A_951 = arith.constant 0 : i32
      %dma_start3A_952 = tpu.memref_slice %arg26[%dma_start3A_950, %dma_start3A_951] : memref<10000x128xf32, #tpu.memory_space<vmem_shared>> -> memref<10000x128xf32, #tpu.memory_space<vmem_shared>>
      tpu.enqueue_indirect_dma source(%arg24 : memref<16x128xf32, #tpu.memory_space<vmem>>) target(%dma_start3A_952 : memref<10000x128xf32, #tpu.memory_space<vmem_shared>>) offsets(%arg20 : memref<16xi32, #tpu.memory_space<vmem>>) semaphore(%run_scoped3A : memref<!tpu.dma_semaphore, #tpu.memory_space<semaphore_mem>>) {add = true}
      %dma_wait3A_953 = arith.constant 0 : i32
      %dma_wait3A_954 = arith.constant 0 : i32
      %dma_wait3A_955 = tpu.memref_slice %arg26[%dma_wait3A_953, %dma_wait3A_954] : memref<10000x128xf32, #tpu.memory_space<vmem_shared>> -> memref<10000x128xf32, #tpu.memory_space<vmem_shared>>
      tpu.wait_indirect_dma semaphore(%run_scoped3A : memref<!tpu.dma_semaphore, #tpu.memory_space<semaphore_mem>>) src(%arg24 : memref<16x128xf32, #tpu.memory_space<vmem>>) dst(%dma_wait3A_955 : memref<10000x128xf32, #tpu.memory_space<vmem_shared>>)
      tpu.yield
    }) : () -> ()
    %dma_wait3A_872 = arith.constant 0 : i32
    %dma_wait3A_873 = arith.constant 0 : i32
    %dma_wait3A_874 = tpu.memref_slice %arg2[%dma_wait3A_872, %dma_wait3A_873] : memref<90000x128xf32, #tpu.memory_space<hbm>> -> memref<90000x128xf32, #tpu.memory_space<hbm>>
    tpu.wait_indirect_dma semaphore(%arg28 : memref<!tpu.dma_semaphore, #tpu.memory_space<semaphore_mem>>) src(%dma_wait3A_874 : memref<90000x128xf32, #tpu.memory_space<hbm>>) dst(%arg25 : memref<16x128xf32, #tpu.memory_space<vmem>>)
    "tpu.region"() ({
      %run_scoped3A = tpu.sem_alloc : memref<!tpu.dma_semaphore, #tpu.memory_space<semaphore_mem>>
      %dma_start3A_950 = arith.constant 0 : i32
      %dma_start3A_951 = arith.constant 0 : i32
      %dma_start3A_952 = tpu.memref_slice %arg26[%dma_start3A_950, %dma_start3A_951] : memref<10000x128xf32, #tpu.memory_space<vmem_shared>> -> memref<10000x128xf32, #tpu.memory_space<vmem_shared>>
      tpu.enqueue_indirect_dma source(%arg25 : memref<16x128xf32, #tpu.memory_space<vmem>>) target(%dma_start3A_952 : memref<10000x128xf32, #tpu.memory_space<vmem_shared>>) offsets(%arg21 : memref<16xi32, #tpu.memory_space<vmem>>) semaphore(%run_scoped3A : memref<!tpu.dma_semaphore, #tpu.memory_space<semaphore_mem>>) {add = true}
      %dma_wait3A_953 = arith.constant 0 : i32
      %dma_wait3A_954 = arith.constant 0 : i32
      %dma_wait3A_955 = tpu.memref_slice %arg26[%dma_wait3A_953, %dma_wait3A_954] : memref<10000x128xf32, #tpu.memory_space<vmem_shared>> -> memref<10000x128xf32, #tpu.memory_space<vmem_shared>>
      tpu.wait_indirect_dma semaphore(%run_scoped3A : memref<!tpu.dma_semaphore, #tpu.memory_space<semaphore_mem>>) src(%arg25 : memref<16x128xf32, #tpu.memory_space<vmem>>) dst(%dma_wait3A_955 : memref<10000x128xf32, #tpu.memory_space<vmem_shared>>)
      tpu.yield
    }) : () -> ()
    %barrier3A_875 = arith.constant 0 : index
    tpu.barrier barrier_id(%barrier3A_875)
    %add3A_876 = arith.constant 0 : i32
    %add3A_877 = arith.addi %mul3A_2, %add3A_876 : i32
    %min3A = arith.minsi %add3A_877, %sub3A_10 : i32
    "tpu.region"() ({
      %run_scoped3A = tpu.sem_alloc : memref<!tpu.dma_semaphore, #tpu.memory_space<semaphore_mem>>
      %dma_start3A_950 = arith.constant 0 : i32
      %dma_start3A_951 = tpu.memref_slice %arg26[%min3A, %dma_start3A_950] : memref<10000x128xf32, #tpu.memory_space<vmem_shared>> -> memref<128x128xf32, #tpu.memory_space<vmem_shared>>
      %dma_start3A_952 = arith.constant 0 : i32
      %dma_start3A_953 = tpu.memref_slice %arg26[%min3A, %dma_start3A_952] : memref<10000x128xf32, #tpu.memory_space<vmem_shared>> -> memref<128x128xf32, #tpu.memory_space<vmem_shared>>
      tpu.enqueue_dma source(%dma_start3A_953 : memref<128x128xf32, #tpu.memory_space<vmem_shared>>) target(%arg22 : memref<128x128xf32, #tpu.memory_space<vmem>>) target_semaphore(%run_scoped3A : memref<!tpu.dma_semaphore, #tpu.memory_space<semaphore_mem>>)
      %dma_wait3A_954 = arith.constant 0 : i32
      %dma_wait3A_955 = tpu.memref_slice %arg26[%min3A, %dma_wait3A_954] : memref<10000x128xf32, #tpu.memory_space<vmem_shared>> -> memref<128x128xf32, #tpu.memory_space<vmem_shared>>
      %dma_wait3A_956 = arith.constant 0 : i32
      %dma_wait3A_957 = tpu.memref_slice %arg26[%min3A, %dma_wait3A_956] : memref<10000x128xf32, #tpu.memory_space<vmem_shared>> -> memref<128x128xf32, #tpu.memory_space<vmem_shared>>
      tpu.wait_dma2 semaphore(%run_scoped3A : memref<!tpu.dma_semaphore, #tpu.memory_space<semaphore_mem>>) src(%dma_wait3A_957 : memref<128x128xf32, #tpu.memory_space<vmem_shared>>) dst(%arg22 : memref<128x128xf32, #tpu.memory_space<vmem>>)
      tpu.yield
    }) : () -> ()
    %dma_start3A_878 = arith.constant 0 : i32
    %dma_start3A_879 = tpu.memref_slice %arg8[%arg0, %min3A, %dma_start3A_878] : memref<2x10000x128xf32, #tpu.memory_space<hbm>> -> memref<1x128x128xf32, #tpu.memory_space<hbm>>
    %dma_start3A_880 = tpu.memref_squeeze %dma_start3A_879 : memref<1x128x128xf32, #tpu.memory_space<hbm>> -> memref<128x128xf32, #tpu.memory_space<hbm>>
    %dma_start3A_881 = arith.constant 0 : i32
    %dma_start3A_882 = tpu.memref_slice %arg8[%arg0, %min3A, %dma_start3A_881] : memref<2x10000x128xf32, #tpu.memory_space<hbm>> -> memref<1x128x128xf32, #tpu.memory_space<hbm>>
    %dma_start3A_883 = tpu.memref_squeeze %dma_start3A_882 : memref<1x128x128xf32, #tpu.memory_space<hbm>> -> memref<128x128xf32, #tpu.memory_space<hbm>>
    tpu.enqueue_dma source(%arg22 : memref<128x128xf32, #tpu.memory_space<vmem>>) target(%dma_start3A_883 : memref<128x128xf32, #tpu.memory_space<hbm>>) target_semaphore(%arg29 : memref<!tpu.dma_semaphore, #tpu.memory_space<semaphore_mem>>)
    %add3A_884 = arith.constant 128 : i32
    %add3A_885 = arith.addi %mul3A_2, %add3A_884 : i32
    %min3A_886 = arith.minsi %add3A_885, %sub3A_10 : i32
    "tpu.region"() ({
      %run_scoped3A = tpu.sem_alloc : memref<!tpu.dma_semaphore, #tpu.memory_space<semaphore_mem>>
      %dma_start3A_950 = arith.constant 0 : i32
      %dma_start3A_951 = tpu.memref_slice %arg26[%min3A_886, %dma_start3A_950] : memref<10000x128xf32, #tpu.memory_space<vmem_shared>> -> memref<128x128xf32, #tpu.memory_space<vmem_shared>>
      %dma_start3A_952 = arith.constant 0 : i32
      %dma_start3A_953 = tpu.memref_slice %arg26[%min3A_886, %dma_start3A_952] : memref<10000x128xf32, #tpu.memory_space<vmem_shared>> -> memref<128x128xf32, #tpu.memory_space<vmem_shared>>
      tpu.enqueue_dma source(%dma_start3A_953 : memref<128x128xf32, #tpu.memory_space<vmem_shared>>) target(%arg23 : memref<128x128xf32, #tpu.memory_space<vmem>>) target_semaphore(%run_scoped3A : memref<!tpu.dma_semaphore, #tpu.memory_space<semaphore_mem>>)
      %dma_wait3A_954 = arith.constant 0 : i32
      %dma_wait3A_955 = tpu.memref_slice %arg26[%min3A_886, %dma_wait3A_954] : memref<10000x128xf32, #tpu.memory_space<vmem_shared>> -> memref<128x128xf32, #tpu.memory_space<vmem_shared>>
      %dma_wait3A_956 = arith.constant 0 : i32
      %dma_wait3A_957 = tpu.memref_slice %arg26[%min3A_886, %dma_wait3A_956] : memref<10000x128xf32, #tpu.memory_space<vmem_shared>> -> memref<128x128xf32, #tpu.memory_space<vmem_shared>>
      tpu.wait_dma2 semaphore(%run_scoped3A : memref<!tpu.dma_semaphore, #tpu.memory_space<semaphore_mem>>) src(%dma_wait3A_957 : memref<128x128xf32, #tpu.memory_space<vmem_shared>>) dst(%arg23 : memref<128x128xf32, #tpu.memory_space<vmem>>)
      tpu.yield
    }) : () -> ()
    %dma_start3A_887 = arith.constant 0 : i32
    %dma_start3A_888 = tpu.memref_slice %arg8[%arg0, %min3A_886, %dma_start3A_887] : memref<2x10000x128xf32, #tpu.memory_space<hbm>> -> memref<1x128x128xf32, #tpu.memory_space<hbm>>
    %dma_start3A_889 = tpu.memref_squeeze %dma_start3A_888 : memref<1x128x128xf32, #tpu.memory_space<hbm>> -> memref<128x128xf32, #tpu.memory_space<hbm>>
    %dma_start3A_890 = arith.constant 0 : i32
    %dma_start3A_891 = tpu.memref_slice %arg8[%arg0, %min3A_886, %dma_start3A_890] : memref<2x10000x128xf32, #tpu.memory_space<hbm>> -> memref<1x128x128xf32, #tpu.memory_space<hbm>>
    %dma_start3A_892 = tpu.memref_squeeze %dma_start3A_891 : memref<1x128x128xf32, #tpu.memory_space<hbm>> -> memref<128x128xf32, #tpu.memory_space<hbm>>
    tpu.enqueue_dma source(%arg23 : memref<128x128xf32, #tpu.memory_space<vmem>>) target(%dma_start3A_892 : memref<128x128xf32, #tpu.memory_space<hbm>>) target_semaphore(%arg30 : memref<!tpu.dma_semaphore, #tpu.memory_space<semaphore_mem>>)
    %add3A_893 = arith.constant 256 : i32
    %add3A_894 = arith.addi %mul3A_2, %add3A_893 : i32
    %min3A_895 = arith.minsi %add3A_894, %sub3A_10 : i32
    %dma_wait3A_896 = arith.constant 0 : i32
    %dma_wait3A_897 = tpu.memref_slice %arg8[%arg0, %mul3A_2, %dma_wait3A_896] : memref<2x10000x128xf32, #tpu.memory_space<hbm>> -> memref<1x128x128xf32, #tpu.memory_space<hbm>>
    %dma_wait3A_898 = tpu.memref_squeeze %dma_wait3A_897 : memref<1x128x128xf32, #tpu.memory_space<hbm>> -> memref<128x128xf32, #tpu.memory_space<hbm>>
    %dma_wait3A_899 = arith.constant 0 : i32
    %dma_wait3A_900 = tpu.memref_slice %arg8[%arg0, %mul3A_2, %dma_wait3A_899] : memref<2x10000x128xf32, #tpu.memory_space<hbm>> -> memref<1x128x128xf32, #tpu.memory_space<hbm>>
    %dma_wait3A_901 = tpu.memref_squeeze %dma_wait3A_900 : memref<1x128x128xf32, #tpu.memory_space<hbm>> -> memref<128x128xf32, #tpu.memory_space<hbm>>
    tpu.wait_dma2 semaphore(%arg29 : memref<!tpu.dma_semaphore, #tpu.memory_space<semaphore_mem>>) src(%arg22 : memref<128x128xf32, #tpu.memory_space<vmem>>) dst(%dma_wait3A_901 : memref<128x128xf32, #tpu.memory_space<hbm>>)
    "tpu.region"() ({
      %run_scoped3A = tpu.sem_alloc : memref<!tpu.dma_semaphore, #tpu.memory_space<semaphore_mem>>
      %dma_start3A_950 = arith.constant 0 : i32
      %dma_start3A_951 = tpu.memref_slice %arg26[%min3A_895, %dma_start3A_950] : memref<10000x128xf32, #tpu.memory_space<vmem_shared>> -> memref<128x128xf32, #tpu.memory_space<vmem_shared>>
      %dma_start3A_952 = arith.constant 0 : i32
      %dma_start3A_953 = tpu.memref_slice %arg26[%min3A_895, %dma_start3A_952] : memref<10000x128xf32, #tpu.memory_space<vmem_shared>> -> memref<128x128xf32, #tpu.memory_space<vmem_shared>>
      tpu.enqueue_dma source(%dma_start3A_953 : memref<128x128xf32, #tpu.memory_space<vmem_shared>>) target(%arg22 : memref<128x128xf32, #tpu.memory_space<vmem>>) target_semaphore(%run_scoped3A : memref<!tpu.dma_semaphore, #tpu.memory_space<semaphore_mem>>)
      %dma_wait3A_954 = arith.constant 0 : i32
      %dma_wait3A_955 = tpu.memref_slice %arg26[%min3A_895, %dma_wait3A_954] : memref<10000x128xf32, #tpu.memory_space<vmem_shared>> -> memref<128x128xf32, #tpu.memory_space<vmem_shared>>
      %dma_wait3A_956 = arith.constant 0 : i32
      %dma_wait3A_957 = tpu.memref_slice %arg26[%min3A_895, %dma_wait3A_956] : memref<10000x128xf32, #tpu.memory_space<vmem_shared>> -> memref<128x128xf32, #tpu.memory_space<vmem_shared>>
      tpu.wait_dma2 semaphore(%run_scoped3A : memref<!tpu.dma_semaphore, #tpu.memory_space<semaphore_mem>>) src(%dma_wait3A_957 : memref<128x128xf32, #tpu.memory_space<vmem_shared>>) dst(%arg22 : memref<128x128xf32, #tpu.memory_space<vmem>>)
      tpu.yield
    }) : () -> ()
    %dma_start3A_902 = arith.constant 0 : i32
    %dma_start3A_903 = tpu.memref_slice %arg8[%arg0, %min3A_895, %dma_start3A_902] : memref<2x10000x128xf32, #tpu.memory_space<hbm>> -> memref<1x128x128xf32, #tpu.memory_space<hbm>>
    %dma_start3A_904 = tpu.memref_squeeze %dma_start3A_903 : memref<1x128x128xf32, #tpu.memory_space<hbm>> -> memref<128x128xf32, #tpu.memory_space<hbm>>
    %dma_start3A_905 = arith.constant 0 : i32
    %dma_start3A_906 = tpu.memref_slice %arg8[%arg0, %min3A_895, %dma_start3A_905] : memref<2x10000x128xf32, #tpu.memory_space<hbm>> -> memref<1x128x128xf32, #tpu.memory_space<hbm>>
    %dma_start3A_907 = tpu.memref_squeeze %dma_start3A_906 : memref<1x128x128xf32, #tpu.memory_space<hbm>> -> memref<128x128xf32, #tpu.memory_space<hbm>>
    tpu.enqueue_dma source(%arg22 : memref<128x128xf32, #tpu.memory_space<vmem>>) target(%dma_start3A_907 : memref<128x128xf32, #tpu.memory_space<hbm>>) target_semaphore(%arg29 : memref<!tpu.dma_semaphore, #tpu.memory_space<semaphore_mem>>)
    %add3A_908 = arith.constant 384 : i32
    %add3A_909 = arith.addi %mul3A_2, %add3A_908 : i32
    %min3A_910 = arith.minsi %add3A_909, %sub3A_10 : i32
    %dma_wait3A_911 = arith.constant 0 : i32
    %dma_wait3A_912 = tpu.memref_slice %arg8[%arg0, %mul3A_2, %dma_wait3A_911] : memref<2x10000x128xf32, #tpu.memory_space<hbm>> -> memref<1x128x128xf32, #tpu.memory_space<hbm>>
    %dma_wait3A_913 = tpu.memref_squeeze %dma_wait3A_912 : memref<1x128x128xf32, #tpu.memory_space<hbm>> -> memref<128x128xf32, #tpu.memory_space<hbm>>
    %dma_wait3A_914 = arith.constant 0 : i32
    %dma_wait3A_915 = tpu.memref_slice %arg8[%arg0, %mul3A_2, %dma_wait3A_914] : memref<2x10000x128xf32, #tpu.memory_space<hbm>> -> memref<1x128x128xf32, #tpu.memory_space<hbm>>
    %dma_wait3A_916 = tpu.memref_squeeze %dma_wait3A_915 : memref<1x128x128xf32, #tpu.memory_space<hbm>> -> memref<128x128xf32, #tpu.memory_space<hbm>>
    tpu.wait_dma2 semaphore(%arg30 : memref<!tpu.dma_semaphore, #tpu.memory_space<semaphore_mem>>) src(%arg23 : memref<128x128xf32, #tpu.memory_space<vmem>>) dst(%dma_wait3A_916 : memref<128x128xf32, #tpu.memory_space<hbm>>)
    "tpu.region"() ({
      %run_scoped3A = tpu.sem_alloc : memref<!tpu.dma_semaphore, #tpu.memory_space<semaphore_mem>>
      %dma_start3A_950 = arith.constant 0 : i32
      %dma_start3A_951 = tpu.memref_slice %arg26[%min3A_910, %dma_start3A_950] : memref<10000x128xf32, #tpu.memory_space<vmem_shared>> -> memref<128x128xf32, #tpu.memory_space<vmem_shared>>
      %dma_start3A_952 = arith.constant 0 : i32
      %dma_start3A_953 = tpu.memref_slice %arg26[%min3A_910, %dma_start3A_952] : memref<10000x128xf32, #tpu.memory_space<vmem_shared>> -> memref<128x128xf32, #tpu.memory_space<vmem_shared>>
      tpu.enqueue_dma source(%dma_start3A_953 : memref<128x128xf32, #tpu.memory_space<vmem_shared>>) target(%arg23 : memref<128x128xf32, #tpu.memory_space<vmem>>) target_semaphore(%run_scoped3A : memref<!tpu.dma_semaphore, #tpu.memory_space<semaphore_mem>>)
      %dma_wait3A_954 = arith.constant 0 : i32
      %dma_wait3A_955 = tpu.memref_slice %arg26[%min3A_910, %dma_wait3A_954] : memref<10000x128xf32, #tpu.memory_space<vmem_shared>> -> memref<128x128xf32, #tpu.memory_space<vmem_shared>>
      %dma_wait3A_956 = arith.constant 0 : i32
      %dma_wait3A_957 = tpu.memref_slice %arg26[%min3A_910, %dma_wait3A_956] : memref<10000x128xf32, #tpu.memory_space<vmem_shared>> -> memref<128x128xf32, #tpu.memory_space<vmem_shared>>
      tpu.wait_dma2 semaphore(%run_scoped3A : memref<!tpu.dma_semaphore, #tpu.memory_space<semaphore_mem>>) src(%dma_wait3A_957 : memref<128x128xf32, #tpu.memory_space<vmem_shared>>) dst(%arg23 : memref<128x128xf32, #tpu.memory_space<vmem>>)
      tpu.yield
    }) : () -> ()
    %dma_start3A_917 = arith.constant 0 : i32
    %dma_start3A_918 = tpu.memref_slice %arg8[%arg0, %min3A_910, %dma_start3A_917] : memref<2x10000x128xf32, #tpu.memory_space<hbm>> -> memref<1x128x128xf32, #tpu.memory_space<hbm>>
    %dma_start3A_919 = tpu.memref_squeeze %dma_start3A_918 : memref<1x128x128xf32, #tpu.memory_space<hbm>> -> memref<128x128xf32, #tpu.memory_space<hbm>>
    %dma_start3A_920 = arith.constant 0 : i32
    %dma_start3A_921 = tpu.memref_slice %arg8[%arg0, %min3A_910, %dma_start3A_920] : memref<2x10000x128xf32, #tpu.memory_space<hbm>> -> memref<1x128x128xf32, #tpu.memory_space<hbm>>
    %dma_start3A_922 = tpu.memref_squeeze %dma_start3A_921 : memref<1x128x128xf32, #tpu.memory_space<hbm>> -> memref<128x128xf32, #tpu.memory_space<hbm>>
    tpu.enqueue_dma source(%arg23 : memref<128x128xf32, #tpu.memory_space<vmem>>) target(%dma_start3A_922 : memref<128x128xf32, #tpu.memory_space<hbm>>) target_semaphore(%arg30 : memref<!tpu.dma_semaphore, #tpu.memory_space<semaphore_mem>>)
    %add3A_923 = arith.constant 512 : i32
    %add3A_924 = arith.addi %mul3A_2, %add3A_923 : i32
    %min3A_925 = arith.minsi %add3A_924, %sub3A_10 : i32
    %dma_wait3A_926 = arith.constant 0 : i32
    %dma_wait3A_927 = tpu.memref_slice %arg8[%arg0, %mul3A_2, %dma_wait3A_926] : memref<2x10000x128xf32, #tpu.memory_space<hbm>> -> memref<1x128x128xf32, #tpu.memory_space<hbm>>
    %dma_wait3A_928 = tpu.memref_squeeze %dma_wait3A_927 : memref<1x128x128xf32, #tpu.memory_space<hbm>> -> memref<128x128xf32, #tpu.memory_space<hbm>>
    %dma_wait3A_929 = arith.constant 0 : i32
    %dma_wait3A_930 = tpu.memref_slice %arg8[%arg0, %mul3A_2, %dma_wait3A_929] : memref<2x10000x128xf32, #tpu.memory_space<hbm>> -> memref<1x128x128xf32, #tpu.memory_space<hbm>>
    %dma_wait3A_931 = tpu.memref_squeeze %dma_wait3A_930 : memref<1x128x128xf32, #tpu.memory_space<hbm>> -> memref<128x128xf32, #tpu.memory_space<hbm>>
    tpu.wait_dma2 semaphore(%arg29 : memref<!tpu.dma_semaphore, #tpu.memory_space<semaphore_mem>>) src(%arg22 : memref<128x128xf32, #tpu.memory_space<vmem>>) dst(%dma_wait3A_931 : memref<128x128xf32, #tpu.memory_space<hbm>>)
    "tpu.region"() ({
      %run_scoped3A = tpu.sem_alloc : memref<!tpu.dma_semaphore, #tpu.memory_space<semaphore_mem>>
      %dma_start3A_950 = arith.constant 0 : i32
      %dma_start3A_951 = tpu.memref_slice %arg26[%min3A_925, %dma_start3A_950] : memref<10000x128xf32, #tpu.memory_space<vmem_shared>> -> memref<128x128xf32, #tpu.memory_space<vmem_shared>>
      %dma_start3A_952 = arith.constant 0 : i32
      %dma_start3A_953 = tpu.memref_slice %arg26[%min3A_925, %dma_start3A_952] : memref<10000x128xf32, #tpu.memory_space<vmem_shared>> -> memref<128x128xf32, #tpu.memory_space<vmem_shared>>
      tpu.enqueue_dma source(%dma_start3A_953 : memref<128x128xf32, #tpu.memory_space<vmem_shared>>) target(%arg22 : memref<128x128xf32, #tpu.memory_space<vmem>>) target_semaphore(%run_scoped3A : memref<!tpu.dma_semaphore, #tpu.memory_space<semaphore_mem>>)
      %dma_wait3A_954 = arith.constant 0 : i32
      %dma_wait3A_955 = tpu.memref_slice %arg26[%min3A_925, %dma_wait3A_954] : memref<10000x128xf32, #tpu.memory_space<vmem_shared>> -> memref<128x128xf32, #tpu.memory_space<vmem_shared>>
      %dma_wait3A_956 = arith.constant 0 : i32
      %dma_wait3A_957 = tpu.memref_slice %arg26[%min3A_925, %dma_wait3A_956] : memref<10000x128xf32, #tpu.memory_space<vmem_shared>> -> memref<128x128xf32, #tpu.memory_space<vmem_shared>>
      tpu.wait_dma2 semaphore(%run_scoped3A : memref<!tpu.dma_semaphore, #tpu.memory_space<semaphore_mem>>) src(%dma_wait3A_957 : memref<128x128xf32, #tpu.memory_space<vmem_shared>>) dst(%arg22 : memref<128x128xf32, #tpu.memory_space<vmem>>)
      tpu.yield
    }) : () -> ()
    %dma_start3A_932 = arith.constant 0 : i32
    %dma_start3A_933 = tpu.memref_slice %arg8[%arg0, %min3A_925, %dma_start3A_932] : memref<2x10000x128xf32, #tpu.memory_space<hbm>> -> memref<1x128x128xf32, #tpu.memory_space<hbm>>
    %dma_start3A_934 = tpu.memref_squeeze %dma_start3A_933 : memref<1x128x128xf32, #tpu.memory_space<hbm>> -> memref<128x128xf32, #tpu.memory_space<hbm>>
    %dma_start3A_935 = arith.constant 0 : i32
    %dma_start3A_936 = tpu.memref_slice %arg8[%arg0, %min3A_925, %dma_start3A_935] : memref<2x10000x128xf32, #tpu.memory_space<hbm>> -> memref<1x128x128xf32, #tpu.memory_space<hbm>>
    %dma_start3A_937 = tpu.memref_squeeze %dma_start3A_936 : memref<1x128x128xf32, #tpu.memory_space<hbm>> -> memref<128x128xf32, #tpu.memory_space<hbm>>
    tpu.enqueue_dma source(%arg22 : memref<128x128xf32, #tpu.memory_space<vmem>>) target(%dma_start3A_937 : memref<128x128xf32, #tpu.memory_space<hbm>>) target_semaphore(%arg29 : memref<!tpu.dma_semaphore, #tpu.memory_space<semaphore_mem>>)
    %dma_wait3A_938 = arith.constant 0 : i32
    %dma_wait3A_939 = tpu.memref_slice %arg8[%arg0, %mul3A_2, %dma_wait3A_938] : memref<2x10000x128xf32, #tpu.memory_space<hbm>> -> memref<1x128x128xf32, #tpu.memory_space<hbm>>
    %dma_wait3A_940 = tpu.memref_squeeze %dma_wait3A_939 : memref<1x128x128xf32, #tpu.memory_space<hbm>> -> memref<128x128xf32, #tpu.memory_space<hbm>>
    %dma_wait3A_941 = arith.constant 0 : i32
    %dma_wait3A_942 = tpu.memref_slice %arg8[%arg0, %mul3A_2, %dma_wait3A_941] : memref<2x10000x128xf32, #tpu.memory_space<hbm>> -> memref<1x128x128xf32, #tpu.memory_space<hbm>>
    %dma_wait3A_943 = tpu.memref_squeeze %dma_wait3A_942 : memref<1x128x128xf32, #tpu.memory_space<hbm>> -> memref<128x128xf32, #tpu.memory_space<hbm>>
    tpu.wait_dma2 semaphore(%arg29 : memref<!tpu.dma_semaphore, #tpu.memory_space<semaphore_mem>>) src(%arg22 : memref<128x128xf32, #tpu.memory_space<vmem>>) dst(%dma_wait3A_943 : memref<128x128xf32, #tpu.memory_space<hbm>>)
    %dma_wait3A_944 = arith.constant 0 : i32
    %dma_wait3A_945 = tpu.memref_slice %arg8[%arg0, %mul3A_2, %dma_wait3A_944] : memref<2x10000x128xf32, #tpu.memory_space<hbm>> -> memref<1x128x128xf32, #tpu.memory_space<hbm>>
    %dma_wait3A_946 = tpu.memref_squeeze %dma_wait3A_945 : memref<1x128x128xf32, #tpu.memory_space<hbm>> -> memref<128x128xf32, #tpu.memory_space<hbm>>
    %dma_wait3A_947 = arith.constant 0 : i32
    %dma_wait3A_948 = tpu.memref_slice %arg8[%arg0, %mul3A_2, %dma_wait3A_947] : memref<2x10000x128xf32, #tpu.memory_space<hbm>> -> memref<1x128x128xf32, #tpu.memory_space<hbm>>
    %dma_wait3A_949 = tpu.memref_squeeze %dma_wait3A_948 : memref<1x128x128xf32, #tpu.memory_space<hbm>> -> memref<128x128xf32, #tpu.memory_space<hbm>>
    tpu.wait_dma2 semaphore(%arg30 : memref<!tpu.dma_semaphore, #tpu.memory_space<semaphore_mem>>) src(%arg23 : memref<128x128xf32, #tpu.memory_space<vmem>>) dst(%dma_wait3A_949 : memref<128x128xf32, #tpu.memory_space<hbm>>)
    return
  }
}

module attributes {stable_mosaic.version = 14 : i64} {
  func.func @_tc_body(%arg0: i32, %arg1: memref<1000x128xf32, #tpu.memory_space<vmem>>, %arg2: memref<4x128x128xf32, #tpu.memory_space<vmem>>, %arg3: memref<9x4xf32, #tpu.memory_space<smem>>, %arg4: memref<1000x1xf32, #tpu.memory_space<vmem>>, %arg5: memref<9x1000x128xf32, #tpu.memory_space<vmem>>, %arg6: memref<1000x128xf32, #tpu.memory_space<vmem>>) attributes {dimension_semantics = [#tpu.dimension_semantics<arbitrary>], iteration_bounds = array<i64: 10>, scalar_prefetch = 0 : i64, scratch_operands = 0 : i64, tpu.core_type = #tpu.core_type<tc>, window_params = [{transform_indices = @transform_0, window_bounds = array<i64: 1000, 128>}, {pipeline_mode = #tpu.pipeline_mode<synchronous>, transform_indices = @transform_1, window_bounds = array<i64: 4, 128, 128>}, {transform_indices = @transform_2, window_bounds = array<i64: 9, 4>}, {transform_indices = @transform_3, window_bounds = array<i64: 1000, 1>}, {transform_indices = @transform_4, window_bounds = array<i64: 9, 1000, 128>}, {transform_indices = @transform_5, window_bounds = array<i64: 1000, 128>}]} {
    %get3A = arith.constant 0 : index
    %get3A_0 = arith.constant 0 : index
    %get3A_1 = vector.load %arg1[%get3A, %get3A_0] : memref<1000x128xf32, #tpu.memory_space<vmem>>, vector<1000x128xf32>
    %get3A_2 = arith.constant 0 : index
    %get3A_3 = arith.constant 0 : index
    %get3A_4 = arith.constant 0 : index
    %get3A_5 = vector.load %arg2[%get3A_2, %get3A_3, %get3A_4] : memref<4x128x128xf32, #tpu.memory_space<vmem>>, vector<1x128x128xf32>
    %get3A_6 = vector.shape_cast %get3A_5 : vector<1x128x128xf32> to vector<128x128xf32>
    %dot_general3A = arith.constant dense<0.000000e+00> : vector<1000x128xf32>
    %dot_general3A_7 = tpu.matmul %get3A_1, %get3A_6, %dot_general3A {dimension_numbers = #tpu.dot_dimension_numbers<[1], [0], [0], [1], [0, 0, 1, 1], [], []>, transpose_lhs_hint = false} : vector<1000x128xf32>, vector<128x128xf32>, vector<1000x128xf32> -> vector<1000x128xf32>
    %get3A_8 = arith.constant 1 : index
    %get3A_9 = arith.constant 0 : index
    %get3A_10 = arith.constant 0 : index
    %get3A_11 = vector.load %arg2[%get3A_8, %get3A_9, %get3A_10] : memref<4x128x128xf32, #tpu.memory_space<vmem>>, vector<1x128x128xf32>
    %get3A_12 = vector.shape_cast %get3A_11 : vector<1x128x128xf32> to vector<128x128xf32>
    %dot_general3A_13 = arith.constant dense<0.000000e+00> : vector<1000x128xf32>
    %dot_general3A_14 = tpu.matmul %get3A_1, %get3A_12, %dot_general3A_13 {dimension_numbers = #tpu.dot_dimension_numbers<[1], [0], [0], [1], [0, 0, 1, 1], [], []>, transpose_lhs_hint = false} : vector<1000x128xf32>, vector<128x128xf32>, vector<1000x128xf32> -> vector<1000x128xf32>
    %get3A_15 = arith.constant 2 : index
    %get3A_16 = arith.constant 0 : index
    %get3A_17 = arith.constant 0 : index
    %get3A_18 = vector.load %arg2[%get3A_15, %get3A_16, %get3A_17] : memref<4x128x128xf32, #tpu.memory_space<vmem>>, vector<1x128x128xf32>
    %get3A_19 = vector.shape_cast %get3A_18 : vector<1x128x128xf32> to vector<128x128xf32>
    %dot_general3A_20 = arith.constant dense<0.000000e+00> : vector<1000x128xf32>
    %dot_general3A_21 = tpu.matmul %get3A_1, %get3A_19, %dot_general3A_20 {dimension_numbers = #tpu.dot_dimension_numbers<[1], [0], [0], [1], [0, 0, 1, 1], [], []>, transpose_lhs_hint = false} : vector<1000x128xf32>, vector<128x128xf32>, vector<1000x128xf32> -> vector<1000x128xf32>
    %get3A_22 = arith.constant 3 : index
    %get3A_23 = arith.constant 0 : index
    %get3A_24 = arith.constant 0 : index
    %get3A_25 = vector.load %arg2[%get3A_22, %get3A_23, %get3A_24] : memref<4x128x128xf32, #tpu.memory_space<vmem>>, vector<1x128x128xf32>
    %get3A_26 = vector.shape_cast %get3A_25 : vector<1x128x128xf32> to vector<128x128xf32>
    %dot_general3A_27 = arith.constant dense<0.000000e+00> : vector<1000x128xf32>
    %dot_general3A_28 = tpu.matmul %get3A_1, %get3A_26, %dot_general3A_27 {dimension_numbers = #tpu.dot_dimension_numbers<[1], [0], [0], [1], [0, 0, 1, 1], [], []>, transpose_lhs_hint = false} : vector<1000x128xf32>, vector<128x128xf32>, vector<1000x128xf32> -> vector<1000x128xf32>
    %get3A_29 = arith.constant 0 : index
    %get3A_30 = arith.constant 0 : index
    %get3A_31 = memref.load %arg3[%get3A_29, %get3A_30] : memref<9x4xf32, #tpu.memory_space<smem>>
    %mul3A = vector.broadcast %get3A_31 : f32 to vector<1000x128xf32>
    %mul3A_32 = arith.mulf %dot_general3A_7, %mul3A : vector<1000x128xf32>
    %get3A_33 = arith.constant 0 : index
    %get3A_34 = arith.constant 1 : index
    %get3A_35 = memref.load %arg3[%get3A_33, %get3A_34] : memref<9x4xf32, #tpu.memory_space<smem>>
    %mul3A_36 = vector.broadcast %get3A_35 : f32 to vector<1000x128xf32>
    %mul3A_37 = arith.mulf %dot_general3A_14, %mul3A_36 : vector<1000x128xf32>
    %add3A = arith.addf %mul3A_32, %mul3A_37 : vector<1000x128xf32>
    %get3A_38 = arith.constant 0 : index
    %get3A_39 = arith.constant 2 : index
    %get3A_40 = memref.load %arg3[%get3A_38, %get3A_39] : memref<9x4xf32, #tpu.memory_space<smem>>
    %mul3A_41 = vector.broadcast %get3A_40 : f32 to vector<1000x128xf32>
    %mul3A_42 = arith.mulf %dot_general3A_21, %mul3A_41 : vector<1000x128xf32>
    %add3A_43 = arith.addf %add3A, %mul3A_42 : vector<1000x128xf32>
    %get3A_44 = arith.constant 0 : index
    %get3A_45 = arith.constant 3 : index
    %get3A_46 = memref.load %arg3[%get3A_44, %get3A_45] : memref<9x4xf32, #tpu.memory_space<smem>>
    %mul3A_47 = vector.broadcast %get3A_46 : f32 to vector<1000x128xf32>
    %mul3A_48 = arith.mulf %dot_general3A_28, %mul3A_47 : vector<1000x128xf32>
    %add3A_49 = arith.addf %add3A_43, %mul3A_48 : vector<1000x128xf32>
    %swap3A = arith.constant 0 : index
    %swap3A_50 = arith.constant 0 : index
    %swap3A_51 = arith.constant 0 : index
    %swap3A_52 = vector.load %arg5[%swap3A, %swap3A_50, %swap3A_51] : memref<9x1000x128xf32, #tpu.memory_space<vmem>>, vector<1x1000x128xf32>
    %swap3A_53 = vector.shape_cast %swap3A_52 : vector<1x1000x128xf32> to vector<1000x128xf32>
    %swap3A_54 = vector.shape_cast %add3A_49 : vector<1000x128xf32> to vector<1x1000x128xf32>
    tpu.vector_store %arg5[%swap3A, %swap3A_50, %swap3A_51], %swap3A_54 {strides = array<i32>} : memref<9x1000x128xf32, #tpu.memory_space<vmem>>, vector<1x1000x128xf32>,
    %get3A_55 = arith.constant 1 : index
    %get3A_56 = arith.constant 0 : index
    %get3A_57 = memref.load %arg3[%get3A_55, %get3A_56] : memref<9x4xf32, #tpu.memory_space<smem>>
    %mul3A_58 = vector.broadcast %get3A_57 : f32 to vector<1000x128xf32>
    %mul3A_59 = arith.mulf %dot_general3A_7, %mul3A_58 : vector<1000x128xf32>
    %get3A_60 = arith.constant 1 : index
    %get3A_61 = arith.constant 1 : index
    %get3A_62 = memref.load %arg3[%get3A_60, %get3A_61] : memref<9x4xf32, #tpu.memory_space<smem>>
    %mul3A_63 = vector.broadcast %get3A_62 : f32 to vector<1000x128xf32>
    %mul3A_64 = arith.mulf %dot_general3A_14, %mul3A_63 : vector<1000x128xf32>
    %add3A_65 = arith.addf %mul3A_59, %mul3A_64 : vector<1000x128xf32>
    %get3A_66 = arith.constant 1 : index
    %get3A_67 = arith.constant 2 : index
    %get3A_68 = memref.load %arg3[%get3A_66, %get3A_67] : memref<9x4xf32, #tpu.memory_space<smem>>
    %mul3A_69 = vector.broadcast %get3A_68 : f32 to vector<1000x128xf32>
    %mul3A_70 = arith.mulf %dot_general3A_21, %mul3A_69 : vector<1000x128xf32>
    %add3A_71 = arith.addf %add3A_65, %mul3A_70 : vector<1000x128xf32>
    %get3A_72 = arith.constant 1 : index
    %get3A_73 = arith.constant 3 : index
    %get3A_74 = memref.load %arg3[%get3A_72, %get3A_73] : memref<9x4xf32, #tpu.memory_space<smem>>
    %mul3A_75 = vector.broadcast %get3A_74 : f32 to vector<1000x128xf32>
    %mul3A_76 = arith.mulf %dot_general3A_28, %mul3A_75 : vector<1000x128xf32>
    %add3A_77 = arith.addf %add3A_71, %mul3A_76 : vector<1000x128xf32>
    %swap3A_78 = arith.constant 1 : index
    %swap3A_79 = arith.constant 0 : index
    %swap3A_80 = arith.constant 0 : index
    %swap3A_81 = vector.load %arg5[%swap3A_78, %swap3A_79, %swap3A_80] : memref<9x1000x128xf32, #tpu.memory_space<vmem>>, vector<1x1000x128xf32>
    %swap3A_82 = vector.shape_cast %swap3A_81 : vector<1x1000x128xf32> to vector<1000x128xf32>
    %swap3A_83 = vector.shape_cast %add3A_77 : vector<1000x128xf32> to vector<1x1000x128xf32>
    tpu.vector_store %arg5[%swap3A_78, %swap3A_79, %swap3A_80], %swap3A_83 {strides = array<i32>} : memref<9x1000x128xf32, #tpu.memory_space<vmem>>, vector<1x1000x128xf32>,
    %get3A_84 = arith.constant 2 : index
    %get3A_85 = arith.constant 0 : index
    %get3A_86 = memref.load %arg3[%get3A_84, %get3A_85] : memref<9x4xf32, #tpu.memory_space<smem>>
    %mul3A_87 = vector.broadcast %get3A_86 : f32 to vector<1000x128xf32>
    %mul3A_88 = arith.mulf %dot_general3A_7, %mul3A_87 : vector<1000x128xf32>
    %get3A_89 = arith.constant 2 : index
    %get3A_90 = arith.constant 1 : index
    %get3A_91 = memref.load %arg3[%get3A_89, %get3A_90] : memref<9x4xf32, #tpu.memory_space<smem>>
    %mul3A_92 = vector.broadcast %get3A_91 : f32 to vector<1000x128xf32>
    %mul3A_93 = arith.mulf %dot_general3A_14, %mul3A_92 : vector<1000x128xf32>
    %add3A_94 = arith.addf %mul3A_88, %mul3A_93 : vector<1000x128xf32>
    %get3A_95 = arith.constant 2 : index
    %get3A_96 = arith.constant 2 : index
    %get3A_97 = memref.load %arg3[%get3A_95, %get3A_96] : memref<9x4xf32, #tpu.memory_space<smem>>
    %mul3A_98 = vector.broadcast %get3A_97 : f32 to vector<1000x128xf32>
    %mul3A_99 = arith.mulf %dot_general3A_21, %mul3A_98 : vector<1000x128xf32>
    %add3A_100 = arith.addf %add3A_94, %mul3A_99 : vector<1000x128xf32>
    %get3A_101 = arith.constant 2 : index
    %get3A_102 = arith.constant 3 : index
    %get3A_103 = memref.load %arg3[%get3A_101, %get3A_102] : memref<9x4xf32, #tpu.memory_space<smem>>
    %mul3A_104 = vector.broadcast %get3A_103 : f32 to vector<1000x128xf32>
    %mul3A_105 = arith.mulf %dot_general3A_28, %mul3A_104 : vector<1000x128xf32>
    %add3A_106 = arith.addf %add3A_100, %mul3A_105 : vector<1000x128xf32>
    %swap3A_107 = arith.constant 2 : index
    %swap3A_108 = arith.constant 0 : index
    %swap3A_109 = arith.constant 0 : index
    %swap3A_110 = vector.load %arg5[%swap3A_107, %swap3A_108, %swap3A_109] : memref<9x1000x128xf32, #tpu.memory_space<vmem>>, vector<1x1000x128xf32>
    %swap3A_111 = vector.shape_cast %swap3A_110 : vector<1x1000x128xf32> to vector<1000x128xf32>
    %swap3A_112 = vector.shape_cast %add3A_106 : vector<1000x128xf32> to vector<1x1000x128xf32>
    tpu.vector_store %arg5[%swap3A_107, %swap3A_108, %swap3A_109], %swap3A_112 {strides = array<i32>} : memref<9x1000x128xf32, #tpu.memory_space<vmem>>, vector<1x1000x128xf32>,
    %get3A_113 = arith.constant 3 : index
    %get3A_114 = arith.constant 0 : index
    %get3A_115 = memref.load %arg3[%get3A_113, %get3A_114] : memref<9x4xf32, #tpu.memory_space<smem>>
    %mul3A_116 = vector.broadcast %get3A_115 : f32 to vector<1000x128xf32>
    %mul3A_117 = arith.mulf %dot_general3A_7, %mul3A_116 : vector<1000x128xf32>
    %get3A_118 = arith.constant 3 : index
    %get3A_119 = arith.constant 1 : index
    %get3A_120 = memref.load %arg3[%get3A_118, %get3A_119] : memref<9x4xf32, #tpu.memory_space<smem>>
    %mul3A_121 = vector.broadcast %get3A_120 : f32 to vector<1000x128xf32>
    %mul3A_122 = arith.mulf %dot_general3A_14, %mul3A_121 : vector<1000x128xf32>
    %add3A_123 = arith.addf %mul3A_117, %mul3A_122 : vector<1000x128xf32>
    %get3A_124 = arith.constant 3 : index
    %get3A_125 = arith.constant 2 : index
    %get3A_126 = memref.load %arg3[%get3A_124, %get3A_125] : memref<9x4xf32, #tpu.memory_space<smem>>
    %mul3A_127 = vector.broadcast %get3A_126 : f32 to vector<1000x128xf32>
    %mul3A_128 = arith.mulf %dot_general3A_21, %mul3A_127 : vector<1000x128xf32>
    %add3A_129 = arith.addf %add3A_123, %mul3A_128 : vector<1000x128xf32>
    %get3A_130 = arith.constant 3 : index
    %get3A_131 = arith.constant 3 : index
    %get3A_132 = memref.load %arg3[%get3A_130, %get3A_131] : memref<9x4xf32, #tpu.memory_space<smem>>
    %mul3A_133 = vector.broadcast %get3A_132 : f32 to vector<1000x128xf32>
    %mul3A_134 = arith.mulf %dot_general3A_28, %mul3A_133 : vector<1000x128xf32>
    %add3A_135 = arith.addf %add3A_129, %mul3A_134 : vector<1000x128xf32>
    %swap3A_136 = arith.constant 3 : index
    %swap3A_137 = arith.constant 0 : index
    %swap3A_138 = arith.constant 0 : index
    %swap3A_139 = vector.load %arg5[%swap3A_136, %swap3A_137, %swap3A_138] : memref<9x1000x128xf32, #tpu.memory_space<vmem>>, vector<1x1000x128xf32>
    %swap3A_140 = vector.shape_cast %swap3A_139 : vector<1x1000x128xf32> to vector<1000x128xf32>
    %swap3A_141 = vector.shape_cast %add3A_135 : vector<1000x128xf32> to vector<1x1000x128xf32>
    tpu.vector_store %arg5[%swap3A_136, %swap3A_137, %swap3A_138], %swap3A_141 {strides = array<i32>} : memref<9x1000x128xf32, #tpu.memory_space<vmem>>, vector<1x1000x128xf32>,
    %get3A_142 = arith.constant 4 : index
    %get3A_143 = arith.constant 0 : index
    %get3A_144 = memref.load %arg3[%get3A_142, %get3A_143] : memref<9x4xf32, #tpu.memory_space<smem>>
    %mul3A_145 = vector.broadcast %get3A_144 : f32 to vector<1000x128xf32>
    %mul3A_146 = arith.mulf %dot_general3A_7, %mul3A_145 : vector<1000x128xf32>
    %get3A_147 = arith.constant 4 : index
    %get3A_148 = arith.constant 1 : index
    %get3A_149 = memref.load %arg3[%get3A_147, %get3A_148] : memref<9x4xf32, #tpu.memory_space<smem>>
    %mul3A_150 = vector.broadcast %get3A_149 : f32 to vector<1000x128xf32>
    %mul3A_151 = arith.mulf %dot_general3A_14, %mul3A_150 : vector<1000x128xf32>
    %add3A_152 = arith.addf %mul3A_146, %mul3A_151 : vector<1000x128xf32>
    %get3A_153 = arith.constant 4 : index
    %get3A_154 = arith.constant 2 : index
    %get3A_155 = memref.load %arg3[%get3A_153, %get3A_154] : memref<9x4xf32, #tpu.memory_space<smem>>
    %mul3A_156 = vector.broadcast %get3A_155 : f32 to vector<1000x128xf32>
    %mul3A_157 = arith.mulf %dot_general3A_21, %mul3A_156 : vector<1000x128xf32>
    %add3A_158 = arith.addf %add3A_152, %mul3A_157 : vector<1000x128xf32>
    %get3A_159 = arith.constant 4 : index
    %get3A_160 = arith.constant 3 : index
    %get3A_161 = memref.load %arg3[%get3A_159, %get3A_160] : memref<9x4xf32, #tpu.memory_space<smem>>
    %mul3A_162 = vector.broadcast %get3A_161 : f32 to vector<1000x128xf32>
    %mul3A_163 = arith.mulf %dot_general3A_28, %mul3A_162 : vector<1000x128xf32>
    %add3A_164 = arith.addf %add3A_158, %mul3A_163 : vector<1000x128xf32>
    %swap3A_165 = arith.constant 4 : index
    %swap3A_166 = arith.constant 0 : index
    %swap3A_167 = arith.constant 0 : index
    %swap3A_168 = vector.load %arg5[%swap3A_165, %swap3A_166, %swap3A_167] : memref<9x1000x128xf32, #tpu.memory_space<vmem>>, vector<1x1000x128xf32>
    %swap3A_169 = vector.shape_cast %swap3A_168 : vector<1x1000x128xf32> to vector<1000x128xf32>
    %swap3A_170 = vector.shape_cast %add3A_164 : vector<1000x128xf32> to vector<1x1000x128xf32>
    tpu.vector_store %arg5[%swap3A_165, %swap3A_166, %swap3A_167], %swap3A_170 {strides = array<i32>} : memref<9x1000x128xf32, #tpu.memory_space<vmem>>, vector<1x1000x128xf32>,
    %get3A_171 = arith.constant 5 : index
    %get3A_172 = arith.constant 0 : index
    %get3A_173 = memref.load %arg3[%get3A_171, %get3A_172] : memref<9x4xf32, #tpu.memory_space<smem>>
    %mul3A_174 = vector.broadcast %get3A_173 : f32 to vector<1000x128xf32>
    %mul3A_175 = arith.mulf %dot_general3A_7, %mul3A_174 : vector<1000x128xf32>
    %get3A_176 = arith.constant 5 : index
    %get3A_177 = arith.constant 1 : index
    %get3A_178 = memref.load %arg3[%get3A_176, %get3A_177] : memref<9x4xf32, #tpu.memory_space<smem>>
    %mul3A_179 = vector.broadcast %get3A_178 : f32 to vector<1000x128xf32>
    %mul3A_180 = arith.mulf %dot_general3A_14, %mul3A_179 : vector<1000x128xf32>
    %add3A_181 = arith.addf %mul3A_175, %mul3A_180 : vector<1000x128xf32>
    %get3A_182 = arith.constant 5 : index
    %get3A_183 = arith.constant 2 : index
    %get3A_184 = memref.load %arg3[%get3A_182, %get3A_183] : memref<9x4xf32, #tpu.memory_space<smem>>
    %mul3A_185 = vector.broadcast %get3A_184 : f32 to vector<1000x128xf32>
    %mul3A_186 = arith.mulf %dot_general3A_21, %mul3A_185 : vector<1000x128xf32>
    %add3A_187 = arith.addf %add3A_181, %mul3A_186 : vector<1000x128xf32>
    %get3A_188 = arith.constant 5 : index
    %get3A_189 = arith.constant 3 : index
    %get3A_190 = memref.load %arg3[%get3A_188, %get3A_189] : memref<9x4xf32, #tpu.memory_space<smem>>
    %mul3A_191 = vector.broadcast %get3A_190 : f32 to vector<1000x128xf32>
    %mul3A_192 = arith.mulf %dot_general3A_28, %mul3A_191 : vector<1000x128xf32>
    %add3A_193 = arith.addf %add3A_187, %mul3A_192 : vector<1000x128xf32>
    %swap3A_194 = arith.constant 5 : index
    %swap3A_195 = arith.constant 0 : index
    %swap3A_196 = arith.constant 0 : index
    %swap3A_197 = vector.load %arg5[%swap3A_194, %swap3A_195, %swap3A_196] : memref<9x1000x128xf32, #tpu.memory_space<vmem>>, vector<1x1000x128xf32>
    %swap3A_198 = vector.shape_cast %swap3A_197 : vector<1x1000x128xf32> to vector<1000x128xf32>
    %swap3A_199 = vector.shape_cast %add3A_193 : vector<1000x128xf32> to vector<1x1000x128xf32>
    tpu.vector_store %arg5[%swap3A_194, %swap3A_195, %swap3A_196], %swap3A_199 {strides = array<i32>} : memref<9x1000x128xf32, #tpu.memory_space<vmem>>, vector<1x1000x128xf32>,
    %get3A_200 = arith.constant 6 : index
    %get3A_201 = arith.constant 0 : index
    %get3A_202 = memref.load %arg3[%get3A_200, %get3A_201] : memref<9x4xf32, #tpu.memory_space<smem>>
    %mul3A_203 = vector.broadcast %get3A_202 : f32 to vector<1000x128xf32>
    %mul3A_204 = arith.mulf %dot_general3A_7, %mul3A_203 : vector<1000x128xf32>
    %get3A_205 = arith.constant 6 : index
    %get3A_206 = arith.constant 1 : index
    %get3A_207 = memref.load %arg3[%get3A_205, %get3A_206] : memref<9x4xf32, #tpu.memory_space<smem>>
    %mul3A_208 = vector.broadcast %get3A_207 : f32 to vector<1000x128xf32>
    %mul3A_209 = arith.mulf %dot_general3A_14, %mul3A_208 : vector<1000x128xf32>
    %add3A_210 = arith.addf %mul3A_204, %mul3A_209 : vector<1000x128xf32>
    %get3A_211 = arith.constant 6 : index
    %get3A_212 = arith.constant 2 : index
    %get3A_213 = memref.load %arg3[%get3A_211, %get3A_212] : memref<9x4xf32, #tpu.memory_space<smem>>
    %mul3A_214 = vector.broadcast %get3A_213 : f32 to vector<1000x128xf32>
    %mul3A_215 = arith.mulf %dot_general3A_21, %mul3A_214 : vector<1000x128xf32>
    %add3A_216 = arith.addf %add3A_210, %mul3A_215 : vector<1000x128xf32>
    %get3A_217 = arith.constant 6 : index
    %get3A_218 = arith.constant 3 : index
    %get3A_219 = memref.load %arg3[%get3A_217, %get3A_218] : memref<9x4xf32, #tpu.memory_space<smem>>
    %mul3A_220 = vector.broadcast %get3A_219 : f32 to vector<1000x128xf32>
    %mul3A_221 = arith.mulf %dot_general3A_28, %mul3A_220 : vector<1000x128xf32>
    %add3A_222 = arith.addf %add3A_216, %mul3A_221 : vector<1000x128xf32>
    %swap3A_223 = arith.constant 6 : index
    %swap3A_224 = arith.constant 0 : index
    %swap3A_225 = arith.constant 0 : index
    %swap3A_226 = vector.load %arg5[%swap3A_223, %swap3A_224, %swap3A_225] : memref<9x1000x128xf32, #tpu.memory_space<vmem>>, vector<1x1000x128xf32>
    %swap3A_227 = vector.shape_cast %swap3A_226 : vector<1x1000x128xf32> to vector<1000x128xf32>
    %swap3A_228 = vector.shape_cast %add3A_222 : vector<1000x128xf32> to vector<1x1000x128xf32>
    tpu.vector_store %arg5[%swap3A_223, %swap3A_224, %swap3A_225], %swap3A_228 {strides = array<i32>} : memref<9x1000x128xf32, #tpu.memory_space<vmem>>, vector<1x1000x128xf32>,
    %get3A_229 = arith.constant 7 : index
    %get3A_230 = arith.constant 0 : index
    %get3A_231 = memref.load %arg3[%get3A_229, %get3A_230] : memref<9x4xf32, #tpu.memory_space<smem>>
    %mul3A_232 = vector.broadcast %get3A_231 : f32 to vector<1000x128xf32>
    %mul3A_233 = arith.mulf %dot_general3A_7, %mul3A_232 : vector<1000x128xf32>
    %get3A_234 = arith.constant 7 : index
    %get3A_235 = arith.constant 1 : index
    %get3A_236 = memref.load %arg3[%get3A_234, %get3A_235] : memref<9x4xf32, #tpu.memory_space<smem>>
    %mul3A_237 = vector.broadcast %get3A_236 : f32 to vector<1000x128xf32>
    %mul3A_238 = arith.mulf %dot_general3A_14, %mul3A_237 : vector<1000x128xf32>
    %add3A_239 = arith.addf %mul3A_233, %mul3A_238 : vector<1000x128xf32>
    %get3A_240 = arith.constant 7 : index
    %get3A_241 = arith.constant 2 : index
    %get3A_242 = memref.load %arg3[%get3A_240, %get3A_241] : memref<9x4xf32, #tpu.memory_space<smem>>
    %mul3A_243 = vector.broadcast %get3A_242 : f32 to vector<1000x128xf32>
    %mul3A_244 = arith.mulf %dot_general3A_21, %mul3A_243 : vector<1000x128xf32>
    %add3A_245 = arith.addf %add3A_239, %mul3A_244 : vector<1000x128xf32>
    %get3A_246 = arith.constant 7 : index
    %get3A_247 = arith.constant 3 : index
    %get3A_248 = memref.load %arg3[%get3A_246, %get3A_247] : memref<9x4xf32, #tpu.memory_space<smem>>
    %mul3A_249 = vector.broadcast %get3A_248 : f32 to vector<1000x128xf32>
    %mul3A_250 = arith.mulf %dot_general3A_28, %mul3A_249 : vector<1000x128xf32>
    %add3A_251 = arith.addf %add3A_245, %mul3A_250 : vector<1000x128xf32>
    %swap3A_252 = arith.constant 7 : index
    %swap3A_253 = arith.constant 0 : index
    %swap3A_254 = arith.constant 0 : index
    %swap3A_255 = vector.load %arg5[%swap3A_252, %swap3A_253, %swap3A_254] : memref<9x1000x128xf32, #tpu.memory_space<vmem>>, vector<1x1000x128xf32>
    %swap3A_256 = vector.shape_cast %swap3A_255 : vector<1x1000x128xf32> to vector<1000x128xf32>
    %swap3A_257 = vector.shape_cast %add3A_251 : vector<1000x128xf32> to vector<1x1000x128xf32>
    tpu.vector_store %arg5[%swap3A_252, %swap3A_253, %swap3A_254], %swap3A_257 {strides = array<i32>} : memref<9x1000x128xf32, #tpu.memory_space<vmem>>, vector<1x1000x128xf32>,
    %get3A_258 = arith.constant 8 : index
    %get3A_259 = arith.constant 0 : index
    %get3A_260 = memref.load %arg3[%get3A_258, %get3A_259] : memref<9x4xf32, #tpu.memory_space<smem>>
    %mul3A_261 = vector.broadcast %get3A_260 : f32 to vector<1000x128xf32>
    %mul3A_262 = arith.mulf %dot_general3A_7, %mul3A_261 : vector<1000x128xf32>
    %get3A_263 = arith.constant 8 : index
    %get3A_264 = arith.constant 1 : index
    %get3A_265 = memref.load %arg3[%get3A_263, %get3A_264] : memref<9x4xf32, #tpu.memory_space<smem>>
    %mul3A_266 = vector.broadcast %get3A_265 : f32 to vector<1000x128xf32>
    %mul3A_267 = arith.mulf %dot_general3A_14, %mul3A_266 : vector<1000x128xf32>
    %add3A_268 = arith.addf %mul3A_262, %mul3A_267 : vector<1000x128xf32>
    %get3A_269 = arith.constant 8 : index
    %get3A_270 = arith.constant 2 : index
    %get3A_271 = memref.load %arg3[%get3A_269, %get3A_270] : memref<9x4xf32, #tpu.memory_space<smem>>
    %mul3A_272 = vector.broadcast %get3A_271 : f32 to vector<1000x128xf32>
    %mul3A_273 = arith.mulf %dot_general3A_21, %mul3A_272 : vector<1000x128xf32>
    %add3A_274 = arith.addf %add3A_268, %mul3A_273 : vector<1000x128xf32>
    %get3A_275 = arith.constant 8 : index
    %get3A_276 = arith.constant 3 : index
    %get3A_277 = memref.load %arg3[%get3A_275, %get3A_276] : memref<9x4xf32, #tpu.memory_space<smem>>
    %mul3A_278 = vector.broadcast %get3A_277 : f32 to vector<1000x128xf32>
    %mul3A_279 = arith.mulf %dot_general3A_28, %mul3A_278 : vector<1000x128xf32>
    %add3A_280 = arith.addf %add3A_274, %mul3A_279 : vector<1000x128xf32>
    %swap3A_281 = arith.constant 8 : index
    %swap3A_282 = arith.constant 0 : index
    %swap3A_283 = arith.constant 0 : index
    %swap3A_284 = vector.load %arg5[%swap3A_281, %swap3A_282, %swap3A_283] : memref<9x1000x128xf32, #tpu.memory_space<vmem>>, vector<1x1000x128xf32>
    %swap3A_285 = vector.shape_cast %swap3A_284 : vector<1x1000x128xf32> to vector<1000x128xf32>
    %swap3A_286 = vector.shape_cast %add3A_280 : vector<1000x128xf32> to vector<1x1000x128xf32>
    tpu.vector_store %arg5[%swap3A_281, %swap3A_282, %swap3A_283], %swap3A_286 {strides = array<i32>} : memref<9x1000x128xf32, #tpu.memory_space<vmem>>, vector<1x1000x128xf32>,
    %get3A_287 = arith.constant 0 : index
    %get3A_288 = arith.constant 0 : index
    %get3A_289 = vector.load %arg4[%get3A_287, %get3A_288] : memref<1000x1xf32, #tpu.memory_space<vmem>>, vector<1000x1xf32>
    %mul3A_290 = vector.broadcast %get3A_289 : vector<1000x1xf32> to vector<1000x128xf32>
    %mul3A_291 = arith.mulf %add3A_280, %mul3A_290 : vector<1000x128xf32>
    %swap3A_292 = arith.constant 0 : index
    %swap3A_293 = arith.constant 0 : index
    %swap3A_294 = vector.load %arg6[%swap3A_292, %swap3A_293] : memref<1000x128xf32, #tpu.memory_space<vmem>>, vector<1000x128xf32>
    tpu.vector_store %arg6[%swap3A_292, %swap3A_293], %mul3A_291 {strides = array<i32>} : memref<1000x128xf32, #tpu.memory_space<vmem>>, vector<1000x128xf32>,
    return
  }
  func.func @transform_0(%arg0: i32) -> (i32, i32) {
    %c0_i32 = arith.constant 0 : i32
    %c0_i32_0 = arith.constant 0 : i32
    return %arg0, %c0_i32 : i32, i32
  }
  func.func @transform_1(%arg0: i32) -> (i32, i32, i32) {
    %c0_i32 = arith.constant 0 : i32
    %c0_i32_0 = arith.constant 0 : i32
    %c0_i32_1 = arith.constant 0 : i32
    %c0_i32_2 = arith.constant 0 : i32
    return %c0_i32, %c0_i32_0, %c0_i32_1 : i32, i32, i32
  }
  func.func @transform_2(%arg0: i32) -> (i32, i32) {
    %c0_i32 = arith.constant 0 : i32
    %c0_i32_0 = arith.constant 0 : i32
    %c0_i32_1 = arith.constant 0 : i32
    return %c0_i32, %c0_i32_0 : i32, i32
  }
  func.func @transform_3(%arg0: i32) -> (i32, i32) {
    %c0_i32 = arith.constant 0 : i32
    %c0_i32_0 = arith.constant 0 : i32
    return %arg0, %c0_i32 : i32, i32
  }
  func.func @transform_4(%arg0: i32) -> (i32, i32, i32) {
    %c0_i32 = arith.constant 0 : i32
    %c0_i32_0 = arith.constant 0 : i32
    %c0_i32_1 = arith.constant 0 : i32
    return %c0_i32, %arg0, %c0_i32_0 : i32, i32, i32
  }
  func.func @transform_5(%arg0: i32) -> (i32, i32) {
    %c0_i32 = arith.constant 0 : i32
    %c0_i32_0 = arith.constant 0 : i32
    return %arg0, %c0_i32 : i32, i32
  }
}

</mosaic_0001>

<sc_bundles>
// kernel: kernel.4.cloned.1.call-start
scs
__scs_entry_jumppad:
0x0: {  	(pc) =	sbr.rel $0x88, $3  }
0x1: {  	(tag) =	ssettag $0x0;
	lr =	simm.s32 $0x1  }
0x2: {  	[smem:$0x3F9A] =	sst lr;
	_ =	strace $0xD0000000  }
0x3: {  	_ = 	snop  }
0x4: {  	_ = 	snop  }
0x5: {  	_ = 	snop  }
0x6: {  	_ = 	snop  }
0x7: {  	_ = 	snop  }
__scs_overlays_trampoline_lowered:
0x8: {  	[smem:$0x3FA9] =	sst s0  }
0x9: {  	[smem:$0x3FAA] =	sst s1  }
0xa: {  	[smem:$0x3FAB] =	sst s2  }
0xb: {  	[smem:$0x3FAC] =	sst s3  }
0xc: {  	[smem:$0x3FAD] =	sst s4  }
0xd: {  	[smem:$0x3FAE] =	sst s5  }
0xe: {  	[smem:$0x3FAF] =	sst s6  }
0xf: {  	[smem:$0x3FB0] =	sst s7  }
0x10: {  	[smem:$0x3FB1] =	sst s8  }
0x11: {  	[smem:$0x3FB2] =	sst s9;
	s0 =	simm.s32 @!p0 $0x0  }
0x12: {  	s1 =	sld [smem:$0x3F98];
	s0 =	simm.s32 @p0 $0x1  }
0x13: {  	[smem:$0x3FB3] =	sst s0;
	s0 =	simm.s32 @!p1 $0x0  }
0x14: {  	s2 =	sld [smem:$0x3F97];
	s0 =	simm.s32 @p1 $0x1  }
0x15: {  	[smem:$0x3FB4] =	sst s0;
	s0 =	simm.s32 @!p2 $0x0  }
0x16: {  	s3 =	sld [smem:$0x3FDB];
	s0 =	simm.s32 @p2 $0x1  }
0x17: {  	s4 =	simm.s32 $0x1BF5;
	[smem:$0x3FB6] =	sst s0  }
0x18: {  	s0 =	sld [smem:$0x3F99];
	_ =	swait.ge [sflag:s4], $0x0  }
0x19: {  	s7 =	sld [smem:$0x3F9A]  }
0x1a: {  	s8 =	sadd.s32 $0xFFFFE003, lr  }
0x1b: {  	s9 =	sadd.s32 $0xFFFFFEF7, lr;
	s5 =	simm.s32 $0xFFFFFFFF;
	p2 =	slt.u32 s8, $0xFFFFF086  }
0x1c: {  	p1 =	slt.u32 s9, $0xF7A;
	s5 =	simm.s32 @!p2 $0x0  }
0x1d: {  	s5 =	simm.s32 @p1 $0x1;
	p0 =	seq.s32 s7, s2  }
0x1e: {  	s7 =	smul.u32 @!p0 $0xF7A, s2;
	p2 =	seq.s32 @!p0 s5, $0x0  }
0x1f: {  	s9 =	smul.u32 $0xF7A, s1;
	s8 =	simm.s32 @!p0 $0x1BF5;
	p2 =	por !p2, p0  }
0x20: {  	[sflag:s8] =	ssyncset.s32 @!p0 $0xFFFFF086;
	s6 =	sadd.s32 @!p0 s3, s7;
	s7 =	simm.s32 @!p0 $0x108  }
0x21: {  	s3 =	sadd.s32 s3, s9;
	s6 =	sadd.s32 @!p0 $0x88, s6;
	s7 =	simm.s32 @p2 $0x1082  }
0x22: {  	[simem:s7], [sflag:s8] =	dma.local @!p0 [hbm:s6], $0xF7A  }
0x23: {  	s9 =	sor.u32 $0xD0000000, s2;
	s6 =	simm.s32 $0x108;
	_ =	swait.ge @!p0 [sflag:s8], $0x0  }
0x24: {  	s3 =	sadd.s32 $0x88, s3;
	s6 =	simm.s32 @!p1 $0x1082;
	[sflag:s4] =	ssyncset.s32 $0xFFFFF086  }
0x25: {  	[simem:s6], [sflag:s4] =	dma.local [hbm:s3], $0xF7A  }
0x26: {  	[smem:$0x3F9A] =	sst s1;
	(tag) =	ssettag s2;
	_ =	strace s9  }
0x27: {  	s1 =	sld [smem:$0x3FAA]  }
0x28: {  	s2 =	sld [smem:$0x3FAB]  }
0x29: {  	s4 =	sld [smem:$0x3FAD]  }
0x2a: {  	p0 =	seq.s32 s5, $0x0;
	s5 =	sld [smem:$0x3FAE]  }
0x2b: {  	s6 =	sld [smem:$0x3FAF]  }
0x2c: {  	s7 =	sld [smem:$0x3FB0]  }
0x2d: {  	s3 =	simm.s32 $0x108;
	s8 =	sld [smem:$0x3FB1]  }
0x2e: {  	s3 =	simm.s32 @!p0 $0x1082;
	s9 =	sld [smem:$0x3FB2]  }
0x2f: {  	lr =	sadd.s32 s0, s3;
	s0 =	sld [smem:$0x3FA9]  }
0x30: {  	s3 =	sld [smem:$0x3FAC]  }
0x31: {  	[smem:$0x3FB5] =	sst s10  }
0x32: {  	s10 =	sld [smem:$0x3FB3];
	_ =	sdelay $0x3  }
0x33: {  	p0 =	seq.s32 s10, $0x1;
	s10 =	sld [smem:$0x3FB5];
	_ =	sdelay $0x3  }
0x34: {  	[smem:$0x3FB5] =	sst s10  }
0x35: {  	s10 =	sld [smem:$0x3FB4];
	_ =	sdelay $0x3  }
0x36: {  	p1 =	seq.s32 s10, $0x1;
	s10 =	sld [smem:$0x3FB5];
	_ =	sdelay $0x3  }
0x37: {  	[smem:$0x3FB5] =	sst s10  }
0x38: {  	s10 =	sld [smem:$0x3FB6]  }
0x39: {  	_ = 	snop;
	(pc) =	sbr.ind lr, $3  }
0x3a: {  	_ = 	snop  }
0x3b: {  	_ = 	snop  }
0x3c: {  	p2 =	seq.s32 s10, $0x1;
	s10 =	sld [smem:$0x3FB5]  }
0x3d: {  	_ =	shalt  }
0x3e: {  	_ =	shalt  }
0x3f: {  	_ =	shalt  }
0x40: {  	_ =	shalt  }
0x41: {  	_ =	shalt  }
0x42: {  	_ =	shalt  }
0x43: {  	_ =	shalt  }
0x44: {  	_ =	shalt  }
0x45: {  	_ =	shalt  }
0x46: {  	_ =	shalt  }
0x47: {  	_ =	shalt  }
0x48: {  	_ =	shalt  }
0x49: {  	_ =	shalt  }
0x4a: {  	_ =	shalt  }
0x4b: {  	_ =	shalt  }
0x4c: {  	_ =	shalt  }
0x4d: {  	_ =	shalt  }
0x4e: {  	_ =	shalt  }
0x4f: {  	_ =	shalt  }
0x50: {  	_ =	shalt  }
0x51: {  	_ =	shalt  }
0x52: {  	_ =	shalt  }
0x53: {  	_ =	shalt  }
0x54: {  	_ =	shalt  }
0x55: {  	_ =	shalt  }
0x56: {  	_ =	shalt  }
0x57: {  	_ =	shalt  }
0x58: {  	_ =	shalt  }
0x59: {  	_ =	shalt  }
0x5a: {  	_ =	shalt  }
0x5b: {  	_ =	shalt  }
0x5c: {  	_ =	shalt  }
0x5d: {  	_ =	shalt  }
0x5e: {  	_ =	shalt  }
0x5f: {  	_ =	shalt  }
0x60: {  	_ =	shalt  }
0x61: {  	_ =	shalt  }
0x62: {  	_ =	shalt  }
0x63: {  	_ =	shalt  }
0x64: {  	_ =	shalt  }
0x65: {  	_ =	shalt  }
0x66: {  	_ =	shalt  }
0x67: {  	_ =	shalt  }
0x68: {  	_ =	shalt  }
0x69: {  	_ =	shalt  }
0x6a: {  	_ =	shalt  }
0x6b: {  	_ =	shalt  }
0x6c: {  	_ =	shalt  }
0x6d: {  	_ =	shalt  }
0x6e: {  	_ =	shalt  }
0x6f: {  	_ =	shalt  }
0x70: {  	_ =	shalt  }
0x71: {  	_ =	shalt  }
0x72: {  	_ =	shalt  }
0x73: {  	_ =	shalt  }
0x74: {  	_ =	shalt  }
0x75: {  	_ =	shalt  }
0x76: {  	_ =	shalt  }
0x77: {  	_ =	shalt  }
0x78: {  	_ =	shalt  }
0x79: {  	_ =	shalt  }
0x7a: {  	_ =	shalt  }
0x7b: {  	_ =	shalt  }
0x7c: {  	_ =	shalt  }
0x7d: {  	_ =	shalt  }
0x7e: {  	_ =	shalt  }
0x7f: {  	_ =	shalt  }
0x80: {  	_ =	shalt  }
0x81: {  	_ =	shalt  }
0x82: {  	_ =	shalt  }
0x83: {  	_ =	shalt  }
0x84: {  	_ =	shalt  }
0x85: {  	_ =	shalt  }
0x86: {  	_ =	shalt  }
0x87: {  	_ =	shalt  }
.Lfunc_end0:
.L_simem_size_0:
called_computation_lowered:
.L_overlay_start_0:
0x88: {  	s2 =	sld [smem:$0x3FD9]  }
0x89: {  	s3 =	sld [smem:$0x3FFE];
	_ =	sdelay $0x1  }
0x8a: {  	s1 =	srdreg.scid  }
0x8b: {  	s0 =	sand.u32 $0x1, s1  }
0x8c: {  	s17 =	sshll.u32 s0, $0xA;
	s2 =	sadd.s32 s3, s2  }
0x8d: {  	s2 =	sadd.s32 s2, s17  }
0x8e: {  	[smem:$0x3FC1] =	sst s2  }
0x8f: {  	_ = 	snop  }
0x90: {  	s2 =	sld [smem:$0x3FC7]  }
0x91: {  	s18 =	sld [smem:$0x3FC6]  }
0x92: {  	s4 =	sld [smem:$0x3FC5]  }
0x93: {  	s5 =	sld [smem:$0x3FD0];
	(tm) =	ssettm $0x1  }
0x94: {  	s6 =	sld [smem:$0x3FFB];
	_ =	sdelay $0x3  }
0x95: {  	_ =	strace s6  }
0x96: {  	s6 =	sld [smem:$0x3FFC];
	_ =	sdelay $0x3  }
0x97: {  	_ =	strace s6  }
0x98: {  	s6 =	sld [smem:$0x3FFD];
	_ =	sdelay $0x3  }
0x99: {  	_ =	strace s6  }
0x9a: {  	_ =	strace $0x8FFFFFFF  }
0x9b: {  	s19 =	sld [smem:$0x3FDB];
	_ =	sdelay $0x1  }
0x9c: {  	s7 =	simm.s32 $_scs_section_size  }
0x9d: {  	s8 =	simm.s32 $_size__tile_overlayer_lowered;
	s9 =	simm.s32 $_tile_overlayer_lowered  }
0x9e: {  	s22 =	simm.s32 $0x1BFF;
	s21 =	sshll.u32 s9, $0x1;
	s6 =	sadd.s32 s7, s19  }
0x9f: {  	s10 =	simm.s32 $0x0;
	s20 =	sshll.u32 s8, $0x1;
	s8 =	sadd.s32 s21, s6  }
0xa0: {  	[timem:s10], [sflag:s22] =	dma.local [hbm:s8], s20  }
0xa1: {  	_ =	swait.ge [sflag:s22], s20  }
0xa2: {  	s7 =	ssub.s32 $0x0, s20;
	[sflag:s22] =	ssyncset.done $0x0  }
0xa3: {  	[sflag:s22] =	ssyncadd.s32 s7;
	_ =	sdelay $0x1  }
0xa4: {  	s23 =	simm.s32 $0x1B8B  }
0xa5: {  	_ =	swait.ge [sflag:s23], $0x1  }
0xa6: {  	[sflag:s23] =	ssyncset.done $0x0  }
0xa7: {  	s25 =	simm.s32 $0x1B8E;
	s24 =	sld [smem:$0x3FFE];
	[sflag:s23] =	ssyncadd.s32 $0xFFFFFFFF  }
0xa8: {  	s26 =	simm.s32 $execute0_lowered;
	[smem:$0x3FD2] =	sst s25  }
0xa9: {  	s8 =	sshll.u32 s26, $0x1;
	_ =	strace $0x80000046;
	[dreg:$0x1] =	wrdreg $0xFFFFFFFF  }
0xaa: {  	s28 =	simm.s32 $_size_execute0_lowered;
	s6 =	sadd.s32 s6, s8;
	[dreg:$0x0] =	wrdreg $0x0  }
0xab: {  	s8 =	sshll.u32 s28, $0x1;
	[dreg:$0x2] =	wrdreg s6  }
0xac: {  	[dreg:$0x3] =	wrdreg s8  }
0xad: {  	[dreg:$0x4] =	wrdreg $0xC0  }
0xae: {  	_ =	task [dreg:s10], $0x5FFFF  }
0xaf: {  	[dreg:$0x1] =	wrdreg $0xFFFFFFFF  }
0xb0: {  	[dreg:$0x0] =	wrdreg $0x60  }
0xb1: {  	[dreg:$0x2] =	wrdreg s24  }
0xb2: {  	[dreg:$0x3] =	wrdreg s2  }
0xb3: {  	[dreg:$0x4] =	wrdreg s18  }
0xb4: {  	[dreg:$0x5] =	wrdreg s4  }
0xb5: {  	[dreg:$0x6] =	wrdreg s5  }
0xb6: {  	[dreg:$0x7] =	wrdreg $0xA8800  }
0xb7: {  	[dreg:$0x8] =	wrdreg $0x9  }
0xb8: {  	_ =	task.clear_ibuf [dreg:s10], $0x9FFFF;
	_ =	strace $0x90000046  }
0xb9: {  	s29 =	simm.s32 $0x9;
	_ =	strace $0x80000048  }
0xba: {  	_ =	swait.ge [sflag:s29], $0x1  }
0xbb: {  	[sflag:s29] =	ssyncadd.s32 $0xFFFFFFFF  }
0xbc: {  	_ =	strace $0x90000048  }
0xbd: {  	_ =	sfence  }
0xbe: {  	s30 =	sld [smem:$0x0];
	_ =	sdelay $0x2  }
0xbf: {  	s31 =	sshll.u32 s1, $0xD;
	s1 =	sshrl.u32 s1, $0x2  }
0xc0: {  	s3 =	sand.u32 $0x4000, s31;
	s1 =	sadd.s32 s1, s30  }
0xc1: {  	s0 =	sor.u32 s3, s0;
	s1 =	sshll.u32 s1, $0x11  }
0xc2: {  	s0 =	sor.u32 s1, s0  }
0xc3: {  	s0 =	sadd.s32 $0x8F2B, s0  }
0xc4: {  	[sflag:s0] =	ssyncadd.remote.s32 $0x1  }
0xc5: {  	_ =	sfence.sel $0xFFFF  }
0xc6: {  	[dreg:$0x0] =	wrdreg $0xFFFFFFFF;
	(pc) =	sbr.abs _section_cstart, $3  }
0xc7: {  	[dreg:$0x1] =	wrdreg $0xFFFFFFFF  }
0xc8: {  	_ =	task.clear_ibuf [dreg:s10], $0x2FFFF;
	_ =	strace $0x9FFFFFFF  }
0xc9: {  	(tm) =	ssettm $0x7FFFFFFF  }
tec
execute0_lowered:
.L_overlay_start_1:
0x0: {  	(tag) =	ssettag $0x1  }
0x1: {  	s0 =	rddreg [dreg:$0x0]  }
0x2: {  	s1 =	rddreg [dreg:$0x1]  }
0x3: {  	s2 =	rddreg [dreg:$0x2]  }
0x4: {  	s3 =	rddreg [dreg:$0x3]  }
0x5: {  	s4 =	rddreg [dreg:$0x4]  }
0x6: {  	s5 =	rddreg [dreg:$0x5];
	s7 =	srdreg.scid;
	s6 =	simm.s32 $0x0  }
0x7: {  	s18 =	stileid.u32;
	s9 =	simm.s32 $0x280;
	s7 =	sand.u32 $0x1, s7  }
0x8: {  	s8 =	smul.u32 $0x270, s18;
	p0 =	seq.s32 s18, $0xF;
	[smem:$0x7FF] =	sst s6  }
0x9: {  	s11 =	sadd.s32 $0x160E00, s0;
	s10 =	ssub.s32 $0x2, s7;
	s9 =	simm.s32 @!p0 $0x270  }
0xa: {  	s6 =	smul.u32 $0x138800, s7;
	p0 =	sne.s32 s7, $0x0;
	s12 =	sshrl.u32 s10, $0x1  }
0xb: {  	s9 =	sadd.s32 s9, s8;
	s26 =	sadd.s32 $0x80, s8;
	s14 =	sadd.s32 $0x100, s8  }
0xc: {  	s17 =	sadd.s32 $0x180, s8;
	s10 =	ssub.s32 s10, s12;
	s9 =	sadd.s32 $0xFFFFFF80, s9  }
0xd: {  	s13 =	smin.u32 s8, s9;
	s12 =	smin.u32 s26, s9;
	s14 =	smin.u32 s14, s9  }
0xe: {  	s8 =	sadd.s32 $0x200, s8;
	s17 =	smin.u32 s17, s9;
	s15 =	sshll.u32 s13, $0x7  }
0xf: {  	s16 =	sshll.u32 s12, $0x7;
	s19 =	sshll.u32 s14, $0x7;
	s8 =	smin.u32 s8, s9  }
0x10: {  	s29 =	sshll.u32 s13, $0x4;
	s13 =	sshll.u32 s17, $0x7;
	s30 =	sshll.u32 s12, $0x4  }
0x11: {  	s31 =	sshll.u32 s14, $0x4;
	s20 =	sshll.u32 s17, $0x4;
	s17 =	sadd.s32 $0xC00, s0  }
0x12: {  	s0 =	sadd.s32 $0x160600, s0;
	s24 =	sshll.u32 s8, $0x7;
	s9 =	sadd.s32 s4, s29  }
0x13: {  	s12 =	sadd.s32 s4, s31;
	s8 =	sshll.u32 s8, $0x4;
	s21 =	sadd.s32 s6, s15  }
0x14: {  	s23 =	sadd.s32 s6, s16;
	s26 =	sadd.s32 s6, s19;
	[dreg:$0x7] =	wrdreg s9  }
0x15: {  	s28 =	sadd.s32 s13, s5;
	s9 =	sadd.s32 s4, s30;
	[dreg:$0x9] =	wrdreg s12  }
0x16: {  	s22 =	sshrl.u32 s21, $0x3;
	s25 =	sshrl.u32 s23, $0x3;
	s29 =	sshrl.u32 s26, $0x3  }
0x17: {  	s30 =	sadd.s32 s6, s13;
	s6 =	sadd.s32 s6, s24;
	s12 =	sshll.u32 s7, $0x4  }
0x18: {  	s21 =	sadd.s32 s15, s5;
	[dreg:$0x8] =	wrdreg s9;
	s9 =	sadd.s32 s4, s20  }
0x19: {  	s23 =	sadd.s32 s19, s5;
	s4 =	sadd.s32 s4, s8;
	[dreg:$0xa] =	wrdreg s9  }
0x1a: {  	s31 =	sshrl.u32 s30, $0x3;
	[dreg:$0xb] =	wrdreg s4;
	s4 =	sadd.s32 s11, s22  }
0x1b: {  	s14 =	sor.u32 s18, s12;
	[dreg:$0xc] =	wrdreg s4;
	s4 =	sadd.s32 s11, s25  }
0x1c: {  	s9 =	sshrl.u32 s6, $0x3;
	[dreg:$0xd] =	wrdreg s4;
	s4 =	sadd.s32 s11, s29  }
0x1d: {  	s18 =	smul.u32 $0x2710, s14;
	[dreg:$0xe] =	wrdreg s4;
	s4 =	sadd.s32 s11, s31  }
0x1e: {  	s24 =	sadd.s32 s24, s5;
	[dreg:$0xf] =	wrdreg s4;
	s4 =	sadd.s32 s11, s9  }
0x1f: {  	s22 =	sadd.s32 s16, s5;
	s16 =	sshrl.u32 s18, $0x3;
	[dreg:$0x10] =	wrdreg s4  }
0x20: {  	s19 =	sadd.s32 s1, s16;
	_ =	strace $0x80000047;
	[dreg:$0x11] =	wrdreg s0  }
0x21: {  	s20 =	sadd.s32 $0x4E0, s16;
	s25 =	sadd.s32 s2, s16;
	[dreg:$0x16] =	wrdreg s19  }
0x22: {  	s7 =	simm.s32 $0x5;
	s26 =	sadd.s32 s1, s20;
	[dreg:$0x17] =	wrdreg s25  }
0x23: {  	s13 =	simm.s32 $0x1580;
	s29 =	sadd.s32 s2, s20;
	[dreg:$0x19] =	wrdreg s26  }
0x24: {  	s15 =	simm.s32 $0x1;
	s30 =	sadd.s32 s3, s20;
	[dreg:$0x1a] =	wrdreg s29  }
0x25: {  	s12 =	simm.s32 $0x1880;
	s31 =	smax.u32 s10, $0x1;
	[dreg:$0x1b] =	wrdreg s30  }
0x26: {  	s8 =	simm.s32 $0x2;
	s14 =	simm.s32 $0x5880;
	[dreg:$0x1c] =	wrdreg s31  }
0x27: {  	s6 =	simm.s32 $0x0;
	s10 =	simm.s32 $0x80;
	[dreg:$0x12] =	wrdreg s21  }
0x28: {  	s11 =	simm.s32 $0x1380;
	s9 =	simm.s32 $0x1600;
	[dreg:$0x13] =	wrdreg s22  }
0x29: {  	s4 =	simm.s32 $0x3;
	s0 =	sadd.s32 s3, s16;
	[dreg:$0x14] =	wrdreg s23  }
0x2a: {  	s16 =	simm.s32 $0x1400;
	s19 =	simm.s32 $0x1480;
	[dreg:$0x15] =	wrdreg s28  }
0x2b: {  	s25 =	simm.s32 $0x4;
	s26 =	simm.s32 $0x1500;
	[dreg:$0x18] =	wrdreg s0  }
.LBB2_1:
0x2c: {  	s0 =	simm.s32 @p0 $0x0;
	s29 =	simm.s32 @p0 $0x1880;
	s20 =	rddreg [dreg:$0x11]  }
0x2d: {  	[tilespmem:s29], [sflag:$0x5] =	stream.linear.gather @p0 [hbm4b:s20+s0], $0x4000, $0x38;
	[tilespmem:$0x1E100] =	vst v63  }
0x2e: {  	[dreg:$0x1d] =	wrdreg s6;
	s0 =	simm.s32 @p0 $0x5  }
0x2f: {  	_ =	swait.ge @p0 [sflag:s0], $0x4000  }
0x30: {  	[sflag:s0] =	ssyncset.done @p0 $0x0  }
0x31: {  	[sflag:s0] =	ssyncadd.s32 @p0 $0xFFFFC000  }
0x32: {  	[spmem:s21] =	stream.linear.scatter @p0 [tilespmem:s29], [sflag:$0x3], $0x4000, $0x38;
	[tilespmem:$0x1E100] =	vst v63  }
0x33: {  	_ = 	snop  }
0x34: {  	[spmem:s22] =	stream.linear.scatter @p0 [tilespmem:s29], [sflag:$0x3], $0x4000, $0x38;
	[tilespmem:$0x1E100] =	vst v63  }
0x35: {  	_ = 	snop  }
0x36: {  	[spmem:s23] =	stream.linear.scatter @p0 [tilespmem:s29], [sflag:$0x3], $0x4000, $0x38;
	[tilespmem:$0x1E100] =	vst v63  }
0x37: {  	_ = 	snop  }
0x38: {  	[spmem:s28] =	stream.linear.scatter @p0 [tilespmem:s29], [sflag:$0x3], $0x4000, $0x38;
	[tilespmem:$0x1E100] =	vst v63  }
0x39: {  	s0 =	simm.s32 @p0 $0x3  }
0x3a: {  	[spmem:s24] =	stream.linear.scatter @p0 [tilespmem:s29], [sflag:$0x3], $0x4000, $0x38;
	[tilespmem:$0x1E100] =	vst v63  }
0x3b: {  	_ =	swait.ge @p0 [sflag:s0], $0x4000  }
0x3c: {  	[sflag:s0] =	ssyncset.done @p0 $0x0  }
0x3d: {  	[sflag:s0] =	ssyncadd.s32 @p0 $0xFFFFC000  }
0x3e: {  	_ =	swait.ge @p0 [sflag:s0], $0x4000  }
0x3f: {  	[sflag:s0] =	ssyncset.done @p0 $0x0  }
0x40: {  	[sflag:s0] =	ssyncadd.s32 @p0 $0xFFFFC000  }
0x41: {  	_ =	swait.ge @p0 [sflag:s0], $0x4000  }
0x42: {  	s30 =	simm.s32 @!p0 $0x5;
	s29 =	simm.s32 @!p0 $0x1880;
	[sflag:s0] =	ssyncset.done @p0 $0x0  }
0x43: {  	s20 =	rddreg [dreg:$0x7];
	[sflag:s0] =	ssyncadd.s32 @p0 $0xFFFFC000;
	s0 =	simm.s32 @!p0 $0x0  }
0x44: {  	[tilespmem:s29], [sflag:$0x5] =	stream.linear.gather @!p0 [hbm4b:s20+s0], $0x4000, $0x38;
	[tilespmem:$0x1E100] =	vst v63  }
0x45: {  	_ =	swait.ge @!p0 [sflag:s30], $0x4000  }
0x46: {  	[sflag:s30] =	ssyncset.done @!p0 $0x0  }
0x47: {  	[sflag:s30] =	ssyncadd.s32 @!p0 $0xFFFFC000  }
0x48: {  	[spmem:s21] =	stream.linear.scatter @!p0 [tilespmem:s29], [sflag:$0x3], $0x4000, $0x38;
	[tilespmem:$0x1E100] =	vst v63  }
0x49: {  	s6 =	smov.u32 s24;
	s24 =	simm.s32 @!p0 $0x5880;
	s20 =	rddreg [dreg:$0x8]  }
0x4a: {  	[tilespmem:s24], [sflag:$0x5] =	stream.linear.gather @!p0 [hbm4b:s20+s0], $0x4000, $0x38;
	[tilespmem:$0x1E100] =	vst v63  }
0x4b: {  	_ =	swait.ge @!p0 [sflag:s30], $0x4000  }
0x4c: {  	[sflag:s30] =	ssyncset.done @!p0 $0x0  }
0x4d: {  	s20 =	simm.s32 @!p0 $0x3;
	[sflag:s30] =	ssyncadd.s32 @!p0 $0xFFFFC000  }
0x4e: {  	[spmem:s22] =	stream.linear.scatter @!p0 [tilespmem:s24], [sflag:$0x4], $0x4000, $0x38;
	[tilespmem:$0x1E100] =	vst v63  }
0x4f: {  	_ =	swait.ge @!p0 [sflag:s20], $0x4000  }
0x50: {  	[sflag:s20] =	ssyncset.done @!p0 $0x0  }
0x51: {  	s21 =	rddreg [dreg:$0x9];
	[sflag:s20] =	ssyncadd.s32 @!p0 $0xFFFFC000  }
0x52: {  	[tilespmem:s29], [sflag:$0x5] =	stream.linear.gather @!p0 [hbm4b:s21+s0], $0x4000, $0x38;
	[tilespmem:$0x1E100] =	vst v63  }
0x53: {  	_ =	swait.ge @!p0 [sflag:s30], $0x4000  }
0x54: {  	[sflag:s30] =	ssyncset.done @!p0 $0x0  }
0x55: {  	s21 =	simm.s32 @!p0 $0x4;
	[sflag:s30] =	ssyncadd.s32 @!p0 $0xFFFFC000  }
0x56: {  	[spmem:s23] =	stream.linear.scatter @!p0 [tilespmem:s29], [sflag:$0x3], $0x4000, $0x38;
	[tilespmem:$0x1E100] =	vst v63  }
0x57: {  	_ =	swait.ge @!p0 [sflag:s21], $0x4000  }
0x58: {  	[sflag:s21] =	ssyncset.done @!p0 $0x0  }
0x59: {  	s22 =	rddreg [dreg:$0xa];
	[sflag:s21] =	ssyncadd.s32 @!p0 $0xFFFFC000  }
0x5a: {  	[tilespmem:s24], [sflag:$0x5] =	stream.linear.gather @!p0 [hbm4b:s22+s0], $0x4000, $0x38;
	[tilespmem:$0x1E100] =	vst v63  }
0x5b: {  	_ =	swait.ge @!p0 [sflag:s30], $0x4000  }
0x5c: {  	[sflag:s30] =	ssyncset.done @!p0 $0x0  }
0x5d: {  	[sflag:s30] =	ssyncadd.s32 @!p0 $0xFFFFC000  }
0x5e: {  	[spmem:s28] =	stream.linear.scatter @!p0 [tilespmem:s24], [sflag:$0x4], $0x4000, $0x38;
	[tilespmem:$0x1E100] =	vst v63  }
0x5f: {  	_ =	swait.ge @!p0 [sflag:s20], $0x4000  }
0x60: {  	[sflag:s20] =	ssyncset.done @!p0 $0x0  }
0x61: {  	[sflag:s20] =	ssyncadd.s32 @!p0 $0xFFFFC000;
	s20 =	rddreg [dreg:$0xb]  }
0x62: {  	[tilespmem:s29], [sflag:$0x5] =	stream.linear.gather @!p0 [hbm4b:s20+s0], $0x4000, $0x38;
	[tilespmem:$0x1E100] =	vst v63  }
0x63: {  	_ =	swait.ge @!p0 [sflag:s30], $0x4000  }
0x64: {  	[sflag:s30] =	ssyncset.done @!p0 $0x0  }
0x65: {  	s24 =	smov.u32 s6;
	[sflag:s30] =	ssyncadd.s32 @!p0 $0xFFFFC000  }
0x66: {  	[spmem:s24] =	stream.linear.scatter @!p0 [tilespmem:s29], [sflag:$0x3], $0x4000, $0x38;
	[tilespmem:$0x1E100] =	vst v63  }
0x67: {  	_ =	swait.ge [sflag:s4], $0x4000  }
0x68: {  	[sflag:s4] =	ssyncset.done $0x0  }
0x69: {  	s21 =	simm.s32 @p0 $0x3;
	[sflag:s4] =	ssyncadd.s32 $0xFFFFC000  }
0x6a: {  	_ =	swait.ge [sflag:s21], $0x4000  }
0x6b: {  	[sflag:s21] =	ssyncset.done $0x0  }
0x6c: {  	[sflag:s21] =	ssyncadd.s32 $0xFFFFC000  }
0x6d: {  	[bflag:$0x0] =	sbarrier.arrive $0xFFFF  }
0x6e: {  	s6 =	simm.s32 $0x0;
	s28 =	rddreg [dreg:$0x16]  }
0x6f: {  	[tilespmem:s6], [sflag:$0x5] =	stream.linear.gather [hbm4b:s28+s6], $0x680, $0x38;
	[tilespmem:$0x1E100] =	vst v63  }
0x70: {  	_ =	swait.ge [sflag:s7], $0x680  }
0x71: {  	[sflag:s7] =	ssyncset.done $0x0  }
0x72: {  	s31 =	simm.s32 $0x680;
	s29 =	rddreg [dreg:$0x17];
	[sflag:s7] =	ssyncadd.s32 $0xFFFFF980  }
0x73: {  	[tilespmem:s31], [sflag:$0x5] =	stream.linear.gather [hbm4b:s29+s6], $0x680, $0x38;
	[tilespmem:$0x1E100] =	vst v63  }
0x74: {  	_ =	swait.ge [sflag:s7], $0x680  }
0x75: {  	[sflag:s7] =	ssyncset.done $0x0  }
0x76: {  	s31 =	simm.s32 $0xD00;
	s30 =	rddreg [dreg:$0x18];
	[sflag:s7] =	ssyncadd.s32 $0xFFFFF980  }
0x77: {  	[tilespmem:s31], [sflag:$0x5] =	stream.linear.gather [hbm4b:s30+s6], $0x680, $0x38;
	[tilespmem:$0x1E100] =	vst v63  }
0x78: {  	_ =	swait.ge [sflag:s7], $0x680  }
0x79: {  	[sflag:s7] =	ssyncset.done $0x0  }
0x7a: {  	[sflag:s7] =	ssyncadd.s32 $0xFFFFF980  }
0x7b: {  	v0 =	vld [tilespmem:$0xD00]  }
0x7c: {  	v1 =	vld [tilespmem:$0x0]  }
0x7d: {  	v2 =	vld [tilespmem:$0x680]  }
0x7e: {  	v3 =	vld [tilespmem:$0xD10]  }
0x7f: {  	v4 =	vld [tilespmem:$0x10]  }
0x80: {  	v5 =	vld [tilespmem:$0x690]  }
0x81: {  	v6 =	vld [tilespmem:$0xD20]  }
0x82: {  	v7 =	vld [tilespmem:$0x20]  }
0x83: {  	v8 =	vld [tilespmem:$0x6A0]  }
0x84: {  	v9 =	vld [tilespmem:$0xD30]  }
0x85: {  	v10 =	vld [tilespmem:$0x30]  }
0x86: {  	v11 =	vld [tilespmem:$0x6B0]  }
0x87: {  	v12 =	vld [tilespmem:$0xD40]  }
0x88: {  	v34 =	vld [tilespmem:$0x6C0]  }
0x89: {  	v39 =	vld [tilespmem:$0x6D0];
	[tilespmem:$0x1400] =	vst v2  }
0x8a: {  	v44 =	vld [tilespmem:$0x6E0];
	[tilespmem:$0x1410] =	vst v5  }
0x8b: {  	v48 =	vld [tilespmem:$0x6F0];
	[tilespmem:$0x1420] =	vst v8  }
0x8c: {  	v33 =	vld [tilespmem:$0x40];
	[tilespmem:$0x1430] =	vst v11  }
0x8d: {  	v36 =	vld [tilespmem:$0xD50];
	[tilespmem:$0x1440] =	vst v34  }
0x8e: {  	v43 =	vld [tilespmem:$0xD70];
	v0 =	vmul.u32 $0x2710, v0;
	[tilespmem:$0x1450] =	vst v39  }
0x8f: {  	v40 =	vld [tilespmem:$0xD60];
	v32 =	vmul.u32 $0x2710, v3;
	[tilespmem:$0x1460] =	vst v44  }
0x90: {  	v45 =	vld [tilespmem:$0x70];
	v35 =	vmul.u32 $0x2710, v6;
	[tilespmem:$0x1470] =	vst v48;
	v0 =	vadd.s32 v1, v0  }
0x91: {  	v42 =	vld [tilespmem:$0x60];
	v38 =	vmul.u32 $0x2710, v9;
	v1 =	vadd.s32 v4, v32;
	[tilespmem:$0x1380] =	vst v0  }
0x92: {  	v37 =	vld [tilespmem:$0x50];
	v41 =	vmul.u32 $0x2710, v12;
	v2 =	vadd.s32 v7, v35;
	[tilespmem:$0x1390] =	vst v1  }
0x93: {  	v49 =	vmul.u32 $0x2710, v43;
	v5 =	vadd.s32 v10, v38;
	[tilespmem:$0x13A0] =	vst v2  }
0x94: {  	v47 =	vmul.u32 $0x2710, v40;
	v3 =	vadd.s32 v33, v41;
	[tilespmem:$0x13B0] =	vst v5  }
0x95: {  	v4 =	vmul.u32 $0x2710, v36;
	v50 =	vadd.s32 v45, v49;
	[tilespmem:$0x13C0] =	vst v3  }
0x96: {  	v1 =	vadd.s32 v42, v47;
	[tilespmem:$0x13F0] =	vst v50  }
0x97: {  	v46 =	vadd.s32 v37, v4;
	[tilespmem:$0x13E0] =	vst v1  }
0x98: {  	[tilespmem:$0x13D0] =	vst v46  }
0x99: {  	[tilespmem:s12], [sflag:$0x1] =	stream.indirect.gather [hbm4b:s17+s10], $0x80, s11, s10, $0xb8;
	[tilespmem:$0x1E100] =	vst v63  }
0x9a: {  	v51 =	vld [tilespmem:$0xD00]  }
0x9b: {  	v52 =	vld [tilespmem:$0x680]  }
0x9c: {  	v53 =	vld [tilespmem:$0x0]  }
0x9d: {  	v54 =	vld [tilespmem:$0xD10]  }
0x9e: {  	v55 =	vld [tilespmem:$0x690]  }
0x9f: {  	v56 =	vld [tilespmem:$0x10]  }
0xa0: {  	v57 =	vld [tilespmem:$0xD20]  }
0xa1: {  	v58 =	vld [tilespmem:$0x6A0]  }
0xa2: {  	v59 =	vld [tilespmem:$0x20]  }
0xa3: {  	v60 =	vld [tilespmem:$0xD30]  }
0xa4: {  	v61 =	vld [tilespmem:$0x6B0]  }
0xa5: {  	v62 =	vld [tilespmem:$0x30]  }
0xa6: {  	v63 =	vld [tilespmem:$0xD40]  }
0xa7: {  	v15 =	vld [tilespmem:$0x40]  }
0xa8: {  	v20 =	vld [tilespmem:$0x50];
	[tilespmem:$0x1600] =	vst v53  }
0xa9: {  	v25 =	vld [tilespmem:$0x60];
	[tilespmem:$0x1610] =	vst v56  }
0xaa: {  	v29 =	vld [tilespmem:$0x70];
	[tilespmem:$0x1620] =	vst v59  }
0xab: {  	v14 =	vld [tilespmem:$0x6C0];
	[tilespmem:$0x1630] =	vst v62  }
0xac: {  	v17 =	vld [tilespmem:$0xD50];
	[tilespmem:$0x1640] =	vst v15  }
0xad: {  	v18 =	vld [tilespmem:$0x6D0];
	v0 =	vmul.u32 $0x2710, v51;
	[tilespmem:$0x1650] =	vst v20  }
0xae: {  	v24 =	vld [tilespmem:$0xD70];
	v13 =	vmul.u32 $0x2710, v54;
	[tilespmem:$0x1660] =	vst v25  }
0xaf: {  	v21 =	vld [tilespmem:$0xD60];
	v16 =	vmul.u32 $0x2710, v57;
	[tilespmem:$0x1670] =	vst v29;
	v0 =	vadd.s32 v52, v0  }
0xb0: {  	v26 =	vld [tilespmem:$0x6F0];
	v19 =	vmul.u32 $0x2710, v60;
	v1 =	vadd.s32 v55, v13;
	[tilespmem:$0x1580] =	vst v0  }
0xb1: {  	v23 =	vld [tilespmem:$0x6E0];
	v22 =	vmul.u32 $0x2710, v63;
	v2 =	vadd.s32 v58, v16;
	[tilespmem:$0x1590] =	vst v1  }
0xb2: {  	v4 =	vmul.u32 $0x2710, v17;
	v5 =	vadd.s32 v61, v19;
	[tilespmem:$0x15A0] =	vst v2  }
0xb3: {  	v30 =	vmul.u32 $0x2710, v24;
	v3 =	vadd.s32 v14, v22;
	[tilespmem:$0x15B0] =	vst v5  }
0xb4: {  	v28 =	vmul.u32 $0x2710, v21;
	v27 =	vadd.s32 v18, v4;
	[tilespmem:$0x15C0] =	vst v3  }
0xb5: {  	v31 =	vadd.s32 v26, v30;
	[tilespmem:$0x15D0] =	vst v27  }
0xb6: {  	v1 =	vadd.s32 v23, v28;
	[tilespmem:$0x15F0] =	vst v31  }
0xb7: {  	[tilespmem:$0x15E0] =	vst v1  }
0xb8: {  	[tilespmem:s14], [sflag:$0x2] =	stream.indirect.gather [hbm4b:s17+s10], $0x80, s13, s10, $0xb8;
	[tilespmem:$0x1E100] =	vst v63  }
0xb9: {  	_ =	swait.ge [sflag:s15], $0x4000  }
0xba: {  	[sflag:s15] =	ssyncset.done $0x0  }
0xbb: {  	[sflag:s15] =	ssyncadd.s32 $0xFFFFC000  }
0xbc: {  	[spmem:s5] =	stream.indirect.scatter.add.f32 [tilespmem:s12], [sflag:$0x3], $0x80, s16, s10, $0xb8;
	[tilespmem:$0x1E100] =	vst v63  }
0xbd: {  	v32 =	vld [tilespmem:$0xD80]  }
0xbe: {  	v33 =	vld [tilespmem:$0x80]  }
0xbf: {  	v34 =	vld [tilespmem:$0x700]  }
0xc0: {  	v35 =	vld [tilespmem:$0xD90]  }
0xc1: {  	v36 =	vld [tilespmem:$0x90]  }
0xc2: {  	v37 =	vld [tilespmem:$0x710]  }
0xc3: {  	v38 =	vld [tilespmem:$0xDA0]  }
0xc4: {  	v39 =	vld [tilespmem:$0xA0]  }
0xc5: {  	v40 =	vld [tilespmem:$0x720]  }
0xc6: {  	v41 =	vld [tilespmem:$0xDB0]  }
0xc7: {  	v42 =	vld [tilespmem:$0xB0]  }
0xc8: {  	v43 =	vld [tilespmem:$0x730]  }
0xc9: {  	v44 =	vld [tilespmem:$0xDC0]  }
0xca: {  	v47 =	vld [tilespmem:$0x740]  }
0xcb: {  	v52 =	vld [tilespmem:$0x750];
	[tilespmem:$0x1500] =	vst v34  }
0xcc: {  	v57 =	vld [tilespmem:$0x760];
	[tilespmem:$0x1510] =	vst v37  }
0xcd: {  	v61 =	vld [tilespmem:$0x770];
	[tilespmem:$0x1520] =	vst v40  }
0xce: {  	v46 =	vld [tilespmem:$0xC0];
	[tilespmem:$0x1530] =	vst v43  }
0xcf: {  	v49 =	vld [tilespmem:$0xDD0];
	[tilespmem:$0x1540] =	vst v47  }
0xd0: {  	v50 =	vld [tilespmem:$0xD0];
	v0 =	vmul.u32 $0x2710, v32;
	[tilespmem:$0x1550] =	vst v52  }
0xd1: {  	v56 =	vld [tilespmem:$0xDF0];
	v45 =	vmul.u32 $0x2710, v35;
	[tilespmem:$0x1560] =	vst v57  }
0xd2: {  	v53 =	vld [tilespmem:$0xDE0];
	v48 =	vmul.u32 $0x2710, v38;
	[tilespmem:$0x1570] =	vst v61;
	v0 =	vadd.s32 v33, v0  }
0xd3: {  	v58 =	vld [tilespmem:$0xF0];
	v51 =	vmul.u32 $0x2710, v41;
	v1 =	vadd.s32 v36, v45;
	[tilespmem:$0x1480] =	vst v0  }
0xd4: {  	v55 =	vld [tilespmem:$0xE0];
	v54 =	vmul.u32 $0x2710, v44;
	v2 =	vadd.s32 v39, v48;
	[tilespmem:$0x1490] =	vst v1  }
0xd5: {  	v4 =	vmul.u32 $0x2710, v49;
	v5 =	vadd.s32 v42, v51;
	[tilespmem:$0x14A0] =	vst v2  }
0xd6: {  	v62 =	vmul.u32 $0x2710, v56;
	v3 =	vadd.s32 v46, v54;
	[tilespmem:$0x14B0] =	vst v5  }
0xd7: {  	v60 =	vmul.u32 $0x2710, v53;
	v59 =	vadd.s32 v50, v4;
	[tilespmem:$0x14C0] =	vst v3  }
0xd8: {  	v63 =	vadd.s32 v58, v62;
	[tilespmem:$0x14D0] =	vst v59  }
0xd9: {  	v1 =	vadd.s32 v55, v60;
	[tilespmem:$0x14F0] =	vst v63  }
0xda: {  	[tilespmem:$0x14E0] =	vst v1  }
0xdb: {  	_ =	swait.ge [sflag:s4], $0x4000  }
0xdc: {  	[sflag:s4] =	ssyncset.done $0x0  }
0xdd: {  	[sflag:s4] =	ssyncadd.s32 $0xFFFFC000  }
0xde: {  	[tilespmem:s12], [sflag:$0x1] =	stream.indirect.gather [hbm4b:s17+s10], $0x80, s19, s10, $0xb8;
	[tilespmem:$0x1E100] =	vst v63  }
0xdf: {  	_ =	swait.ge [sflag:s8], $0x4000  }
0xe0: {  	[sflag:s8] =	ssyncset.done $0x0  }
0xe1: {  	s0 =	simm.s32 $0x0;
	[sflag:s8] =	ssyncadd.s32 $0xFFFFC000  }
0xe2: {  	[spmem:s5] =	stream.indirect.scatter.add.f32 [tilespmem:s14], [sflag:$0x4], $0x80, s9, s10, $0xb8;
	[tilespmem:$0x1E100] =	vst v63  }
.LBB2_2:
0xe3: {  	s20 =	sshllo.u32 s0, $0x1  }
0xe4: {  	s21 =	sand.u32 $0xFF, s20  }
0xe5: {  	s21 =	smul.u32 $0x4F, s21;
	_ =	sdelay $0x1  }
0xe6: {  	s21 =	sshrl.u32 s21, $0xA  }
0xe7: {  	s21 =	smul.u32 $0xD, s21;
	_ =	sdelay $0x1  }
0xe8: {  	_ =	swait.ge [sflag:s25], $0x4000;
	s20 =	ssub.s32 s20, s21  }
0xe9: {  	[sflag:s25] =	ssyncset.done $0x0;
	s20 =	sand.u32 $0xFF, s20  }
0xea: {  	[sflag:s25] =	ssyncadd.s32 $0xFFFFC000;
	s20 =	sshll.u32 s20, $0x7  }
0xeb: {  	v0 =	vld [tilespmem:s20+$0xD00];
	_ =	sdelay $0x1  }
0xec: {  	v1 =	vld [tilespmem:s20+$0x680];
	_ =	sdelay $0x2  }
0xed: {  	v0 =	vmul.u32 $0x2710, v0;
	_ =	sdelay $0x1  }
0xee: {  	v0 =	vadd.s32 v1, v0  }
0xef: {  	[tilespmem:$0x1580] =	vst v0  }
0xf0: {  	v0 =	vld [tilespmem:s20+$0x0];
	_ =	sdelay $0x4  }
0xf1: {  	[tilespmem:$0x1600] =	vst v0  }
0xf2: {  	v0 =	vld [tilespmem:s20+$0xD10];
	_ =	sdelay $0x1  }
0xf3: {  	v30 =	vld [tilespmem:s20+$0x690];
	_ =	sdelay $0x2  }
0xf4: {  	v0 =	vmul.u32 $0x2710, v0;
	_ =	sdelay $0x1  }
0xf5: {  	v0 =	vadd.s32 v30, v0  }
0xf6: {  	[tilespmem:$0x1590] =	vst v0  }
0xf7: {  	v0 =	vld [tilespmem:s20+$0x10];
	_ =	sdelay $0x4  }
0xf8: {  	[tilespmem:$0x1610] =	vst v0  }
0xf9: {  	v0 =	vld [tilespmem:s20+$0xD20];
	_ =	sdelay $0x1  }
0xfa: {  	v31 =	vld [tilespmem:s20+$0x6A0];
	_ =	sdelay $0x2  }
0xfb: {  	v0 =	vmul.u32 $0x2710, v0;
	_ =	sdelay $0x1  }
0xfc: {  	v0 =	vadd.s32 v31, v0  }
0xfd: {  	[tilespmem:$0x15A0] =	vst v0  }
0xfe: {  	v0 =	vld [tilespmem:s20+$0x20];
	_ =	sdelay $0x4  }
0xff: {  	[tilespmem:$0x1620] =	vst v0  }
0x100: {  	v0 =	vld [tilespmem:s20+$0xD30];
	_ =	sdelay $0x1  }
0x101: {  	v32 =	vld [tilespmem:s20+$0x6B0];
	_ =	sdelay $0x2  }
0x102: {  	v0 =	vmul.u32 $0x2710, v0;
	_ =	sdelay $0x1  }
0x103: {  	v0 =	vadd.s32 v32, v0  }
0x104: {  	[tilespmem:$0x15B0] =	vst v0  }
0x105: {  	v0 =	vld [tilespmem:s20+$0x30];
	_ =	sdelay $0x4  }
0x106: {  	[tilespmem:$0x1630] =	vst v0  }
0x107: {  	v0 =	vld [tilespmem:s20+$0xD40];
	_ =	sdelay $0x1  }
0x108: {  	v33 =	vld [tilespmem:s20+$0x6C0];
	_ =	sdelay $0x2  }
0x109: {  	v0 =	vmul.u32 $0x2710, v0;
	_ =	sdelay $0x1  }
0x10a: {  	v0 =	vadd.s32 v33, v0  }
0x10b: {  	[tilespmem:$0x15C0] =	vst v0  }
0x10c: {  	v0 =	vld [tilespmem:s20+$0x40];
	_ =	sdelay $0x4  }
0x10d: {  	[tilespmem:$0x1640] =	vst v0  }
0x10e: {  	v0 =	vld [tilespmem:s20+$0xD50];
	_ =	sdelay $0x1  }
0x10f: {  	v34 =	vld [tilespmem:s20+$0x6D0];
	_ =	sdelay $0x2  }
0x110: {  	v0 =	vmul.u32 $0x2710, v0;
	_ =	sdelay $0x1  }
0x111: {  	v0 =	vadd.s32 v34, v0  }
0x112: {  	[tilespmem:$0x15D0] =	vst v0  }
0x113: {  	v0 =	vld [tilespmem:s20+$0x50];
	_ =	sdelay $0x4  }
0x114: {  	[tilespmem:$0x1650] =	vst v0  }
0x115: {  	v0 =	vld [tilespmem:s20+$0xD60];
	_ =	sdelay $0x1  }
0x116: {  	v35 =	vld [tilespmem:s20+$0x6E0];
	_ =	sdelay $0x2  }
0x117: {  	v0 =	vmul.u32 $0x2710, v0;
	_ =	sdelay $0x1  }
0x118: {  	v0 =	vadd.s32 v35, v0  }
0x119: {  	[tilespmem:$0x15E0] =	vst v0  }
0x11a: {  	v0 =	vld [tilespmem:s20+$0x60];
	_ =	sdelay $0x4  }
0x11b: {  	[tilespmem:$0x1660] =	vst v0  }
0x11c: {  	v0 =	vld [tilespmem:s20+$0xD70];
	_ =	sdelay $0x1  }
0x11d: {  	v36 =	vld [tilespmem:s20+$0x6F0];
	_ =	sdelay $0x2  }
0x11e: {  	v0 =	vmul.u32 $0x2710, v0;
	_ =	sdelay $0x1  }
0x11f: {  	v0 =	vadd.s32 v36, v0  }
0x120: {  	s29 =	sshll.u32 s0, $0x1;
	[tilespmem:$0x15F0] =	vst v0  }
0x121: {  	v0 =	vld [tilespmem:s20+$0x70];
	s20 =	sadd.s32 $0x2, s29  }
0x122: {  	s23 =	sand.u32 $0xFE, s20  }
0x123: {  	s21 =	smul.u32 $0x4F, s23;
	_ =	sdelay $0x1  }
0x124: {  	s21 =	sshrl.u32 s21, $0xA  }
0x125: {  	[tilespmem:$0x1670] =	vst v0;
	s21 =	smul.u32 $0xD, s21  }
0x126: {  	[tilespmem:s14], [sflag:$0x2] =	stream.indirect.gather [hbm4b:s17+s10], $0x80, s13, s10, $0xb8;
	[tilespmem:$0x1E100] =	vst v63  }
0x127: {  	s21 =	ssub.s32 s20, s21  }
0x128: {  	s21 =	sand.u32 $0xFF, s21  }
0x129: {  	p1 =	sne.s32 s21, $0x0  }
0x12a: {  	s20 =	sand.u32 @!p1 $0xFF, s20  }
0x12b: {  	s20 =	smul.u32 @!p1 $0x4F, s20  }
0x12c: {  	_ =	swait.ge [sflag:s15], $0x4000  }
0x12d: {  	[sflag:s15] =	ssyncset.done $0x0;
	s20 =	sshrl.u32 @!p1 s20, $0xA  }
0x12e: {  	[sflag:s15] =	ssyncadd.s32 $0xFFFFC000;
	s20 =	smul.u32 @!p1 $0x680, s20  }
0x12f: {  	[spmem:s5] =	stream.indirect.scatter.add.f32 [tilespmem:s12], [sflag:$0x3], $0x80, s26, s10, $0xb8;
	[tilespmem:$0x1E100] =	vst v63  }
0x130: {  	s20 =	sadd.s32 @!p1 s18, s20  }
0x131: {  	s20 =	sshrl.u32 @!p1 s20, $0x3  }
0x132: {  	s30 =	simm.s32 @!p1 $0x0;
	s28 =	sadd.s32 @!p1 s1, s20  }
0x133: {  	[tilespmem:s30], [sflag:$0x5] =	stream.linear.gather @!p1 [hbm4b:s28+s30], $0x680, $0x38;
	[tilespmem:$0x1E100] =	vst v63  }
0x134: {  	s28 =	simm.s32 @!p1 $0x5  }
0x135: {  	_ =	swait.ge @!p1 [sflag:s28], $0x680  }
0x136: {  	[sflag:s28] =	ssyncset.done @!p1 $0x0  }
0x137: {  	s23 =	simm.s32 @!p1 $0x680;
	s22 =	sadd.s32 @!p1 s2, s20;
	[sflag:s28] =	ssyncadd.s32 @!p1 $0xFFFFF980  }
0x138: {  	[tilespmem:s23], [sflag:$0x5] =	stream.linear.gather @!p1 [hbm4b:s22+s30], $0x680, $0x38;
	[tilespmem:$0x1E100] =	vst v63  }
0x139: {  	_ =	swait.ge @!p1 [sflag:s28], $0x680  }
0x13a: {  	[sflag:s28] =	ssyncset.done @!p1 $0x0  }
0x13b: {  	s20 =	sadd.s32 @!p1 s3, s20;
	s22 =	simm.s32 @!p1 $0xD00;
	[sflag:s28] =	ssyncadd.s32 @!p1 $0xFFFFF980  }
0x13c: {  	[tilespmem:s22], [sflag:$0x5] =	stream.linear.gather @!p1 [hbm4b:s20+s30], $0x680, $0x38;
	[tilespmem:$0x1E100] =	vst v63  }
0x13d: {  	_ =	swait.ge @!p1 [sflag:s28], $0x680  }
0x13e: {  	[sflag:s28] =	ssyncset.done @!p1 $0x0  }
0x13f: {  	[sflag:s28] =	ssyncadd.s32 @!p1 $0xFFFFF980;
	s28 =	sshll.u32 s21, $0x7  }
0x140: {  	v37 =	vld [tilespmem:s28+$0xD00];
	_ =	sdelay $0x1  }
0x141: {  	v38 =	vld [tilespmem:s28+$0x0];
	_ =	sdelay $0x2  }
0x142: {  	v0 =	vmul.u32 $0x2710, v37;
	_ =	sdelay $0x1  }
0x143: {  	v0 =	vadd.s32 v38, v0  }
0x144: {  	[tilespmem:$0x1380] =	vst v0  }
0x145: {  	v0 =	vld [tilespmem:s28+$0x680];
	_ =	sdelay $0x4  }
0x146: {  	[tilespmem:$0x1400] =	vst v0  }
0x147: {  	v0 =	vld [tilespmem:s28+$0xD10];
	_ =	sdelay $0x1  }
0x148: {  	v39 =	vld [tilespmem:s28+$0x10];
	_ =	sdelay $0x2  }
0x149: {  	v0 =	vmul.u32 $0x2710, v0;
	_ =	sdelay $0x1  }
0x14a: {  	v0 =	vadd.s32 v39, v0  }
0x14b: {  	[tilespmem:$0x1390] =	vst v0  }
0x14c: {  	v0 =	vld [tilespmem:s28+$0x690];
	_ =	sdelay $0x4  }
0x14d: {  	[tilespmem:$0x1410] =	vst v0  }
0x14e: {  	v0 =	vld [tilespmem:s28+$0xD20];
	_ =	sdelay $0x1  }
0x14f: {  	v40 =	vld [tilespmem:s28+$0x20];
	_ =	sdelay $0x2  }
0x150: {  	v0 =	vmul.u32 $0x2710, v0;
	_ =	sdelay $0x1  }
0x151: {  	v0 =	vadd.s32 v40, v0  }
0x152: {  	[tilespmem:$0x13A0] =	vst v0  }
0x153: {  	v0 =	vld [tilespmem:s28+$0x6A0];
	_ =	sdelay $0x4  }
0x154: {  	[tilespmem:$0x1420] =	vst v0  }
0x155: {  	v0 =	vld [tilespmem:s28+$0xD30];
	_ =	sdelay $0x1  }
0x156: {  	v41 =	vld [tilespmem:s28+$0x30];
	_ =	sdelay $0x2  }
0x157: {  	v0 =	vmul.u32 $0x2710, v0;
	_ =	sdelay $0x1  }
0x158: {  	v0 =	vadd.s32 v41, v0  }
0x159: {  	[tilespmem:$0x13B0] =	vst v0  }
0x15a: {  	v0 =	vld [tilespmem:s28+$0x6B0];
	_ =	sdelay $0x4  }
0x15b: {  	[tilespmem:$0x1430] =	vst v0  }
0x15c: {  	v0 =	vld [tilespmem:s28+$0xD40];
	_ =	sdelay $0x1  }
0x15d: {  	v42 =	vld [tilespmem:s28+$0x40];
	_ =	sdelay $0x2  }
0x15e: {  	v0 =	vmul.u32 $0x2710, v0;
	_ =	sdelay $0x1  }
0x15f: {  	v0 =	vadd.s32 v42, v0  }
0x160: {  	[tilespmem:$0x13C0] =	vst v0  }
0x161: {  	v0 =	vld [tilespmem:s28+$0x6C0];
	_ =	sdelay $0x4  }
0x162: {  	[tilespmem:$0x1440] =	vst v0  }
0x163: {  	v0 =	vld [tilespmem:s28+$0xD50];
	_ =	sdelay $0x1  }
0x164: {  	v43 =	vld [tilespmem:s28+$0x50];
	_ =	sdelay $0x2  }
0x165: {  	v0 =	vmul.u32 $0x2710, v0;
	_ =	sdelay $0x1  }
0x166: {  	v0 =	vadd.s32 v43, v0  }
0x167: {  	[tilespmem:$0x13D0] =	vst v0  }
0x168: {  	v0 =	vld [tilespmem:s28+$0x6D0];
	_ =	sdelay $0x4  }
0x169: {  	[tilespmem:$0x1450] =	vst v0  }
0x16a: {  	v0 =	vld [tilespmem:s28+$0xD60];
	_ =	sdelay $0x1  }
0x16b: {  	v44 =	vld [tilespmem:s28+$0x60];
	_ =	sdelay $0x2  }
0x16c: {  	v0 =	vmul.u32 $0x2710, v0;
	_ =	sdelay $0x1  }
0x16d: {  	v0 =	vadd.s32 v44, v0  }
0x16e: {  	[tilespmem:$0x13E0] =	vst v0  }
0x16f: {  	v0 =	vld [tilespmem:s28+$0x6E0];
	_ =	sdelay $0x4  }
0x170: {  	[tilespmem:$0x1460] =	vst v0  }
0x171: {  	v0 =	vld [tilespmem:s28+$0xD70];
	_ =	sdelay $0x1  }
0x172: {  	v45 =	vld [tilespmem:s28+$0x70];
	_ =	sdelay $0x2  }
0x173: {  	v0 =	vmul.u32 $0x2710, v0;
	_ =	sdelay $0x1  }
0x174: {  	v0 =	vadd.s32 v45, v0  }
0x175: {  	[tilespmem:$0x13F0] =	vst v0  }
0x176: {  	v0 =	vld [tilespmem:s28+$0x6F0];
	_ =	sdelay $0x4  }
0x177: {  	[tilespmem:$0x1470] =	vst v0  }
0x178: {  	_ =	swait.ge [sflag:s4], $0x4000  }
0x179: {  	[sflag:s4] =	ssyncset.done $0x0  }
0x17a: {  	[sflag:s4] =	ssyncadd.s32 $0xFFFFC000  }
0x17b: {  	[tilespmem:s12], [sflag:$0x1] =	stream.indirect.gather [hbm4b:s17+s10], $0x80, s11, s10, $0xb8;
	[tilespmem:$0x1E100] =	vst v63  }
0x17c: {  	_ =	swait.ge [sflag:s8], $0x4000  }
0x17d: {  	[sflag:s8] =	ssyncset.done $0x0  }
0x17e: {  	[sflag:s8] =	ssyncadd.s32 $0xFFFFC000  }
0x17f: {  	[spmem:s5] =	stream.indirect.scatter.add.f32 [tilespmem:s14], [sflag:$0x4], $0x80, s9, s10, $0xb8;
	[tilespmem:$0x1E100] =	vst v63  }
0x180: {  	_ =	swait.ge [sflag:s25], $0x4000  }
0x181: {  	[sflag:s25] =	ssyncset.done $0x0  }
0x182: {  	[sflag:s25] =	ssyncadd.s32 $0xFFFFC000  }
0x183: {  	v46 =	vld [tilespmem:s28+$0xD00];
	_ =	sdelay $0x1  }
0x184: {  	v47 =	vld [tilespmem:s28+$0x680];
	_ =	sdelay $0x2  }
0x185: {  	v0 =	vmul.u32 $0x2710, v46;
	_ =	sdelay $0x1  }
0x186: {  	v0 =	vadd.s32 v47, v0  }
0x187: {  	[tilespmem:$0x1580] =	vst v0  }
0x188: {  	v0 =	vld [tilespmem:s28+$0x0];
	_ =	sdelay $0x4  }
0x189: {  	[tilespmem:$0x1600] =	vst v0  }
0x18a: {  	v0 =	vld [tilespmem:s28+$0xD10];
	_ =	sdelay $0x1  }
0x18b: {  	v48 =	vld [tilespmem:s28+$0x690];
	_ =	sdelay $0x2  }
0x18c: {  	v0 =	vmul.u32 $0x2710, v0;
	_ =	sdelay $0x1  }
0x18d: {  	v0 =	vadd.s32 v48, v0  }
0x18e: {  	[tilespmem:$0x1590] =	vst v0  }
0x18f: {  	v0 =	vld [tilespmem:s28+$0x10];
	_ =	sdelay $0x4  }
0x190: {  	[tilespmem:$0x1610] =	vst v0  }
0x191: {  	v0 =	vld [tilespmem:s28+$0xD20];
	_ =	sdelay $0x1  }
0x192: {  	v49 =	vld [tilespmem:s28+$0x6A0];
	_ =	sdelay $0x2  }
0x193: {  	v0 =	vmul.u32 $0x2710, v0;
	_ =	sdelay $0x1  }
0x194: {  	v0 =	vadd.s32 v49, v0  }
0x195: {  	[tilespmem:$0x15A0] =	vst v0  }
0x196: {  	v0 =	vld [tilespmem:s28+$0x20];
	_ =	sdelay $0x4  }
0x197: {  	[tilespmem:$0x1620] =	vst v0  }
0x198: {  	v0 =	vld [tilespmem:s28+$0xD30];
	_ =	sdelay $0x1  }
0x199: {  	v50 =	vld [tilespmem:s28+$0x6B0];
	_ =	sdelay $0x2  }
0x19a: {  	v0 =	vmul.u32 $0x2710, v0;
	_ =	sdelay $0x1  }
0x19b: {  	v0 =	vadd.s32 v50, v0  }
0x19c: {  	[tilespmem:$0x15B0] =	vst v0  }
0x19d: {  	v0 =	vld [tilespmem:s28+$0x30];
	_ =	sdelay $0x4  }
0x19e: {  	[tilespmem:$0x1630] =	vst v0  }
0x19f: {  	v0 =	vld [tilespmem:s28+$0xD40];
	_ =	sdelay $0x1  }
0x1a0: {  	v51 =	vld [tilespmem:s28+$0x6C0];
	_ =	sdelay $0x2  }
0x1a1: {  	v0 =	vmul.u32 $0x2710, v0;
	_ =	sdelay $0x1  }
0x1a2: {  	v0 =	vadd.s32 v51, v0  }
0x1a3: {  	[tilespmem:$0x15C0] =	vst v0  }
0x1a4: {  	v0 =	vld [tilespmem:s28+$0x40];
	_ =	sdelay $0x4  }
0x1a5: {  	[tilespmem:$0x1640] =	vst v0  }
0x1a6: {  	v0 =	vld [tilespmem:s28+$0xD50];
	_ =	sdelay $0x1  }
0x1a7: {  	v52 =	vld [tilespmem:s28+$0x6D0];
	_ =	sdelay $0x2  }
0x1a8: {  	v0 =	vmul.u32 $0x2710, v0;
	_ =	sdelay $0x1  }
0x1a9: {  	v0 =	vadd.s32 v52, v0  }
0x1aa: {  	[tilespmem:$0x15D0] =	vst v0  }
0x1ab: {  	v0 =	vld [tilespmem:s28+$0x50];
	_ =	sdelay $0x4  }
0x1ac: {  	[tilespmem:$0x1650] =	vst v0  }
0x1ad: {  	v0 =	vld [tilespmem:s28+$0xD60];
	_ =	sdelay $0x1  }
0x1ae: {  	v53 =	vld [tilespmem:s28+$0x6E0];
	_ =	sdelay $0x2  }
0x1af: {  	v0 =	vmul.u32 $0x2710, v0;
	_ =	sdelay $0x1  }
0x1b0: {  	v0 =	vadd.s32 v53, v0  }
0x1b1: {  	[tilespmem:$0x15E0] =	vst v0  }
0x1b2: {  	v0 =	vld [tilespmem:s28+$0x60];
	_ =	sdelay $0x4  }
0x1b3: {  	[tilespmem:$0x1660] =	vst v0  }
0x1b4: {  	s20 =	sadd.s32 $0x3, s29;
	v0 =	vld [tilespmem:s28+$0xD70]  }
0x1b5: {  	s29 =	sand.u32 $0xFF, s20  }
0x1b6: {  	s21 =	smul.u32 $0x4F, s29;
	v54 =	vld [tilespmem:s28+$0x6F0];
	_ =	sdelay $0x1  }
0x1b7: {  	s21 =	sshrl.u32 s21, $0xA  }
0x1b8: {  	s21 =	smul.u32 $0xD, s21;
	v0 =	vmul.u32 $0x2710, v0;
	_ =	sdelay $0x1  }
0x1b9: {  	s21 =	ssub.s32 s20, s21;
	v0 =	vadd.s32 v54, v0  }
0x1ba: {  	s21 =	sand.u32 $0xFF, s21;
	[tilespmem:$0x15F0] =	vst v0  }
0x1bb: {  	p1 =	sne.s32 s21, $0x0;
	v0 =	vld [tilespmem:s28+$0x70]  }
0x1bc: {  	s20 =	sand.u32 @!p1 $0xFF, s20  }
0x1bd: {  	s20 =	smul.u32 @!p1 $0x4F, s20;
	_ =	sdelay $0x1  }
0x1be: {  	s20 =	sshrl.u32 @!p1 s20, $0xA  }
0x1bf: {  	s20 =	smul.u32 @!p1 $0x680, s20;
	[tilespmem:$0x1670] =	vst v0  }
0x1c0: {  	[tilespmem:s14], [sflag:$0x2] =	stream.indirect.gather [hbm4b:s17+s10], $0x80, s13, s10, $0xb8;
	[tilespmem:$0x1E100] =	vst v63  }
0x1c1: {  	_ =	swait.ge [sflag:s15], $0x4000  }
0x1c2: {  	s20 =	sadd.s32 @!p1 s18, s20;
	[sflag:s15] =	ssyncset.done $0x0  }
0x1c3: {  	s20 =	sshrl.u32 @!p1 s20, $0x3;
	[sflag:s15] =	ssyncadd.s32 $0xFFFFC000  }
0x1c4: {  	[spmem:s5] =	stream.indirect.scatter.add.f32 [tilespmem:s12], [sflag:$0x3], $0x80, s16, s10, $0xb8;
	[tilespmem:$0x1E100] =	vst v63  }
0x1c5: {  	s23 =	simm.s32 @!p1 $0x0;
	s22 =	sadd.s32 @!p1 s1, s20  }
0x1c6: {  	[tilespmem:s23], [sflag:$0x5] =	stream.linear.gather @!p1 [hbm4b:s22+s23], $0x680, $0x38;
	[tilespmem:$0x1E100] =	vst v63  }
0x1c7: {  	s22 =	simm.s32 @!p1 $0x5  }
0x1c8: {  	_ =	swait.ge @!p1 [sflag:s22], $0x680  }
0x1c9: {  	[sflag:s22] =	ssyncset.done @!p1 $0x0  }
0x1ca: {  	s29 =	simm.s32 @!p1 $0x680;
	s28 =	sadd.s32 @!p1 s2, s20;
	[sflag:s22] =	ssyncadd.s32 @!p1 $0xFFFFF980  }
0x1cb: {  	[tilespmem:s29], [sflag:$0x5] =	stream.linear.gather @!p1 [hbm4b:s28+s23], $0x680, $0x38;
	[tilespmem:$0x1E100] =	vst v63  }
0x1cc: {  	_ =	swait.ge @!p1 [sflag:s22], $0x680  }
0x1cd: {  	[sflag:s22] =	ssyncset.done @!p1 $0x0  }
0x1ce: {  	s20 =	sadd.s32 @!p1 s3, s20;
	s28 =	simm.s32 @!p1 $0xD00;
	[sflag:s22] =	ssyncadd.s32 @!p1 $0xFFFFF980  }
0x1cf: {  	[tilespmem:s28], [sflag:$0x5] =	stream.linear.gather @!p1 [hbm4b:s20+s23], $0x680, $0x38;
	[tilespmem:$0x1E100] =	vst v63  }
0x1d0: {  	_ =	swait.ge @!p1 [sflag:s22], $0x680  }
0x1d1: {  	[sflag:s22] =	ssyncset.done @!p1 $0x0  }
0x1d2: {  	s30 =	sshll.u32 s21, $0x7;
	[sflag:s22] =	ssyncadd.s32 @!p1 $0xFFFFF980  }
0x1d3: {  	v55 =	vld [tilespmem:s30+$0xD00];
	_ =	sdelay $0x1  }
0x1d4: {  	v56 =	vld [tilespmem:s30+$0x0];
	_ =	sdelay $0x2  }
0x1d5: {  	v0 =	vmul.u32 $0x2710, v55;
	_ =	sdelay $0x1  }
0x1d6: {  	v0 =	vadd.s32 v56, v0  }
0x1d7: {  	[tilespmem:$0x1480] =	vst v0  }
0x1d8: {  	v0 =	vld [tilespmem:s30+$0x680];
	_ =	sdelay $0x4  }
0x1d9: {  	[tilespmem:$0x1500] =	vst v0  }
0x1da: {  	v0 =	vld [tilespmem:s30+$0xD10];
	_ =	sdelay $0x1  }
0x1db: {  	v57 =	vld [tilespmem:s30+$0x10];
	_ =	sdelay $0x2  }
0x1dc: {  	v0 =	vmul.u32 $0x2710, v0;
	_ =	sdelay $0x1  }
0x1dd: {  	v0 =	vadd.s32 v57, v0  }
0x1de: {  	[tilespmem:$0x1490] =	vst v0  }
0x1df: {  	v0 =	vld [tilespmem:s30+$0x690];
	_ =	sdelay $0x4  }
0x1e0: {  	[tilespmem:$0x1510] =	vst v0  }
0x1e1: {  	v0 =	vld [tilespmem:s30+$0xD20];
	_ =	sdelay $0x1  }
0x1e2: {  	v58 =	vld [tilespmem:s30+$0x20];
	_ =	sdelay $0x2  }
0x1e3: {  	v0 =	vmul.u32 $0x2710, v0;
	_ =	sdelay $0x1  }
0x1e4: {  	v0 =	vadd.s32 v58, v0  }
0x1e5: {  	[tilespmem:$0x14A0] =	vst v0  }
0x1e6: {  	v0 =	vld [tilespmem:s30+$0x6A0];
	_ =	sdelay $0x4  }
0x1e7: {  	[tilespmem:$0x1520] =	vst v0  }
0x1e8: {  	v0 =	vld [tilespmem:s30+$0xD30];
	_ =	sdelay $0x1  }
0x1e9: {  	v59 =	vld [tilespmem:s30+$0x30];
	_ =	sdelay $0x2  }
0x1ea: {  	v0 =	vmul.u32 $0x2710, v0;
	_ =	sdelay $0x1  }
0x1eb: {  	v0 =	vadd.s32 v59, v0  }
0x1ec: {  	[tilespmem:$0x14B0] =	vst v0  }
0x1ed: {  	v0 =	vld [tilespmem:s30+$0x6B0];
	_ =	sdelay $0x4  }
0x1ee: {  	[tilespmem:$0x1530] =	vst v0  }
0x1ef: {  	v0 =	vld [tilespmem:s30+$0xD40];
	_ =	sdelay $0x1  }
0x1f0: {  	v60 =	vld [tilespmem:s30+$0x40];
	_ =	sdelay $0x2  }
0x1f1: {  	v0 =	vmul.u32 $0x2710, v0;
	_ =	sdelay $0x1  }
0x1f2: {  	v0 =	vadd.s32 v60, v0  }
0x1f3: {  	[tilespmem:$0x14C0] =	vst v0  }
0x1f4: {  	v0 =	vld [tilespmem:s30+$0x6C0];
	_ =	sdelay $0x4  }
0x1f5: {  	[tilespmem:$0x1540] =	vst v0  }
0x1f6: {  	v0 =	vld [tilespmem:s30+$0xD50];
	_ =	sdelay $0x1  }
0x1f7: {  	v61 =	vld [tilespmem:s30+$0x50];
	_ =	sdelay $0x2  }
0x1f8: {  	v0 =	vmul.u32 $0x2710, v0;
	_ =	sdelay $0x1  }
0x1f9: {  	v0 =	vadd.s32 v61, v0  }
0x1fa: {  	[tilespmem:$0x14D0] =	vst v0  }
0x1fb: {  	v0 =	vld [tilespmem:s30+$0x6D0];
	_ =	sdelay $0x4  }
0x1fc: {  	[tilespmem:$0x1550] =	vst v0  }
0x1fd: {  	v0 =	vld [tilespmem:s30+$0xD60];
	_ =	sdelay $0x1  }
0x1fe: {  	v62 =	vld [tilespmem:s30+$0x60];
	_ =	sdelay $0x2  }
0x1ff: {  	v0 =	vmul.u32 $0x2710, v0;
	_ =	sdelay $0x1  }
0x200: {  	v0 =	vadd.s32 v62, v0  }
0x201: {  	[tilespmem:$0x14E0] =	vst v0  }
0x202: {  	v0 =	vld [tilespmem:s30+$0x6E0];
	_ =	sdelay $0x4  }
0x203: {  	[tilespmem:$0x1560] =	vst v0  }
0x204: {  	v0 =	vld [tilespmem:s30+$0xD70];
	_ =	sdelay $0x1  }
0x205: {  	v63 =	vld [tilespmem:s30+$0x70];
	_ =	sdelay $0x2  }
0x206: {  	v0 =	vmul.u32 $0x2710, v0;
	_ =	sdelay $0x1  }
0x207: {  	v0 =	vadd.s32 v63, v0  }
0x208: {  	[tilespmem:$0x14F0] =	vst v0  }
0x209: {  	v0 =	vld [tilespmem:s30+$0x6F0];
	_ =	sdelay $0x4  }
0x20a: {  	[tilespmem:$0x1570] =	vst v0  }
0x20b: {  	_ =	swait.ge [sflag:s4], $0x4000  }
0x20c: {  	s0 =	sadd.s32 $0x1, s0;
	[sflag:s4] =	ssyncset.done $0x0  }
0x20d: {  	p1 =	sne.s32 s0, $0x26;
	[sflag:s4] =	ssyncadd.s32 $0xFFFFC000  }
0x20e: {  	[tilespmem:s12], [sflag:$0x1] =	stream.indirect.gather [hbm4b:s17+s10], $0x80, s19, s10, $0xb8;
	[tilespmem:$0x1E100] =	vst v63  }
.Ltmp0:
0x20f: {  	_ = 	snop;
	(pc) =	sbr.rel @p1 .LBB2_2-.Ltmp0, $4  }
0x210: {  	_ =	swait.ge [sflag:s8], $0x4000  }
0x211: {  	[sflag:s8] =	ssyncset.done $0x0  }
0x212: {  	[sflag:s8] =	ssyncadd.s32 $0xFFFFC000  }
0x213: {  	[spmem:s5] =	stream.indirect.scatter.add.f32 [tilespmem:s14], [sflag:$0x4], $0x80, s9, s10, $0xb8;
	[tilespmem:$0x1E100] =	vst v63  }
0x214: {  	_ =	swait.ge [sflag:s25], $0x4000  }
0x215: {  	[sflag:s25] =	ssyncset.done $0x0  }
0x216: {  	[sflag:s25] =	ssyncadd.s32 $0xFFFFC000  }
0x217: {  	v0 =	vld [tilespmem:$0x1300]  }
0x218: {  	v1 =	vld [tilespmem:$0xC80]  }
0x219: {  	v2 =	vld [tilespmem:$0x600]  }
0x21a: {  	v3 =	vld [tilespmem:$0x1310]  }
0x21b: {  	v4 =	vld [tilespmem:$0xC90]  }
0x21c: {  	v5 =	vld [tilespmem:$0x610]  }
0x21d: {  	v6 =	vld [tilespmem:$0x1320]  }
0x21e: {  	v7 =	vld [tilespmem:$0xCA0]  }
0x21f: {  	v8 =	vld [tilespmem:$0x620]  }
0x220: {  	v9 =	vld [tilespmem:$0x1330]  }
0x221: {  	v10 =	vld [tilespmem:$0xCB0]  }
0x222: {  	v11 =	vld [tilespmem:$0x630]  }
0x223: {  	v12 =	vld [tilespmem:$0x1340]  }
0x224: {  	v43 =	vld [tilespmem:$0x640]  }
0x225: {  	v48 =	vld [tilespmem:$0x650];
	[tilespmem:$0x1600] =	vst v2  }
0x226: {  	v53 =	vld [tilespmem:$0x660];
	[tilespmem:$0x1610] =	vst v5  }
0x227: {  	v57 =	vld [tilespmem:$0x670];
	[tilespmem:$0x1620] =	vst v8  }
0x228: {  	v42 =	vld [tilespmem:$0xCC0];
	[tilespmem:$0x1630] =	vst v11  }
0x229: {  	v45 =	vld [tilespmem:$0x1350];
	[tilespmem:$0x1640] =	vst v43  }
0x22a: {  	v52 =	vld [tilespmem:$0x1370];
	v0 =	vmul.u32 $0x2710, v0;
	[tilespmem:$0x1650] =	vst v48  }
0x22b: {  	v49 =	vld [tilespmem:$0x1360];
	v41 =	vmul.u32 $0x2710, v3;
	[tilespmem:$0x1660] =	vst v53  }
0x22c: {  	v54 =	vld [tilespmem:$0xCF0];
	v44 =	vmul.u32 $0x2710, v6;
	[tilespmem:$0x1670] =	vst v57;
	v0 =	vadd.s32 v1, v0  }
0x22d: {  	v51 =	vld [tilespmem:$0xCE0];
	v47 =	vmul.u32 $0x2710, v9;
	v1 =	vadd.s32 v4, v41;
	[tilespmem:$0x1580] =	vst v0  }
0x22e: {  	v46 =	vld [tilespmem:$0xCD0];
	v50 =	vmul.u32 $0x2710, v12;
	v2 =	vadd.s32 v7, v44;
	[tilespmem:$0x1590] =	vst v1  }
0x22f: {  	v58 =	vmul.u32 $0x2710, v52;
	v5 =	vadd.s32 v10, v47;
	[tilespmem:$0x15A0] =	vst v2  }
0x230: {  	v56 =	vmul.u32 $0x2710, v49;
	v3 =	vadd.s32 v42, v50;
	[tilespmem:$0x15B0] =	vst v5  }
0x231: {  	v4 =	vmul.u32 $0x2710, v45;
	v59 =	vadd.s32 v54, v58;
	[tilespmem:$0x15C0] =	vst v3  }
0x232: {  	v1 =	vadd.s32 v51, v56;
	[tilespmem:$0x15F0] =	vst v59  }
0x233: {  	v55 =	vadd.s32 v46, v4;
	[tilespmem:$0x15E0] =	vst v1  }
0x234: {  	[tilespmem:$0x15D0] =	vst v55  }
0x235: {  	[tilespmem:s14], [sflag:$0x2] =	stream.indirect.gather [hbm4b:s17+s10], $0x80, s13, s10, $0xb8;
	[tilespmem:$0x1E100] =	vst v63  }
0x236: {  	_ =	swait.ge [sflag:s15], $0x4000  }
0x237: {  	[sflag:s15] =	ssyncset.done $0x0  }
0x238: {  	[sflag:s15] =	ssyncadd.s32 $0xFFFFC000  }
0x239: {  	[spmem:s5] =	stream.indirect.scatter.add.f32 [tilespmem:s12], [sflag:$0x3], $0x80, s26, s10, $0xb8;
	[tilespmem:$0x1E100] =	vst v63  }
0x23a: {  	_ =	swait.ge [sflag:s4], $0x4000  }
0x23b: {  	[sflag:s4] =	ssyncset.done $0x0  }
0x23c: {  	[sflag:s4] =	ssyncadd.s32 $0xFFFFC000  }
0x23d: {  	_ =	swait.ge [sflag:s8], $0x4000  }
0x23e: {  	[sflag:s8] =	ssyncset.done $0x0  }
0x23f: {  	[sflag:s8] =	ssyncadd.s32 $0xFFFFC000  }
0x240: {  	[spmem:s5] =	stream.indirect.scatter.add.f32 [tilespmem:s14], [sflag:$0x5], $0x80, s9, s10, $0xb8;
	[tilespmem:$0x1E100] =	vst v63  }
0x241: {  	_ =	swait.ge [sflag:s7], $0x4000  }
0x242: {  	[sflag:s7] =	ssyncset.done $0x0  }
0x243: {  	s0 =	rddreg [dreg:$0x19];
	[sflag:s7] =	ssyncadd.s32 $0xFFFFC000  }
0x244: {  	[tilespmem:s6], [sflag:$0x5] =	stream.linear.gather [hbm4b:s0+s6], $0x10, $0x38;
	[tilespmem:$0x1E100] =	vst v63  }
0x245: {  	_ =	swait.ge [sflag:s7], $0x10  }
0x246: {  	[sflag:s7] =	ssyncset.done $0x0  }
0x247: {  	s20 =	simm.s32 $0x680;
	s22 =	rddreg [dreg:$0x1a];
	[sflag:s7] =	ssyncadd.s32 $0xFFFFFFF0  }
0x248: {  	[tilespmem:s20], [sflag:$0x5] =	stream.linear.gather [hbm4b:s22+s6], $0x10, $0x38;
	[tilespmem:$0x1E100] =	vst v63  }
0x249: {  	_ =	swait.ge [sflag:s7], $0x10  }
0x24a: {  	[sflag:s7] =	ssyncset.done $0x0  }
0x24b: {  	s23 =	rddreg [dreg:$0x1b];
	[sflag:s7] =	ssyncadd.s32 $0xFFFFFFF0  }
0x24c: {  	[tilespmem:s31], [sflag:$0x5] =	stream.linear.gather [hbm4b:s23+s6], $0x10, $0x38;
	[tilespmem:$0x1E100] =	vst v63  }
0x24d: {  	_ =	swait.ge [sflag:s7], $0x10  }
0x24e: {  	[sflag:s7] =	ssyncset.done $0x0  }
0x24f: {  	[sflag:s7] =	ssyncadd.s32 $0xFFFFFFF0  }
0x250: {  	v60 =	vld [tilespmem:$0xD00]  }
0x251: {  	v62 =	vld [tilespmem:$0x680]  }
0x252: {  	v61 =	vld [tilespmem:$0x0];
	_ =	sdelay $0x2  }
0x253: {  	v0 =	vmul.u32 $0x2710, v60  }
0x254: {  	[tilespmem:$0x1780] =	vst v62  }
0x255: {  	[tilespmem:$0x1800] =	vst v61;
	v63 =	vadd.s32 v61, v0  }
0x256: {  	v0 =	vadd.s32 v0, v62;
	[tilespmem:$0x1680] =	vst v63  }
0x257: {  	s29 =	simm.s32 $0x1680;
	s21 =	simm.s32 $0x9880;
	s0 =	simm.s32 $0x10;
	[tilespmem:$0x1700] =	vst v0  }
0x258: {  	[tilespmem:s21], [sflag:$0x1] =	stream.indirect.gather [hbm4b:s17+s0], $0x80, s29, s0, $0xb8;
	[tilespmem:$0x1E100] =	vst v63  }
0x259: {  	s30 =	simm.s32 $0x1700;
	s22 =	simm.s32 $0xA080  }
0x25a: {  	[tilespmem:s22], [sflag:$0x2] =	stream.indirect.gather [hbm4b:s17+s0], $0x80, s30, s0, $0xb8;
	[tilespmem:$0x1E100] =	vst v63  }
0x25b: {  	_ =	swait.ge [sflag:s15], $0x800  }
0x25c: {  	[sflag:s15] =	ssyncset.done $0x0  }
0x25d: {  	s31 =	simm.s32 $0x1780;
	[sflag:s15] =	ssyncadd.s32 $0xFFFFF800  }
0x25e: {  	[spmem:s5] =	stream.indirect.scatter.add.f32 [tilespmem:s21], [sflag:$0x5], $0x80, s31, s0, $0xb8;
	[tilespmem:$0x1E100] =	vst v63  }
0x25f: {  	_ =	swait.ge [sflag:s7], $0x800  }
0x260: {  	[sflag:s7] =	ssyncset.done $0x0  }
0x261: {  	[sflag:s7] =	ssyncadd.s32 $0xFFFFF800  }
0x262: {  	_ =	swait.ge [sflag:s8], $0x800  }
0x263: {  	[sflag:s8] =	ssyncset.done $0x0  }
0x264: {  	s23 =	simm.s32 $0x1800;
	[sflag:s8] =	ssyncadd.s32 $0xFFFFF800  }
0x265: {  	[spmem:s5] =	stream.indirect.scatter.add.f32 [tilespmem:s22], [sflag:$0x5], $0x80, s23, s0, $0xb8;
	[tilespmem:$0x1E100] =	vst v63  }
0x266: {  	_ =	swait.ge [sflag:s7], $0x800  }
0x267: {  	[sflag:s7] =	ssyncset.done $0x0  }
0x268: {  	[sflag:s7] =	ssyncadd.s32 $0xFFFFF800  }
0x269: {  	[bflag:$0x0] =	sbarrier.arrive $0xFFFF  }
0x26a: {  	s21 =	rddreg [dreg:$0x12]  }
0x26b: {  	[tilespmem:s12], [sflag:$0x5] =	stream.linear.gather [spmem:s21], $0x4000, $0x38;
	[tilespmem:$0x1E100] =	vst v63  }
0x26c: {  	_ =	swait.ge [sflag:s7], $0x4000  }
0x26d: {  	[sflag:s7] =	ssyncset.done $0x0  }
0x26e: {  	s29 =	rddreg [dreg:$0xc];
	[sflag:s7] =	ssyncadd.s32 $0xFFFFC000  }
0x26f: {  	[hbm4b:s29+s6] =	stream.linear.scatter [tilespmem:s12], [sflag:$0x3], $0x4000, $0x38;
	[tilespmem:$0x1E100] =	vst v63  }
0x270: {  	s22 =	rddreg [dreg:$0x13]  }
0x271: {  	[tilespmem:s14], [sflag:$0x5] =	stream.linear.gather [spmem:s22], $0x4000, $0x38;
	[tilespmem:$0x1E100] =	vst v63  }
0x272: {  	_ =	swait.ge [sflag:s7], $0x4000  }
0x273: {  	[sflag:s7] =	ssyncset.done $0x0  }
0x274: {  	s30 =	rddreg [dreg:$0xd];
	[sflag:s7] =	ssyncadd.s32 $0xFFFFC000  }
0x275: {  	[hbm4b:s30+s6] =	stream.linear.scatter [tilespmem:s14], [sflag:$0x4], $0x4000, $0x38;
	[tilespmem:$0x1E100] =	vst v63  }
0x276: {  	_ =	swait.ge [sflag:s4], $0x4000  }
0x277: {  	[sflag:s4] =	ssyncset.done $0x0  }
0x278: {  	s23 =	rddreg [dreg:$0x14];
	[sflag:s4] =	ssyncadd.s32 $0xFFFFC000  }
0x279: {  	[tilespmem:s12], [sflag:$0x5] =	stream.linear.gather [spmem:s23], $0x4000, $0x38;
	[tilespmem:$0x1E100] =	vst v63  }
0x27a: {  	_ =	swait.ge [sflag:s7], $0x4000  }
0x27b: {  	[sflag:s7] =	ssyncset.done $0x0  }
0x27c: {  	s31 =	rddreg [dreg:$0xe];
	[sflag:s7] =	ssyncadd.s32 $0xFFFFC000  }
0x27d: {  	[hbm4b:s31+s6] =	stream.linear.scatter [tilespmem:s12], [sflag:$0x3], $0x4000, $0x38;
	[tilespmem:$0x1E100] =	vst v63  }
0x27e: {  	_ =	swait.ge [sflag:s25], $0x4000  }
0x27f: {  	[sflag:s25] =	ssyncset.done $0x0  }
0x280: {  	s28 =	rddreg [dreg:$0x15];
	[sflag:s25] =	ssyncadd.s32 $0xFFFFC000  }
0x281: {  	[tilespmem:s14], [sflag:$0x5] =	stream.linear.gather [spmem:s28], $0x4000, $0x38;
	[tilespmem:$0x1E100] =	vst v63  }
0x282: {  	_ =	swait.ge [sflag:s7], $0x4000  }
0x283: {  	[sflag:s7] =	ssyncset.done $0x0  }
0x284: {  	s20 =	rddreg [dreg:$0xf];
	[sflag:s7] =	ssyncadd.s32 $0xFFFFC000  }
0x285: {  	[hbm4b:s20+s6] =	stream.linear.scatter [tilespmem:s14], [sflag:$0x4], $0x4000, $0x38;
	[tilespmem:$0x1E100] =	vst v63  }
0x286: {  	_ =	swait.ge [sflag:s4], $0x4000  }
0x287: {  	[sflag:s4] =	ssyncset.done $0x0  }
0x288: {  	[sflag:s4] =	ssyncadd.s32 $0xFFFFC000  }
0x289: {  	[tilespmem:s12], [sflag:$0x5] =	stream.linear.gather [spmem:s24], $0x4000, $0x38;
	[tilespmem:$0x1E100] =	vst v63  }
0x28a: {  	_ =	swait.ge [sflag:s7], $0x4000  }
0x28b: {  	[sflag:s7] =	ssyncset.done $0x0  }
0x28c: {  	s29 =	rddreg [dreg:$0x10];
	[sflag:s7] =	ssyncadd.s32 $0xFFFFC000  }
0x28d: {  	[hbm4b:s29+s6] =	stream.linear.scatter [tilespmem:s12], [sflag:$0x3], $0x4000, $0x38;
	[tilespmem:$0x1E100] =	vst v63  }
0x28e: {  	_ =	swait.ge [sflag:s4], $0x4000  }
0x28f: {  	[sflag:s4] =	ssyncset.done $0x0  }
0x290: {  	[sflag:s4] =	ssyncadd.s32 $0xFFFFC000  }
0x291: {  	_ =	swait.ge [sflag:s25], $0x4000  }
0x292: {  	s30 =	rddreg [dreg:$0x1d]  }
0x293: {  	s31 =	rddreg [dreg:$0x1c];
	s6 =	sadd.s32 $0x1, s30  }
0x294: {  	p1 =	sne.s32 s6, s31  }
.Ltmp1:
0x295: {  	_ = 	snop;
	(pc) =	sbr.rel @p1 .LBB2_1-.Ltmp1, $3  }
0x296: {  	_ =	sdelay $0x1  }
0x297: {  	[sflag:s25] =	ssyncset.done $0x0  }
0x298: {  	[sflag:s25] =	ssyncadd.s32 $0xFFFFC000  }
0x299: {  	_ =	sfence.sel $0x180000  }
0x29a: {  	[bflag:$0x0] =	sbarrier.arrive $0xFFFF  }
0x29b: {  	_ =	strace $0x90000047  }
0x29c: {  	s0 =	stileid.u32;
	[bflag:$0x2] =	sbarrier.arrive $0xFFFF  }
0x29d: {  	p0 =	sne.s32 s0, $0x0;
	s0 =	rddreg [dreg:$0x6]  }
0x29e: {  	s0 =	sadd.s32 @!p0 $0x100000, s0  }
0x29f: {  	[sflag:s0] =	ssyncadd.tile.s32 @!p0 $0x1;
	_ =	shalt  }
.Lfunc_end2:
_tile_overlayer_lowered:
.L_overlay_start_2:
0x2a0: {  	(tag) =	ssettag $0x2  }
0x2a1: {  	s0 =	rddreg [dreg:$0x0];
	s2 =	stileid.u32  }
0x2a2: {  	s1 =	rddreg [dreg:$0x1];
	p0 =	sne.s32 s2, $0x0  }
0x2a3: {  	s3 =	rddreg [dreg:$0x2];
	[bflag:$0x3] =	sbarrier.arrive $0xFFFF;
	s2 =	simm.s32 @!p0 $0x1C05  }
0x2a4: {  	[timem:s3], [sflag:s2] =	dma.local @!p0 [hbm:s0], s1  }
0x2a5: {  	s0 =	simm.s32 @!p0 $0x5  }
0x2a6: {  	_ =	swait.ge @!p0 [sflag:s0], s1  }
0x2a7: {  	s1 =	ssub.s32 @!p0 $0x0, s1;
	[sflag:s0] =	ssyncset.done @!p0 $0x0  }
0x2a8: {  	[sflag:s0] =	ssyncadd.s32 @!p0 s1  }
0x2a9: {  	[bflag:$0x3] =	sbarrier.arrive $0xFFFF  }
0x2aa: {  	_ =	shalt  }

</sc_bundles>
